<compile_context>
chip_gen: v7x
topology: tpu7x:2x2x1
jax: 0.10.2.dev20260603
libtpu: 0.0.44.dev20260713+nightly
codegen_flags: <defaults>
</compile_context>

<pallas_src>
import functools

import jax
import jax.numpy as jnp
from jax import lax
from jax.experimental import pallas as pl
from jax.experimental.pallas import tpu as pltpu
from jax.experimental.pallas import tpu_sc as plsc

B, D, Q, K = 2048, 768, 8, 4096

TKP = 1024
NKP = K // TKP
TK = 512
NKT = K // TK

NC, NS = 2, 16
NW = NC * NS
BPW = B // NW


def _prep_body(cb_ref, cbn_ref, cbt_ref, ortho_ref, gram_acc):
    kp = pl.program_id(0)
    x = cb_ref[0]
    sq = jnp.sum(x * x, axis=1, keepdims=True)
    cbn = x / jnp.maximum(jnp.sqrt(sq), 1e-12)
    cbn_ref[...] = cbn
    cbn_bf = cbn.astype(jnp.bfloat16)
    cbt_ref[...] = cbn_bf.T
    cbn_f8 = cbn_bf.astype(jnp.float8_e4m3fn)
    g = jax.lax.dot_general(
        cbn_f8.T, cbn_f8,
        (((1,), (0,)), ((), ())), preferred_element_type=jnp.float32)

    @pl.when(kp == 0)
    def _():
        gram_acc[...] = g

    @pl.when(kp > 0)
    def _():
        gram_acc[...] = gram_acc[...] + g

    @pl.when(kp == NKP - 1)
    def _():
        ss = jnp.sum(gram_acc[...] * gram_acc[...])
        val = (ss - jnp.float32(K)) / jnp.float32(K * K)
        ortho_ref[...] = jnp.full((8, 128), val, jnp.float32)


def _make_prep_call(q):
    return pl.pallas_call(
        _prep_body,
        grid=(NKP,),
        in_specs=[pl.BlockSpec((1, TKP, D), lambda k, _q=q: (_q, k, 0))],
        out_specs=[
            pl.BlockSpec((TKP, D), lambda k: (k, 0)),
            pl.BlockSpec((D, TKP), lambda k: (0, k)),
            pl.BlockSpec((8, 128), lambda k: (0, 0)),
        ],
        out_shape=[
            jax.ShapeDtypeStruct((K, D), jnp.float32),
            jax.ShapeDtypeStruct((D, K), jnp.bfloat16),
            jax.ShapeDtypeStruct((8, 128), jnp.float32),
        ],
        scratch_shapes=[pltpu.VMEM((D, D), jnp.float32)],
    )


_prep_calls = [_make_prep_call(q) for q in range(Q)]


def _consume_tile(s_prev, m_prev, bestv_scr, besti_scr, tile):
    iota = lax.broadcasted_iota(jnp.int32, (B, TK), 1)
    li = jnp.min(jnp.where(s_prev == m_prev, iota, jnp.int32(2**30)),
                 axis=1, keepdims=True)
    upd = m_prev > bestv_scr[...]
    besti_scr[...] = jnp.where(upd, li + tile * TK, besti_scr[...])
    bestv_scr[...] = jnp.where(upd, m_prev, bestv_scr[...])


def _stage_body(first, *refs):
    if first:
        (r_ref, ct_ref, rout_ref, idxraw_ref, idx16_ref, commit_ref,
         rn_scr, sbuf, mbuf, rowsq_scr, bestv_scr, besti_scr) = refs
    else:
        (r_ref, qt_ref, ct_ref, rout_ref, idxraw_ref, idx16_ref, commit_ref,
         rn_scr, sbuf, mbuf, rowsq_scr, bestv_scr, besti_scr) = refs
    kt = pl.program_id(0)

    @pl.when(kt == 0)
    def _():
        if first:
            rq = r_ref[...]
        else:
            rq = r_ref[...] - qt_ref[...]
        rout_ref[...] = rq
        rowsq = jnp.sum(rq * rq, axis=1, keepdims=True)
        rowsq_scr[...] = rowsq
        rn = rq / jnp.maximum(jnp.sqrt(rowsq), 1e-12)
        rn_scr[...] = rn.astype(jnp.bfloat16)
        bestv_scr[...] = jnp.full((B, 1), -jnp.inf, jnp.float32)
        besti_scr[...] = jnp.zeros((B, 1), jnp.int32)
        mbuf[1] = jnp.full((B, 1), -jnp.inf, jnp.float32)

    def steady(pbuf, cbuf):
        ct = ct_ref[...]
        s = jax.lax.dot_general(rn_scr[...], ct, (((1,), (0,)), ((), ())),
                                preferred_element_type=jnp.float32)
        sbuf[pbuf] = s
        mbuf[pbuf] = jnp.max(s, axis=1, keepdims=True)
        _consume_tile(sbuf[cbuf], mbuf[cbuf], bestv_scr, besti_scr, kt - 1)

    @pl.when(kt % 2 == 0)
    def _():
        steady(0, 1)

    @pl.when(kt % 2 == 1)
    def _():
        steady(1, 0)

    @pl.when(kt == NKT - 1)
    def _():
        _consume_tile(sbuf[(NKT - 1) % 2], mbuf[(NKT - 1) % 2],
                      bestv_scr, besti_scr, kt)
        rowsq = rowsq_scr[...]
        commit = jnp.mean(rowsq - 2.0 * bestv_scr[...] * jnp.sqrt(rowsq) + 1.0)
        commit_ref[...] = jnp.full((1, 128), commit, jnp.float32)
        idxraw_ref[...] = besti_scr[...]
        idx16_ref[...] = besti_scr[...].reshape(16, 128)


def _make_stage_call(q):
    first = q == 0
    full = pl.BlockSpec((B, D), lambda k: (0, 0))
    in_specs = [full] + ([] if first else [full]) + [
        pl.BlockSpec((D, TK), lambda k: (0, k)),
    ]
    return pl.pallas_call(
        functools.partial(_stage_body, first),
        grid=(NKT,),
        in_specs=in_specs,
        out_specs=[
            full,
            pl.BlockSpec((B, 1), lambda k: (0, 0)),
            pl.BlockSpec((16, 128), lambda k: (0, 0)),
            pl.BlockSpec((1, 128), lambda k: (0, 0)),
        ],
        out_shape=[
            jax.ShapeDtypeStruct((B, D), jnp.float32),
            jax.ShapeDtypeStruct((B, 1), jnp.int32),
            jax.ShapeDtypeStruct((16, 128), jnp.int32),
            jax.ShapeDtypeStruct((1, 128), jnp.float32),
        ],
        scratch_shapes=[
            pltpu.VMEM((B, D), jnp.bfloat16),
            pltpu.VMEM((2, B, TK), jnp.float32),
            pltpu.VMEM((2, B, 1), jnp.float32),
            pltpu.VMEM((B, 1), jnp.float32),
            pltpu.VMEM((B, 1), jnp.float32),
            pltpu.VMEM((B, 1), jnp.int32),
        ],
    )


_stage_calls = [_make_stage_call(q) for q in range(Q)]


@functools.cache
def _get_sc_gather():
    mesh = plsc.VectorSubcoreMesh(
        core_axis_name="c", subcore_axis_name="s",
        num_cores=NC, num_subcores=NS)

    @functools.partial(
        pl.kernel,
        out_type=jax.ShapeDtypeStruct((B, D), jnp.float32),
        mesh=mesh,
        scratch_types=[
            pltpu.VMEM((BPW,), jnp.int32),
            pltpu.VMEM((BPW, D), jnp.float32),
            pltpu.SemaphoreType.DMA,
        ],
    )
    def _sc_gather(table_hbm, idx_hbm, out_hbm, idx_v, rows_v, sem):
        wid = lax.axis_index("s") * NC + lax.axis_index("c")
        base = wid * BPW
        pltpu.sync_copy(idx_hbm.at[pl.ds(base, BPW)], idx_v)
        pltpu.async_copy(table_hbm.at[idx_v], rows_v, sem).wait()
        pltpu.sync_copy(rows_v, out_hbm.at[pl.ds(base, BPW)])

    return _sc_gather


def _combine_body(*refs):
    x_ref, r_ref, qt_ref = refs[:3]
    commit_refs = refs[3:3 + Q]
    ortho_refs = refs[3 + Q:3 + 2 * Q]
    out_ref, losses_ref = refs[3 + 2 * Q:]
    out_ref[...] = x_ref[...] - r_ref[...] + qt_ref[...]

    @pl.when(pl.program_id(0) == 0)
    def _():
        commit = jnp.concatenate([c[...] for c in commit_refs], axis=0)
        ortho = jnp.concatenate([o[...][:1] for o in ortho_refs], axis=0)
        losses_ref[...] = commit + 10.0 * ortho


_combine_call = pl.pallas_call(
    _combine_body,
    grid=(8,),
    in_specs=([pl.BlockSpec((B // 8, D), lambda i: (i, 0))] * 3
              + [pl.BlockSpec((1, 128), lambda i: (0, 0))] * Q
              + [pl.BlockSpec((8, 128), lambda i: (0, 0))] * Q),
    out_specs=[
        pl.BlockSpec((B // 8, D), lambda i: (i, 0)),
        pl.BlockSpec((Q, 128), lambda i: (0, 0)),
    ],
    out_shape=[
        jax.ShapeDtypeStruct((B, D), jnp.float32),
        jax.ShapeDtypeStruct((Q, 128), jnp.float32),
    ],
)


def kernel(image_features, codebooks):
    x = image_features
    sc_gather = _get_sc_gather()

    preps = [None] * Q
    preps[0] = _prep_calls[0](codebooks)
    preps[1] = _prep_calls[1](codebooks)

    r = x
    quant = None
    idx_cols = []
    commits = []
    orthos = []
    for q in range(Q):
        cbn_q, cbt_q, ortho_q = preps[q]
        args = (r, cbt_q) if q == 0 else (r, quant, cbt_q)
        r, idxraw, idx16, commit = _stage_calls[q](*args)
        quant = sc_gather(cbn_q, idx16.reshape(B))
        if q + 2 < Q:
            preps[q + 2] = _prep_calls[q + 2](codebooks)
        idx_cols.append(idxraw)
        commits.append(commit)
        orthos.append(ortho_q)

    quantized, lcomb = _combine_call(x, r, quant, *commits, *orthos)
    indices = jnp.concatenate(idx_cols, axis=1)
    losses = lcomb[:, 0]
    return quantized, indices, losses

# --- scband reference (transcript-rebuilt; emitter-appended) ---
"""Pipeline reference for scband-visual-rvq-85091892068796 (READ-ONLY COPY).

The authoritative reference and input builder live on the scoring server;
editing this copy changes nothing except your own understanding.
"""

import jax, jax.numpy as jnp
import numpy as np

B, D, Q, K = 2048, 768, 8, 4096
COMMITMENT_WEIGHT = 1.0
ORTHO_WEIGHT = 10.0


def _l2n(x, axis=-1, eps=1e-12):
    n = jnp.linalg.norm(x, axis=axis, keepdims=True)
    return x / jnp.maximum(n, eps)


def setup_inputs(seed: int = 0) -> dict:
    key = jax.random.key(seed)
    k1, k2 = jax.random.split(key)
    image_features = jax.random.normal(k1, (B, D), dtype=jnp.float32)
    codebooks = jax.random.normal(k2, (Q, K, D), dtype=jnp.float32)
    return {"image_features": image_features, "codebooks": codebooks}


def reference(image_features, codebooks):
    # Residual VQ with cosine-sim codebooks (vector-quantize-pytorch semantics).
    # The frozen CLIP image encoder runs under torch.no_grad; its output is the
    # precomputed `image_features` tensor.
    residual = image_features
    quantized_out = jnp.zeros_like(image_features)
    all_indices = []
    all_losses = []
    eye = jnp.eye(K, dtype=jnp.float32)
    for q in range(codebooks.shape[0]):
        cb = _l2n(codebooks[q])              # [K, D] normalized codebook (cosine sim)
        rn = _l2n(residual)                  # [B, D]
        sim = rn @ cb.T                      # [B, K] cosine similarities
        idx = jnp.argmax(sim, axis=-1)       # [B]
        quant = jnp.take(cb, idx, axis=0)    # [B, D]
        # commitment loss
        commit = jnp.mean(jnp.sum((jax.lax.stop_gradient(quant) - residual) ** 2, axis=-1))
        # orthogonal regularization on the (normalized) codebook
        gram = cb @ cb.T                     # [K, K]
        ortho = jnp.sum((gram - eye) ** 2) / (K * K)
        loss = COMMITMENT_WEIGHT * commit + ORTHO_WEIGHT * ortho
        # straight-through estimator
        quant_st = residual + jax.lax.stop_gradient(quant - residual)
        quantized_out = quantized_out + quant_st
        residual = residual - jax.lax.stop_gradient(quant)
        all_indices.append(idx)
        all_losses.append(loss)
    indices = jnp.stack(all_indices, axis=-1)   # [B, Q]
    losses = jnp.stack(all_losses)              # [Q]
    return quantized_out, indices, losses

if __name__ == "__main__":
    import jax
    _d = setup_inputs()
    print(jax.jit(kernel)(*tuple(_d.values())))

</pallas_src>

<mosaic_0001>
#map = affine_map<(d0, d1) -> (0, 0)>
#map1 = affine_map<(d0, d1) -> (0)>
module attributes {stable_mosaic.version = 14 : i64} {
  func.func @_sc_gather(%arg0: i32, %arg1: i32, %arg2: memref<4096x768xf32, #tpu.memory_space<hbm>>, %arg3: memref<2048xi32, #tpu.memory_space<hbm>>, %arg4: memref<2048x768xf32, #tpu.memory_space<hbm>>, %arg5: memref<64xi32, #tpu.memory_space<vmem>>, %arg6: memref<64x768xf32, #tpu.memory_space<vmem>>, %arg7: memref<!tpu.dma_semaphore, #tpu.memory_space<semaphore_mem>>) attributes {dimension_semantics = [#tpu.dimension_semantics<core_parallel>, #tpu.dimension_semantics<subcore_parallel>], iteration_bounds = array<i64: 2, 16>, scalar_prefetch = 0 : i64, scratch_operands = 3 : i64, tpu.core_type = #tpu.core_type<sc_vector_subcore>, window_params = [{transform_indices = #map}, {transform_indices = #map1}, {transform_indices = #map}]} {
    %mul3A = arith.constant 2 : i32
    %mul3A_0 = arith.muli %arg1, %mul3A : i32
    %add3A = arith.addi %mul3A_0, %arg0 : i32
    %mul3A_1 = arith.constant 64 : i32
    %mul3A_2 = arith.muli %add3A, %mul3A_1 : i32
    "tpu.region"() ({
      %run_scoped3A = tpu.sem_alloc : memref<!tpu.dma_semaphore, #tpu.memory_space<semaphore_mem>>
      %dma_start3A_7 = tpu.memref_slice %arg3[%mul3A_2] : memref<2048xi32, #tpu.memory_space<hbm>> -> memref<64xi32, #tpu.memory_space<hbm>>
      %dma_start3A_8 = tpu.memref_slice %arg3[%mul3A_2] : memref<2048xi32, #tpu.memory_space<hbm>> -> memref<64xi32, #tpu.memory_space<hbm>>
      tpu.enqueue_dma source(%dma_start3A_8 : memref<64xi32, #tpu.memory_space<hbm>>) target(%arg5 : memref<64xi32, #tpu.memory_space<vmem>>) target_semaphore(%run_scoped3A : memref<!tpu.dma_semaphore, #tpu.memory_space<semaphore_mem>>)
      %dma_wait3A_9 = tpu.memref_slice %arg3[%mul3A_2] : memref<2048xi32, #tpu.memory_space<hbm>> -> memref<64xi32, #tpu.memory_space<hbm>>
      %dma_wait3A_10 = tpu.memref_slice %arg3[%mul3A_2] : memref<2048xi32, #tpu.memory_space<hbm>> -> memref<64xi32, #tpu.memory_space<hbm>>
      tpu.wait_dma2 semaphore(%run_scoped3A : memref<!tpu.dma_semaphore, #tpu.memory_space<semaphore_mem>>) src(%dma_wait3A_10 : memref<64xi32, #tpu.memory_space<hbm>>) dst(%arg5 : memref<64xi32, #tpu.memory_space<vmem>>)
      tpu.yield
    }) : () -> ()
    %dma_start3A = arith.constant 0 : i32
    %dma_start3A_3 = arith.constant 0 : i32
    %dma_start3A_4 = tpu.memref_slice %arg2[%dma_start3A, %dma_start3A_3] : memref<4096x768xf32, #tpu.memory_space<hbm>> -> memref<4096x768xf32, #tpu.memory_space<hbm>>
    tpu.enqueue_indirect_dma source(%dma_start3A_4 : memref<4096x768xf32, #tpu.memory_space<hbm>>) target(%arg6 : memref<64x768xf32, #tpu.memory_space<vmem>>) offsets(%arg5 : memref<64xi32, #tpu.memory_space<vmem>>) semaphore(%arg7 : memref<!tpu.dma_semaphore, #tpu.memory_space<semaphore_mem>>)
    %dma_wait3A = arith.constant 0 : i32
    %dma_wait3A_5 = arith.constant 0 : i32
    %dma_wait3A_6 = tpu.memref_slice %arg2[%dma_wait3A, %dma_wait3A_5] : memref<4096x768xf32, #tpu.memory_space<hbm>> -> memref<4096x768xf32, #tpu.memory_space<hbm>>
    tpu.wait_indirect_dma semaphore(%arg7 : memref<!tpu.dma_semaphore, #tpu.memory_space<semaphore_mem>>) src(%dma_wait3A_6 : memref<4096x768xf32, #tpu.memory_space<hbm>>) dst(%arg6 : memref<64x768xf32, #tpu.memory_space<vmem>>)
    "tpu.region"() ({
      %run_scoped3A = tpu.sem_alloc : memref<!tpu.dma_semaphore, #tpu.memory_space<semaphore_mem>>
      %dma_start3A_7 = arith.constant 0 : i32
      %dma_start3A_8 = tpu.memref_slice %arg4[%mul3A_2, %dma_start3A_7] : memref<2048x768xf32, #tpu.memory_space<hbm>> -> memref<64x768xf32, #tpu.memory_space<hbm>>
      %dma_start3A_9 = arith.constant 0 : i32
      %dma_start3A_10 = tpu.memref_slice %arg4[%mul3A_2, %dma_start3A_9] : memref<2048x768xf32, #tpu.memory_space<hbm>> -> memref<64x768xf32, #tpu.memory_space<hbm>>
      tpu.enqueue_dma source(%arg6 : memref<64x768xf32, #tpu.memory_space<vmem>>) target(%dma_start3A_10 : memref<64x768xf32, #tpu.memory_space<hbm>>) target_semaphore(%run_scoped3A : memref<!tpu.dma_semaphore, #tpu.memory_space<semaphore_mem>>)
      %dma_wait3A_11 = arith.constant 0 : i32
      %dma_wait3A_12 = tpu.memref_slice %arg4[%mul3A_2, %dma_wait3A_11] : memref<2048x768xf32, #tpu.memory_space<hbm>> -> memref<64x768xf32, #tpu.memory_space<hbm>>
      %dma_wait3A_13 = arith.constant 0 : i32
      %dma_wait3A_14 = tpu.memref_slice %arg4[%mul3A_2, %dma_wait3A_13] : memref<2048x768xf32, #tpu.memory_space<hbm>> -> memref<64x768xf32, #tpu.memory_space<hbm>>
      tpu.wait_dma2 semaphore(%run_scoped3A : memref<!tpu.dma_semaphore, #tpu.memory_space<semaphore_mem>>) src(%arg6 : memref<64x768xf32, #tpu.memory_space<vmem>>) dst(%dma_wait3A_14 : memref<64x768xf32, #tpu.memory_space<hbm>>)
      tpu.yield
    }) : () -> ()
    return
  }
}

#map = affine_map<(d0, d1) -> (0, 0)>
#map1 = affine_map<(d0, d1) -> (0)>
module attributes {stable_mosaic.version = 14 : i64} {
  func.func @_sc_gather(%arg0: i32, %arg1: i32, %arg2: memref<4096x768xf32, #tpu.memory_space<hbm>>, %arg3: memref<2048xi32, #tpu.memory_space<hbm>>, %arg4: memref<2048x768xf32, #tpu.memory_space<hbm>>, %arg5: memref<64xi32, #tpu.memory_space<vmem>>, %arg6: memref<64x768xf32, #tpu.memory_space<vmem>>, %arg7: memref<!tpu.dma_semaphore, #tpu.memory_space<semaphore_mem>>) attributes {dimension_semantics = [#tpu.dimension_semantics<core_parallel>, #tpu.dimension_semantics<subcore_parallel>], iteration_bounds = array<i64: 2, 16>, scalar_prefetch = 0 : i64, scratch_operands = 3 : i64, tpu.core_type = #tpu.core_type<sc_vector_subcore>, window_params = [{transform_indices = #map}, {transform_indices = #map1}, {transform_indices = #map}]} {
    %mul3A = arith.constant 2 : i32
    %mul3A_0 = arith.muli %arg1, %mul3A : i32
    %add3A = arith.addi %mul3A_0, %arg0 : i32
    %mul3A_1 = arith.constant 64 : i32
    %mul3A_2 = arith.muli %add3A, %mul3A_1 : i32
    "tpu.region"() ({
      %run_scoped3A = tpu.sem_alloc : memref<!tpu.dma_semaphore, #tpu.memory_space<semaphore_mem>>
      %dma_start3A_7 = tpu.memref_slice %arg3[%mul3A_2] : memref<2048xi32, #tpu.memory_space<hbm>> -> memref<64xi32, #tpu.memory_space<hbm>>
      %dma_start3A_8 = tpu.memref_slice %arg3[%mul3A_2] : memref<2048xi32, #tpu.memory_space<hbm>> -> memref<64xi32, #tpu.memory_space<hbm>>
      tpu.enqueue_dma source(%dma_start3A_8 : memref<64xi32, #tpu.memory_space<hbm>>) target(%arg5 : memref<64xi32, #tpu.memory_space<vmem>>) target_semaphore(%run_scoped3A : memref<!tpu.dma_semaphore, #tpu.memory_space<semaphore_mem>>)
      %dma_wait3A_9 = tpu.memref_slice %arg3[%mul3A_2] : memref<2048xi32, #tpu.memory_space<hbm>> -> memref<64xi32, #tpu.memory_space<hbm>>
      %dma_wait3A_10 = tpu.memref_slice %arg3[%mul3A_2] : memref<2048xi32, #tpu.memory_space<hbm>> -> memref<64xi32, #tpu.memory_space<hbm>>
      tpu.wait_dma2 semaphore(%run_scoped3A : memref<!tpu.dma_semaphore, #tpu.memory_space<semaphore_mem>>) src(%dma_wait3A_10 : memref<64xi32, #tpu.memory_space<hbm>>) dst(%arg5 : memref<64xi32, #tpu.memory_space<vmem>>)
      tpu.yield
    }) : () -> ()
    %dma_start3A = arith.constant 0 : i32
    %dma_start3A_3 = arith.constant 0 : i32
    %dma_start3A_4 = tpu.memref_slice %arg2[%dma_start3A, %dma_start3A_3] : memref<4096x768xf32, #tpu.memory_space<hbm>> -> memref<4096x768xf32, #tpu.memory_space<hbm>>
    tpu.enqueue_indirect_dma source(%dma_start3A_4 : memref<4096x768xf32, #tpu.memory_space<hbm>>) target(%arg6 : memref<64x768xf32, #tpu.memory_space<vmem>>) offsets(%arg5 : memref<64xi32, #tpu.memory_space<vmem>>) semaphore(%arg7 : memref<!tpu.dma_semaphore, #tpu.memory_space<semaphore_mem>>)
    %dma_wait3A = arith.constant 0 : i32
    %dma_wait3A_5 = arith.constant 0 : i32
    %dma_wait3A_6 = tpu.memref_slice %arg2[%dma_wait3A, %dma_wait3A_5] : memref<4096x768xf32, #tpu.memory_space<hbm>> -> memref<4096x768xf32, #tpu.memory_space<hbm>>
    tpu.wait_indirect_dma semaphore(%arg7 : memref<!tpu.dma_semaphore, #tpu.memory_space<semaphore_mem>>) src(%dma_wait3A_6 : memref<4096x768xf32, #tpu.memory_space<hbm>>) dst(%arg6 : memref<64x768xf32, #tpu.memory_space<vmem>>)
    "tpu.region"() ({
      %run_scoped3A = tpu.sem_alloc : memref<!tpu.dma_semaphore, #tpu.memory_space<semaphore_mem>>
      %dma_start3A_7 = arith.constant 0 : i32
      %dma_start3A_8 = tpu.memref_slice %arg4[%mul3A_2, %dma_start3A_7] : memref<2048x768xf32, #tpu.memory_space<hbm>> -> memref<64x768xf32, #tpu.memory_space<hbm>>
      %dma_start3A_9 = arith.constant 0 : i32
      %dma_start3A_10 = tpu.memref_slice %arg4[%mul3A_2, %dma_start3A_9] : memref<2048x768xf32, #tpu.memory_space<hbm>> -> memref<64x768xf32, #tpu.memory_space<hbm>>
      tpu.enqueue_dma source(%arg6 : memref<64x768xf32, #tpu.memory_space<vmem>>) target(%dma_start3A_10 : memref<64x768xf32, #tpu.memory_space<hbm>>) target_semaphore(%run_scoped3A : memref<!tpu.dma_semaphore, #tpu.memory_space<semaphore_mem>>)
      %dma_wait3A_11 = arith.constant 0 : i32
      %dma_wait3A_12 = tpu.memref_slice %arg4[%mul3A_2, %dma_wait3A_11] : memref<2048x768xf32, #tpu.memory_space<hbm>> -> memref<64x768xf32, #tpu.memory_space<hbm>>
      %dma_wait3A_13 = arith.constant 0 : i32
      %dma_wait3A_14 = tpu.memref_slice %arg4[%mul3A_2, %dma_wait3A_13] : memref<2048x768xf32, #tpu.memory_space<hbm>> -> memref<64x768xf32, #tpu.memory_space<hbm>>
      tpu.wait_dma2 semaphore(%run_scoped3A : memref<!tpu.dma_semaphore, #tpu.memory_space<semaphore_mem>>) src(%arg6 : memref<64x768xf32, #tpu.memory_space<vmem>>) dst(%dma_wait3A_14 : memref<64x768xf32, #tpu.memory_space<hbm>>)
      tpu.yield
    }) : () -> ()
    return
  }
}

#map = affine_map<(d0, d1) -> (0, 0)>
#map1 = affine_map<(d0, d1) -> (0)>
module attributes {stable_mosaic.version = 14 : i64} {
  func.func @_sc_gather(%arg0: i32, %arg1: i32, %arg2: memref<4096x768xf32, #tpu.memory_space<hbm>>, %arg3: memref<2048xi32, #tpu.memory_space<hbm>>, %arg4: memref<2048x768xf32, #tpu.memory_space<hbm>>, %arg5: memref<64xi32, #tpu.memory_space<vmem>>, %arg6: memref<64x768xf32, #tpu.memory_space<vmem>>, %arg7: memref<!tpu.dma_semaphore, #tpu.memory_space<semaphore_mem>>) attributes {dimension_semantics = [#tpu.dimension_semantics<core_parallel>, #tpu.dimension_semantics<subcore_parallel>], iteration_bounds = array<i64: 2, 16>, scalar_prefetch = 0 : i64, scratch_operands = 3 : i64, tpu.core_type = #tpu.core_type<sc_vector_subcore>, window_params = [{transform_indices = #map}, {transform_indices = #map1}, {transform_indices = #map}]} {
    %mul3A = arith.constant 2 : i32
    %mul3A_0 = arith.muli %arg1, %mul3A : i32
    %add3A = arith.addi %mul3A_0, %arg0 : i32
    %mul3A_1 = arith.constant 64 : i32
    %mul3A_2 = arith.muli %add3A, %mul3A_1 : i32
    "tpu.region"() ({
      %run_scoped3A = tpu.sem_alloc : memref<!tpu.dma_semaphore, #tpu.memory_space<semaphore_mem>>
      %dma_start3A_7 = tpu.memref_slice %arg3[%mul3A_2] : memref<2048xi32, #tpu.memory_space<hbm>> -> memref<64xi32, #tpu.memory_space<hbm>>
      %dma_start3A_8 = tpu.memref_slice %arg3[%mul3A_2] : memref<2048xi32, #tpu.memory_space<hbm>> -> memref<64xi32, #tpu.memory_space<hbm>>
      tpu.enqueue_dma source(%dma_start3A_8 : memref<64xi32, #tpu.memory_space<hbm>>) target(%arg5 : memref<64xi32, #tpu.memory_space<vmem>>) target_semaphore(%run_scoped3A : memref<!tpu.dma_semaphore, #tpu.memory_space<semaphore_mem>>)
      %dma_wait3A_9 = tpu.memref_slice %arg3[%mul3A_2] : memref<2048xi32, #tpu.memory_space<hbm>> -> memref<64xi32, #tpu.memory_space<hbm>>
      %dma_wait3A_10 = tpu.memref_slice %arg3[%mul3A_2] : memref<2048xi32, #tpu.memory_space<hbm>> -> memref<64xi32, #tpu.memory_space<hbm>>
      tpu.wait_dma2 semaphore(%run_scoped3A : memref<!tpu.dma_semaphore, #tpu.memory_space<semaphore_mem>>) src(%dma_wait3A_10 : memref<64xi32, #tpu.memory_space<hbm>>) dst(%arg5 : memref<64xi32, #tpu.memory_space<vmem>>)
      tpu.yield
    }) : () -> ()
    %dma_start3A = arith.constant 0 : i32
    %dma_start3A_3 = arith.constant 0 : i32
    %dma_start3A_4 = tpu.memref_slice %arg2[%dma_start3A, %dma_start3A_3] : memref<4096x768xf32, #tpu.memory_space<hbm>> -> memref<4096x768xf32, #tpu.memory_space<hbm>>
    tpu.enqueue_indirect_dma source(%dma_start3A_4 : memref<4096x768xf32, #tpu.memory_space<hbm>>) target(%arg6 : memref<64x768xf32, #tpu.memory_space<vmem>>) offsets(%arg5 : memref<64xi32, #tpu.memory_space<vmem>>) semaphore(%arg7 : memref<!tpu.dma_semaphore, #tpu.memory_space<semaphore_mem>>)
    %dma_wait3A = arith.constant 0 : i32
    %dma_wait3A_5 = arith.constant 0 : i32
    %dma_wait3A_6 = tpu.memref_slice %arg2[%dma_wait3A, %dma_wait3A_5] : memref<4096x768xf32, #tpu.memory_space<hbm>> -> memref<4096x768xf32, #tpu.memory_space<hbm>>
    tpu.wait_indirect_dma semaphore(%arg7 : memref<!tpu.dma_semaphore, #tpu.memory_space<semaphore_mem>>) src(%dma_wait3A_6 : memref<4096x768xf32, #tpu.memory_space<hbm>>) dst(%arg6 : memref<64x768xf32, #tpu.memory_space<vmem>>)
    "tpu.region"() ({
      %run_scoped3A = tpu.sem_alloc : memref<!tpu.dma_semaphore, #tpu.memory_space<semaphore_mem>>
      %dma_start3A_7 = arith.constant 0 : i32
      %dma_start3A_8 = tpu.memref_slice %arg4[%mul3A_2, %dma_start3A_7] : memref<2048x768xf32, #tpu.memory_space<hbm>> -> memref<64x768xf32, #tpu.memory_space<hbm>>
      %dma_start3A_9 = arith.constant 0 : i32
      %dma_start3A_10 = tpu.memref_slice %arg4[%mul3A_2, %dma_start3A_9] : memref<2048x768xf32, #tpu.memory_space<hbm>> -> memref<64x768xf32, #tpu.memory_space<hbm>>
      tpu.enqueue_dma source(%arg6 : memref<64x768xf32, #tpu.memory_space<vmem>>) target(%dma_start3A_10 : memref<64x768xf32, #tpu.memory_space<hbm>>) target_semaphore(%run_scoped3A : memref<!tpu.dma_semaphore, #tpu.memory_space<semaphore_mem>>)
      %dma_wait3A_11 = arith.constant 0 : i32
      %dma_wait3A_12 = tpu.memref_slice %arg4[%mul3A_2, %dma_wait3A_11] : memref<2048x768xf32, #tpu.memory_space<hbm>> -> memref<64x768xf32, #tpu.memory_space<hbm>>
      %dma_wait3A_13 = arith.constant 0 : i32
      %dma_wait3A_14 = tpu.memref_slice %arg4[%mul3A_2, %dma_wait3A_13] : memref<2048x768xf32, #tpu.memory_space<hbm>> -> memref<64x768xf32, #tpu.memory_space<hbm>>
      tpu.wait_dma2 semaphore(%run_scoped3A : memref<!tpu.dma_semaphore, #tpu.memory_space<semaphore_mem>>) src(%arg6 : memref<64x768xf32, #tpu.memory_space<vmem>>) dst(%dma_wait3A_14 : memref<64x768xf32, #tpu.memory_space<hbm>>)
      tpu.yield
    }) : () -> ()
    return
  }
}

#map = affine_map<(d0, d1) -> (0, 0)>
#map1 = affine_map<(d0, d1) -> (0)>
module attributes {stable_mosaic.version = 14 : i64} {
  func.func @_sc_gather(%arg0: i32, %arg1: i32, %arg2: memref<4096x768xf32, #tpu.memory_space<hbm>>, %arg3: memref<2048xi32, #tpu.memory_space<hbm>>, %arg4: memref<2048x768xf32, #tpu.memory_space<hbm>>, %arg5: memref<64xi32, #tpu.memory_space<vmem>>, %arg6: memref<64x768xf32, #tpu.memory_space<vmem>>, %arg7: memref<!tpu.dma_semaphore, #tpu.memory_space<semaphore_mem>>) attributes {dimension_semantics = [#tpu.dimension_semantics<core_parallel>, #tpu.dimension_semantics<subcore_parallel>], iteration_bounds = array<i64: 2, 16>, scalar_prefetch = 0 : i64, scratch_operands = 3 : i64, tpu.core_type = #tpu.core_type<sc_vector_subcore>, window_params = [{transform_indices = #map}, {transform_indices = #map1}, {transform_indices = #map}]} {
    %mul3A = arith.constant 2 : i32
    %mul3A_0 = arith.muli %arg1, %mul3A : i32
    %add3A = arith.addi %mul3A_0, %arg0 : i32
    %mul3A_1 = arith.constant 64 : i32
    %mul3A_2 = arith.muli %add3A, %mul3A_1 : i32
    "tpu.region"() ({
      %run_scoped3A = tpu.sem_alloc : memref<!tpu.dma_semaphore, #tpu.memory_space<semaphore_mem>>
      %dma_start3A_7 = tpu.memref_slice %arg3[%mul3A_2] : memref<2048xi32, #tpu.memory_space<hbm>> -> memref<64xi32, #tpu.memory_space<hbm>>
      %dma_start3A_8 = tpu.memref_slice %arg3[%mul3A_2] : memref<2048xi32, #tpu.memory_space<hbm>> -> memref<64xi32, #tpu.memory_space<hbm>>
      tpu.enqueue_dma source(%dma_start3A_8 : memref<64xi32, #tpu.memory_space<hbm>>) target(%arg5 : memref<64xi32, #tpu.memory_space<vmem>>) target_semaphore(%run_scoped3A : memref<!tpu.dma_semaphore, #tpu.memory_space<semaphore_mem>>)
      %dma_wait3A_9 = tpu.memref_slice %arg3[%mul3A_2] : memref<2048xi32, #tpu.memory_space<hbm>> -> memref<64xi32, #tpu.memory_space<hbm>>
      %dma_wait3A_10 = tpu.memref_slice %arg3[%mul3A_2] : memref<2048xi32, #tpu.memory_space<hbm>> -> memref<64xi32, #tpu.memory_space<hbm>>
      tpu.wait_dma2 semaphore(%run_scoped3A : memref<!tpu.dma_semaphore, #tpu.memory_space<semaphore_mem>>) src(%dma_wait3A_10 : memref<64xi32, #tpu.memory_space<hbm>>) dst(%arg5 : memref<64xi32, #tpu.memory_space<vmem>>)
      tpu.yield
    }) : () -> ()
    %dma_start3A = arith.constant 0 : i32
    %dma_start3A_3 = arith.constant 0 : i32
    %dma_start3A_4 = tpu.memref_slice %arg2[%dma_start3A, %dma_start3A_3] : memref<4096x768xf32, #tpu.memory_space<hbm>> -> memref<4096x768xf32, #tpu.memory_space<hbm>>
    tpu.enqueue_indirect_dma source(%dma_start3A_4 : memref<4096x768xf32, #tpu.memory_space<hbm>>) target(%arg6 : memref<64x768xf32, #tpu.memory_space<vmem>>) offsets(%arg5 : memref<64xi32, #tpu.memory_space<vmem>>) semaphore(%arg7 : memref<!tpu.dma_semaphore, #tpu.memory_space<semaphore_mem>>)
    %dma_wait3A = arith.constant 0 : i32
    %dma_wait3A_5 = arith.constant 0 : i32
    %dma_wait3A_6 = tpu.memref_slice %arg2[%dma_wait3A, %dma_wait3A_5] : memref<4096x768xf32, #tpu.memory_space<hbm>> -> memref<4096x768xf32, #tpu.memory_space<hbm>>
    tpu.wait_indirect_dma semaphore(%arg7 : memref<!tpu.dma_semaphore, #tpu.memory_space<semaphore_mem>>) src(%dma_wait3A_6 : memref<4096x768xf32, #tpu.memory_space<hbm>>) dst(%arg6 : memref<64x768xf32, #tpu.memory_space<vmem>>)
    "tpu.region"() ({
      %run_scoped3A = tpu.sem_alloc : memref<!tpu.dma_semaphore, #tpu.memory_space<semaphore_mem>>
      %dma_start3A_7 = arith.constant 0 : i32
      %dma_start3A_8 = tpu.memref_slice %arg4[%mul3A_2, %dma_start3A_7] : memref<2048x768xf32, #tpu.memory_space<hbm>> -> memref<64x768xf32, #tpu.memory_space<hbm>>
      %dma_start3A_9 = arith.constant 0 : i32
      %dma_start3A_10 = tpu.memref_slice %arg4[%mul3A_2, %dma_start3A_9] : memref<2048x768xf32, #tpu.memory_space<hbm>> -> memref<64x768xf32, #tpu.memory_space<hbm>>
      tpu.enqueue_dma source(%arg6 : memref<64x768xf32, #tpu.memory_space<vmem>>) target(%dma_start3A_10 : memref<64x768xf32, #tpu.memory_space<hbm>>) target_semaphore(%run_scoped3A : memref<!tpu.dma_semaphore, #tpu.memory_space<semaphore_mem>>)
      %dma_wait3A_11 = arith.constant 0 : i32
      %dma_wait3A_12 = tpu.memref_slice %arg4[%mul3A_2, %dma_wait3A_11] : memref<2048x768xf32, #tpu.memory_space<hbm>> -> memref<64x768xf32, #tpu.memory_space<hbm>>
      %dma_wait3A_13 = arith.constant 0 : i32
      %dma_wait3A_14 = tpu.memref_slice %arg4[%mul3A_2, %dma_wait3A_13] : memref<2048x768xf32, #tpu.memory_space<hbm>> -> memref<64x768xf32, #tpu.memory_space<hbm>>
      tpu.wait_dma2 semaphore(%run_scoped3A : memref<!tpu.dma_semaphore, #tpu.memory_space<semaphore_mem>>) src(%arg6 : memref<64x768xf32, #tpu.memory_space<vmem>>) dst(%dma_wait3A_14 : memref<64x768xf32, #tpu.memory_space<hbm>>)
      tpu.yield
    }) : () -> ()
    return
  }
}

#map = affine_map<(d0, d1) -> (0, 0)>
#map1 = affine_map<(d0, d1) -> (0)>
module attributes {stable_mosaic.version = 14 : i64} {
  func.func @_sc_gather(%arg0: i32, %arg1: i32, %arg2: memref<4096x768xf32, #tpu.memory_space<hbm>>, %arg3: memref<2048xi32, #tpu.memory_space<hbm>>, %arg4: memref<2048x768xf32, #tpu.memory_space<hbm>>, %arg5: memref<64xi32, #tpu.memory_space<vmem>>, %arg6: memref<64x768xf32, #tpu.memory_space<vmem>>, %arg7: memref<!tpu.dma_semaphore, #tpu.memory_space<semaphore_mem>>) attributes {dimension_semantics = [#tpu.dimension_semantics<core_parallel>, #tpu.dimension_semantics<subcore_parallel>], iteration_bounds = array<i64: 2, 16>, scalar_prefetch = 0 : i64, scratch_operands = 3 : i64, tpu.core_type = #tpu.core_type<sc_vector_subcore>, window_params = [{transform_indices = #map}, {transform_indices = #map1}, {transform_indices = #map}]} {
    %mul3A = arith.constant 2 : i32
    %mul3A_0 = arith.muli %arg1, %mul3A : i32
    %add3A = arith.addi %mul3A_0, %arg0 : i32
    %mul3A_1 = arith.constant 64 : i32
    %mul3A_2 = arith.muli %add3A, %mul3A_1 : i32
    "tpu.region"() ({
      %run_scoped3A = tpu.sem_alloc : memref<!tpu.dma_semaphore, #tpu.memory_space<semaphore_mem>>
      %dma_start3A_7 = tpu.memref_slice %arg3[%mul3A_2] : memref<2048xi32, #tpu.memory_space<hbm>> -> memref<64xi32, #tpu.memory_space<hbm>>
      %dma_start3A_8 = tpu.memref_slice %arg3[%mul3A_2] : memref<2048xi32, #tpu.memory_space<hbm>> -> memref<64xi32, #tpu.memory_space<hbm>>
      tpu.enqueue_dma source(%dma_start3A_8 : memref<64xi32, #tpu.memory_space<hbm>>) target(%arg5 : memref<64xi32, #tpu.memory_space<vmem>>) target_semaphore(%run_scoped3A : memref<!tpu.dma_semaphore, #tpu.memory_space<semaphore_mem>>)
      %dma_wait3A_9 = tpu.memref_slice %arg3[%mul3A_2] : memref<2048xi32, #tpu.memory_space<hbm>> -> memref<64xi32, #tpu.memory_space<hbm>>
      %dma_wait3A_10 = tpu.memref_slice %arg3[%mul3A_2] : memref<2048xi32, #tpu.memory_space<hbm>> -> memref<64xi32, #tpu.memory_space<hbm>>
      tpu.wait_dma2 semaphore(%run_scoped3A : memref<!tpu.dma_semaphore, #tpu.memory_space<semaphore_mem>>) src(%dma_wait3A_10 : memref<64xi32, #tpu.memory_space<hbm>>) dst(%arg5 : memref<64xi32, #tpu.memory_space<vmem>>)
      tpu.yield
    }) : () -> ()
    %dma_start3A = arith.constant 0 : i32
    %dma_start3A_3 = arith.constant 0 : i32
    %dma_start3A_4 = tpu.memref_slice %arg2[%dma_start3A, %dma_start3A_3] : memref<4096x768xf32, #tpu.memory_space<hbm>> -> memref<4096x768xf32, #tpu.memory_space<hbm>>
    tpu.enqueue_indirect_dma source(%dma_start3A_4 : memref<4096x768xf32, #tpu.memory_space<hbm>>) target(%arg6 : memref<64x768xf32, #tpu.memory_space<vmem>>) offsets(%arg5 : memref<64xi32, #tpu.memory_space<vmem>>) semaphore(%arg7 : memref<!tpu.dma_semaphore, #tpu.memory_space<semaphore_mem>>)
    %dma_wait3A = arith.constant 0 : i32
    %dma_wait3A_5 = arith.constant 0 : i32
    %dma_wait3A_6 = tpu.memref_slice %arg2[%dma_wait3A, %dma_wait3A_5] : memref<4096x768xf32, #tpu.memory_space<hbm>> -> memref<4096x768xf32, #tpu.memory_space<hbm>>
    tpu.wait_indirect_dma semaphore(%arg7 : memref<!tpu.dma_semaphore, #tpu.memory_space<semaphore_mem>>) src(%dma_wait3A_6 : memref<4096x768xf32, #tpu.memory_space<hbm>>) dst(%arg6 : memref<64x768xf32, #tpu.memory_space<vmem>>)
    "tpu.region"() ({
      %run_scoped3A = tpu.sem_alloc : memref<!tpu.dma_semaphore, #tpu.memory_space<semaphore_mem>>
      %dma_start3A_7 = arith.constant 0 : i32
      %dma_start3A_8 = tpu.memref_slice %arg4[%mul3A_2, %dma_start3A_7] : memref<2048x768xf32, #tpu.memory_space<hbm>> -> memref<64x768xf32, #tpu.memory_space<hbm>>
      %dma_start3A_9 = arith.constant 0 : i32
      %dma_start3A_10 = tpu.memref_slice %arg4[%mul3A_2, %dma_start3A_9] : memref<2048x768xf32, #tpu.memory_space<hbm>> -> memref<64x768xf32, #tpu.memory_space<hbm>>
      tpu.enqueue_dma source(%arg6 : memref<64x768xf32, #tpu.memory_space<vmem>>) target(%dma_start3A_10 : memref<64x768xf32, #tpu.memory_space<hbm>>) target_semaphore(%run_scoped3A : memref<!tpu.dma_semaphore, #tpu.memory_space<semaphore_mem>>)
      %dma_wait3A_11 = arith.constant 0 : i32
      %dma_wait3A_12 = tpu.memref_slice %arg4[%mul3A_2, %dma_wait3A_11] : memref<2048x768xf32, #tpu.memory_space<hbm>> -> memref<64x768xf32, #tpu.memory_space<hbm>>
      %dma_wait3A_13 = arith.constant 0 : i32
      %dma_wait3A_14 = tpu.memref_slice %arg4[%mul3A_2, %dma_wait3A_13] : memref<2048x768xf32, #tpu.memory_space<hbm>> -> memref<64x768xf32, #tpu.memory_space<hbm>>
      tpu.wait_dma2 semaphore(%run_scoped3A : memref<!tpu.dma_semaphore, #tpu.memory_space<semaphore_mem>>) src(%arg6 : memref<64x768xf32, #tpu.memory_space<vmem>>) dst(%dma_wait3A_14 : memref<64x768xf32, #tpu.memory_space<hbm>>)
      tpu.yield
    }) : () -> ()
    return
  }
}

#map = affine_map<(d0, d1) -> (0, 0)>
#map1 = affine_map<(d0, d1) -> (0)>
module attributes {stable_mosaic.version = 14 : i64} {
  func.func @_sc_gather(%arg0: i32, %arg1: i32, %arg2: memref<4096x768xf32, #tpu.memory_space<hbm>>, %arg3: memref<2048xi32, #tpu.memory_space<hbm>>, %arg4: memref<2048x768xf32, #tpu.memory_space<hbm>>, %arg5: memref<64xi32, #tpu.memory_space<vmem>>, %arg6: memref<64x768xf32, #tpu.memory_space<vmem>>, %arg7: memref<!tpu.dma_semaphore, #tpu.memory_space<semaphore_mem>>) attributes {dimension_semantics = [#tpu.dimension_semantics<core_parallel>, #tpu.dimension_semantics<subcore_parallel>], iteration_bounds = array<i64: 2, 16>, scalar_prefetch = 0 : i64, scratch_operands = 3 : i64, tpu.core_type = #tpu.core_type<sc_vector_subcore>, window_params = [{transform_indices = #map}, {transform_indices = #map1}, {transform_indices = #map}]} {
    %mul3A = arith.constant 2 : i32
    %mul3A_0 = arith.muli %arg1, %mul3A : i32
    %add3A = arith.addi %mul3A_0, %arg0 : i32
    %mul3A_1 = arith.constant 64 : i32
    %mul3A_2 = arith.muli %add3A, %mul3A_1 : i32
    "tpu.region"() ({
      %run_scoped3A = tpu.sem_alloc : memref<!tpu.dma_semaphore, #tpu.memory_space<semaphore_mem>>
      %dma_start3A_7 = tpu.memref_slice %arg3[%mul3A_2] : memref<2048xi32, #tpu.memory_space<hbm>> -> memref<64xi32, #tpu.memory_space<hbm>>
      %dma_start3A_8 = tpu.memref_slice %arg3[%mul3A_2] : memref<2048xi32, #tpu.memory_space<hbm>> -> memref<64xi32, #tpu.memory_space<hbm>>
      tpu.enqueue_dma source(%dma_start3A_8 : memref<64xi32, #tpu.memory_space<hbm>>) target(%arg5 : memref<64xi32, #tpu.memory_space<vmem>>) target_semaphore(%run_scoped3A : memref<!tpu.dma_semaphore, #tpu.memory_space<semaphore_mem>>)
      %dma_wait3A_9 = tpu.memref_slice %arg3[%mul3A_2] : memref<2048xi32, #tpu.memory_space<hbm>> -> memref<64xi32, #tpu.memory_space<hbm>>
      %dma_wait3A_10 = tpu.memref_slice %arg3[%mul3A_2] : memref<2048xi32, #tpu.memory_space<hbm>> -> memref<64xi32, #tpu.memory_space<hbm>>
      tpu.wait_dma2 semaphore(%run_scoped3A : memref<!tpu.dma_semaphore, #tpu.memory_space<semaphore_mem>>) src(%dma_wait3A_10 : memref<64xi32, #tpu.memory_space<hbm>>) dst(%arg5 : memref<64xi32, #tpu.memory_space<vmem>>)
      tpu.yield
    }) : () -> ()
    %dma_start3A = arith.constant 0 : i32
    %dma_start3A_3 = arith.constant 0 : i32
    %dma_start3A_4 = tpu.memref_slice %arg2[%dma_start3A, %dma_start3A_3] : memref<4096x768xf32, #tpu.memory_space<hbm>> -> memref<4096x768xf32, #tpu.memory_space<hbm>>
    tpu.enqueue_indirect_dma source(%dma_start3A_4 : memref<4096x768xf32, #tpu.memory_space<hbm>>) target(%arg6 : memref<64x768xf32, #tpu.memory_space<vmem>>) offsets(%arg5 : memref<64xi32, #tpu.memory_space<vmem>>) semaphore(%arg7 : memref<!tpu.dma_semaphore, #tpu.memory_space<semaphore_mem>>)
    %dma_wait3A = arith.constant 0 : i32
    %dma_wait3A_5 = arith.constant 0 : i32
    %dma_wait3A_6 = tpu.memref_slice %arg2[%dma_wait3A, %dma_wait3A_5] : memref<4096x768xf32, #tpu.memory_space<hbm>> -> memref<4096x768xf32, #tpu.memory_space<hbm>>
    tpu.wait_indirect_dma semaphore(%arg7 : memref<!tpu.dma_semaphore, #tpu.memory_space<semaphore_mem>>) src(%dma_wait3A_6 : memref<4096x768xf32, #tpu.memory_space<hbm>>) dst(%arg6 : memref<64x768xf32, #tpu.memory_space<vmem>>)
    "tpu.region"() ({
      %run_scoped3A = tpu.sem_alloc : memref<!tpu.dma_semaphore, #tpu.memory_space<semaphore_mem>>
      %dma_start3A_7 = arith.constant 0 : i32
      %dma_start3A_8 = tpu.memref_slice %arg4[%mul3A_2, %dma_start3A_7] : memref<2048x768xf32, #tpu.memory_space<hbm>> -> memref<64x768xf32, #tpu.memory_space<hbm>>
      %dma_start3A_9 = arith.constant 0 : i32
      %dma_start3A_10 = tpu.memref_slice %arg4[%mul3A_2, %dma_start3A_9] : memref<2048x768xf32, #tpu.memory_space<hbm>> -> memref<64x768xf32, #tpu.memory_space<hbm>>
      tpu.enqueue_dma source(%arg6 : memref<64x768xf32, #tpu.memory_space<vmem>>) target(%dma_start3A_10 : memref<64x768xf32, #tpu.memory_space<hbm>>) target_semaphore(%run_scoped3A : memref<!tpu.dma_semaphore, #tpu.memory_space<semaphore_mem>>)
      %dma_wait3A_11 = arith.constant 0 : i32
      %dma_wait3A_12 = tpu.memref_slice %arg4[%mul3A_2, %dma_wait3A_11] : memref<2048x768xf32, #tpu.memory_space<hbm>> -> memref<64x768xf32, #tpu.memory_space<hbm>>
      %dma_wait3A_13 = arith.constant 0 : i32
      %dma_wait3A_14 = tpu.memref_slice %arg4[%mul3A_2, %dma_wait3A_13] : memref<2048x768xf32, #tpu.memory_space<hbm>> -> memref<64x768xf32, #tpu.memory_space<hbm>>
      tpu.wait_dma2 semaphore(%run_scoped3A : memref<!tpu.dma_semaphore, #tpu.memory_space<semaphore_mem>>) src(%arg6 : memref<64x768xf32, #tpu.memory_space<vmem>>) dst(%dma_wait3A_14 : memref<64x768xf32, #tpu.memory_space<hbm>>)
      tpu.yield
    }) : () -> ()
    return
  }
}

#map = affine_map<(d0, d1) -> (0, 0)>
#map1 = affine_map<(d0, d1) -> (0)>
module attributes {stable_mosaic.version = 14 : i64} {
  func.func @_sc_gather(%arg0: i32, %arg1: i32, %arg2: memref<4096x768xf32, #tpu.memory_space<hbm>>, %arg3: memref<2048xi32, #tpu.memory_space<hbm>>, %arg4: memref<2048x768xf32, #tpu.memory_space<hbm>>, %arg5: memref<64xi32, #tpu.memory_space<vmem>>, %arg6: memref<64x768xf32, #tpu.memory_space<vmem>>, %arg7: memref<!tpu.dma_semaphore, #tpu.memory_space<semaphore_mem>>) attributes {dimension_semantics = [#tpu.dimension_semantics<core_parallel>, #tpu.dimension_semantics<subcore_parallel>], iteration_bounds = array<i64: 2, 16>, scalar_prefetch = 0 : i64, scratch_operands = 3 : i64, tpu.core_type = #tpu.core_type<sc_vector_subcore>, window_params = [{transform_indices = #map}, {transform_indices = #map1}, {transform_indices = #map}]} {
    %mul3A = arith.constant 2 : i32
    %mul3A_0 = arith.muli %arg1, %mul3A : i32
    %add3A = arith.addi %mul3A_0, %arg0 : i32
    %mul3A_1 = arith.constant 64 : i32
    %mul3A_2 = arith.muli %add3A, %mul3A_1 : i32
    "tpu.region"() ({
      %run_scoped3A = tpu.sem_alloc : memref<!tpu.dma_semaphore, #tpu.memory_space<semaphore_mem>>
      %dma_start3A_7 = tpu.memref_slice %arg3[%mul3A_2] : memref<2048xi32, #tpu.memory_space<hbm>> -> memref<64xi32, #tpu.memory_space<hbm>>
      %dma_start3A_8 = tpu.memref_slice %arg3[%mul3A_2] : memref<2048xi32, #tpu.memory_space<hbm>> -> memref<64xi32, #tpu.memory_space<hbm>>
      tpu.enqueue_dma source(%dma_start3A_8 : memref<64xi32, #tpu.memory_space<hbm>>) target(%arg5 : memref<64xi32, #tpu.memory_space<vmem>>) target_semaphore(%run_scoped3A : memref<!tpu.dma_semaphore, #tpu.memory_space<semaphore_mem>>)
      %dma_wait3A_9 = tpu.memref_slice %arg3[%mul3A_2] : memref<2048xi32, #tpu.memory_space<hbm>> -> memref<64xi32, #tpu.memory_space<hbm>>
      %dma_wait3A_10 = tpu.memref_slice %arg3[%mul3A_2] : memref<2048xi32, #tpu.memory_space<hbm>> -> memref<64xi32, #tpu.memory_space<hbm>>
      tpu.wait_dma2 semaphore(%run_scoped3A : memref<!tpu.dma_semaphore, #tpu.memory_space<semaphore_mem>>) src(%dma_wait3A_10 : memref<64xi32, #tpu.memory_space<hbm>>) dst(%arg5 : memref<64xi32, #tpu.memory_space<vmem>>)
      tpu.yield
    }) : () -> ()
    %dma_start3A = arith.constant 0 : i32
    %dma_start3A_3 = arith.constant 0 : i32
    %dma_start3A_4 = tpu.memref_slice %arg2[%dma_start3A, %dma_start3A_3] : memref<4096x768xf32, #tpu.memory_space<hbm>> -> memref<4096x768xf32, #tpu.memory_space<hbm>>
    tpu.enqueue_indirect_dma source(%dma_start3A_4 : memref<4096x768xf32, #tpu.memory_space<hbm>>) target(%arg6 : memref<64x768xf32, #tpu.memory_space<vmem>>) offsets(%arg5 : memref<64xi32, #tpu.memory_space<vmem>>) semaphore(%arg7 : memref<!tpu.dma_semaphore, #tpu.memory_space<semaphore_mem>>)
    %dma_wait3A = arith.constant 0 : i32
    %dma_wait3A_5 = arith.constant 0 : i32
    %dma_wait3A_6 = tpu.memref_slice %arg2[%dma_wait3A, %dma_wait3A_5] : memref<4096x768xf32, #tpu.memory_space<hbm>> -> memref<4096x768xf32, #tpu.memory_space<hbm>>
    tpu.wait_indirect_dma semaphore(%arg7 : memref<!tpu.dma_semaphore, #tpu.memory_space<semaphore_mem>>) src(%dma_wait3A_6 : memref<4096x768xf32, #tpu.memory_space<hbm>>) dst(%arg6 : memref<64x768xf32, #tpu.memory_space<vmem>>)
    "tpu.region"() ({
      %run_scoped3A = tpu.sem_alloc : memref<!tpu.dma_semaphore, #tpu.memory_space<semaphore_mem>>
      %dma_start3A_7 = arith.constant 0 : i32
      %dma_start3A_8 = tpu.memref_slice %arg4[%mul3A_2, %dma_start3A_7] : memref<2048x768xf32, #tpu.memory_space<hbm>> -> memref<64x768xf32, #tpu.memory_space<hbm>>
      %dma_start3A_9 = arith.constant 0 : i32
      %dma_start3A_10 = tpu.memref_slice %arg4[%mul3A_2, %dma_start3A_9] : memref<2048x768xf32, #tpu.memory_space<hbm>> -> memref<64x768xf32, #tpu.memory_space<hbm>>
      tpu.enqueue_dma source(%arg6 : memref<64x768xf32, #tpu.memory_space<vmem>>) target(%dma_start3A_10 : memref<64x768xf32, #tpu.memory_space<hbm>>) target_semaphore(%run_scoped3A : memref<!tpu.dma_semaphore, #tpu.memory_space<semaphore_mem>>)
      %dma_wait3A_11 = arith.constant 0 : i32
      %dma_wait3A_12 = tpu.memref_slice %arg4[%mul3A_2, %dma_wait3A_11] : memref<2048x768xf32, #tpu.memory_space<hbm>> -> memref<64x768xf32, #tpu.memory_space<hbm>>
      %dma_wait3A_13 = arith.constant 0 : i32
      %dma_wait3A_14 = tpu.memref_slice %arg4[%mul3A_2, %dma_wait3A_13] : memref<2048x768xf32, #tpu.memory_space<hbm>> -> memref<64x768xf32, #tpu.memory_space<hbm>>
      tpu.wait_dma2 semaphore(%run_scoped3A : memref<!tpu.dma_semaphore, #tpu.memory_space<semaphore_mem>>) src(%arg6 : memref<64x768xf32, #tpu.memory_space<vmem>>) dst(%dma_wait3A_14 : memref<64x768xf32, #tpu.memory_space<hbm>>)
      tpu.yield
    }) : () -> ()
    return
  }
}

#map = affine_map<(d0, d1) -> (0, 0)>
#map1 = affine_map<(d0, d1) -> (0)>
module attributes {stable_mosaic.version = 14 : i64} {
  func.func @_sc_gather(%arg0: i32, %arg1: i32, %arg2: memref<4096x768xf32, #tpu.memory_space<hbm>>, %arg3: memref<2048xi32, #tpu.memory_space<hbm>>, %arg4: memref<2048x768xf32, #tpu.memory_space<hbm>>, %arg5: memref<64xi32, #tpu.memory_space<vmem>>, %arg6: memref<64x768xf32, #tpu.memory_space<vmem>>, %arg7: memref<!tpu.dma_semaphore, #tpu.memory_space<semaphore_mem>>) attributes {dimension_semantics = [#tpu.dimension_semantics<core_parallel>, #tpu.dimension_semantics<subcore_parallel>], iteration_bounds = array<i64: 2, 16>, scalar_prefetch = 0 : i64, scratch_operands = 3 : i64, tpu.core_type = #tpu.core_type<sc_vector_subcore>, window_params = [{transform_indices = #map}, {transform_indices = #map1}, {transform_indices = #map}]} {
    %mul3A = arith.constant 2 : i32
    %mul3A_0 = arith.muli %arg1, %mul3A : i32
    %add3A = arith.addi %mul3A_0, %arg0 : i32
    %mul3A_1 = arith.constant 64 : i32
    %mul3A_2 = arith.muli %add3A, %mul3A_1 : i32
    "tpu.region"() ({
      %run_scoped3A = tpu.sem_alloc : memref<!tpu.dma_semaphore, #tpu.memory_space<semaphore_mem>>
      %dma_start3A_7 = tpu.memref_slice %arg3[%mul3A_2] : memref<2048xi32, #tpu.memory_space<hbm>> -> memref<64xi32, #tpu.memory_space<hbm>>
      %dma_start3A_8 = tpu.memref_slice %arg3[%mul3A_2] : memref<2048xi32, #tpu.memory_space<hbm>> -> memref<64xi32, #tpu.memory_space<hbm>>
      tpu.enqueue_dma source(%dma_start3A_8 : memref<64xi32, #tpu.memory_space<hbm>>) target(%arg5 : memref<64xi32, #tpu.memory_space<vmem>>) target_semaphore(%run_scoped3A : memref<!tpu.dma_semaphore, #tpu.memory_space<semaphore_mem>>)
      %dma_wait3A_9 = tpu.memref_slice %arg3[%mul3A_2] : memref<2048xi32, #tpu.memory_space<hbm>> -> memref<64xi32, #tpu.memory_space<hbm>>
      %dma_wait3A_10 = tpu.memref_slice %arg3[%mul3A_2] : memref<2048xi32, #tpu.memory_space<hbm>> -> memref<64xi32, #tpu.memory_space<hbm>>
      tpu.wait_dma2 semaphore(%run_scoped3A : memref<!tpu.dma_semaphore, #tpu.memory_space<semaphore_mem>>) src(%dma_wait3A_10 : memref<64xi32, #tpu.memory_space<hbm>>) dst(%arg5 : memref<64xi32, #tpu.memory_space<vmem>>)
      tpu.yield
    }) : () -> ()
    %dma_start3A = arith.constant 0 : i32
    %dma_start3A_3 = arith.constant 0 : i32
    %dma_start3A_4 = tpu.memref_slice %arg2[%dma_start3A, %dma_start3A_3] : memref<4096x768xf32, #tpu.memory_space<hbm>> -> memref<4096x768xf32, #tpu.memory_space<hbm>>
    tpu.enqueue_indirect_dma source(%dma_start3A_4 : memref<4096x768xf32, #tpu.memory_space<hbm>>) target(%arg6 : memref<64x768xf32, #tpu.memory_space<vmem>>) offsets(%arg5 : memref<64xi32, #tpu.memory_space<vmem>>) semaphore(%arg7 : memref<!tpu.dma_semaphore, #tpu.memory_space<semaphore_mem>>)
    %dma_wait3A = arith.constant 0 : i32
    %dma_wait3A_5 = arith.constant 0 : i32
    %dma_wait3A_6 = tpu.memref_slice %arg2[%dma_wait3A, %dma_wait3A_5] : memref<4096x768xf32, #tpu.memory_space<hbm>> -> memref<4096x768xf32, #tpu.memory_space<hbm>>
    tpu.wait_indirect_dma semaphore(%arg7 : memref<!tpu.dma_semaphore, #tpu.memory_space<semaphore_mem>>) src(%dma_wait3A_6 : memref<4096x768xf32, #tpu.memory_space<hbm>>) dst(%arg6 : memref<64x768xf32, #tpu.memory_space<vmem>>)
    "tpu.region"() ({
      %run_scoped3A = tpu.sem_alloc : memref<!tpu.dma_semaphore, #tpu.memory_space<semaphore_mem>>
      %dma_start3A_7 = arith.constant 0 : i32
      %dma_start3A_8 = tpu.memref_slice %arg4[%mul3A_2, %dma_start3A_7] : memref<2048x768xf32, #tpu.memory_space<hbm>> -> memref<64x768xf32, #tpu.memory_space<hbm>>
      %dma_start3A_9 = arith.constant 0 : i32
      %dma_start3A_10 = tpu.memref_slice %arg4[%mul3A_2, %dma_start3A_9] : memref<2048x768xf32, #tpu.memory_space<hbm>> -> memref<64x768xf32, #tpu.memory_space<hbm>>
      tpu.enqueue_dma source(%arg6 : memref<64x768xf32, #tpu.memory_space<vmem>>) target(%dma_start3A_10 : memref<64x768xf32, #tpu.memory_space<hbm>>) target_semaphore(%run_scoped3A : memref<!tpu.dma_semaphore, #tpu.memory_space<semaphore_mem>>)
      %dma_wait3A_11 = arith.constant 0 : i32
      %dma_wait3A_12 = tpu.memref_slice %arg4[%mul3A_2, %dma_wait3A_11] : memref<2048x768xf32, #tpu.memory_space<hbm>> -> memref<64x768xf32, #tpu.memory_space<hbm>>
      %dma_wait3A_13 = arith.constant 0 : i32
      %dma_wait3A_14 = tpu.memref_slice %arg4[%mul3A_2, %dma_wait3A_13] : memref<2048x768xf32, #tpu.memory_space<hbm>> -> memref<64x768xf32, #tpu.memory_space<hbm>>
      tpu.wait_dma2 semaphore(%run_scoped3A : memref<!tpu.dma_semaphore, #tpu.memory_space<semaphore_mem>>) src(%arg6 : memref<64x768xf32, #tpu.memory_space<vmem>>) dst(%dma_wait3A_14 : memref<64x768xf32, #tpu.memory_space<hbm>>)
      tpu.yield
    }) : () -> ()
    return
  }
}

module attributes {stable_mosaic.version = 14 : i64} {
  func.func @_prep_body(%arg0: i32, %arg1: memref<1x1024x768xf32, #tpu.memory_space<vmem>>, %arg2: memref<1024x768xf32, #tpu.memory_space<vmem>>, %arg3: memref<768x1024xbf16, #tpu.memory_space<vmem>>, %arg4: memref<8x128xf32, #tpu.memory_space<vmem>>, %arg5: memref<768x768xf32, #tpu.memory_space<vmem>>) attributes {dimension_semantics = [#tpu.dimension_semantics<arbitrary>], iteration_bounds = array<i64: 4>, scalar_prefetch = 0 : i64, scratch_operands = 1 : i64, tpu.core_type = #tpu.core_type<tc>, window_params = [{transform_indices = @transform_0, window_bounds = array<i64: 1, 1024, 768>}, {transform_indices = @transform_1, window_bounds = array<i64: 1024, 768>}, {transform_indices = @transform_2, window_bounds = array<i64: 768, 1024>}, {pipeline_mode = #tpu.pipeline_mode<synchronous>, transform_indices = @transform_3, window_bounds = array<i64: 8, 128>}]} {
    %get3A = arith.constant 0 : index
    %get3A_0 = arith.constant 0 : index
    %get3A_1 = arith.constant 0 : index
    %get3A_2 = vector.load %arg1[%get3A, %get3A_0, %get3A_1] : memref<1x1024x768xf32, #tpu.memory_space<vmem>>, vector<1x1024x768xf32>
    %get3A_3 = vector.shape_cast %get3A_2 : vector<1x1024x768xf32> to vector<1024x768xf32>
    %mul3A = arith.mulf %get3A_3, %get3A_3 : vector<1024x768xf32>
    %reduce_sum3A = arith.constant dense<0.000000e+00> : vector<1024xf32>
    %reduce_sum3A_4 = vector.multi_reduction <add>, %mul3A, %reduce_sum3A [1] : vector<1024x768xf32> to vector<1024xf32>
    %broadcast_in_dim3A = vector.shape_cast %reduce_sum3A_4 : vector<1024xf32> to vector<1024x1xf32>
    %sqrt3A = math.sqrt %broadcast_in_dim3A : vector<1024x1xf32>
    %max3A = arith.constant 9.99999996E-13 : f32
    %max3A_5 = vector.broadcast %max3A : f32 to vector<1024x1xf32>
    %max3A_6 = arith.maximumf %sqrt3A, %max3A_5 : vector<1024x1xf32>
    %div3A = vector.broadcast %max3A_6 : vector<1024x1xf32> to vector<1024x768xf32>
    %div3A_7 = arith.divf %get3A_3, %div3A : vector<1024x768xf32>
    %swap3A = arith.constant 0 : index
    %swap3A_8 = arith.constant 0 : index
    %swap3A_9 = vector.load %arg2[%swap3A, %swap3A_8] : memref<1024x768xf32, #tpu.memory_space<vmem>>, vector<1024x768xf32>
    tpu.vector_store %arg2[%swap3A, %swap3A_8], %div3A_7 {strides = array<i32>} : memref<1024x768xf32, #tpu.memory_space<vmem>>, vector<1024x768xf32>,
    %convert_element_type3A = arith.truncf %div3A_7 : vector<1024x768xf32> to vector<1024x768xbf16>
    %transpose3A = tpu.transpose %convert_element_type3A, [1, 0] : vector<1024x768xbf16> -> vector<768x1024xbf16>
    %swap3A_10 = arith.constant 0 : index
    %swap3A_11 = arith.constant 0 : index
    %swap3A_12 = vector.load %arg3[%swap3A_10, %swap3A_11] : memref<768x1024xbf16, #tpu.memory_space<vmem>>, vector<768x1024xbf16>
    tpu.vector_store %arg3[%swap3A_10, %swap3A_11], %transpose3A {strides = array<i32>} : memref<768x1024xbf16, #tpu.memory_space<vmem>>, vector<768x1024xbf16>,
    %convert_element_type3A_13 = arith.truncf %convert_element_type3A : vector<1024x768xbf16> to vector<1024x768xf8E4M3FN>
    %transpose3A_14 = tpu.transpose %convert_element_type3A_13, [1, 0] : vector<1024x768xf8E4M3FN> -> vector<768x1024xf8E4M3FN>
    %dot_general3A = arith.constant dense<0.000000e+00> : vector<768x768xf32>
    %dot_general3A_15 = tpu.matmul %transpose3A_14, %convert_element_type3A_13, %dot_general3A {dimension_numbers = #tpu.dot_dimension_numbers<[1], [0], [0], [1], [0, 0, 1, 1], [], []>, transpose_lhs_hint = false} : vector<768x1024xf8E4M3FN>, vector<1024x768xf8E4M3FN>, vector<768x768xf32> -> vector<768x768xf32>
    %eq3A = arith.constant 0 : i32
    %eq3A_16 = arith.cmpi eq, %arg0, %eq3A : i32
    %convert_element_type3A_17 = arith.extui %eq3A_16 : i1 to i32
    %cond3A = arith.constant 0 : i32
    %cond3A_18 = arith.cmpi ne, %convert_element_type3A_17, %cond3A : i32
    scf.if %cond3A_18 {
      %swap3A_28 = arith.constant 0 : index
      %swap3A_29 = arith.constant 0 : index
      %swap3A_30 = vector.load %arg5[%swap3A_28, %swap3A_29] : memref<768x768xf32, #tpu.memory_space<vmem>>, vector<768x768xf32>
      tpu.vector_store %arg5[%swap3A_28, %swap3A_29], %dot_general3A_15 {strides = array<i32>} : memref<768x768xf32, #tpu.memory_space<vmem>>, vector<768x768xf32>,
    } else {
    }
    %gt3A = arith.constant 0 : i32
    %gt3A_19 = arith.cmpi sgt, %arg0, %gt3A : i32
    %convert_element_type3A_20 = arith.extui %gt3A_19 : i1 to i32
    %cond3A_21 = arith.constant 0 : i32
    %cond3A_22 = arith.cmpi ne, %convert_element_type3A_20, %cond3A_21 : i32
    scf.if %cond3A_22 {
      %get3A_28 = arith.constant 0 : index
      %get3A_29 = arith.constant 0 : index
      %get3A_30 = vector.load %arg5[%get3A_28, %get3A_29] : memref<768x768xf32, #tpu.memory_space<vmem>>, vector<768x768xf32>
      %add3A = arith.addf %get3A_30, %dot_general3A_15 : vector<768x768xf32>
      %swap3A_31 = arith.constant 0 : index
      %swap3A_32 = arith.constant 0 : index
      %swap3A_33 = vector.load %arg5[%swap3A_31, %swap3A_32] : memref<768x768xf32, #tpu.memory_space<vmem>>, vector<768x768xf32>
      tpu.vector_store %arg5[%swap3A_31, %swap3A_32], %add3A {strides = array<i32>} : memref<768x768xf32, #tpu.memory_space<vmem>>, vector<768x768xf32>,
    } else {
    }
    %eq3A_23 = arith.constant 3 : i32
    %eq3A_24 = arith.cmpi eq, %arg0, %eq3A_23 : i32
    %convert_element_type3A_25 = arith.extui %eq3A_24 : i1 to i32
    %cond3A_26 = arith.constant 0 : i32
    %cond3A_27 = arith.cmpi ne, %convert_element_type3A_25, %cond3A_26 : i32
    scf.if %cond3A_27 {
      %get3A_28 = arith.constant 0 : index
      %get3A_29 = arith.constant 0 : index
      %get3A_30 = vector.load %arg5[%get3A_28, %get3A_29] : memref<768x768xf32, #tpu.memory_space<vmem>>, vector<768x768xf32>
      %get3A_31 = arith.constant 0 : index
      %get3A_32 = arith.constant 0 : index
      %get3A_33 = vector.load %arg5[%get3A_31, %get3A_32] : memref<768x768xf32, #tpu.memory_space<vmem>>, vector<768x768xf32>
      %mul3A_34 = arith.mulf %get3A_30, %get3A_33 : vector<768x768xf32>
      %reduce_sum3A_35 = vector.shape_cast %mul3A_34 : vector<768x768xf32> to vector<1x768x768xf32>
      %reduce_sum3A_36 = arith.constant dense<0.000000e+00> : vector<1xf32>
      %reduce_sum3A_37 = vector.multi_reduction <add>, %reduce_sum3A_35, %reduce_sum3A_36 [1, 2] : vector<1x768x768xf32> to vector<1xf32>
      %reduce_sum3A_38 = vector.shape_cast %reduce_sum3A_37 : vector<1xf32> to vector<1x1x1xf32>
      %reduce_sum3A_39 = vector.extract %reduce_sum3A_38[0, 0, 0] : f32 from vector<1x1x1xf32>
      %sub3A = arith.constant 4.096000e+03 : f32
      %sub3A_40 = arith.subf %reduce_sum3A_39, %sub3A : f32
      %div3A_41 = arith.constant 0x4B800000 : f32
      %div3A_42 = arith.divf %sub3A_40, %div3A_41 : f32
      %broadcast_in_dim3A_43 = vector.broadcast %div3A_42 : f32 to vector<8x128xf32>
      %swap3A_44 = arith.constant 0 : index
      %swap3A_45 = arith.constant 0 : index
      %swap3A_46 = vector.load %arg4[%swap3A_44, %swap3A_45] : memref<8x128xf32, #tpu.memory_space<vmem>>, vector<8x128xf32>
      tpu.vector_store %arg4[%swap3A_44, %swap3A_45], %broadcast_in_dim3A_43 {strides = array<i32>} : memref<8x128xf32, #tpu.memory_space<vmem>>, vector<8x128xf32>,
    } else {
    }
    return
  }
  func.func @transform_0(%arg0: i32) -> (i32, i32, i32) {
    %c1_i32 = arith.constant 1 : i32
    %c0_i32 = arith.constant 0 : i32
    %c0_i32_0 = arith.constant 0 : i32
    return %c1_i32, %arg0, %c0_i32 : i32, i32, i32
  }
  func.func @transform_1(%arg0: i32) -> (i32, i32) {
    %c0_i32 = arith.constant 0 : i32
    %c0_i32_0 = arith.constant 0 : i32
    return %arg0, %c0_i32 : i32, i32
  }
  func.func @transform_2(%arg0: i32) -> (i32, i32) {
    %c0_i32 = arith.constant 0 : i32
    %c0_i32_0 = arith.constant 0 : i32
    return %c0_i32, %arg0 : i32, i32
  }
  func.func @transform_3(%arg0: i32) -> (i32, i32) {
    %c0_i32 = arith.constant 0 : i32
    %c0_i32_0 = arith.constant 0 : i32
    %c0_i32_1 = arith.constant 0 : i32
    return %c0_i32, %c0_i32_0 : i32, i32
  }
}

module attributes {stable_mosaic.version = 14 : i64} {
  func.func @_prep_body(%arg0: i32, %arg1: memref<1x1024x768xf32, #tpu.memory_space<vmem>>, %arg2: memref<1024x768xf32, #tpu.memory_space<vmem>>, %arg3: memref<768x1024xbf16, #tpu.memory_space<vmem>>, %arg4: memref<8x128xf32, #tpu.memory_space<vmem>>, %arg5: memref<768x768xf32, #tpu.memory_space<vmem>>) attributes {dimension_semantics = [#tpu.dimension_semantics<arbitrary>], iteration_bounds = array<i64: 4>, scalar_prefetch = 0 : i64, scratch_operands = 1 : i64, tpu.core_type = #tpu.core_type<tc>, window_params = [{transform_indices = @transform_0, window_bounds = array<i64: 1, 1024, 768>}, {transform_indices = @transform_1, window_bounds = array<i64: 1024, 768>}, {transform_indices = @transform_2, window_bounds = array<i64: 768, 1024>}, {pipeline_mode = #tpu.pipeline_mode<synchronous>, transform_indices = @transform_3, window_bounds = array<i64: 8, 128>}]} {
    %get3A = arith.constant 0 : index
    %get3A_0 = arith.constant 0 : index
    %get3A_1 = arith.constant 0 : index
    %get3A_2 = vector.load %arg1[%get3A, %get3A_0, %get3A_1] : memref<1x1024x768xf32, #tpu.memory_space<vmem>>, vector<1x1024x768xf32>
    %get3A_3 = vector.shape_cast %get3A_2 : vector<1x1024x768xf32> to vector<1024x768xf32>
    %mul3A = arith.mulf %get3A_3, %get3A_3 : vector<1024x768xf32>
    %reduce_sum3A = arith.constant dense<0.000000e+00> : vector<1024xf32>
    %reduce_sum3A_4 = vector.multi_reduction <add>, %mul3A, %reduce_sum3A [1] : vector<1024x768xf32> to vector<1024xf32>
    %broadcast_in_dim3A = vector.shape_cast %reduce_sum3A_4 : vector<1024xf32> to vector<1024x1xf32>
    %sqrt3A = math.sqrt %broadcast_in_dim3A : vector<1024x1xf32>
    %max3A = arith.constant 9.99999996E-13 : f32
    %max3A_5 = vector.broadcast %max3A : f32 to vector<1024x1xf32>
    %max3A_6 = arith.maximumf %sqrt3A, %max3A_5 : vector<1024x1xf32>
    %div3A = vector.broadcast %max3A_6 : vector<1024x1xf32> to vector<1024x768xf32>
    %div3A_7 = arith.divf %get3A_3, %div3A : vector<1024x768xf32>
    %swap3A = arith.constant 0 : index
    %swap3A_8 = arith.constant 0 : index
    %swap3A_9 = vector.load %arg2[%swap3A, %swap3A_8] : memref<1024x768xf32, #tpu.memory_space<vmem>>, vector<1024x768xf32>
    tpu.vector_store %arg2[%swap3A, %swap3A_8], %div3A_7 {strides = array<i32>} : memref<1024x768xf32, #tpu.memory_space<vmem>>, vector<1024x768xf32>,
    %convert_element_type3A = arith.truncf %div3A_7 : vector<1024x768xf32> to vector<1024x768xbf16>
    %transpose3A = tpu.transpose %convert_element_type3A, [1, 0] : vector<1024x768xbf16> -> vector<768x1024xbf16>
    %swap3A_10 = arith.constant 0 : index
    %swap3A_11 = arith.constant 0 : index
    %swap3A_12 = vector.load %arg3[%swap3A_10, %swap3A_11] : memref<768x1024xbf16, #tpu.memory_space<vmem>>, vector<768x1024xbf16>
    tpu.vector_store %arg3[%swap3A_10, %swap3A_11], %transpose3A {strides = array<i32>} : memref<768x1024xbf16, #tpu.memory_space<vmem>>, vector<768x1024xbf16>,
    %convert_element_type3A_13 = arith.truncf %convert_element_type3A : vector<1024x768xbf16> to vector<1024x768xf8E4M3FN>
    %transpose3A_14 = tpu.transpose %convert_element_type3A_13, [1, 0] : vector<1024x768xf8E4M3FN> -> vector<768x1024xf8E4M3FN>
    %dot_general3A = arith.constant dense<0.000000e+00> : vector<768x768xf32>
    %dot_general3A_15 = tpu.matmul %transpose3A_14, %convert_element_type3A_13, %dot_general3A {dimension_numbers = #tpu.dot_dimension_numbers<[1], [0], [0], [1], [0, 0, 1, 1], [], []>, transpose_lhs_hint = false} : vector<768x1024xf8E4M3FN>, vector<1024x768xf8E4M3FN>, vector<768x768xf32> -> vector<768x768xf32>
    %eq3A = arith.constant 0 : i32
    %eq3A_16 = arith.cmpi eq, %arg0, %eq3A : i32
    %convert_element_type3A_17 = arith.extui %eq3A_16 : i1 to i32
    %cond3A = arith.constant 0 : i32
    %cond3A_18 = arith.cmpi ne, %convert_element_type3A_17, %cond3A : i32
    scf.if %cond3A_18 {
      %swap3A_28 = arith.constant 0 : index
      %swap3A_29 = arith.constant 0 : index
      %swap3A_30 = vector.load %arg5[%swap3A_28, %swap3A_29] : memref<768x768xf32, #tpu.memory_space<vmem>>, vector<768x768xf32>
      tpu.vector_store %arg5[%swap3A_28, %swap3A_29], %dot_general3A_15 {strides = array<i32>} : memref<768x768xf32, #tpu.memory_space<vmem>>, vector<768x768xf32>,
    } else {
    }
    %gt3A = arith.constant 0 : i32
    %gt3A_19 = arith.cmpi sgt, %arg0, %gt3A : i32
    %convert_element_type3A_20 = arith.extui %gt3A_19 : i1 to i32
    %cond3A_21 = arith.constant 0 : i32
    %cond3A_22 = arith.cmpi ne, %convert_element_type3A_20, %cond3A_21 : i32
    scf.if %cond3A_22 {
      %get3A_28 = arith.constant 0 : index
      %get3A_29 = arith.constant 0 : index
      %get3A_30 = vector.load %arg5[%get3A_28, %get3A_29] : memref<768x768xf32, #tpu.memory_space<vmem>>, vector<768x768xf32>
      %add3A = arith.addf %get3A_30, %dot_general3A_15 : vector<768x768xf32>
      %swap3A_31 = arith.constant 0 : index
      %swap3A_32 = arith.constant 0 : index
      %swap3A_33 = vector.load %arg5[%swap3A_31, %swap3A_32] : memref<768x768xf32, #tpu.memory_space<vmem>>, vector<768x768xf32>
      tpu.vector_store %arg5[%swap3A_31, %swap3A_32], %add3A {strides = array<i32>} : memref<768x768xf32, #tpu.memory_space<vmem>>, vector<768x768xf32>,
    } else {
    }
    %eq3A_23 = arith.constant 3 : i32
    %eq3A_24 = arith.cmpi eq, %arg0, %eq3A_23 : i32
    %convert_element_type3A_25 = arith.extui %eq3A_24 : i1 to i32
    %cond3A_26 = arith.constant 0 : i32
    %cond3A_27 = arith.cmpi ne, %convert_element_type3A_25, %cond3A_26 : i32
    scf.if %cond3A_27 {
      %get3A_28 = arith.constant 0 : index
      %get3A_29 = arith.constant 0 : index
      %get3A_30 = vector.load %arg5[%get3A_28, %get3A_29] : memref<768x768xf32, #tpu.memory_space<vmem>>, vector<768x768xf32>
      %get3A_31 = arith.constant 0 : index
      %get3A_32 = arith.constant 0 : index
      %get3A_33 = vector.load %arg5[%get3A_31, %get3A_32] : memref<768x768xf32, #tpu.memory_space<vmem>>, vector<768x768xf32>
      %mul3A_34 = arith.mulf %get3A_30, %get3A_33 : vector<768x768xf32>
      %reduce_sum3A_35 = vector.shape_cast %mul3A_34 : vector<768x768xf32> to vector<1x768x768xf32>
      %reduce_sum3A_36 = arith.constant dense<0.000000e+00> : vector<1xf32>
      %reduce_sum3A_37 = vector.multi_reduction <add>, %reduce_sum3A_35, %reduce_sum3A_36 [1, 2] : vector<1x768x768xf32> to vector<1xf32>
      %reduce_sum3A_38 = vector.shape_cast %reduce_sum3A_37 : vector<1xf32> to vector<1x1x1xf32>
      %reduce_sum3A_39 = vector.extract %reduce_sum3A_38[0, 0, 0] : f32 from vector<1x1x1xf32>
      %sub3A = arith.constant 4.096000e+03 : f32
      %sub3A_40 = arith.subf %reduce_sum3A_39, %sub3A : f32
      %div3A_41 = arith.constant 0x4B800000 : f32
      %div3A_42 = arith.divf %sub3A_40, %div3A_41 : f32
      %broadcast_in_dim3A_43 = vector.broadcast %div3A_42 : f32 to vector<8x128xf32>
      %swap3A_44 = arith.constant 0 : index
      %swap3A_45 = arith.constant 0 : index
      %swap3A_46 = vector.load %arg4[%swap3A_44, %swap3A_45] : memref<8x128xf32, #tpu.memory_space<vmem>>, vector<8x128xf32>
      tpu.vector_store %arg4[%swap3A_44, %swap3A_45], %broadcast_in_dim3A_43 {strides = array<i32>} : memref<8x128xf32, #tpu.memory_space<vmem>>, vector<8x128xf32>,
    } else {
    }
    return
  }
  func.func @transform_0(%arg0: i32) -> (i32, i32, i32) {
    %c0_i32 = arith.constant 0 : i32
    %c0_i32_0 = arith.constant 0 : i32
    %c0_i32_1 = arith.constant 0 : i32
    return %c0_i32, %arg0, %c0_i32_0 : i32, i32, i32
  }
  func.func @transform_1(%arg0: i32) -> (i32, i32) {
    %c0_i32 = arith.constant 0 : i32
    %c0_i32_0 = arith.constant 0 : i32
    return %arg0, %c0_i32 : i32, i32
  }
  func.func @transform_2(%arg0: i32) -> (i32, i32) {
    %c0_i32 = arith.constant 0 : i32
    %c0_i32_0 = arith.constant 0 : i32
    return %c0_i32, %arg0 : i32, i32
  }
  func.func @transform_3(%arg0: i32) -> (i32, i32) {
    %c0_i32 = arith.constant 0 : i32
    %c0_i32_0 = arith.constant 0 : i32
    %c0_i32_1 = arith.constant 0 : i32
    return %c0_i32, %c0_i32_0 : i32, i32
  }
}

module attributes {stable_mosaic.version = 14 : i64} {
  func.func @_stage_body(%arg0: i32, %arg1: memref<2048x768xf32, #tpu.memory_space<vmem>>, %arg2: memref<2048x768xf32, #tpu.memory_space<vmem>>, %arg3: memref<768x512xbf16, #tpu.memory_space<vmem>>, %arg4: memref<2048x768xf32, #tpu.memory_space<vmem>>, %arg5: memref<2048x1xi32, #tpu.memory_space<vmem>>, %arg6: memref<16x128xi32, #tpu.memory_space<vmem>>, %arg7: memref<1x128xf32, #tpu.memory_space<vmem>>, %arg8: memref<2048x768xbf16, #tpu.memory_space<vmem>>, %arg9: memref<2x2048x512xf32, #tpu.memory_space<vmem>>, %arg10: memref<2x2048x1xf32, #tpu.memory_space<vmem>>, %arg11: memref<2048x1xf32, #tpu.memory_space<vmem>>, %arg12: memref<2048x1xf32, #tpu.memory_space<vmem>>, %arg13: memref<2048x1xi32, #tpu.memory_space<vmem>>) attributes {dimension_semantics = [#tpu.dimension_semantics<arbitrary>], iteration_bounds = array<i64: 8>, scalar_prefetch = 0 : i64, scratch_operands = 6 : i64, tpu.core_type = #tpu.core_type<tc>, window_params = [{pipeline_mode = #tpu.pipeline_mode<synchronous>, transform_indices = @transform_0, window_bounds = array<i64: 2048, 768>}, {pipeline_mode = #tpu.pipeline_mode<synchronous>, transform_indices = @transform_1, window_bounds = array<i64: 2048, 768>}, {transform_indices = @transform_2, window_bounds = array<i64: 768, 512>}, {pipeline_mode = #tpu.pipeline_mode<synchronous>, transform_indices = @transform_3, window_bounds = array<i64: 2048, 768>}, {pipeline_mode = #tpu.pipeline_mode<synchronous>, transform_indices = @transform_4, window_bounds = array<i64: 2048, 1>}, {pipeline_mode = #tpu.pipeline_mode<synchronous>, transform_indices = @transform_5, window_bounds = array<i64: 16, 128>}, {pipeline_mode = #tpu.pipeline_mode<synchronous>, transform_indices = @transform_6, window_bounds = array<i64: 1, 128>}]} {
    %eq3A = arith.constant 0 : i32
    %eq3A_0 = arith.cmpi eq, %arg0, %eq3A : i32
    %convert_element_type3A = arith.extui %eq3A_0 : i1 to i32
    %cond3A = arith.constant 0 : i32
    %cond3A_1 = arith.cmpi ne, %convert_element_type3A, %cond3A : i32
    scf.if %cond3A_1 {
      %get3A = arith.constant 0 : index
      %get3A_42 = arith.constant 0 : index
      %get3A_43 = vector.load %arg1[%get3A, %get3A_42] : memref<2048x768xf32, #tpu.memory_space<vmem>>, vector<2048x768xf32>
      %get3A_44 = arith.constant 0 : index
      %get3A_45 = arith.constant 0 : index
      %get3A_46 = vector.load %arg2[%get3A_44, %get3A_45] : memref<2048x768xf32, #tpu.memory_space<vmem>>, vector<2048x768xf32>
      %sub3A = arith.subf %get3A_43, %get3A_46 : vector<2048x768xf32>
      %swap3A = arith.constant 0 : index
      %swap3A_47 = arith.constant 0 : index
      %swap3A_48 = vector.load %arg4[%swap3A, %swap3A_47] : memref<2048x768xf32, #tpu.memory_space<vmem>>, vector<2048x768xf32>
      tpu.vector_store %arg4[%swap3A, %swap3A_47], %sub3A {strides = array<i32>} : memref<2048x768xf32, #tpu.memory_space<vmem>>, vector<2048x768xf32>,
      %mul3A = arith.mulf %sub3A, %sub3A : vector<2048x768xf32>
      %reduce_sum3A = arith.constant dense<0.000000e+00> : vector<2048xf32>
      %reduce_sum3A_49 = vector.multi_reduction <add>, %mul3A, %reduce_sum3A [1] : vector<2048x768xf32> to vector<2048xf32>
      %broadcast_in_dim3A = vector.shape_cast %reduce_sum3A_49 : vector<2048xf32> to vector<2048x1xf32>
      %swap3A_50 = arith.constant 0 : index
      %swap3A_51 = arith.constant 0 : index
      %swap3A_52 = vector.load %arg11[%swap3A_50, %swap3A_51] : memref<2048x1xf32, #tpu.memory_space<vmem>>, vector<2048x1xf32>
      tpu.vector_store %arg11[%swap3A_50, %swap3A_51], %broadcast_in_dim3A {strides = array<i32>} : memref<2048x1xf32, #tpu.memory_space<vmem>>, vector<2048x1xf32>,
      %sqrt3A = math.sqrt %broadcast_in_dim3A : vector<2048x1xf32>
      %max3A = arith.constant 9.99999996E-13 : f32
      %max3A_53 = vector.broadcast %max3A : f32 to vector<2048x1xf32>
      %max3A_54 = arith.maximumf %sqrt3A, %max3A_53 : vector<2048x1xf32>
      %div3A = vector.broadcast %max3A_54 : vector<2048x1xf32> to vector<2048x768xf32>
      %div3A_55 = arith.divf %sub3A, %div3A : vector<2048x768xf32>
      %convert_element_type3A_56 = arith.truncf %div3A_55 : vector<2048x768xf32> to vector<2048x768xbf16>
      %swap3A_57 = arith.constant 0 : index
      %swap3A_58 = arith.constant 0 : index
      %swap3A_59 = vector.load %arg8[%swap3A_57, %swap3A_58] : memref<2048x768xbf16, #tpu.memory_space<vmem>>, vector<2048x768xbf16>
      tpu.vector_store %arg8[%swap3A_57, %swap3A_58], %convert_element_type3A_56 {strides = array<i32>} : memref<2048x768xbf16, #tpu.memory_space<vmem>>, vector<2048x768xbf16>,
      %broadcast_in_dim3A_60 = arith.constant 0xFF800000 : f32
      %broadcast_in_dim3A_61 = vector.broadcast %broadcast_in_dim3A_60 : f32 to vector<2048x1xf32>
      %swap3A_62 = arith.constant 0 : index
      %swap3A_63 = arith.constant 0 : index
      %swap3A_64 = vector.load %arg12[%swap3A_62, %swap3A_63] : memref<2048x1xf32, #tpu.memory_space<vmem>>, vector<2048x1xf32>
      tpu.vector_store %arg12[%swap3A_62, %swap3A_63], %broadcast_in_dim3A_61 {strides = array<i32>} : memref<2048x1xf32, #tpu.memory_space<vmem>>, vector<2048x1xf32>,
      %broadcast_in_dim3A_65 = arith.constant 0 : i32
      %broadcast_in_dim3A_66 = vector.broadcast %broadcast_in_dim3A_65 : i32 to vector<2048x1xi32>
      %swap3A_67 = arith.constant 0 : index
      %swap3A_68 = arith.constant 0 : index
      %swap3A_69 = vector.load %arg13[%swap3A_67, %swap3A_68] : memref<2048x1xi32, #tpu.memory_space<vmem>>, vector<2048x1xi32>
      tpu.vector_store %arg13[%swap3A_67, %swap3A_68], %broadcast_in_dim3A_66 {strides = array<i32>} : memref<2048x1xi32, #tpu.memory_space<vmem>>, vector<2048x1xi32>,
      %broadcast_in_dim3A_70 = arith.constant 0xFF800000 : f32
      %broadcast_in_dim3A_71 = vector.broadcast %broadcast_in_dim3A_70 : f32 to vector<2048x1xf32>
      %swap3A_72 = arith.constant 1 : index
      %swap3A_73 = arith.constant 0 : index
      %swap3A_74 = arith.constant 0 : index
      %swap3A_75 = vector.load %arg10[%swap3A_72, %swap3A_73, %swap3A_74] : memref<2x2048x1xf32, #tpu.memory_space<vmem>>, vector<1x2048x1xf32>
      %swap3A_76 = vector.shape_cast %swap3A_75 : vector<1x2048x1xf32> to vector<2048x1xf32>
      %swap3A_77 = vector.shape_cast %broadcast_in_dim3A_71 : vector<2048x1xf32> to vector<1x2048x1xf32>
      tpu.vector_store %arg10[%swap3A_72, %swap3A_73, %swap3A_74], %swap3A_77 {strides = array<i32>} : memref<2x2048x1xf32, #tpu.memory_space<vmem>>, vector<1x2048x1xf32>,
    } else {
    }
    %jit3A = arith.constant 2 : i32
    %eq3A_2 = arith.constant 0 : i32
    %eq3A_3 = arith.cmpi eq, %jit3A, %eq3A_2 : i32
    %jit3A_4 = arith.constant 1 : i32
    %select_n3A = arith.select %eq3A_3, %jit3A_4, %jit3A : i32
    %rem3A = arith.remsi %arg0, %select_n3A : i32
    %ne3A = arith.constant 0 : i32
    %ne3A_5 = arith.cmpi ne, %rem3A, %ne3A : i32
    %lt3A = arith.constant 0 : i32
    %lt3A_6 = arith.cmpi slt, %rem3A, %lt3A : i32
    %lt3A_7 = arith.constant 0 : i32
    %lt3A_8 = arith.cmpi slt, %select_n3A, %lt3A_7 : i32
    %ne3A_9 = arith.xori %lt3A_6, %lt3A_8 : i1
    %and3A = arith.andi %ne3A_9, %ne3A_5 : i1
    %add3A = arith.addi %rem3A, %select_n3A : i32
    %select_n3A_10 = arith.select %and3A, %add3A, %rem3A : i32
    %eq3A_11 = arith.constant 0 : i32
    %eq3A_12 = arith.cmpi eq, %select_n3A_10, %eq3A_11 : i32
    %convert_element_type3A_13 = arith.extui %eq3A_12 : i1 to i32
    %cond3A_14 = arith.constant 0 : i32
    %cond3A_15 = arith.cmpi ne, %convert_element_type3A_13, %cond3A_14 : i32
    scf.if %cond3A_15 {
      %get3A = arith.constant 0 : index
      %get3A_42 = arith.constant 0 : index
      %get3A_43 = vector.load %arg3[%get3A, %get3A_42] : memref<768x512xbf16, #tpu.memory_space<vmem>>, vector<768x512xbf16>
      %get3A_44 = arith.constant 0 : index
      %get3A_45 = arith.constant 0 : index
      %get3A_46 = vector.load %arg8[%get3A_44, %get3A_45] : memref<2048x768xbf16, #tpu.memory_space<vmem>>, vector<2048x768xbf16>
      %dot_general3A = arith.constant dense<0.000000e+00> : vector<2048x512xf32>
      %dot_general3A_47 = tpu.matmul %get3A_46, %get3A_43, %dot_general3A {dimension_numbers = #tpu.dot_dimension_numbers<[1], [0], [0], [1], [0, 0, 1, 1], [], []>, transpose_lhs_hint = false} : vector<2048x768xbf16>, vector<768x512xbf16>, vector<2048x512xf32> -> vector<2048x512xf32>
      %swap3A = arith.constant 0 : index
      %swap3A_48 = arith.constant 0 : index
      %swap3A_49 = arith.constant 0 : index
      %swap3A_50 = vector.load %arg9[%swap3A, %swap3A_48, %swap3A_49] : memref<2x2048x512xf32, #tpu.memory_space<vmem>>, vector<1x2048x512xf32>
      %swap3A_51 = vector.shape_cast %swap3A_50 : vector<1x2048x512xf32> to vector<2048x512xf32>
      %swap3A_52 = vector.shape_cast %dot_general3A_47 : vector<2048x512xf32> to vector<1x2048x512xf32>
      tpu.vector_store %arg9[%swap3A, %swap3A_48, %swap3A_49], %swap3A_52 {strides = array<i32>} : memref<2x2048x512xf32, #tpu.memory_space<vmem>>, vector<1x2048x512xf32>,
      %reduce_max3A = arith.constant dense<0xFF800000> : vector<2048xf32>
      %reduce_max3A_53 = vector.multi_reduction <maximumf>, %dot_general3A_47, %reduce_max3A [1] : vector<2048x512xf32> to vector<2048xf32>
      %broadcast_in_dim3A = vector.shape_cast %reduce_max3A_53 : vector<2048xf32> to vector<2048x1xf32>
      %swap3A_54 = arith.constant 0 : index
      %swap3A_55 = arith.constant 0 : index
      %swap3A_56 = arith.constant 0 : index
      %swap3A_57 = vector.load %arg10[%swap3A_54, %swap3A_55, %swap3A_56] : memref<2x2048x1xf32, #tpu.memory_space<vmem>>, vector<1x2048x1xf32>
      %swap3A_58 = vector.shape_cast %swap3A_57 : vector<1x2048x1xf32> to vector<2048x1xf32>
      %swap3A_59 = vector.shape_cast %broadcast_in_dim3A : vector<2048x1xf32> to vector<1x2048x1xf32>
      tpu.vector_store %arg10[%swap3A_54, %swap3A_55, %swap3A_56], %swap3A_59 {strides = array<i32>} : memref<2x2048x1xf32, #tpu.memory_space<vmem>>, vector<1x2048x1xf32>,
      %get3A_60 = arith.constant 1 : index
      %get3A_61 = arith.constant 0 : index
      %get3A_62 = arith.constant 0 : index
      %get3A_63 = vector.load %arg9[%get3A_60, %get3A_61, %get3A_62] : memref<2x2048x512xf32, #tpu.memory_space<vmem>>, vector<1x2048x512xf32>
      %get3A_64 = vector.shape_cast %get3A_63 : vector<1x2048x512xf32> to vector<2048x512xf32>
      %get3A_65 = arith.constant 1 : index
      %get3A_66 = arith.constant 0 : index
      %get3A_67 = arith.constant 0 : index
      %get3A_68 = vector.load %arg10[%get3A_65, %get3A_66, %get3A_67] : memref<2x2048x1xf32, #tpu.memory_space<vmem>>, vector<1x2048x1xf32>
      %get3A_69 = vector.shape_cast %get3A_68 : vector<1x2048x1xf32> to vector<2048x1xf32>
      %sub3A = arith.constant 1 : i32
      %sub3A_70 = arith.subi %arg0, %sub3A : i32
      %iota3A = tpu.iota {dimensions = array<i32: 1>} : vector<2048x512xi32>
      %eq3A_71 = vector.broadcast %get3A_69 : vector<2048x1xf32> to vector<2048x512xf32>
      %eq3A_72 = arith.cmpf oeq, %get3A_64, %eq3A_71 : vector<2048x512xf32>
      %jit3A_73 = arith.constant 1073741824 : i32
      %broadcast_in_dim3A_74 = vector.broadcast %jit3A_73 : i32 to vector<2048x512xi32>
      %select_n3A_75 = arith.select %eq3A_72, %iota3A, %broadcast_in_dim3A_74 : vector<2048x512xi1>, vector<2048x512xi32>
      %reduce_min3A = arith.constant dense<2147483647> : vector<2048xi32>
      %reduce_min3A_76 = vector.multi_reduction <minsi>, %select_n3A_75, %reduce_min3A [1] : vector<2048x512xi32> to vector<2048xi32>
      %broadcast_in_dim3A_77 = vector.shape_cast %reduce_min3A_76 : vector<2048xi32> to vector<2048x1xi32>
      %get3A_78 = arith.constant 0 : index
      %get3A_79 = arith.constant 0 : index
      %get3A_80 = vector.load %arg12[%get3A_78, %get3A_79] : memref<2048x1xf32, #tpu.memory_space<vmem>>, vector<2048x1xf32>
      %gt3A = arith.cmpf ogt, %get3A_69, %get3A_80 : vector<2048x1xf32>
      %mul3A = arith.constant 512 : i32
      %mul3A_81 = arith.muli %sub3A_70, %mul3A : i32
      %add3A_82 = vector.broadcast %mul3A_81 : i32 to vector<2048x1xi32>
      %add3A_83 = arith.addi %broadcast_in_dim3A_77, %add3A_82 : vector<2048x1xi32>
      %get3A_84 = arith.constant 0 : index
      %get3A_85 = arith.constant 0 : index
      %get3A_86 = vector.load %arg13[%get3A_84, %get3A_85] : memref<2048x1xi32, #tpu.memory_space<vmem>>, vector<2048x1xi32>
      %select_n3A_87 = arith.select %gt3A, %add3A_83, %get3A_86 : vector<2048x1xi1>, vector<2048x1xi32>
      %swap3A_88 = arith.constant 0 : index
      %swap3A_89 = arith.constant 0 : index
      %swap3A_90 = vector.load %arg13[%swap3A_88, %swap3A_89] : memref<2048x1xi32, #tpu.memory_space<vmem>>, vector<2048x1xi32>
      tpu.vector_store %arg13[%swap3A_88, %swap3A_89], %select_n3A_87 {strides = array<i32>} : memref<2048x1xi32, #tpu.memory_space<vmem>>, vector<2048x1xi32>,
      %get3A_91 = arith.constant 0 : index
      %get3A_92 = arith.constant 0 : index
      %get3A_93 = vector.load %arg12[%get3A_91, %get3A_92] : memref<2048x1xf32, #tpu.memory_space<vmem>>, vector<2048x1xf32>
      %select_n3A_94 = arith.select %gt3A, %get3A_69, %get3A_93 : vector<2048x1xi1>, vector<2048x1xf32>
      %swap3A_95 = arith.constant 0 : index
      %swap3A_96 = arith.constant 0 : index
      %swap3A_97 = vector.load %arg12[%swap3A_95, %swap3A_96] : memref<2048x1xf32, #tpu.memory_space<vmem>>, vector<2048x1xf32>
      tpu.vector_store %arg12[%swap3A_95, %swap3A_96], %select_n3A_94 {strides = array<i32>} : memref<2048x1xf32, #tpu.memory_space<vmem>>, vector<2048x1xf32>,
    } else {
    }
    %jit3A_16 = arith.constant 2 : i32
    %eq3A_17 = arith.constant 0 : i32
    %eq3A_18 = arith.cmpi eq, %jit3A_16, %eq3A_17 : i32
    %jit3A_19 = arith.constant 1 : i32
    %select_n3A_20 = arith.select %eq3A_18, %jit3A_19, %jit3A_16 : i32
    %rem3A_21 = arith.remsi %arg0, %select_n3A_20 : i32
    %ne3A_22 = arith.constant 0 : i32
    %ne3A_23 = arith.cmpi ne, %rem3A_21, %ne3A_22 : i32
    %lt3A_24 = arith.constant 0 : i32
    %lt3A_25 = arith.cmpi slt, %rem3A_21, %lt3A_24 : i32
    %lt3A_26 = arith.constant 0 : i32
    %lt3A_27 = arith.cmpi slt, %select_n3A_20, %lt3A_26 : i32
    %ne3A_28 = arith.xori %lt3A_25, %lt3A_27 : i1
    %and3A_29 = arith.andi %ne3A_28, %ne3A_23 : i1
    %add3A_30 = arith.addi %rem3A_21, %select_n3A_20 : i32
    %select_n3A_31 = arith.select %and3A_29, %add3A_30, %rem3A_21 : i32
    %eq3A_32 = arith.constant 1 : i32
    %eq3A_33 = arith.cmpi eq, %select_n3A_31, %eq3A_32 : i32
    %convert_element_type3A_34 = arith.extui %eq3A_33 : i1 to i32
    %cond3A_35 = arith.constant 0 : i32
    %cond3A_36 = arith.cmpi ne, %convert_element_type3A_34, %cond3A_35 : i32
    scf.if %cond3A_36 {
      %get3A = arith.constant 0 : index
      %get3A_42 = arith.constant 0 : index
      %get3A_43 = vector.load %arg3[%get3A, %get3A_42] : memref<768x512xbf16, #tpu.memory_space<vmem>>, vector<768x512xbf16>
      %get3A_44 = arith.constant 0 : index
      %get3A_45 = arith.constant 0 : index
      %get3A_46 = vector.load %arg8[%get3A_44, %get3A_45] : memref<2048x768xbf16, #tpu.memory_space<vmem>>, vector<2048x768xbf16>
      %dot_general3A = arith.constant dense<0.000000e+00> : vector<2048x512xf32>
      %dot_general3A_47 = tpu.matmul %get3A_46, %get3A_43, %dot_general3A {dimension_numbers = #tpu.dot_dimension_numbers<[1], [0], [0], [1], [0, 0, 1, 1], [], []>, transpose_lhs_hint = false} : vector<2048x768xbf16>, vector<768x512xbf16>, vector<2048x512xf32> -> vector<2048x512xf32>
      %swap3A = arith.constant 1 : index
      %swap3A_48 = arith.constant 0 : index
      %swap3A_49 = arith.constant 0 : index
      %swap3A_50 = vector.load %arg9[%swap3A, %swap3A_48, %swap3A_49] : memref<2x2048x512xf32, #tpu.memory_space<vmem>>, vector<1x2048x512xf32>
      %swap3A_51 = vector.shape_cast %swap3A_50 : vector<1x2048x512xf32> to vector<2048x512xf32>
      %swap3A_52 = vector.shape_cast %dot_general3A_47 : vector<2048x512xf32> to vector<1x2048x512xf32>
      tpu.vector_store %arg9[%swap3A, %swap3A_48, %swap3A_49], %swap3A_52 {strides = array<i32>} : memref<2x2048x512xf32, #tpu.memory_space<vmem>>, vector<1x2048x512xf32>,
      %reduce_max3A = arith.constant dense<0xFF800000> : vector<2048xf32>
      %reduce_max3A_53 = vector.multi_reduction <maximumf>, %dot_general3A_47, %reduce_max3A [1] : vector<2048x512xf32> to vector<2048xf32>
      %broadcast_in_dim3A = vector.shape_cast %reduce_max3A_53 : vector<2048xf32> to vector<2048x1xf32>
      %swap3A_54 = arith.constant 1 : index
      %swap3A_55 = arith.constant 0 : index
      %swap3A_56 = arith.constant 0 : index
      %swap3A_57 = vector.load %arg10[%swap3A_54, %swap3A_55, %swap3A_56] : memref<2x2048x1xf32, #tpu.memory_space<vmem>>, vector<1x2048x1xf32>
      %swap3A_58 = vector.shape_cast %swap3A_57 : vector<1x2048x1xf32> to vector<2048x1xf32>
      %swap3A_59 = vector.shape_cast %broadcast_in_dim3A : vector<2048x1xf32> to vector<1x2048x1xf32>
      tpu.vector_store %arg10[%swap3A_54, %swap3A_55, %swap3A_56], %swap3A_59 {strides = array<i32>} : memref<2x2048x1xf32, #tpu.memory_space<vmem>>, vector<1x2048x1xf32>,
      %get3A_60 = arith.constant 0 : index
      %get3A_61 = arith.constant 0 : index
      %get3A_62 = arith.constant 0 : index
      %get3A_63 = vector.load %arg9[%get3A_60, %get3A_61, %get3A_62] : memref<2x2048x512xf32, #tpu.memory_space<vmem>>, vector<1x2048x512xf32>
      %get3A_64 = vector.shape_cast %get3A_63 : vector<1x2048x512xf32> to vector<2048x512xf32>
      %get3A_65 = arith.constant 0 : index
      %get3A_66 = arith.constant 0 : index
      %get3A_67 = arith.constant 0 : index
      %get3A_68 = vector.load %arg10[%get3A_65, %get3A_66, %get3A_67] : memref<2x2048x1xf32, #tpu.memory_space<vmem>>, vector<1x2048x1xf32>
      %get3A_69 = vector.shape_cast %get3A_68 : vector<1x2048x1xf32> to vector<2048x1xf32>
      %sub3A = arith.constant 1 : i32
      %sub3A_70 = arith.subi %arg0, %sub3A : i32
      %iota3A = tpu.iota {dimensions = array<i32: 1>} : vector<2048x512xi32>
      %eq3A_71 = vector.broadcast %get3A_69 : vector<2048x1xf32> to vector<2048x512xf32>
      %eq3A_72 = arith.cmpf oeq, %get3A_64, %eq3A_71 : vector<2048x512xf32>
      %jit3A_73 = arith.constant 1073741824 : i32
      %broadcast_in_dim3A_74 = vector.broadcast %jit3A_73 : i32 to vector<2048x512xi32>
      %select_n3A_75 = arith.select %eq3A_72, %iota3A, %broadcast_in_dim3A_74 : vector<2048x512xi1>, vector<2048x512xi32>
      %reduce_min3A = arith.constant dense<2147483647> : vector<2048xi32>
      %reduce_min3A_76 = vector.multi_reduction <minsi>, %select_n3A_75, %reduce_min3A [1] : vector<2048x512xi32> to vector<2048xi32>
      %broadcast_in_dim3A_77 = vector.shape_cast %reduce_min3A_76 : vector<2048xi32> to vector<2048x1xi32>
      %get3A_78 = arith.constant 0 : index
      %get3A_79 = arith.constant 0 : index
      %get3A_80 = vector.load %arg12[%get3A_78, %get3A_79] : memref<2048x1xf32, #tpu.memory_space<vmem>>, vector<2048x1xf32>
      %gt3A = arith.cmpf ogt, %get3A_69, %get3A_80 : vector<2048x1xf32>
      %mul3A = arith.constant 512 : i32
      %mul3A_81 = arith.muli %sub3A_70, %mul3A : i32
      %add3A_82 = vector.broadcast %mul3A_81 : i32 to vector<2048x1xi32>
      %add3A_83 = arith.addi %broadcast_in_dim3A_77, %add3A_82 : vector<2048x1xi32>
      %get3A_84 = arith.constant 0 : index
      %get3A_85 = arith.constant 0 : index
      %get3A_86 = vector.load %arg13[%get3A_84, %get3A_85] : memref<2048x1xi32, #tpu.memory_space<vmem>>, vector<2048x1xi32>
      %select_n3A_87 = arith.select %gt3A, %add3A_83, %get3A_86 : vector<2048x1xi1>, vector<2048x1xi32>
      %swap3A_88 = arith.constant 0 : index
      %swap3A_89 = arith.constant 0 : index
      %swap3A_90 = vector.load %arg13[%swap3A_88, %swap3A_89] : memref<2048x1xi32, #tpu.memory_space<vmem>>, vector<2048x1xi32>
      tpu.vector_store %arg13[%swap3A_88, %swap3A_89], %select_n3A_87 {strides = array<i32>} : memref<2048x1xi32, #tpu.memory_space<vmem>>, vector<2048x1xi32>,
      %get3A_91 = arith.constant 0 : index
      %get3A_92 = arith.constant 0 : index
      %get3A_93 = vector.load %arg12[%get3A_91, %get3A_92] : memref<2048x1xf32, #tpu.memory_space<vmem>>, vector<2048x1xf32>
      %select_n3A_94 = arith.select %gt3A, %get3A_69, %get3A_93 : vector<2048x1xi1>, vector<2048x1xf32>
      %swap3A_95 = arith.constant 0 : index
      %swap3A_96 = arith.constant 0 : index
      %swap3A_97 = vector.load %arg12[%swap3A_95, %swap3A_96] : memref<2048x1xf32, #tpu.memory_space<vmem>>, vector<2048x1xf32>
      tpu.vector_store %arg12[%swap3A_95, %swap3A_96], %select_n3A_94 {strides = array<i32>} : memref<2048x1xf32, #tpu.memory_space<vmem>>, vector<2048x1xf32>,
    } else {
    }
    %eq3A_37 = arith.constant 7 : i32
    %eq3A_38 = arith.cmpi eq, %arg0, %eq3A_37 : i32
    %convert_element_type3A_39 = arith.extui %eq3A_38 : i1 to i32
    %cond3A_40 = arith.constant 0 : i32
    %cond3A_41 = arith.cmpi ne, %convert_element_type3A_39, %cond3A_40 : i32
    scf.if %cond3A_41 {
      %get3A = arith.constant 1 : index
      %get3A_42 = arith.constant 0 : index
      %get3A_43 = arith.constant 0 : index
      %get3A_44 = vector.load %arg9[%get3A, %get3A_42, %get3A_43] : memref<2x2048x512xf32, #tpu.memory_space<vmem>>, vector<1x2048x512xf32>
      %get3A_45 = vector.shape_cast %get3A_44 : vector<1x2048x512xf32> to vector<2048x512xf32>
      %get3A_46 = arith.constant 1 : index
      %get3A_47 = arith.constant 0 : index
      %get3A_48 = arith.constant 0 : index
      %get3A_49 = vector.load %arg10[%get3A_46, %get3A_47, %get3A_48] : memref<2x2048x1xf32, #tpu.memory_space<vmem>>, vector<1x2048x1xf32>
      %get3A_50 = vector.shape_cast %get3A_49 : vector<1x2048x1xf32> to vector<2048x1xf32>
      %iota3A = tpu.iota {dimensions = array<i32: 1>} : vector<2048x512xi32>
      %eq3A_51 = vector.broadcast %get3A_50 : vector<2048x1xf32> to vector<2048x512xf32>
      %eq3A_52 = arith.cmpf oeq, %get3A_45, %eq3A_51 : vector<2048x512xf32>
      %jit3A_53 = arith.constant 1073741824 : i32
      %broadcast_in_dim3A = vector.broadcast %jit3A_53 : i32 to vector<2048x512xi32>
      %select_n3A_54 = arith.select %eq3A_52, %iota3A, %broadcast_in_dim3A : vector<2048x512xi1>, vector<2048x512xi32>
      %reduce_min3A = arith.constant dense<2147483647> : vector<2048xi32>
      %reduce_min3A_55 = vector.multi_reduction <minsi>, %select_n3A_54, %reduce_min3A [1] : vector<2048x512xi32> to vector<2048xi32>
      %broadcast_in_dim3A_56 = vector.shape_cast %reduce_min3A_55 : vector<2048xi32> to vector<2048x1xi32>
      %get3A_57 = arith.constant 0 : index
      %get3A_58 = arith.constant 0 : index
      %get3A_59 = vector.load %arg12[%get3A_57, %get3A_58] : memref<2048x1xf32, #tpu.memory_space<vmem>>, vector<2048x1xf32>
      %gt3A = arith.cmpf ogt, %get3A_50, %get3A_59 : vector<2048x1xf32>
      %mul3A = arith.constant 512 : i32
      %mul3A_60 = arith.muli %arg0, %mul3A : i32
      %add3A_61 = vector.broadcast %mul3A_60 : i32 to vector<2048x1xi32>
      %add3A_62 = arith.addi %broadcast_in_dim3A_56, %add3A_61 : vector<2048x1xi32>
      %get3A_63 = arith.constant 0 : index
      %get3A_64 = arith.constant 0 : index
      %get3A_65 = vector.load %arg13[%get3A_63, %get3A_64] : memref<2048x1xi32, #tpu.memory_space<vmem>>, vector<2048x1xi32>
      %select_n3A_66 = arith.select %gt3A, %add3A_62, %get3A_65 : vector<2048x1xi1>, vector<2048x1xi32>
      %swap3A = arith.constant 0 : index
      %swap3A_67 = arith.constant 0 : index
      %swap3A_68 = vector.load %arg13[%swap3A, %swap3A_67] : memref<2048x1xi32, #tpu.memory_space<vmem>>, vector<2048x1xi32>
      tpu.vector_store %arg13[%swap3A, %swap3A_67], %select_n3A_66 {strides = array<i32>} : memref<2048x1xi32, #tpu.memory_space<vmem>>, vector<2048x1xi32>,
      %get3A_69 = arith.constant 0 : index
      %get3A_70 = arith.constant 0 : index
      %get3A_71 = vector.load %arg12[%get3A_69, %get3A_70] : memref<2048x1xf32, #tpu.memory_space<vmem>>, vector<2048x1xf32>
      %select_n3A_72 = arith.select %gt3A, %get3A_50, %get3A_71 : vector<2048x1xi1>, vector<2048x1xf32>
      %swap3A_73 = arith.constant 0 : index
      %swap3A_74 = arith.constant 0 : index
      %swap3A_75 = vector.load %arg12[%swap3A_73, %swap3A_74] : memref<2048x1xf32, #tpu.memory_space<vmem>>, vector<2048x1xf32>
      tpu.vector_store %arg12[%swap3A_73, %swap3A_74], %select_n3A_72 {strides = array<i32>} : memref<2048x1xf32, #tpu.memory_space<vmem>>, vector<2048x1xf32>,
      %get3A_76 = arith.constant 0 : index
      %get3A_77 = arith.constant 0 : index
      %get3A_78 = vector.load %arg11[%get3A_76, %get3A_77] : memref<2048x1xf32, #tpu.memory_space<vmem>>, vector<2048x1xf32>
      %get3A_79 = arith.constant 0 : index
      %get3A_80 = arith.constant 0 : index
      %get3A_81 = vector.load %arg12[%get3A_79, %get3A_80] : memref<2048x1xf32, #tpu.memory_space<vmem>>, vector<2048x1xf32>
      %mul3A_82 = arith.constant 2.000000e+00 : f32
      %mul3A_83 = vector.broadcast %mul3A_82 : f32 to vector<2048x1xf32>
      %mul3A_84 = arith.mulf %mul3A_83, %get3A_81 : vector<2048x1xf32>
      %sqrt3A = math.sqrt %get3A_78 : vector<2048x1xf32>
      %mul3A_85 = arith.mulf %mul3A_84, %sqrt3A : vector<2048x1xf32>
      %sub3A = arith.subf %get3A_78, %mul3A_85 : vector<2048x1xf32>
      %add3A_86 = arith.constant 1.000000e+00 : f32
      %add3A_87 = vector.broadcast %add3A_86 : f32 to vector<2048x1xf32>
      %add3A_88 = arith.addf %sub3A, %add3A_87 : vector<2048x1xf32>
      %reduce_sum3A = vector.shape_cast %add3A_88 : vector<2048x1xf32> to vector<1x2048x1xf32>
      %reduce_sum3A_89 = arith.constant dense<0.000000e+00> : vector<1xf32>
      %reduce_sum3A_90 = vector.multi_reduction <add>, %reduce_sum3A, %reduce_sum3A_89 [1, 2] : vector<1x2048x1xf32> to vector<1xf32>
      %reduce_sum3A_91 = vector.shape_cast %reduce_sum3A_90 : vector<1xf32> to vector<1x1x1xf32>
      %reduce_sum3A_92 = vector.extract %reduce_sum3A_91[0, 0, 0] : f32 from vector<1x1x1xf32>
      %div3A = arith.constant 2.048000e+03 : f32
      %div3A_93 = arith.divf %reduce_sum3A_92, %div3A : f32
      %broadcast_in_dim3A_94 = vector.broadcast %div3A_93 : f32 to vector<1x128xf32>
      %swap3A_95 = arith.constant 0 : index
      %swap3A_96 = arith.constant 0 : index
      %swap3A_97 = vector.load %arg7[%swap3A_95, %swap3A_96] : memref<1x128xf32, #tpu.memory_space<vmem>>, vector<1x128xf32>
      tpu.vector_store %arg7[%swap3A_95, %swap3A_96], %broadcast_in_dim3A_94 {strides = array<i32>} : memref<1x128xf32, #tpu.memory_space<vmem>>, vector<1x128xf32>,
      %get3A_98 = arith.constant 0 : index
      %get3A_99 = arith.constant 0 : index
      %get3A_100 = vector.load %arg13[%get3A_98, %get3A_99] : memref<2048x1xi32, #tpu.memory_space<vmem>>, vector<2048x1xi32>
      %swap3A_101 = arith.constant 0 : index
      %swap3A_102 = arith.constant 0 : index
      %swap3A_103 = vector.load %arg5[%swap3A_101, %swap3A_102] : memref<2048x1xi32, #tpu.memory_space<vmem>>, vector<2048x1xi32>
      tpu.vector_store %arg5[%swap3A_101, %swap3A_102], %get3A_100 {strides = array<i32>} : memref<2048x1xi32, #tpu.memory_space<vmem>>, vector<2048x1xi32>,
      %get3A_104 = arith.constant 0 : index
      %get3A_105 = arith.constant 0 : index
      %get3A_106 = vector.load %arg13[%get3A_104, %get3A_105] : memref<2048x1xi32, #tpu.memory_space<vmem>>, vector<2048x1xi32>
      %reshape3A = vector.shape_cast %get3A_106 : vector<2048x1xi32> to vector<16x128xi32>
      %swap3A_107 = arith.constant 0 : index
      %swap3A_108 = arith.constant 0 : index
      %swap3A_109 = vector.load %arg6[%swap3A_107, %swap3A_108] : memref<16x128xi32, #tpu.memory_space<vmem>>, vector<16x128xi32>
      tpu.vector_store %arg6[%swap3A_107, %swap3A_108], %reshape3A {strides = array<i32>} : memref<16x128xi32, #tpu.memory_space<vmem>>, vector<16x128xi32>,
    } else {
    }
    return
  }
  func.func @transform_0(%arg0: i32) -> (i32, i32) {
    %c0_i32 = arith.constant 0 : i32
    %c0_i32_0 = arith.constant 0 : i32
    %c0_i32_1 = arith.constant 0 : i32
    return %c0_i32, %c0_i32_0 : i32, i32
  }
  func.func @transform_1(%arg0: i32) -> (i32, i32) {
    %c0_i32 = arith.constant 0 : i32
    %c0_i32_0 = arith.constant 0 : i32
    %c0_i32_1 = arith.constant 0 : i32
    return %c0_i32, %c0_i32_0 : i32, i32
  }
  func.func @transform_2(%arg0: i32) -> (i32, i32) {
    %c0_i32 = arith.constant 0 : i32
    %c0_i32_0 = arith.constant 0 : i32
    return %c0_i32, %arg0 : i32, i32
  }
  func.func @transform_3(%arg0: i32) -> (i32, i32) {
    %c0_i32 = arith.constant 0 : i32
    %c0_i32_0 = arith.constant 0 : i32
    %c0_i32_1 = arith.constant 0 : i32
    return %c0_i32, %c0_i32_0 : i32, i32
  }
  func.func @transform_4(%arg0: i32) -> (i32, i32) {
    %c0_i32 = arith.constant 0 : i32
    %c0_i32_0 = arith.constant 0 : i32
    %c0_i32_1 = arith.constant 0 : i32
    return %c0_i32, %c0_i32_0 : i32, i32
  }
  func.func @transform_5(%arg0: i32) -> (i32, i32) {
    %c0_i32 = arith.constant 0 : i32
    %c0_i32_0 = arith.constant 0 : i32
    %c0_i32_1 = arith.constant 0 : i32
    return %c0_i32, %c0_i32_0 : i32, i32
  }
  func.func @transform_6(%arg0: i32) -> (i32, i32) {
    %c0_i32 = arith.constant 0 : i32
    %c0_i32_0 = arith.constant 0 : i32
    %c0_i32_1 = arith.constant 0 : i32
    return %c0_i32, %c0_i32_0 : i32, i32
  }
}

module attributes {stable_mosaic.version = 14 : i64} {
  func.func @_stage_body(%arg0: i32, %arg1: memref<2048x768xf32, #tpu.memory_space<vmem>>, %arg2: memref<768x512xbf16, #tpu.memory_space<vmem>>, %arg3: memref<2048x768xf32, #tpu.memory_space<vmem>>, %arg4: memref<2048x1xi32, #tpu.memory_space<vmem>>, %arg5: memref<16x128xi32, #tpu.memory_space<vmem>>, %arg6: memref<1x128xf32, #tpu.memory_space<vmem>>, %arg7: memref<2048x768xbf16, #tpu.memory_space<vmem>>, %arg8: memref<2x2048x512xf32, #tpu.memory_space<vmem>>, %arg9: memref<2x2048x1xf32, #tpu.memory_space<vmem>>, %arg10: memref<2048x1xf32, #tpu.memory_space<vmem>>, %arg11: memref<2048x1xf32, #tpu.memory_space<vmem>>, %arg12: memref<2048x1xi32, #tpu.memory_space<vmem>>) attributes {dimension_semantics = [#tpu.dimension_semantics<arbitrary>], iteration_bounds = array<i64: 8>, scalar_prefetch = 0 : i64, scratch_operands = 6 : i64, tpu.core_type = #tpu.core_type<tc>, window_params = [{pipeline_mode = #tpu.pipeline_mode<synchronous>, transform_indices = @transform_0, window_bounds = array<i64: 2048, 768>}, {transform_indices = @transform_1, window_bounds = array<i64: 768, 512>}, {pipeline_mode = #tpu.pipeline_mode<synchronous>, transform_indices = @transform_2, window_bounds = array<i64: 2048, 768>}, {pipeline_mode = #tpu.pipeline_mode<synchronous>, transform_indices = @transform_3, window_bounds = array<i64: 2048, 1>}, {pipeline_mode = #tpu.pipeline_mode<synchronous>, transform_indices = @transform_4, window_bounds = array<i64: 16, 128>}, {pipeline_mode = #tpu.pipeline_mode<synchronous>, transform_indices = @transform_5, window_bounds = array<i64: 1, 128>}]} {
    %eq3A = arith.constant 0 : i32
    %eq3A_0 = arith.cmpi eq, %arg0, %eq3A : i32
    %convert_element_type3A = arith.extui %eq3A_0 : i1 to i32
    %cond3A = arith.constant 0 : i32
    %cond3A_1 = arith.cmpi ne, %convert_element_type3A, %cond3A : i32
    scf.if %cond3A_1 {
      %get3A = arith.constant 0 : index
      %get3A_42 = arith.constant 0 : index
      %get3A_43 = vector.load %arg1[%get3A, %get3A_42] : memref<2048x768xf32, #tpu.memory_space<vmem>>, vector<2048x768xf32>
      %swap3A = arith.constant 0 : index
      %swap3A_44 = arith.constant 0 : index
      %swap3A_45 = vector.load %arg3[%swap3A, %swap3A_44] : memref<2048x768xf32, #tpu.memory_space<vmem>>, vector<2048x768xf32>
      tpu.vector_store %arg3[%swap3A, %swap3A_44], %get3A_43 {strides = array<i32>} : memref<2048x768xf32, #tpu.memory_space<vmem>>, vector<2048x768xf32>,
      %mul3A = arith.mulf %get3A_43, %get3A_43 : vector<2048x768xf32>
      %reduce_sum3A = arith.constant dense<0.000000e+00> : vector<2048xf32>
      %reduce_sum3A_46 = vector.multi_reduction <add>, %mul3A, %reduce_sum3A [1] : vector<2048x768xf32> to vector<2048xf32>
      %broadcast_in_dim3A = vector.shape_cast %reduce_sum3A_46 : vector<2048xf32> to vector<2048x1xf32>
      %swap3A_47 = arith.constant 0 : index
      %swap3A_48 = arith.constant 0 : index
      %swap3A_49 = vector.load %arg10[%swap3A_47, %swap3A_48] : memref<2048x1xf32, #tpu.memory_space<vmem>>, vector<2048x1xf32>
      tpu.vector_store %arg10[%swap3A_47, %swap3A_48], %broadcast_in_dim3A {strides = array<i32>} : memref<2048x1xf32, #tpu.memory_space<vmem>>, vector<2048x1xf32>,
      %sqrt3A = math.sqrt %broadcast_in_dim3A : vector<2048x1xf32>
      %max3A = arith.constant 9.99999996E-13 : f32
      %max3A_50 = vector.broadcast %max3A : f32 to vector<2048x1xf32>
      %max3A_51 = arith.maximumf %sqrt3A, %max3A_50 : vector<2048x1xf32>
      %div3A = vector.broadcast %max3A_51 : vector<2048x1xf32> to vector<2048x768xf32>
      %div3A_52 = arith.divf %get3A_43, %div3A : vector<2048x768xf32>
      %convert_element_type3A_53 = arith.truncf %div3A_52 : vector<2048x768xf32> to vector<2048x768xbf16>
      %swap3A_54 = arith.constant 0 : index
      %swap3A_55 = arith.constant 0 : index
      %swap3A_56 = vector.load %arg7[%swap3A_54, %swap3A_55] : memref<2048x768xbf16, #tpu.memory_space<vmem>>, vector<2048x768xbf16>
      tpu.vector_store %arg7[%swap3A_54, %swap3A_55], %convert_element_type3A_53 {strides = array<i32>} : memref<2048x768xbf16, #tpu.memory_space<vmem>>, vector<2048x768xbf16>,
      %broadcast_in_dim3A_57 = arith.constant 0xFF800000 : f32
      %broadcast_in_dim3A_58 = vector.broadcast %broadcast_in_dim3A_57 : f32 to vector<2048x1xf32>
      %swap3A_59 = arith.constant 0 : index
      %swap3A_60 = arith.constant 0 : index
      %swap3A_61 = vector.load %arg11[%swap3A_59, %swap3A_60] : memref<2048x1xf32, #tpu.memory_space<vmem>>, vector<2048x1xf32>
      tpu.vector_store %arg11[%swap3A_59, %swap3A_60], %broadcast_in_dim3A_58 {strides = array<i32>} : memref<2048x1xf32, #tpu.memory_space<vmem>>, vector<2048x1xf32>,
      %broadcast_in_dim3A_62 = arith.constant 0 : i32
      %broadcast_in_dim3A_63 = vector.broadcast %broadcast_in_dim3A_62 : i32 to vector<2048x1xi32>
      %swap3A_64 = arith.constant 0 : index
      %swap3A_65 = arith.constant 0 : index
      %swap3A_66 = vector.load %arg12[%swap3A_64, %swap3A_65] : memref<2048x1xi32, #tpu.memory_space<vmem>>, vector<2048x1xi32>
      tpu.vector_store %arg12[%swap3A_64, %swap3A_65], %broadcast_in_dim3A_63 {strides = array<i32>} : memref<2048x1xi32, #tpu.memory_space<vmem>>, vector<2048x1xi32>,
      %broadcast_in_dim3A_67 = arith.constant 0xFF800000 : f32
      %broadcast_in_dim3A_68 = vector.broadcast %broadcast_in_dim3A_67 : f32 to vector<2048x1xf32>
      %swap3A_69 = arith.constant 1 : index
      %swap3A_70 = arith.constant 0 : index
      %swap3A_71 = arith.constant 0 : index
      %swap3A_72 = vector.load %arg9[%swap3A_69, %swap3A_70, %swap3A_71] : memref<2x2048x1xf32, #tpu.memory_space<vmem>>, vector<1x2048x1xf32>
      %swap3A_73 = vector.shape_cast %swap3A_72 : vector<1x2048x1xf32> to vector<2048x1xf32>
      %swap3A_74 = vector.shape_cast %broadcast_in_dim3A_68 : vector<2048x1xf32> to vector<1x2048x1xf32>
      tpu.vector_store %arg9[%swap3A_69, %swap3A_70, %swap3A_71], %swap3A_74 {strides = array<i32>} : memref<2x2048x1xf32, #tpu.memory_space<vmem>>, vector<1x2048x1xf32>,
    } else {
    }
    %jit3A = arith.constant 2 : i32
    %eq3A_2 = arith.constant 0 : i32
    %eq3A_3 = arith.cmpi eq, %jit3A, %eq3A_2 : i32
    %jit3A_4 = arith.constant 1 : i32
    %select_n3A = arith.select %eq3A_3, %jit3A_4, %jit3A : i32
    %rem3A = arith.remsi %arg0, %select_n3A : i32
    %ne3A = arith.constant 0 : i32
    %ne3A_5 = arith.cmpi ne, %rem3A, %ne3A : i32
    %lt3A = arith.constant 0 : i32
    %lt3A_6 = arith.cmpi slt, %rem3A, %lt3A : i32
    %lt3A_7 = arith.constant 0 : i32
    %lt3A_8 = arith.cmpi slt, %select_n3A, %lt3A_7 : i32
    %ne3A_9 = arith.xori %lt3A_6, %lt3A_8 : i1
    %and3A = arith.andi %ne3A_9, %ne3A_5 : i1
    %add3A = arith.addi %rem3A, %select_n3A : i32
    %select_n3A_10 = arith.select %and3A, %add3A, %rem3A : i32
    %eq3A_11 = arith.constant 0 : i32
    %eq3A_12 = arith.cmpi eq, %select_n3A_10, %eq3A_11 : i32
    %convert_element_type3A_13 = arith.extui %eq3A_12 : i1 to i32
    %cond3A_14 = arith.constant 0 : i32
    %cond3A_15 = arith.cmpi ne, %convert_element_type3A_13, %cond3A_14 : i32
    scf.if %cond3A_15 {
      %get3A = arith.constant 0 : index
      %get3A_42 = arith.constant 0 : index
      %get3A_43 = vector.load %arg2[%get3A, %get3A_42] : memref<768x512xbf16, #tpu.memory_space<vmem>>, vector<768x512xbf16>
      %get3A_44 = arith.constant 0 : index
      %get3A_45 = arith.constant 0 : index
      %get3A_46 = vector.load %arg7[%get3A_44, %get3A_45] : memref<2048x768xbf16, #tpu.memory_space<vmem>>, vector<2048x768xbf16>
      %dot_general3A = arith.constant dense<0.000000e+00> : vector<2048x512xf32>
      %dot_general3A_47 = tpu.matmul %get3A_46, %get3A_43, %dot_general3A {dimension_numbers = #tpu.dot_dimension_numbers<[1], [0], [0], [1], [0, 0, 1, 1], [], []>, transpose_lhs_hint = false} : vector<2048x768xbf16>, vector<768x512xbf16>, vector<2048x512xf32> -> vector<2048x512xf32>
      %swap3A = arith.constant 0 : index
      %swap3A_48 = arith.constant 0 : index
      %swap3A_49 = arith.constant 0 : index
      %swap3A_50 = vector.load %arg8[%swap3A, %swap3A_48, %swap3A_49] : memref<2x2048x512xf32, #tpu.memory_space<vmem>>, vector<1x2048x512xf32>
      %swap3A_51 = vector.shape_cast %swap3A_50 : vector<1x2048x512xf32> to vector<2048x512xf32>
      %swap3A_52 = vector.shape_cast %dot_general3A_47 : vector<2048x512xf32> to vector<1x2048x512xf32>
      tpu.vector_store %arg8[%swap3A, %swap3A_48, %swap3A_49], %swap3A_52 {strides = array<i32>} : memref<2x2048x512xf32, #tpu.memory_space<vmem>>, vector<1x2048x512xf32>,
      %reduce_max3A = arith.constant dense<0xFF800000> : vector<2048xf32>
      %reduce_max3A_53 = vector.multi_reduction <maximumf>, %dot_general3A_47, %reduce_max3A [1] : vector<2048x512xf32> to vector<2048xf32>
      %broadcast_in_dim3A = vector.shape_cast %reduce_max3A_53 : vector<2048xf32> to vector<2048x1xf32>
      %swap3A_54 = arith.constant 0 : index
      %swap3A_55 = arith.constant 0 : index
      %swap3A_56 = arith.constant 0 : index
      %swap3A_57 = vector.load %arg9[%swap3A_54, %swap3A_55, %swap3A_56] : memref<2x2048x1xf32, #tpu.memory_space<vmem>>, vector<1x2048x1xf32>
      %swap3A_58 = vector.shape_cast %swap3A_57 : vector<1x2048x1xf32> to vector<2048x1xf32>
      %swap3A_59 = vector.shape_cast %broadcast_in_dim3A : vector<2048x1xf32> to vector<1x2048x1xf32>
      tpu.vector_store %arg9[%swap3A_54, %swap3A_55, %swap3A_56], %swap3A_59 {strides = array<i32>} : memref<2x2048x1xf32, #tpu.memory_space<vmem>>, vector<1x2048x1xf32>,
      %get3A_60 = arith.constant 1 : index
      %get3A_61 = arith.constant 0 : index
      %get3A_62 = arith.constant 0 : index
      %get3A_63 = vector.load %arg8[%get3A_60, %get3A_61, %get3A_62] : memref<2x2048x512xf32, #tpu.memory_space<vmem>>, vector<1x2048x512xf32>
      %get3A_64 = vector.shape_cast %get3A_63 : vector<1x2048x512xf32> to vector<2048x512xf32>
      %get3A_65 = arith.constant 1 : index
      %get3A_66 = arith.constant 0 : index
      %get3A_67 = arith.constant 0 : index
      %get3A_68 = vector.load %arg9[%get3A_65, %get3A_66, %get3A_67] : memref<2x2048x1xf32, #tpu.memory_space<vmem>>, vector<1x2048x1xf32>
      %get3A_69 = vector.shape_cast %get3A_68 : vector<1x2048x1xf32> to vector<2048x1xf32>
      %sub3A = arith.constant 1 : i32
      %sub3A_70 = arith.subi %arg0, %sub3A : i32
      %iota3A = tpu.iota {dimensions = array<i32: 1>} : vector<2048x512xi32>
      %eq3A_71 = vector.broadcast %get3A_69 : vector<2048x1xf32> to vector<2048x512xf32>
      %eq3A_72 = arith.cmpf oeq, %get3A_64, %eq3A_71 : vector<2048x512xf32>
      %jit3A_73 = arith.constant 1073741824 : i32
      %broadcast_in_dim3A_74 = vector.broadcast %jit3A_73 : i32 to vector<2048x512xi32>
      %select_n3A_75 = arith.select %eq3A_72, %iota3A, %broadcast_in_dim3A_74 : vector<2048x512xi1>, vector<2048x512xi32>
      %reduce_min3A = arith.constant dense<2147483647> : vector<2048xi32>
      %reduce_min3A_76 = vector.multi_reduction <minsi>, %select_n3A_75, %reduce_min3A [1] : vector<2048x512xi32> to vector<2048xi32>
      %broadcast_in_dim3A_77 = vector.shape_cast %reduce_min3A_76 : vector<2048xi32> to vector<2048x1xi32>
      %get3A_78 = arith.constant 0 : index
      %get3A_79 = arith.constant 0 : index
      %get3A_80 = vector.load %arg11[%get3A_78, %get3A_79] : memref<2048x1xf32, #tpu.memory_space<vmem>>, vector<2048x1xf32>
      %gt3A = arith.cmpf ogt, %get3A_69, %get3A_80 : vector<2048x1xf32>
      %mul3A = arith.constant 512 : i32
      %mul3A_81 = arith.muli %sub3A_70, %mul3A : i32
      %add3A_82 = vector.broadcast %mul3A_81 : i32 to vector<2048x1xi32>
      %add3A_83 = arith.addi %broadcast_in_dim3A_77, %add3A_82 : vector<2048x1xi32>
      %get3A_84 = arith.constant 0 : index
      %get3A_85 = arith.constant 0 : index
      %get3A_86 = vector.load %arg12[%get3A_84, %get3A_85] : memref<2048x1xi32, #tpu.memory_space<vmem>>, vector<2048x1xi32>
      %select_n3A_87 = arith.select %gt3A, %add3A_83, %get3A_86 : vector<2048x1xi1>, vector<2048x1xi32>
      %swap3A_88 = arith.constant 0 : index
      %swap3A_89 = arith.constant 0 : index
      %swap3A_90 = vector.load %arg12[%swap3A_88, %swap3A_89] : memref<2048x1xi32, #tpu.memory_space<vmem>>, vector<2048x1xi32>
      tpu.vector_store %arg12[%swap3A_88, %swap3A_89], %select_n3A_87 {strides = array<i32>} : memref<2048x1xi32, #tpu.memory_space<vmem>>, vector<2048x1xi32>,
      %get3A_91 = arith.constant 0 : index
      %get3A_92 = arith.constant 0 : index
      %get3A_93 = vector.load %arg11[%get3A_91, %get3A_92] : memref<2048x1xf32, #tpu.memory_space<vmem>>, vector<2048x1xf32>
      %select_n3A_94 = arith.select %gt3A, %get3A_69, %get3A_93 : vector<2048x1xi1>, vector<2048x1xf32>
      %swap3A_95 = arith.constant 0 : index
      %swap3A_96 = arith.constant 0 : index
      %swap3A_97 = vector.load %arg11[%swap3A_95, %swap3A_96] : memref<2048x1xf32, #tpu.memory_space<vmem>>, vector<2048x1xf32>
      tpu.vector_store %arg11[%swap3A_95, %swap3A_96], %select_n3A_94 {strides = array<i32>} : memref<2048x1xf32, #tpu.memory_space<vmem>>, vector<2048x1xf32>,
    } else {
    }
    %jit3A_16 = arith.constant 2 : i32
    %eq3A_17 = arith.constant 0 : i32
    %eq3A_18 = arith.cmpi eq, %jit3A_16, %eq3A_17 : i32
    %jit3A_19 = arith.constant 1 : i32
    %select_n3A_20 = arith.select %eq3A_18, %jit3A_19, %jit3A_16 : i32
    %rem3A_21 = arith.remsi %arg0, %select_n3A_20 : i32
    %ne3A_22 = arith.constant 0 : i32
    %ne3A_23 = arith.cmpi ne, %rem3A_21, %ne3A_22 : i32
    %lt3A_24 = arith.constant 0 : i32
    %lt3A_25 = arith.cmpi slt, %rem3A_21, %lt3A_24 : i32
    %lt3A_26 = arith.constant 0 : i32
    %lt3A_27 = arith.cmpi slt, %select_n3A_20, %lt3A_26 : i32
    %ne3A_28 = arith.xori %lt3A_25, %lt3A_27 : i1
    %and3A_29 = arith.andi %ne3A_28, %ne3A_23 : i1
    %add3A_30 = arith.addi %rem3A_21, %select_n3A_20 : i32
    %select_n3A_31 = arith.select %and3A_29, %add3A_30, %rem3A_21 : i32
    %eq3A_32 = arith.constant 1 : i32
    %eq3A_33 = arith.cmpi eq, %select_n3A_31, %eq3A_32 : i32
    %convert_element_type3A_34 = arith.extui %eq3A_33 : i1 to i32
    %cond3A_35 = arith.constant 0 : i32
    %cond3A_36 = arith.cmpi ne, %convert_element_type3A_34, %cond3A_35 : i32
    scf.if %cond3A_36 {
      %get3A = arith.constant 0 : index
      %get3A_42 = arith.constant 0 : index
      %get3A_43 = vector.load %arg2[%get3A, %get3A_42] : memref<768x512xbf16, #tpu.memory_space<vmem>>, vector<768x512xbf16>
      %get3A_44 = arith.constant 0 : index
      %get3A_45 = arith.constant 0 : index
      %get3A_46 = vector.load %arg7[%get3A_44, %get3A_45] : memref<2048x768xbf16, #tpu.memory_space<vmem>>, vector<2048x768xbf16>
      %dot_general3A = arith.constant dense<0.000000e+00> : vector<2048x512xf32>
      %dot_general3A_47 = tpu.matmul %get3A_46, %get3A_43, %dot_general3A {dimension_numbers = #tpu.dot_dimension_numbers<[1], [0], [0], [1], [0, 0, 1, 1], [], []>, transpose_lhs_hint = false} : vector<2048x768xbf16>, vector<768x512xbf16>, vector<2048x512xf32> -> vector<2048x512xf32>
      %swap3A = arith.constant 1 : index
      %swap3A_48 = arith.constant 0 : index
      %swap3A_49 = arith.constant 0 : index
      %swap3A_50 = vector.load %arg8[%swap3A, %swap3A_48, %swap3A_49] : memref<2x2048x512xf32, #tpu.memory_space<vmem>>, vector<1x2048x512xf32>
      %swap3A_51 = vector.shape_cast %swap3A_50 : vector<1x2048x512xf32> to vector<2048x512xf32>
      %swap3A_52 = vector.shape_cast %dot_general3A_47 : vector<2048x512xf32> to vector<1x2048x512xf32>
      tpu.vector_store %arg8[%swap3A, %swap3A_48, %swap3A_49], %swap3A_52 {strides = array<i32>} : memref<2x2048x512xf32, #tpu.memory_space<vmem>>, vector<1x2048x512xf32>,
      %reduce_max3A = arith.constant dense<0xFF800000> : vector<2048xf32>
      %reduce_max3A_53 = vector.multi_reduction <maximumf>, %dot_general3A_47, %reduce_max3A [1] : vector<2048x512xf32> to vector<2048xf32>
      %broadcast_in_dim3A = vector.shape_cast %reduce_max3A_53 : vector<2048xf32> to vector<2048x1xf32>
      %swap3A_54 = arith.constant 1 : index
      %swap3A_55 = arith.constant 0 : index
      %swap3A_56 = arith.constant 0 : index
      %swap3A_57 = vector.load %arg9[%swap3A_54, %swap3A_55, %swap3A_56] : memref<2x2048x1xf32, #tpu.memory_space<vmem>>, vector<1x2048x1xf32>
      %swap3A_58 = vector.shape_cast %swap3A_57 : vector<1x2048x1xf32> to vector<2048x1xf32>
      %swap3A_59 = vector.shape_cast %broadcast_in_dim3A : vector<2048x1xf32> to vector<1x2048x1xf32>
      tpu.vector_store %arg9[%swap3A_54, %swap3A_55, %swap3A_56], %swap3A_59 {strides = array<i32>} : memref<2x2048x1xf32, #tpu.memory_space<vmem>>, vector<1x2048x1xf32>,
      %get3A_60 = arith.constant 0 : index
      %get3A_61 = arith.constant 0 : index
      %get3A_62 = arith.constant 0 : index
      %get3A_63 = vector.load %arg8[%get3A_60, %get3A_61, %get3A_62] : memref<2x2048x512xf32, #tpu.memory_space<vmem>>, vector<1x2048x512xf32>
      %get3A_64 = vector.shape_cast %get3A_63 : vector<1x2048x512xf32> to vector<2048x512xf32>
      %get3A_65 = arith.constant 0 : index
      %get3A_66 = arith.constant 0 : index
      %get3A_67 = arith.constant 0 : index
      %get3A_68 = vector.load %arg9[%get3A_65, %get3A_66, %get3A_67] : memref<2x2048x1xf32, #tpu.memory_space<vmem>>, vector<1x2048x1xf32>
      %get3A_69 = vector.shape_cast %get3A_68 : vector<1x2048x1xf32> to vector<2048x1xf32>
      %sub3A = arith.constant 1 : i32
      %sub3A_70 = arith.subi %arg0, %sub3A : i32
      %iota3A = tpu.iota {dimensions = array<i32: 1>} : vector<2048x512xi32>
      %eq3A_71 = vector.broadcast %get3A_69 : vector<2048x1xf32> to vector<2048x512xf32>
      %eq3A_72 = arith.cmpf oeq, %get3A_64, %eq3A_71 : vector<2048x512xf32>
      %jit3A_73 = arith.constant 1073741824 : i32
      %broadcast_in_dim3A_74 = vector.broadcast %jit3A_73 : i32 to vector<2048x512xi32>
      %select_n3A_75 = arith.select %eq3A_72, %iota3A, %broadcast_in_dim3A_74 : vector<2048x512xi1>, vector<2048x512xi32>
      %reduce_min3A = arith.constant dense<2147483647> : vector<2048xi32>
      %reduce_min3A_76 = vector.multi_reduction <minsi>, %select_n3A_75, %reduce_min3A [1] : vector<2048x512xi32> to vector<2048xi32>
      %broadcast_in_dim3A_77 = vector.shape_cast %reduce_min3A_76 : vector<2048xi32> to vector<2048x1xi32>
      %get3A_78 = arith.constant 0 : index
      %get3A_79 = arith.constant 0 : index
      %get3A_80 = vector.load %arg11[%get3A_78, %get3A_79] : memref<2048x1xf32, #tpu.memory_space<vmem>>, vector<2048x1xf32>
      %gt3A = arith.cmpf ogt, %get3A_69, %get3A_80 : vector<2048x1xf32>
      %mul3A = arith.constant 512 : i32
      %mul3A_81 = arith.muli %sub3A_70, %mul3A : i32
      %add3A_82 = vector.broadcast %mul3A_81 : i32 to vector<2048x1xi32>
      %add3A_83 = arith.addi %broadcast_in_dim3A_77, %add3A_82 : vector<2048x1xi32>
      %get3A_84 = arith.constant 0 : index
      %get3A_85 = arith.constant 0 : index
      %get3A_86 = vector.load %arg12[%get3A_84, %get3A_85] : memref<2048x1xi32, #tpu.memory_space<vmem>>, vector<2048x1xi32>
      %select_n3A_87 = arith.select %gt3A, %add3A_83, %get3A_86 : vector<2048x1xi1>, vector<2048x1xi32>
      %swap3A_88 = arith.constant 0 : index
      %swap3A_89 = arith.constant 0 : index
      %swap3A_90 = vector.load %arg12[%swap3A_88, %swap3A_89] : memref<2048x1xi32, #tpu.memory_space<vmem>>, vector<2048x1xi32>
      tpu.vector_store %arg12[%swap3A_88, %swap3A_89], %select_n3A_87 {strides = array<i32>} : memref<2048x1xi32, #tpu.memory_space<vmem>>, vector<2048x1xi32>,
      %get3A_91 = arith.constant 0 : index
      %get3A_92 = arith.constant 0 : index
      %get3A_93 = vector.load %arg11[%get3A_91, %get3A_92] : memref<2048x1xf32, #tpu.memory_space<vmem>>, vector<2048x1xf32>
      %select_n3A_94 = arith.select %gt3A, %get3A_69, %get3A_93 : vector<2048x1xi1>, vector<2048x1xf32>
      %swap3A_95 = arith.constant 0 : index
      %swap3A_96 = arith.constant 0 : index
      %swap3A_97 = vector.load %arg11[%swap3A_95, %swap3A_96] : memref<2048x1xf32, #tpu.memory_space<vmem>>, vector<2048x1xf32>
      tpu.vector_store %arg11[%swap3A_95, %swap3A_96], %select_n3A_94 {strides = array<i32>} : memref<2048x1xf32, #tpu.memory_space<vmem>>, vector<2048x1xf32>,
    } else {
    }
    %eq3A_37 = arith.constant 7 : i32
    %eq3A_38 = arith.cmpi eq, %arg0, %eq3A_37 : i32
    %convert_element_type3A_39 = arith.extui %eq3A_38 : i1 to i32
    %cond3A_40 = arith.constant 0 : i32
    %cond3A_41 = arith.cmpi ne, %convert_element_type3A_39, %cond3A_40 : i32
    scf.if %cond3A_41 {
      %get3A = arith.constant 1 : index
      %get3A_42 = arith.constant 0 : index
      %get3A_43 = arith.constant 0 : index
      %get3A_44 = vector.load %arg8[%get3A, %get3A_42, %get3A_43] : memref<2x2048x512xf32, #tpu.memory_space<vmem>>, vector<1x2048x512xf32>
      %get3A_45 = vector.shape_cast %get3A_44 : vector<1x2048x512xf32> to vector<2048x512xf32>
      %get3A_46 = arith.constant 1 : index
      %get3A_47 = arith.constant 0 : index
      %get3A_48 = arith.constant 0 : index
      %get3A_49 = vector.load %arg9[%get3A_46, %get3A_47, %get3A_48] : memref<2x2048x1xf32, #tpu.memory_space<vmem>>, vector<1x2048x1xf32>
      %get3A_50 = vector.shape_cast %get3A_49 : vector<1x2048x1xf32> to vector<2048x1xf32>
      %iota3A = tpu.iota {dimensions = array<i32: 1>} : vector<2048x512xi32>
      %eq3A_51 = vector.broadcast %get3A_50 : vector<2048x1xf32> to vector<2048x512xf32>
      %eq3A_52 = arith.cmpf oeq, %get3A_45, %eq3A_51 : vector<2048x512xf32>
      %jit3A_53 = arith.constant 1073741824 : i32
      %broadcast_in_dim3A = vector.broadcast %jit3A_53 : i32 to vector<2048x512xi32>
      %select_n3A_54 = arith.select %eq3A_52, %iota3A, %broadcast_in_dim3A : vector<2048x512xi1>, vector<2048x512xi32>
      %reduce_min3A = arith.constant dense<2147483647> : vector<2048xi32>
      %reduce_min3A_55 = vector.multi_reduction <minsi>, %select_n3A_54, %reduce_min3A [1] : vector<2048x512xi32> to vector<2048xi32>
      %broadcast_in_dim3A_56 = vector.shape_cast %reduce_min3A_55 : vector<2048xi32> to vector<2048x1xi32>
      %get3A_57 = arith.constant 0 : index
      %get3A_58 = arith.constant 0 : index
      %get3A_59 = vector.load %arg11[%get3A_57, %get3A_58] : memref<2048x1xf32, #tpu.memory_space<vmem>>, vector<2048x1xf32>
      %gt3A = arith.cmpf ogt, %get3A_50, %get3A_59 : vector<2048x1xf32>
      %mul3A = arith.constant 512 : i32
      %mul3A_60 = arith.muli %arg0, %mul3A : i32
      %add3A_61 = vector.broadcast %mul3A_60 : i32 to vector<2048x1xi32>
      %add3A_62 = arith.addi %broadcast_in_dim3A_56, %add3A_61 : vector<2048x1xi32>
      %get3A_63 = arith.constant 0 : index
      %get3A_64 = arith.constant 0 : index
      %get3A_65 = vector.load %arg12[%get3A_63, %get3A_64] : memref<2048x1xi32, #tpu.memory_space<vmem>>, vector<2048x1xi32>
      %select_n3A_66 = arith.select %gt3A, %add3A_62, %get3A_65 : vector<2048x1xi1>, vector<2048x1xi32>
      %swap3A = arith.constant 0 : index
      %swap3A_67 = arith.constant 0 : index
      %swap3A_68 = vector.load %arg12[%swap3A, %swap3A_67] : memref<2048x1xi32, #tpu.memory_space<vmem>>, vector<2048x1xi32>
      tpu.vector_store %arg12[%swap3A, %swap3A_67], %select_n3A_66 {strides = array<i32>} : memref<2048x1xi32, #tpu.memory_space<vmem>>, vector<2048x1xi32>,
      %get3A_69 = arith.constant 0 : index
      %get3A_70 = arith.constant 0 : index
      %get3A_71 = vector.load %arg11[%get3A_69, %get3A_70] : memref<2048x1xf32, #tpu.memory_space<vmem>>, vector<2048x1xf32>
      %select_n3A_72 = arith.select %gt3A, %get3A_50, %get3A_71 : vector<2048x1xi1>, vector<2048x1xf32>
      %swap3A_73 = arith.constant 0 : index
      %swap3A_74 = arith.constant 0 : index
      %swap3A_75 = vector.load %arg11[%swap3A_73, %swap3A_74] : memref<2048x1xf32, #tpu.memory_space<vmem>>, vector<2048x1xf32>
      tpu.vector_store %arg11[%swap3A_73, %swap3A_74], %select_n3A_72 {strides = array<i32>} : memref<2048x1xf32, #tpu.memory_space<vmem>>, vector<2048x1xf32>,
      %get3A_76 = arith.constant 0 : index
      %get3A_77 = arith.constant 0 : index
      %get3A_78 = vector.load %arg10[%get3A_76, %get3A_77] : memref<2048x1xf32, #tpu.memory_space<vmem>>, vector<2048x1xf32>
      %get3A_79 = arith.constant 0 : index
      %get3A_80 = arith.constant 0 : index
      %get3A_81 = vector.load %arg11[%get3A_79, %get3A_80] : memref<2048x1xf32, #tpu.memory_space<vmem>>, vector<2048x1xf32>
      %mul3A_82 = arith.constant 2.000000e+00 : f32
      %mul3A_83 = vector.broadcast %mul3A_82 : f32 to vector<2048x1xf32>
      %mul3A_84 = arith.mulf %mul3A_83, %get3A_81 : vector<2048x1xf32>
      %sqrt3A = math.sqrt %get3A_78 : vector<2048x1xf32>
      %mul3A_85 = arith.mulf %mul3A_84, %sqrt3A : vector<2048x1xf32>
      %sub3A = arith.subf %get3A_78, %mul3A_85 : vector<2048x1xf32>
      %add3A_86 = arith.constant 1.000000e+00 : f32
      %add3A_87 = vector.broadcast %add3A_86 : f32 to vector<2048x1xf32>
      %add3A_88 = arith.addf %sub3A, %add3A_87 : vector<2048x1xf32>
      %reduce_sum3A = vector.shape_cast %add3A_88 : vector<2048x1xf32> to vector<1x2048x1xf32>
      %reduce_sum3A_89 = arith.constant dense<0.000000e+00> : vector<1xf32>
      %reduce_sum3A_90 = vector.multi_reduction <add>, %reduce_sum3A, %reduce_sum3A_89 [1, 2] : vector<1x2048x1xf32> to vector<1xf32>
      %reduce_sum3A_91 = vector.shape_cast %reduce_sum3A_90 : vector<1xf32> to vector<1x1x1xf32>
      %reduce_sum3A_92 = vector.extract %reduce_sum3A_91[0, 0, 0] : f32 from vector<1x1x1xf32>
      %div3A = arith.constant 2.048000e+03 : f32
      %div3A_93 = arith.divf %reduce_sum3A_92, %div3A : f32
      %broadcast_in_dim3A_94 = vector.broadcast %div3A_93 : f32 to vector<1x128xf32>
      %swap3A_95 = arith.constant 0 : index
      %swap3A_96 = arith.constant 0 : index
      %swap3A_97 = vector.load %arg6[%swap3A_95, %swap3A_96] : memref<1x128xf32, #tpu.memory_space<vmem>>, vector<1x128xf32>
      tpu.vector_store %arg6[%swap3A_95, %swap3A_96], %broadcast_in_dim3A_94 {strides = array<i32>} : memref<1x128xf32, #tpu.memory_space<vmem>>, vector<1x128xf32>,
      %get3A_98 = arith.constant 0 : index
      %get3A_99 = arith.constant 0 : index
      %get3A_100 = vector.load %arg12[%get3A_98, %get3A_99] : memref<2048x1xi32, #tpu.memory_space<vmem>>, vector<2048x1xi32>
      %swap3A_101 = arith.constant 0 : index
      %swap3A_102 = arith.constant 0 : index
      %swap3A_103 = vector.load %arg4[%swap3A_101, %swap3A_102] : memref<2048x1xi32, #tpu.memory_space<vmem>>, vector<2048x1xi32>
      tpu.vector_store %arg4[%swap3A_101, %swap3A_102], %get3A_100 {strides = array<i32>} : memref<2048x1xi32, #tpu.memory_space<vmem>>, vector<2048x1xi32>,
      %get3A_104 = arith.constant 0 : index
      %get3A_105 = arith.constant 0 : index
      %get3A_106 = vector.load %arg12[%get3A_104, %get3A_105] : memref<2048x1xi32, #tpu.memory_space<vmem>>, vector<2048x1xi32>
      %reshape3A = vector.shape_cast %get3A_106 : vector<2048x1xi32> to vector<16x128xi32>
      %swap3A_107 = arith.constant 0 : index
      %swap3A_108 = arith.constant 0 : index
      %swap3A_109 = vector.load %arg5[%swap3A_107, %swap3A_108] : memref<16x128xi32, #tpu.memory_space<vmem>>, vector<16x128xi32>
      tpu.vector_store %arg5[%swap3A_107, %swap3A_108], %reshape3A {strides = array<i32>} : memref<16x128xi32, #tpu.memory_space<vmem>>, vector<16x128xi32>,
    } else {
    }
    return
  }
  func.func @transform_0(%arg0: i32) -> (i32, i32) {
    %c0_i32 = arith.constant 0 : i32
    %c0_i32_0 = arith.constant 0 : i32
    %c0_i32_1 = arith.constant 0 : i32
    return %c0_i32, %c0_i32_0 : i32, i32
  }
  func.func @transform_1(%arg0: i32) -> (i32, i32) {
    %c0_i32 = arith.constant 0 : i32
    %c0_i32_0 = arith.constant 0 : i32
    return %c0_i32, %arg0 : i32, i32
  }
  func.func @transform_2(%arg0: i32) -> (i32, i32) {
    %c0_i32 = arith.constant 0 : i32
    %c0_i32_0 = arith.constant 0 : i32
    %c0_i32_1 = arith.constant 0 : i32
    return %c0_i32, %c0_i32_0 : i32, i32
  }
  func.func @transform_3(%arg0: i32) -> (i32, i32) {
    %c0_i32 = arith.constant 0 : i32
    %c0_i32_0 = arith.constant 0 : i32
    %c0_i32_1 = arith.constant 0 : i32
    return %c0_i32, %c0_i32_0 : i32, i32
  }
  func.func @transform_4(%arg0: i32) -> (i32, i32) {
    %c0_i32 = arith.constant 0 : i32
    %c0_i32_0 = arith.constant 0 : i32
    %c0_i32_1 = arith.constant 0 : i32
    return %c0_i32, %c0_i32_0 : i32, i32
  }
  func.func @transform_5(%arg0: i32) -> (i32, i32) {
    %c0_i32 = arith.constant 0 : i32
    %c0_i32_0 = arith.constant 0 : i32
    %c0_i32_1 = arith.constant 0 : i32
    return %c0_i32, %c0_i32_0 : i32, i32
  }
}

module attributes {stable_mosaic.version = 14 : i64} {
  func.func @_prep_body(%arg0: i32, %arg1: memref<1x1024x768xf32, #tpu.memory_space<vmem>>, %arg2: memref<1024x768xf32, #tpu.memory_space<vmem>>, %arg3: memref<768x1024xbf16, #tpu.memory_space<vmem>>, %arg4: memref<8x128xf32, #tpu.memory_space<vmem>>, %arg5: memref<768x768xf32, #tpu.memory_space<vmem>>) attributes {dimension_semantics = [#tpu.dimension_semantics<arbitrary>], iteration_bounds = array<i64: 4>, scalar_prefetch = 0 : i64, scratch_operands = 1 : i64, tpu.core_type = #tpu.core_type<tc>, window_params = [{transform_indices = @transform_0, window_bounds = array<i64: 1, 1024, 768>}, {transform_indices = @transform_1, window_bounds = array<i64: 1024, 768>}, {transform_indices = @transform_2, window_bounds = array<i64: 768, 1024>}, {pipeline_mode = #tpu.pipeline_mode<synchronous>, transform_indices = @transform_3, window_bounds = array<i64: 8, 128>}]} {
    %get3A = arith.constant 0 : index
    %get3A_0 = arith.constant 0 : index
    %get3A_1 = arith.constant 0 : index
    %get3A_2 = vector.load %arg1[%get3A, %get3A_0, %get3A_1] : memref<1x1024x768xf32, #tpu.memory_space<vmem>>, vector<1x1024x768xf32>
    %get3A_3 = vector.shape_cast %get3A_2 : vector<1x1024x768xf32> to vector<1024x768xf32>
    %mul3A = arith.mulf %get3A_3, %get3A_3 : vector<1024x768xf32>
    %reduce_sum3A = arith.constant dense<0.000000e+00> : vector<1024xf32>
    %reduce_sum3A_4 = vector.multi_reduction <add>, %mul3A, %reduce_sum3A [1] : vector<1024x768xf32> to vector<1024xf32>
    %broadcast_in_dim3A = vector.shape_cast %reduce_sum3A_4 : vector<1024xf32> to vector<1024x1xf32>
    %sqrt3A = math.sqrt %broadcast_in_dim3A : vector<1024x1xf32>
    %max3A = arith.constant 9.99999996E-13 : f32
    %max3A_5 = vector.broadcast %max3A : f32 to vector<1024x1xf32>
    %max3A_6 = arith.maximumf %sqrt3A, %max3A_5 : vector<1024x1xf32>
    %div3A = vector.broadcast %max3A_6 : vector<1024x1xf32> to vector<1024x768xf32>
    %div3A_7 = arith.divf %get3A_3, %div3A : vector<1024x768xf32>
    %swap3A = arith.constant 0 : index
    %swap3A_8 = arith.constant 0 : index
    %swap3A_9 = vector.load %arg2[%swap3A, %swap3A_8] : memref<1024x768xf32, #tpu.memory_space<vmem>>, vector<1024x768xf32>
    tpu.vector_store %arg2[%swap3A, %swap3A_8], %div3A_7 {strides = array<i32>} : memref<1024x768xf32, #tpu.memory_space<vmem>>, vector<1024x768xf32>,
    %convert_element_type3A = arith.truncf %div3A_7 : vector<1024x768xf32> to vector<1024x768xbf16>
    %transpose3A = tpu.transpose %convert_element_type3A, [1, 0] : vector<1024x768xbf16> -> vector<768x1024xbf16>
    %swap3A_10 = arith.constant 0 : index
    %swap3A_11 = arith.constant 0 : index
    %swap3A_12 = vector.load %arg3[%swap3A_10, %swap3A_11] : memref<768x1024xbf16, #tpu.memory_space<vmem>>, vector<768x1024xbf16>
    tpu.vector_store %arg3[%swap3A_10, %swap3A_11], %transpose3A {strides = array<i32>} : memref<768x1024xbf16, #tpu.memory_space<vmem>>, vector<768x1024xbf16>,
    %convert_element_type3A_13 = arith.truncf %convert_element_type3A : vector<1024x768xbf16> to vector<1024x768xf8E4M3FN>
    %transpose3A_14 = tpu.transpose %convert_element_type3A_13, [1, 0] : vector<1024x768xf8E4M3FN> -> vector<768x1024xf8E4M3FN>
    %dot_general3A = arith.constant dense<0.000000e+00> : vector<768x768xf32>
    %dot_general3A_15 = tpu.matmul %transpose3A_14, %convert_element_type3A_13, %dot_general3A {dimension_numbers = #tpu.dot_dimension_numbers<[1], [0], [0], [1], [0, 0, 1, 1], [], []>, transpose_lhs_hint = false} : vector<768x1024xf8E4M3FN>, vector<1024x768xf8E4M3FN>, vector<768x768xf32> -> vector<768x768xf32>
    %eq3A = arith.constant 0 : i32
    %eq3A_16 = arith.cmpi eq, %arg0, %eq3A : i32
    %convert_element_type3A_17 = arith.extui %eq3A_16 : i1 to i32
    %cond3A = arith.constant 0 : i32
    %cond3A_18 = arith.cmpi ne, %convert_element_type3A_17, %cond3A : i32
    scf.if %cond3A_18 {
      %swap3A_28 = arith.constant 0 : index
      %swap3A_29 = arith.constant 0 : index
      %swap3A_30 = vector.load %arg5[%swap3A_28, %swap3A_29] : memref<768x768xf32, #tpu.memory_space<vmem>>, vector<768x768xf32>
      tpu.vector_store %arg5[%swap3A_28, %swap3A_29], %dot_general3A_15 {strides = array<i32>} : memref<768x768xf32, #tpu.memory_space<vmem>>, vector<768x768xf32>,
    } else {
    }
    %gt3A = arith.constant 0 : i32
    %gt3A_19 = arith.cmpi sgt, %arg0, %gt3A : i32
    %convert_element_type3A_20 = arith.extui %gt3A_19 : i1 to i32
    %cond3A_21 = arith.constant 0 : i32
    %cond3A_22 = arith.cmpi ne, %convert_element_type3A_20, %cond3A_21 : i32
    scf.if %cond3A_22 {
      %get3A_28 = arith.constant 0 : index
      %get3A_29 = arith.constant 0 : index
      %get3A_30 = vector.load %arg5[%get3A_28, %get3A_29] : memref<768x768xf32, #tpu.memory_space<vmem>>, vector<768x768xf32>
      %add3A = arith.addf %get3A_30, %dot_general3A_15 : vector<768x768xf32>
      %swap3A_31 = arith.constant 0 : index
      %swap3A_32 = arith.constant 0 : index
      %swap3A_33 = vector.load %arg5[%swap3A_31, %swap3A_32] : memref<768x768xf32, #tpu.memory_space<vmem>>, vector<768x768xf32>
      tpu.vector_store %arg5[%swap3A_31, %swap3A_32], %add3A {strides = array<i32>} : memref<768x768xf32, #tpu.memory_space<vmem>>, vector<768x768xf32>,
    } else {
    }
    %eq3A_23 = arith.constant 3 : i32
    %eq3A_24 = arith.cmpi eq, %arg0, %eq3A_23 : i32
    %convert_element_type3A_25 = arith.extui %eq3A_24 : i1 to i32
    %cond3A_26 = arith.constant 0 : i32
    %cond3A_27 = arith.cmpi ne, %convert_element_type3A_25, %cond3A_26 : i32
    scf.if %cond3A_27 {
      %get3A_28 = arith.constant 0 : index
      %get3A_29 = arith.constant 0 : index
      %get3A_30 = vector.load %arg5[%get3A_28, %get3A_29] : memref<768x768xf32, #tpu.memory_space<vmem>>, vector<768x768xf32>
      %get3A_31 = arith.constant 0 : index
      %get3A_32 = arith.constant 0 : index
      %get3A_33 = vector.load %arg5[%get3A_31, %get3A_32] : memref<768x768xf32, #tpu.memory_space<vmem>>, vector<768x768xf32>
      %mul3A_34 = arith.mulf %get3A_30, %get3A_33 : vector<768x768xf32>
      %reduce_sum3A_35 = vector.shape_cast %mul3A_34 : vector<768x768xf32> to vector<1x768x768xf32>
      %reduce_sum3A_36 = arith.constant dense<0.000000e+00> : vector<1xf32>
      %reduce_sum3A_37 = vector.multi_reduction <add>, %reduce_sum3A_35, %reduce_sum3A_36 [1, 2] : vector<1x768x768xf32> to vector<1xf32>
      %reduce_sum3A_38 = vector.shape_cast %reduce_sum3A_37 : vector<1xf32> to vector<1x1x1xf32>
      %reduce_sum3A_39 = vector.extract %reduce_sum3A_38[0, 0, 0] : f32 from vector<1x1x1xf32>
      %sub3A = arith.constant 4.096000e+03 : f32
      %sub3A_40 = arith.subf %reduce_sum3A_39, %sub3A : f32
      %div3A_41 = arith.constant 0x4B800000 : f32
      %div3A_42 = arith.divf %sub3A_40, %div3A_41 : f32
      %broadcast_in_dim3A_43 = vector.broadcast %div3A_42 : f32 to vector<8x128xf32>
      %swap3A_44 = arith.constant 0 : index
      %swap3A_45 = arith.constant 0 : index
      %swap3A_46 = vector.load %arg4[%swap3A_44, %swap3A_45] : memref<8x128xf32, #tpu.memory_space<vmem>>, vector<8x128xf32>
      tpu.vector_store %arg4[%swap3A_44, %swap3A_45], %broadcast_in_dim3A_43 {strides = array<i32>} : memref<8x128xf32, #tpu.memory_space<vmem>>, vector<8x128xf32>,
    } else {
    }
    return
  }
  func.func @transform_0(%arg0: i32) -> (i32, i32, i32) {
    %c2_i32 = arith.constant 2 : i32
    %c0_i32 = arith.constant 0 : i32
    %c0_i32_0 = arith.constant 0 : i32
    return %c2_i32, %arg0, %c0_i32 : i32, i32, i32
  }
  func.func @transform_1(%arg0: i32) -> (i32, i32) {
    %c0_i32 = arith.constant 0 : i32
    %c0_i32_0 = arith.constant 0 : i32
    return %arg0, %c0_i32 : i32, i32
  }
  func.func @transform_2(%arg0: i32) -> (i32, i32) {
    %c0_i32 = arith.constant 0 : i32
    %c0_i32_0 = arith.constant 0 : i32
    return %c0_i32, %arg0 : i32, i32
  }
  func.func @transform_3(%arg0: i32) -> (i32, i32) {
    %c0_i32 = arith.constant 0 : i32
    %c0_i32_0 = arith.constant 0 : i32
    %c0_i32_1 = arith.constant 0 : i32
    return %c0_i32, %c0_i32_0 : i32, i32
  }
}

module attributes {stable_mosaic.version = 14 : i64} {
  func.func @_prep_body(%arg0: i32, %arg1: memref<1x1024x768xf32, #tpu.memory_space<vmem>>, %arg2: memref<1024x768xf32, #tpu.memory_space<vmem>>, %arg3: memref<768x1024xbf16, #tpu.memory_space<vmem>>, %arg4: memref<8x128xf32, #tpu.memory_space<vmem>>, %arg5: memref<768x768xf32, #tpu.memory_space<vmem>>) attributes {dimension_semantics = [#tpu.dimension_semantics<arbitrary>], iteration_bounds = array<i64: 4>, scalar_prefetch = 0 : i64, scratch_operands = 1 : i64, tpu.core_type = #tpu.core_type<tc>, window_params = [{transform_indices = @transform_0, window_bounds = array<i64: 1, 1024, 768>}, {transform_indices = @transform_1, window_bounds = array<i64: 1024, 768>}, {transform_indices = @transform_2, window_bounds = array<i64: 768, 1024>}, {pipeline_mode = #tpu.pipeline_mode<synchronous>, transform_indices = @transform_3, window_bounds = array<i64: 8, 128>}]} {
    %get3A = arith.constant 0 : index
    %get3A_0 = arith.constant 0 : index
    %get3A_1 = arith.constant 0 : index
    %get3A_2 = vector.load %arg1[%get3A, %get3A_0, %get3A_1] : memref<1x1024x768xf32, #tpu.memory_space<vmem>>, vector<1x1024x768xf32>
    %get3A_3 = vector.shape_cast %get3A_2 : vector<1x1024x768xf32> to vector<1024x768xf32>
    %mul3A = arith.mulf %get3A_3, %get3A_3 : vector<1024x768xf32>
    %reduce_sum3A = arith.constant dense<0.000000e+00> : vector<1024xf32>
    %reduce_sum3A_4 = vector.multi_reduction <add>, %mul3A, %reduce_sum3A [1] : vector<1024x768xf32> to vector<1024xf32>
    %broadcast_in_dim3A = vector.shape_cast %reduce_sum3A_4 : vector<1024xf32> to vector<1024x1xf32>
    %sqrt3A = math.sqrt %broadcast_in_dim3A : vector<1024x1xf32>
    %max3A = arith.constant 9.99999996E-13 : f32
    %max3A_5 = vector.broadcast %max3A : f32 to vector<1024x1xf32>
    %max3A_6 = arith.maximumf %sqrt3A, %max3A_5 : vector<1024x1xf32>
    %div3A = vector.broadcast %max3A_6 : vector<1024x1xf32> to vector<1024x768xf32>
    %div3A_7 = arith.divf %get3A_3, %div3A : vector<1024x768xf32>
    %swap3A = arith.constant 0 : index
    %swap3A_8 = arith.constant 0 : index
    %swap3A_9 = vector.load %arg2[%swap3A, %swap3A_8] : memref<1024x768xf32, #tpu.memory_space<vmem>>, vector<1024x768xf32>
    tpu.vector_store %arg2[%swap3A, %swap3A_8], %div3A_7 {strides = array<i32>} : memref<1024x768xf32, #tpu.memory_space<vmem>>, vector<1024x768xf32>,
    %convert_element_type3A = arith.truncf %div3A_7 : vector<1024x768xf32> to vector<1024x768xbf16>
    %transpose3A = tpu.transpose %convert_element_type3A, [1, 0] : vector<1024x768xbf16> -> vector<768x1024xbf16>
    %swap3A_10 = arith.constant 0 : index
    %swap3A_11 = arith.constant 0 : index
    %swap3A_12 = vector.load %arg3[%swap3A_10, %swap3A_11] : memref<768x1024xbf16, #tpu.memory_space<vmem>>, vector<768x1024xbf16>
    tpu.vector_store %arg3[%swap3A_10, %swap3A_11], %transpose3A {strides = array<i32>} : memref<768x1024xbf16, #tpu.memory_space<vmem>>, vector<768x1024xbf16>,
    %convert_element_type3A_13 = arith.truncf %convert_element_type3A : vector<1024x768xbf16> to vector<1024x768xf8E4M3FN>
    %transpose3A_14 = tpu.transpose %convert_element_type3A_13, [1, 0] : vector<1024x768xf8E4M3FN> -> vector<768x1024xf8E4M3FN>
    %dot_general3A = arith.constant dense<0.000000e+00> : vector<768x768xf32>
    %dot_general3A_15 = tpu.matmul %transpose3A_14, %convert_element_type3A_13, %dot_general3A {dimension_numbers = #tpu.dot_dimension_numbers<[1], [0], [0], [1], [0, 0, 1, 1], [], []>, transpose_lhs_hint = false} : vector<768x1024xf8E4M3FN>, vector<1024x768xf8E4M3FN>, vector<768x768xf32> -> vector<768x768xf32>
    %eq3A = arith.constant 0 : i32
    %eq3A_16 = arith.cmpi eq, %arg0, %eq3A : i32
    %convert_element_type3A_17 = arith.extui %eq3A_16 : i1 to i32
    %cond3A = arith.constant 0 : i32
    %cond3A_18 = arith.cmpi ne, %convert_element_type3A_17, %cond3A : i32
    scf.if %cond3A_18 {
      %swap3A_28 = arith.constant 0 : index
      %swap3A_29 = arith.constant 0 : index
      %swap3A_30 = vector.load %arg5[%swap3A_28, %swap3A_29] : memref<768x768xf32, #tpu.memory_space<vmem>>, vector<768x768xf32>
      tpu.vector_store %arg5[%swap3A_28, %swap3A_29], %dot_general3A_15 {strides = array<i32>} : memref<768x768xf32, #tpu.memory_space<vmem>>, vector<768x768xf32>,
    } else {
    }
    %gt3A = arith.constant 0 : i32
    %gt3A_19 = arith.cmpi sgt, %arg0, %gt3A : i32
    %convert_element_type3A_20 = arith.extui %gt3A_19 : i1 to i32
    %cond3A_21 = arith.constant 0 : i32
    %cond3A_22 = arith.cmpi ne, %convert_element_type3A_20, %cond3A_21 : i32
    scf.if %cond3A_22 {
      %get3A_28 = arith.constant 0 : index
      %get3A_29 = arith.constant 0 : index
      %get3A_30 = vector.load %arg5[%get3A_28, %get3A_29] : memref<768x768xf32, #tpu.memory_space<vmem>>, vector<768x768xf32>
      %add3A = arith.addf %get3A_30, %dot_general3A_15 : vector<768x768xf32>
      %swap3A_31 = arith.constant 0 : index
      %swap3A_32 = arith.constant 0 : index
      %swap3A_33 = vector.load %arg5[%swap3A_31, %swap3A_32] : memref<768x768xf32, #tpu.memory_space<vmem>>, vector<768x768xf32>
      tpu.vector_store %arg5[%swap3A_31, %swap3A_32], %add3A {strides = array<i32>} : memref<768x768xf32, #tpu.memory_space<vmem>>, vector<768x768xf32>,
    } else {
    }
    %eq3A_23 = arith.constant 3 : i32
    %eq3A_24 = arith.cmpi eq, %arg0, %eq3A_23 : i32
    %convert_element_type3A_25 = arith.extui %eq3A_24 : i1 to i32
    %cond3A_26 = arith.constant 0 : i32
    %cond3A_27 = arith.cmpi ne, %convert_element_type3A_25, %cond3A_26 : i32
    scf.if %cond3A_27 {
      %get3A_28 = arith.constant 0 : index
      %get3A_29 = arith.constant 0 : index
      %get3A_30 = vector.load %arg5[%get3A_28, %get3A_29] : memref<768x768xf32, #tpu.memory_space<vmem>>, vector<768x768xf32>
      %get3A_31 = arith.constant 0 : index
      %get3A_32 = arith.constant 0 : index
      %get3A_33 = vector.load %arg5[%get3A_31, %get3A_32] : memref<768x768xf32, #tpu.memory_space<vmem>>, vector<768x768xf32>
      %mul3A_34 = arith.mulf %get3A_30, %get3A_33 : vector<768x768xf32>
      %reduce_sum3A_35 = vector.shape_cast %mul3A_34 : vector<768x768xf32> to vector<1x768x768xf32>
      %reduce_sum3A_36 = arith.constant dense<0.000000e+00> : vector<1xf32>
      %reduce_sum3A_37 = vector.multi_reduction <add>, %reduce_sum3A_35, %reduce_sum3A_36 [1, 2] : vector<1x768x768xf32> to vector<1xf32>
      %reduce_sum3A_38 = vector.shape_cast %reduce_sum3A_37 : vector<1xf32> to vector<1x1x1xf32>
      %reduce_sum3A_39 = vector.extract %reduce_sum3A_38[0, 0, 0] : f32 from vector<1x1x1xf32>
      %sub3A = arith.constant 4.096000e+03 : f32
      %sub3A_40 = arith.subf %reduce_sum3A_39, %sub3A : f32
      %div3A_41 = arith.constant 0x4B800000 : f32
      %div3A_42 = arith.divf %sub3A_40, %div3A_41 : f32
      %broadcast_in_dim3A_43 = vector.broadcast %div3A_42 : f32 to vector<8x128xf32>
      %swap3A_44 = arith.constant 0 : index
      %swap3A_45 = arith.constant 0 : index
      %swap3A_46 = vector.load %arg4[%swap3A_44, %swap3A_45] : memref<8x128xf32, #tpu.memory_space<vmem>>, vector<8x128xf32>
      tpu.vector_store %arg4[%swap3A_44, %swap3A_45], %broadcast_in_dim3A_43 {strides = array<i32>} : memref<8x128xf32, #tpu.memory_space<vmem>>, vector<8x128xf32>,
    } else {
    }
    return
  }
  func.func @transform_0(%arg0: i32) -> (i32, i32, i32) {
    %c3_i32 = arith.constant 3 : i32
    %c0_i32 = arith.constant 0 : i32
    %c0_i32_0 = arith.constant 0 : i32
    return %c3_i32, %arg0, %c0_i32 : i32, i32, i32
  }
  func.func @transform_1(%arg0: i32) -> (i32, i32) {
    %c0_i32 = arith.constant 0 : i32
    %c0_i32_0 = arith.constant 0 : i32
    return %arg0, %c0_i32 : i32, i32
  }
  func.func @transform_2(%arg0: i32) -> (i32, i32) {
    %c0_i32 = arith.constant 0 : i32
    %c0_i32_0 = arith.constant 0 : i32
    return %c0_i32, %arg0 : i32, i32
  }
  func.func @transform_3(%arg0: i32) -> (i32, i32) {
    %c0_i32 = arith.constant 0 : i32
    %c0_i32_0 = arith.constant 0 : i32
    %c0_i32_1 = arith.constant 0 : i32
    return %c0_i32, %c0_i32_0 : i32, i32
  }
}

module attributes {stable_mosaic.version = 14 : i64} {
  func.func @_prep_body(%arg0: i32, %arg1: memref<1x1024x768xf32, #tpu.memory_space<vmem>>, %arg2: memref<1024x768xf32, #tpu.memory_space<vmem>>, %arg3: memref<768x1024xbf16, #tpu.memory_space<vmem>>, %arg4: memref<8x128xf32, #tpu.memory_space<vmem>>, %arg5: memref<768x768xf32, #tpu.memory_space<vmem>>) attributes {dimension_semantics = [#tpu.dimension_semantics<arbitrary>], iteration_bounds = array<i64: 4>, scalar_prefetch = 0 : i64, scratch_operands = 1 : i64, tpu.core_type = #tpu.core_type<tc>, window_params = [{transform_indices = @transform_0, window_bounds = array<i64: 1, 1024, 768>}, {transform_indices = @transform_1, window_bounds = array<i64: 1024, 768>}, {transform_indices = @transform_2, window_bounds = array<i64: 768, 1024>}, {pipeline_mode = #tpu.pipeline_mode<synchronous>, transform_indices = @transform_3, window_bounds = array<i64: 8, 128>}]} {
    %get3A = arith.constant 0 : index
    %get3A_0 = arith.constant 0 : index
    %get3A_1 = arith.constant 0 : index
    %get3A_2 = vector.load %arg1[%get3A, %get3A_0, %get3A_1] : memref<1x1024x768xf32, #tpu.memory_space<vmem>>, vector<1x1024x768xf32>
    %get3A_3 = vector.shape_cast %get3A_2 : vector<1x1024x768xf32> to vector<1024x768xf32>
    %mul3A = arith.mulf %get3A_3, %get3A_3 : vector<1024x768xf32>
    %reduce_sum3A = arith.constant dense<0.000000e+00> : vector<1024xf32>
    %reduce_sum3A_4 = vector.multi_reduction <add>, %mul3A, %reduce_sum3A [1] : vector<1024x768xf32> to vector<1024xf32>
    %broadcast_in_dim3A = vector.shape_cast %reduce_sum3A_4 : vector<1024xf32> to vector<1024x1xf32>
    %sqrt3A = math.sqrt %broadcast_in_dim3A : vector<1024x1xf32>
    %max3A = arith.constant 9.99999996E-13 : f32
    %max3A_5 = vector.broadcast %max3A : f32 to vector<1024x1xf32>
    %max3A_6 = arith.maximumf %sqrt3A, %max3A_5 : vector<1024x1xf32>
    %div3A = vector.broadcast %max3A_6 : vector<1024x1xf32> to vector<1024x768xf32>
    %div3A_7 = arith.divf %get3A_3, %div3A : vector<1024x768xf32>
    %swap3A = arith.constant 0 : index
    %swap3A_8 = arith.constant 0 : index
    %swap3A_9 = vector.load %arg2[%swap3A, %swap3A_8] : memref<1024x768xf32, #tpu.memory_space<vmem>>, vector<1024x768xf32>
    tpu.vector_store %arg2[%swap3A, %swap3A_8], %div3A_7 {strides = array<i32>} : memref<1024x768xf32, #tpu.memory_space<vmem>>, vector<1024x768xf32>,
    %convert_element_type3A = arith.truncf %div3A_7 : vector<1024x768xf32> to vector<1024x768xbf16>
    %transpose3A = tpu.transpose %convert_element_type3A, [1, 0] : vector<1024x768xbf16> -> vector<768x1024xbf16>
    %swap3A_10 = arith.constant 0 : index
    %swap3A_11 = arith.constant 0 : index
    %swap3A_12 = vector.load %arg3[%swap3A_10, %swap3A_11] : memref<768x1024xbf16, #tpu.memory_space<vmem>>, vector<768x1024xbf16>
    tpu.vector_store %arg3[%swap3A_10, %swap3A_11], %transpose3A {strides = array<i32>} : memref<768x1024xbf16, #tpu.memory_space<vmem>>, vector<768x1024xbf16>,
    %convert_element_type3A_13 = arith.truncf %convert_element_type3A : vector<1024x768xbf16> to vector<1024x768xf8E4M3FN>
    %transpose3A_14 = tpu.transpose %convert_element_type3A_13, [1, 0] : vector<1024x768xf8E4M3FN> -> vector<768x1024xf8E4M3FN>
    %dot_general3A = arith.constant dense<0.000000e+00> : vector<768x768xf32>
    %dot_general3A_15 = tpu.matmul %transpose3A_14, %convert_element_type3A_13, %dot_general3A {dimension_numbers = #tpu.dot_dimension_numbers<[1], [0], [0], [1], [0, 0, 1, 1], [], []>, transpose_lhs_hint = false} : vector<768x1024xf8E4M3FN>, vector<1024x768xf8E4M3FN>, vector<768x768xf32> -> vector<768x768xf32>
    %eq3A = arith.constant 0 : i32
    %eq3A_16 = arith.cmpi eq, %arg0, %eq3A : i32
    %convert_element_type3A_17 = arith.extui %eq3A_16 : i1 to i32
    %cond3A = arith.constant 0 : i32
    %cond3A_18 = arith.cmpi ne, %convert_element_type3A_17, %cond3A : i32
    scf.if %cond3A_18 {
      %swap3A_28 = arith.constant 0 : index
      %swap3A_29 = arith.constant 0 : index
      %swap3A_30 = vector.load %arg5[%swap3A_28, %swap3A_29] : memref<768x768xf32, #tpu.memory_space<vmem>>, vector<768x768xf32>
      tpu.vector_store %arg5[%swap3A_28, %swap3A_29], %dot_general3A_15 {strides = array<i32>} : memref<768x768xf32, #tpu.memory_space<vmem>>, vector<768x768xf32>,
    } else {
    }
    %gt3A = arith.constant 0 : i32
    %gt3A_19 = arith.cmpi sgt, %arg0, %gt3A : i32
    %convert_element_type3A_20 = arith.extui %gt3A_19 : i1 to i32
    %cond3A_21 = arith.constant 0 : i32
    %cond3A_22 = arith.cmpi ne, %convert_element_type3A_20, %cond3A_21 : i32
    scf.if %cond3A_22 {
      %get3A_28 = arith.constant 0 : index
      %get3A_29 = arith.constant 0 : index
      %get3A_30 = vector.load %arg5[%get3A_28, %get3A_29] : memref<768x768xf32, #tpu.memory_space<vmem>>, vector<768x768xf32>
      %add3A = arith.addf %get3A_30, %dot_general3A_15 : vector<768x768xf32>
      %swap3A_31 = arith.constant 0 : index
      %swap3A_32 = arith.constant 0 : index
      %swap3A_33 = vector.load %arg5[%swap3A_31, %swap3A_32] : memref<768x768xf32, #tpu.memory_space<vmem>>, vector<768x768xf32>
      tpu.vector_store %arg5[%swap3A_31, %swap3A_32], %add3A {strides = array<i32>} : memref<768x768xf32, #tpu.memory_space<vmem>>, vector<768x768xf32>,
    } else {
    }
    %eq3A_23 = arith.constant 3 : i32
    %eq3A_24 = arith.cmpi eq, %arg0, %eq3A_23 : i32
    %convert_element_type3A_25 = arith.extui %eq3A_24 : i1 to i32
    %cond3A_26 = arith.constant 0 : i32
    %cond3A_27 = arith.cmpi ne, %convert_element_type3A_25, %cond3A_26 : i32
    scf.if %cond3A_27 {
      %get3A_28 = arith.constant 0 : index
      %get3A_29 = arith.constant 0 : index
      %get3A_30 = vector.load %arg5[%get3A_28, %get3A_29] : memref<768x768xf32, #tpu.memory_space<vmem>>, vector<768x768xf32>
      %get3A_31 = arith.constant 0 : index
      %get3A_32 = arith.constant 0 : index
      %get3A_33 = vector.load %arg5[%get3A_31, %get3A_32] : memref<768x768xf32, #tpu.memory_space<vmem>>, vector<768x768xf32>
      %mul3A_34 = arith.mulf %get3A_30, %get3A_33 : vector<768x768xf32>
      %reduce_sum3A_35 = vector.shape_cast %mul3A_34 : vector<768x768xf32> to vector<1x768x768xf32>
      %reduce_sum3A_36 = arith.constant dense<0.000000e+00> : vector<1xf32>
      %reduce_sum3A_37 = vector.multi_reduction <add>, %reduce_sum3A_35, %reduce_sum3A_36 [1, 2] : vector<1x768x768xf32> to vector<1xf32>
      %reduce_sum3A_38 = vector.shape_cast %reduce_sum3A_37 : vector<1xf32> to vector<1x1x1xf32>
      %reduce_sum3A_39 = vector.extract %reduce_sum3A_38[0, 0, 0] : f32 from vector<1x1x1xf32>
      %sub3A = arith.constant 4.096000e+03 : f32
      %sub3A_40 = arith.subf %reduce_sum3A_39, %sub3A : f32
      %div3A_41 = arith.constant 0x4B800000 : f32
      %div3A_42 = arith.divf %sub3A_40, %div3A_41 : f32
      %broadcast_in_dim3A_43 = vector.broadcast %div3A_42 : f32 to vector<8x128xf32>
      %swap3A_44 = arith.constant 0 : index
      %swap3A_45 = arith.constant 0 : index
      %swap3A_46 = vector.load %arg4[%swap3A_44, %swap3A_45] : memref<8x128xf32, #tpu.memory_space<vmem>>, vector<8x128xf32>
      tpu.vector_store %arg4[%swap3A_44, %swap3A_45], %broadcast_in_dim3A_43 {strides = array<i32>} : memref<8x128xf32, #tpu.memory_space<vmem>>, vector<8x128xf32>,
    } else {
    }
    return
  }
  func.func @transform_0(%arg0: i32) -> (i32, i32, i32) {
    %c4_i32 = arith.constant 4 : i32
    %c0_i32 = arith.constant 0 : i32
    %c0_i32_0 = arith.constant 0 : i32
    return %c4_i32, %arg0, %c0_i32 : i32, i32, i32
  }
  func.func @transform_1(%arg0: i32) -> (i32, i32) {
    %c0_i32 = arith.constant 0 : i32
    %c0_i32_0 = arith.constant 0 : i32
    return %arg0, %c0_i32 : i32, i32
  }
  func.func @transform_2(%arg0: i32) -> (i32, i32) {
    %c0_i32 = arith.constant 0 : i32
    %c0_i32_0 = arith.constant 0 : i32
    return %c0_i32, %arg0 : i32, i32
  }
  func.func @transform_3(%arg0: i32) -> (i32, i32) {
    %c0_i32 = arith.constant 0 : i32
    %c0_i32_0 = arith.constant 0 : i32
    %c0_i32_1 = arith.constant 0 : i32
    return %c0_i32, %c0_i32_0 : i32, i32
  }
}

module attributes {stable_mosaic.version = 14 : i64} {
  func.func @_prep_body(%arg0: i32, %arg1: memref<1x1024x768xf32, #tpu.memory_space<vmem>>, %arg2: memref<1024x768xf32, #tpu.memory_space<vmem>>, %arg3: memref<768x1024xbf16, #tpu.memory_space<vmem>>, %arg4: memref<8x128xf32, #tpu.memory_space<vmem>>, %arg5: memref<768x768xf32, #tpu.memory_space<vmem>>) attributes {dimension_semantics = [#tpu.dimension_semantics<arbitrary>], iteration_bounds = array<i64: 4>, scalar_prefetch = 0 : i64, scratch_operands = 1 : i64, tpu.core_type = #tpu.core_type<tc>, window_params = [{transform_indices = @transform_0, window_bounds = array<i64: 1, 1024, 768>}, {transform_indices = @transform_1, window_bounds = array<i64: 1024, 768>}, {transform_indices = @transform_2, window_bounds = array<i64: 768, 1024>}, {pipeline_mode = #tpu.pipeline_mode<synchronous>, transform_indices = @transform_3, window_bounds = array<i64: 8, 128>}]} {
    %get3A = arith.constant 0 : index
    %get3A_0 = arith.constant 0 : index
    %get3A_1 = arith.constant 0 : index
    %get3A_2 = vector.load %arg1[%get3A, %get3A_0, %get3A_1] : memref<1x1024x768xf32, #tpu.memory_space<vmem>>, vector<1x1024x768xf32>
    %get3A_3 = vector.shape_cast %get3A_2 : vector<1x1024x768xf32> to vector<1024x768xf32>
    %mul3A = arith.mulf %get3A_3, %get3A_3 : vector<1024x768xf32>
    %reduce_sum3A = arith.constant dense<0.000000e+00> : vector<1024xf32>
    %reduce_sum3A_4 = vector.multi_reduction <add>, %mul3A, %reduce_sum3A [1] : vector<1024x768xf32> to vector<1024xf32>
    %broadcast_in_dim3A = vector.shape_cast %reduce_sum3A_4 : vector<1024xf32> to vector<1024x1xf32>
    %sqrt3A = math.sqrt %broadcast_in_dim3A : vector<1024x1xf32>
    %max3A = arith.constant 9.99999996E-13 : f32
    %max3A_5 = vector.broadcast %max3A : f32 to vector<1024x1xf32>
    %max3A_6 = arith.maximumf %sqrt3A, %max3A_5 : vector<1024x1xf32>
    %div3A = vector.broadcast %max3A_6 : vector<1024x1xf32> to vector<1024x768xf32>
    %div3A_7 = arith.divf %get3A_3, %div3A : vector<1024x768xf32>
    %swap3A = arith.constant 0 : index
    %swap3A_8 = arith.constant 0 : index
    %swap3A_9 = vector.load %arg2[%swap3A, %swap3A_8] : memref<1024x768xf32, #tpu.memory_space<vmem>>, vector<1024x768xf32>
    tpu.vector_store %arg2[%swap3A, %swap3A_8], %div3A_7 {strides = array<i32>} : memref<1024x768xf32, #tpu.memory_space<vmem>>, vector<1024x768xf32>,
    %convert_element_type3A = arith.truncf %div3A_7 : vector<1024x768xf32> to vector<1024x768xbf16>
    %transpose3A = tpu.transpose %convert_element_type3A, [1, 0] : vector<1024x768xbf16> -> vector<768x1024xbf16>
    %swap3A_10 = arith.constant 0 : index
    %swap3A_11 = arith.constant 0 : index
    %swap3A_12 = vector.load %arg3[%swap3A_10, %swap3A_11] : memref<768x1024xbf16, #tpu.memory_space<vmem>>, vector<768x1024xbf16>
    tpu.vector_store %arg3[%swap3A_10, %swap3A_11], %transpose3A {strides = array<i32>} : memref<768x1024xbf16, #tpu.memory_space<vmem>>, vector<768x1024xbf16>,
    %convert_element_type3A_13 = arith.truncf %convert_element_type3A : vector<1024x768xbf16> to vector<1024x768xf8E4M3FN>
    %transpose3A_14 = tpu.transpose %convert_element_type3A_13, [1, 0] : vector<1024x768xf8E4M3FN> -> vector<768x1024xf8E4M3FN>
    %dot_general3A = arith.constant dense<0.000000e+00> : vector<768x768xf32>
    %dot_general3A_15 = tpu.matmul %transpose3A_14, %convert_element_type3A_13, %dot_general3A {dimension_numbers = #tpu.dot_dimension_numbers<[1], [0], [0], [1], [0, 0, 1, 1], [], []>, transpose_lhs_hint = false} : vector<768x1024xf8E4M3FN>, vector<1024x768xf8E4M3FN>, vector<768x768xf32> -> vector<768x768xf32>
    %eq3A = arith.constant 0 : i32
    %eq3A_16 = arith.cmpi eq, %arg0, %eq3A : i32
    %convert_element_type3A_17 = arith.extui %eq3A_16 : i1 to i32
    %cond3A = arith.constant 0 : i32
    %cond3A_18 = arith.cmpi ne, %convert_element_type3A_17, %cond3A : i32
    scf.if %cond3A_18 {
      %swap3A_28 = arith.constant 0 : index
      %swap3A_29 = arith.constant 0 : index
      %swap3A_30 = vector.load %arg5[%swap3A_28, %swap3A_29] : memref<768x768xf32, #tpu.memory_space<vmem>>, vector<768x768xf32>
      tpu.vector_store %arg5[%swap3A_28, %swap3A_29], %dot_general3A_15 {strides = array<i32>} : memref<768x768xf32, #tpu.memory_space<vmem>>, vector<768x768xf32>,
    } else {
    }
    %gt3A = arith.constant 0 : i32
    %gt3A_19 = arith.cmpi sgt, %arg0, %gt3A : i32
    %convert_element_type3A_20 = arith.extui %gt3A_19 : i1 to i32
    %cond3A_21 = arith.constant 0 : i32
    %cond3A_22 = arith.cmpi ne, %convert_element_type3A_20, %cond3A_21 : i32
    scf.if %cond3A_22 {
      %get3A_28 = arith.constant 0 : index
      %get3A_29 = arith.constant 0 : index
      %get3A_30 = vector.load %arg5[%get3A_28, %get3A_29] : memref<768x768xf32, #tpu.memory_space<vmem>>, vector<768x768xf32>
      %add3A = arith.addf %get3A_30, %dot_general3A_15 : vector<768x768xf32>
      %swap3A_31 = arith.constant 0 : index
      %swap3A_32 = arith.constant 0 : index
      %swap3A_33 = vector.load %arg5[%swap3A_31, %swap3A_32] : memref<768x768xf32, #tpu.memory_space<vmem>>, vector<768x768xf32>
      tpu.vector_store %arg5[%swap3A_31, %swap3A_32], %add3A {strides = array<i32>} : memref<768x768xf32, #tpu.memory_space<vmem>>, vector<768x768xf32>,
    } else {
    }
    %eq3A_23 = arith.constant 3 : i32
    %eq3A_24 = arith.cmpi eq, %arg0, %eq3A_23 : i32
    %convert_element_type3A_25 = arith.extui %eq3A_24 : i1 to i32
    %cond3A_26 = arith.constant 0 : i32
    %cond3A_27 = arith.cmpi ne, %convert_element_type3A_25, %cond3A_26 : i32
    scf.if %cond3A_27 {
      %get3A_28 = arith.constant 0 : index
      %get3A_29 = arith.constant 0 : index
      %get3A_30 = vector.load %arg5[%get3A_28, %get3A_29] : memref<768x768xf32, #tpu.memory_space<vmem>>, vector<768x768xf32>
      %get3A_31 = arith.constant 0 : index
      %get3A_32 = arith.constant 0 : index
      %get3A_33 = vector.load %arg5[%get3A_31, %get3A_32] : memref<768x768xf32, #tpu.memory_space<vmem>>, vector<768x768xf32>
      %mul3A_34 = arith.mulf %get3A_30, %get3A_33 : vector<768x768xf32>
      %reduce_sum3A_35 = vector.shape_cast %mul3A_34 : vector<768x768xf32> to vector<1x768x768xf32>
      %reduce_sum3A_36 = arith.constant dense<0.000000e+00> : vector<1xf32>
      %reduce_sum3A_37 = vector.multi_reduction <add>, %reduce_sum3A_35, %reduce_sum3A_36 [1, 2] : vector<1x768x768xf32> to vector<1xf32>
      %reduce_sum3A_38 = vector.shape_cast %reduce_sum3A_37 : vector<1xf32> to vector<1x1x1xf32>
      %reduce_sum3A_39 = vector.extract %reduce_sum3A_38[0, 0, 0] : f32 from vector<1x1x1xf32>
      %sub3A = arith.constant 4.096000e+03 : f32
      %sub3A_40 = arith.subf %reduce_sum3A_39, %sub3A : f32
      %div3A_41 = arith.constant 0x4B800000 : f32
      %div3A_42 = arith.divf %sub3A_40, %div3A_41 : f32
      %broadcast_in_dim3A_43 = vector.broadcast %div3A_42 : f32 to vector<8x128xf32>
      %swap3A_44 = arith.constant 0 : index
      %swap3A_45 = arith.constant 0 : index
      %swap3A_46 = vector.load %arg4[%swap3A_44, %swap3A_45] : memref<8x128xf32, #tpu.memory_space<vmem>>, vector<8x128xf32>
      tpu.vector_store %arg4[%swap3A_44, %swap3A_45], %broadcast_in_dim3A_43 {strides = array<i32>} : memref<8x128xf32, #tpu.memory_space<vmem>>, vector<8x128xf32>,
    } else {
    }
    return
  }
  func.func @transform_0(%arg0: i32) -> (i32, i32, i32) {
    %c5_i32 = arith.constant 5 : i32
    %c0_i32 = arith.constant 0 : i32
    %c0_i32_0 = arith.constant 0 : i32
    return %c5_i32, %arg0, %c0_i32 : i32, i32, i32
  }
  func.func @transform_1(%arg0: i32) -> (i32, i32) {
    %c0_i32 = arith.constant 0 : i32
    %c0_i32_0 = arith.constant 0 : i32
    return %arg0, %c0_i32 : i32, i32
  }
  func.func @transform_2(%arg0: i32) -> (i32, i32) {
    %c0_i32 = arith.constant 0 : i32
    %c0_i32_0 = arith.constant 0 : i32
    return %c0_i32, %arg0 : i32, i32
  }
  func.func @transform_3(%arg0: i32) -> (i32, i32) {
    %c0_i32 = arith.constant 0 : i32
    %c0_i32_0 = arith.constant 0 : i32
    %c0_i32_1 = arith.constant 0 : i32
    return %c0_i32, %c0_i32_0 : i32, i32
  }
}

module attributes {stable_mosaic.version = 14 : i64} {
  func.func @_prep_body(%arg0: i32, %arg1: memref<1x1024x768xf32, #tpu.memory_space<vmem>>, %arg2: memref<1024x768xf32, #tpu.memory_space<vmem>>, %arg3: memref<768x1024xbf16, #tpu.memory_space<vmem>>, %arg4: memref<8x128xf32, #tpu.memory_space<vmem>>, %arg5: memref<768x768xf32, #tpu.memory_space<vmem>>) attributes {dimension_semantics = [#tpu.dimension_semantics<arbitrary>], iteration_bounds = array<i64: 4>, scalar_prefetch = 0 : i64, scratch_operands = 1 : i64, tpu.core_type = #tpu.core_type<tc>, window_params = [{transform_indices = @transform_0, window_bounds = array<i64: 1, 1024, 768>}, {transform_indices = @transform_1, window_bounds = array<i64: 1024, 768>}, {transform_indices = @transform_2, window_bounds = array<i64: 768, 1024>}, {pipeline_mode = #tpu.pipeline_mode<synchronous>, transform_indices = @transform_3, window_bounds = array<i64: 8, 128>}]} {
    %get3A = arith.constant 0 : index
    %get3A_0 = arith.constant 0 : index
    %get3A_1 = arith.constant 0 : index
    %get3A_2 = vector.load %arg1[%get3A, %get3A_0, %get3A_1] : memref<1x1024x768xf32, #tpu.memory_space<vmem>>, vector<1x1024x768xf32>
    %get3A_3 = vector.shape_cast %get3A_2 : vector<1x1024x768xf32> to vector<1024x768xf32>
    %mul3A = arith.mulf %get3A_3, %get3A_3 : vector<1024x768xf32>
    %reduce_sum3A = arith.constant dense<0.000000e+00> : vector<1024xf32>
    %reduce_sum3A_4 = vector.multi_reduction <add>, %mul3A, %reduce_sum3A [1] : vector<1024x768xf32> to vector<1024xf32>
    %broadcast_in_dim3A = vector.shape_cast %reduce_sum3A_4 : vector<1024xf32> to vector<1024x1xf32>
    %sqrt3A = math.sqrt %broadcast_in_dim3A : vector<1024x1xf32>
    %max3A = arith.constant 9.99999996E-13 : f32
    %max3A_5 = vector.broadcast %max3A : f32 to vector<1024x1xf32>
    %max3A_6 = arith.maximumf %sqrt3A, %max3A_5 : vector<1024x1xf32>
    %div3A = vector.broadcast %max3A_6 : vector<1024x1xf32> to vector<1024x768xf32>
    %div3A_7 = arith.divf %get3A_3, %div3A : vector<1024x768xf32>
    %swap3A = arith.constant 0 : index
    %swap3A_8 = arith.constant 0 : index
    %swap3A_9 = vector.load %arg2[%swap3A, %swap3A_8] : memref<1024x768xf32, #tpu.memory_space<vmem>>, vector<1024x768xf32>
    tpu.vector_store %arg2[%swap3A, %swap3A_8], %div3A_7 {strides = array<i32>} : memref<1024x768xf32, #tpu.memory_space<vmem>>, vector<1024x768xf32>,
    %convert_element_type3A = arith.truncf %div3A_7 : vector<1024x768xf32> to vector<1024x768xbf16>
    %transpose3A = tpu.transpose %convert_element_type3A, [1, 0] : vector<1024x768xbf16> -> vector<768x1024xbf16>
    %swap3A_10 = arith.constant 0 : index
    %swap3A_11 = arith.constant 0 : index
    %swap3A_12 = vector.load %arg3[%swap3A_10, %swap3A_11] : memref<768x1024xbf16, #tpu.memory_space<vmem>>, vector<768x1024xbf16>
    tpu.vector_store %arg3[%swap3A_10, %swap3A_11], %transpose3A {strides = array<i32>} : memref<768x1024xbf16, #tpu.memory_space<vmem>>, vector<768x1024xbf16>,
    %convert_element_type3A_13 = arith.truncf %convert_element_type3A : vector<1024x768xbf16> to vector<1024x768xf8E4M3FN>
    %transpose3A_14 = tpu.transpose %convert_element_type3A_13, [1, 0] : vector<1024x768xf8E4M3FN> -> vector<768x1024xf8E4M3FN>
    %dot_general3A = arith.constant dense<0.000000e+00> : vector<768x768xf32>
    %dot_general3A_15 = tpu.matmul %transpose3A_14, %convert_element_type3A_13, %dot_general3A {dimension_numbers = #tpu.dot_dimension_numbers<[1], [0], [0], [1], [0, 0, 1, 1], [], []>, transpose_lhs_hint = false} : vector<768x1024xf8E4M3FN>, vector<1024x768xf8E4M3FN>, vector<768x768xf32> -> vector<768x768xf32>
    %eq3A = arith.constant 0 : i32
    %eq3A_16 = arith.cmpi eq, %arg0, %eq3A : i32
    %convert_element_type3A_17 = arith.extui %eq3A_16 : i1 to i32
    %cond3A = arith.constant 0 : i32
    %cond3A_18 = arith.cmpi ne, %convert_element_type3A_17, %cond3A : i32
    scf.if %cond3A_18 {
      %swap3A_28 = arith.constant 0 : index
      %swap3A_29 = arith.constant 0 : index
      %swap3A_30 = vector.load %arg5[%swap3A_28, %swap3A_29] : memref<768x768xf32, #tpu.memory_space<vmem>>, vector<768x768xf32>
      tpu.vector_store %arg5[%swap3A_28, %swap3A_29], %dot_general3A_15 {strides = array<i32>} : memref<768x768xf32, #tpu.memory_space<vmem>>, vector<768x768xf32>,
    } else {
    }
    %gt3A = arith.constant 0 : i32
    %gt3A_19 = arith.cmpi sgt, %arg0, %gt3A : i32
    %convert_element_type3A_20 = arith.extui %gt3A_19 : i1 to i32
    %cond3A_21 = arith.constant 0 : i32
    %cond3A_22 = arith.cmpi ne, %convert_element_type3A_20, %cond3A_21 : i32
    scf.if %cond3A_22 {
      %get3A_28 = arith.constant 0 : index
      %get3A_29 = arith.constant 0 : index
      %get3A_30 = vector.load %arg5[%get3A_28, %get3A_29] : memref<768x768xf32, #tpu.memory_space<vmem>>, vector<768x768xf32>
      %add3A = arith.addf %get3A_30, %dot_general3A_15 : vector<768x768xf32>
      %swap3A_31 = arith.constant 0 : index
      %swap3A_32 = arith.constant 0 : index
      %swap3A_33 = vector.load %arg5[%swap3A_31, %swap3A_32] : memref<768x768xf32, #tpu.memory_space<vmem>>, vector<768x768xf32>
      tpu.vector_store %arg5[%swap3A_31, %swap3A_32], %add3A {strides = array<i32>} : memref<768x768xf32, #tpu.memory_space<vmem>>, vector<768x768xf32>,
    } else {
    }
    %eq3A_23 = arith.constant 3 : i32
    %eq3A_24 = arith.cmpi eq, %arg0, %eq3A_23 : i32
    %convert_element_type3A_25 = arith.extui %eq3A_24 : i1 to i32
    %cond3A_26 = arith.constant 0 : i32
    %cond3A_27 = arith.cmpi ne, %convert_element_type3A_25, %cond3A_26 : i32
    scf.if %cond3A_27 {
      %get3A_28 = arith.constant 0 : index
      %get3A_29 = arith.constant 0 : index
      %get3A_30 = vector.load %arg5[%get3A_28, %get3A_29] : memref<768x768xf32, #tpu.memory_space<vmem>>, vector<768x768xf32>
      %get3A_31 = arith.constant 0 : index
      %get3A_32 = arith.constant 0 : index
      %get3A_33 = vector.load %arg5[%get3A_31, %get3A_32] : memref<768x768xf32, #tpu.memory_space<vmem>>, vector<768x768xf32>
      %mul3A_34 = arith.mulf %get3A_30, %get3A_33 : vector<768x768xf32>
      %reduce_sum3A_35 = vector.shape_cast %mul3A_34 : vector<768x768xf32> to vector<1x768x768xf32>
      %reduce_sum3A_36 = arith.constant dense<0.000000e+00> : vector<1xf32>
      %reduce_sum3A_37 = vector.multi_reduction <add>, %reduce_sum3A_35, %reduce_sum3A_36 [1, 2] : vector<1x768x768xf32> to vector<1xf32>
      %reduce_sum3A_38 = vector.shape_cast %reduce_sum3A_37 : vector<1xf32> to vector<1x1x1xf32>
      %reduce_sum3A_39 = vector.extract %reduce_sum3A_38[0, 0, 0] : f32 from vector<1x1x1xf32>
      %sub3A = arith.constant 4.096000e+03 : f32
      %sub3A_40 = arith.subf %reduce_sum3A_39, %sub3A : f32
      %div3A_41 = arith.constant 0x4B800000 : f32
      %div3A_42 = arith.divf %sub3A_40, %div3A_41 : f32
      %broadcast_in_dim3A_43 = vector.broadcast %div3A_42 : f32 to vector<8x128xf32>
      %swap3A_44 = arith.constant 0 : index
      %swap3A_45 = arith.constant 0 : index
      %swap3A_46 = vector.load %arg4[%swap3A_44, %swap3A_45] : memref<8x128xf32, #tpu.memory_space<vmem>>, vector<8x128xf32>
      tpu.vector_store %arg4[%swap3A_44, %swap3A_45], %broadcast_in_dim3A_43 {strides = array<i32>} : memref<8x128xf32, #tpu.memory_space<vmem>>, vector<8x128xf32>,
    } else {
    }
    return
  }
  func.func @transform_0(%arg0: i32) -> (i32, i32, i32) {
    %c6_i32 = arith.constant 6 : i32
    %c0_i32 = arith.constant 0 : i32
    %c0_i32_0 = arith.constant 0 : i32
    return %c6_i32, %arg0, %c0_i32 : i32, i32, i32
  }
  func.func @transform_1(%arg0: i32) -> (i32, i32) {
    %c0_i32 = arith.constant 0 : i32
    %c0_i32_0 = arith.constant 0 : i32
    return %arg0, %c0_i32 : i32, i32
  }
  func.func @transform_2(%arg0: i32) -> (i32, i32) {
    %c0_i32 = arith.constant 0 : i32
    %c0_i32_0 = arith.constant 0 : i32
    return %c0_i32, %arg0 : i32, i32
  }
  func.func @transform_3(%arg0: i32) -> (i32, i32) {
    %c0_i32 = arith.constant 0 : i32
    %c0_i32_0 = arith.constant 0 : i32
    %c0_i32_1 = arith.constant 0 : i32
    return %c0_i32, %c0_i32_0 : i32, i32
  }
}

module attributes {stable_mosaic.version = 14 : i64} {
  func.func @_prep_body(%arg0: i32, %arg1: memref<1x1024x768xf32, #tpu.memory_space<vmem>>, %arg2: memref<1024x768xf32, #tpu.memory_space<vmem>>, %arg3: memref<768x1024xbf16, #tpu.memory_space<vmem>>, %arg4: memref<8x128xf32, #tpu.memory_space<vmem>>, %arg5: memref<768x768xf32, #tpu.memory_space<vmem>>) attributes {dimension_semantics = [#tpu.dimension_semantics<arbitrary>], iteration_bounds = array<i64: 4>, scalar_prefetch = 0 : i64, scratch_operands = 1 : i64, tpu.core_type = #tpu.core_type<tc>, window_params = [{transform_indices = @transform_0, window_bounds = array<i64: 1, 1024, 768>}, {transform_indices = @transform_1, window_bounds = array<i64: 1024, 768>}, {transform_indices = @transform_2, window_bounds = array<i64: 768, 1024>}, {pipeline_mode = #tpu.pipeline_mode<synchronous>, transform_indices = @transform_3, window_bounds = array<i64: 8, 128>}]} {
    %get3A = arith.constant 0 : index
    %get3A_0 = arith.constant 0 : index
    %get3A_1 = arith.constant 0 : index
    %get3A_2 = vector.load %arg1[%get3A, %get3A_0, %get3A_1] : memref<1x1024x768xf32, #tpu.memory_space<vmem>>, vector<1x1024x768xf32>
    %get3A_3 = vector.shape_cast %get3A_2 : vector<1x1024x768xf32> to vector<1024x768xf32>
    %mul3A = arith.mulf %get3A_3, %get3A_3 : vector<1024x768xf32>
    %reduce_sum3A = arith.constant dense<0.000000e+00> : vector<1024xf32>
    %reduce_sum3A_4 = vector.multi_reduction <add>, %mul3A, %reduce_sum3A [1] : vector<1024x768xf32> to vector<1024xf32>
    %broadcast_in_dim3A = vector.shape_cast %reduce_sum3A_4 : vector<1024xf32> to vector<1024x1xf32>
    %sqrt3A = math.sqrt %broadcast_in_dim3A : vector<1024x1xf32>
    %max3A = arith.constant 9.99999996E-13 : f32
    %max3A_5 = vector.broadcast %max3A : f32 to vector<1024x1xf32>
    %max3A_6 = arith.maximumf %sqrt3A, %max3A_5 : vector<1024x1xf32>
    %div3A = vector.broadcast %max3A_6 : vector<1024x1xf32> to vector<1024x768xf32>
    %div3A_7 = arith.divf %get3A_3, %div3A : vector<1024x768xf32>
    %swap3A = arith.constant 0 : index
    %swap3A_8 = arith.constant 0 : index
    %swap3A_9 = vector.load %arg2[%swap3A, %swap3A_8] : memref<1024x768xf32, #tpu.memory_space<vmem>>, vector<1024x768xf32>
    tpu.vector_store %arg2[%swap3A, %swap3A_8], %div3A_7 {strides = array<i32>} : memref<1024x768xf32, #tpu.memory_space<vmem>>, vector<1024x768xf32>,
    %convert_element_type3A = arith.truncf %div3A_7 : vector<1024x768xf32> to vector<1024x768xbf16>
    %transpose3A = tpu.transpose %convert_element_type3A, [1, 0] : vector<1024x768xbf16> -> vector<768x1024xbf16>
    %swap3A_10 = arith.constant 0 : index
    %swap3A_11 = arith.constant 0 : index
    %swap3A_12 = vector.load %arg3[%swap3A_10, %swap3A_11] : memref<768x1024xbf16, #tpu.memory_space<vmem>>, vector<768x1024xbf16>
    tpu.vector_store %arg3[%swap3A_10, %swap3A_11], %transpose3A {strides = array<i32>} : memref<768x1024xbf16, #tpu.memory_space<vmem>>, vector<768x1024xbf16>,
    %convert_element_type3A_13 = arith.truncf %convert_element_type3A : vector<1024x768xbf16> to vector<1024x768xf8E4M3FN>
    %transpose3A_14 = tpu.transpose %convert_element_type3A_13, [1, 0] : vector<1024x768xf8E4M3FN> -> vector<768x1024xf8E4M3FN>
    %dot_general3A = arith.constant dense<0.000000e+00> : vector<768x768xf32>
    %dot_general3A_15 = tpu.matmul %transpose3A_14, %convert_element_type3A_13, %dot_general3A {dimension_numbers = #tpu.dot_dimension_numbers<[1], [0], [0], [1], [0, 0, 1, 1], [], []>, transpose_lhs_hint = false} : vector<768x1024xf8E4M3FN>, vector<1024x768xf8E4M3FN>, vector<768x768xf32> -> vector<768x768xf32>
    %eq3A = arith.constant 0 : i32
    %eq3A_16 = arith.cmpi eq, %arg0, %eq3A : i32
    %convert_element_type3A_17 = arith.extui %eq3A_16 : i1 to i32
    %cond3A = arith.constant 0 : i32
    %cond3A_18 = arith.cmpi ne, %convert_element_type3A_17, %cond3A : i32
    scf.if %cond3A_18 {
      %swap3A_28 = arith.constant 0 : index
      %swap3A_29 = arith.constant 0 : index
      %swap3A_30 = vector.load %arg5[%swap3A_28, %swap3A_29] : memref<768x768xf32, #tpu.memory_space<vmem>>, vector<768x768xf32>
      tpu.vector_store %arg5[%swap3A_28, %swap3A_29], %dot_general3A_15 {strides = array<i32>} : memref<768x768xf32, #tpu.memory_space<vmem>>, vector<768x768xf32>,
    } else {
    }
    %gt3A = arith.constant 0 : i32
    %gt3A_19 = arith.cmpi sgt, %arg0, %gt3A : i32
    %convert_element_type3A_20 = arith.extui %gt3A_19 : i1 to i32
    %cond3A_21 = arith.constant 0 : i32
    %cond3A_22 = arith.cmpi ne, %convert_element_type3A_20, %cond3A_21 : i32
    scf.if %cond3A_22 {
      %get3A_28 = arith.constant 0 : index
      %get3A_29 = arith.constant 0 : index
      %get3A_30 = vector.load %arg5[%get3A_28, %get3A_29] : memref<768x768xf32, #tpu.memory_space<vmem>>, vector<768x768xf32>
      %add3A = arith.addf %get3A_30, %dot_general3A_15 : vector<768x768xf32>
      %swap3A_31 = arith.constant 0 : index
      %swap3A_32 = arith.constant 0 : index
      %swap3A_33 = vector.load %arg5[%swap3A_31, %swap3A_32] : memref<768x768xf32, #tpu.memory_space<vmem>>, vector<768x768xf32>
      tpu.vector_store %arg5[%swap3A_31, %swap3A_32], %add3A {strides = array<i32>} : memref<768x768xf32, #tpu.memory_space<vmem>>, vector<768x768xf32>,
    } else {
    }
    %eq3A_23 = arith.constant 3 : i32
    %eq3A_24 = arith.cmpi eq, %arg0, %eq3A_23 : i32
    %convert_element_type3A_25 = arith.extui %eq3A_24 : i1 to i32
    %cond3A_26 = arith.constant 0 : i32
    %cond3A_27 = arith.cmpi ne, %convert_element_type3A_25, %cond3A_26 : i32
    scf.if %cond3A_27 {
      %get3A_28 = arith.constant 0 : index
      %get3A_29 = arith.constant 0 : index
      %get3A_30 = vector.load %arg5[%get3A_28, %get3A_29] : memref<768x768xf32, #tpu.memory_space<vmem>>, vector<768x768xf32>
      %get3A_31 = arith.constant 0 : index
      %get3A_32 = arith.constant 0 : index
      %get3A_33 = vector.load %arg5[%get3A_31, %get3A_32] : memref<768x768xf32, #tpu.memory_space<vmem>>, vector<768x768xf32>
      %mul3A_34 = arith.mulf %get3A_30, %get3A_33 : vector<768x768xf32>
      %reduce_sum3A_35 = vector.shape_cast %mul3A_34 : vector<768x768xf32> to vector<1x768x768xf32>
      %reduce_sum3A_36 = arith.constant dense<0.000000e+00> : vector<1xf32>
      %reduce_sum3A_37 = vector.multi_reduction <add>, %reduce_sum3A_35, %reduce_sum3A_36 [1, 2] : vector<1x768x768xf32> to vector<1xf32>
      %reduce_sum3A_38 = vector.shape_cast %reduce_sum3A_37 : vector<1xf32> to vector<1x1x1xf32>
      %reduce_sum3A_39 = vector.extract %reduce_sum3A_38[0, 0, 0] : f32 from vector<1x1x1xf32>
      %sub3A = arith.constant 4.096000e+03 : f32
      %sub3A_40 = arith.subf %reduce_sum3A_39, %sub3A : f32
      %div3A_41 = arith.constant 0x4B800000 : f32
      %div3A_42 = arith.divf %sub3A_40, %div3A_41 : f32
      %broadcast_in_dim3A_43 = vector.broadcast %div3A_42 : f32 to vector<8x128xf32>
      %swap3A_44 = arith.constant 0 : index
      %swap3A_45 = arith.constant 0 : index
      %swap3A_46 = vector.load %arg4[%swap3A_44, %swap3A_45] : memref<8x128xf32, #tpu.memory_space<vmem>>, vector<8x128xf32>
      tpu.vector_store %arg4[%swap3A_44, %swap3A_45], %broadcast_in_dim3A_43 {strides = array<i32>} : memref<8x128xf32, #tpu.memory_space<vmem>>, vector<8x128xf32>,
    } else {
    }
    return
  }
  func.func @transform_0(%arg0: i32) -> (i32, i32, i32) {
    %c7_i32 = arith.constant 7 : i32
    %c0_i32 = arith.constant 0 : i32
    %c0_i32_0 = arith.constant 0 : i32
    return %c7_i32, %arg0, %c0_i32 : i32, i32, i32
  }
  func.func @transform_1(%arg0: i32) -> (i32, i32) {
    %c0_i32 = arith.constant 0 : i32
    %c0_i32_0 = arith.constant 0 : i32
    return %arg0, %c0_i32 : i32, i32
  }
  func.func @transform_2(%arg0: i32) -> (i32, i32) {
    %c0_i32 = arith.constant 0 : i32
    %c0_i32_0 = arith.constant 0 : i32
    return %c0_i32, %arg0 : i32, i32
  }
  func.func @transform_3(%arg0: i32) -> (i32, i32) {
    %c0_i32 = arith.constant 0 : i32
    %c0_i32_0 = arith.constant 0 : i32
    %c0_i32_1 = arith.constant 0 : i32
    return %c0_i32, %c0_i32_0 : i32, i32
  }
}

module attributes {stable_mosaic.version = 14 : i64} {
  func.func @_combine_body(%arg0: i32, %arg1: memref<256x768xf32, #tpu.memory_space<vmem>>, %arg2: memref<256x768xf32, #tpu.memory_space<vmem>>, %arg3: memref<256x768xf32, #tpu.memory_space<vmem>>, %arg4: memref<1x128xf32, #tpu.memory_space<vmem>>, %arg5: memref<1x128xf32, #tpu.memory_space<vmem>>, %arg6: memref<1x128xf32, #tpu.memory_space<vmem>>, %arg7: memref<1x128xf32, #tpu.memory_space<vmem>>, %arg8: memref<1x128xf32, #tpu.memory_space<vmem>>, %arg9: memref<1x128xf32, #tpu.memory_space<vmem>>, %arg10: memref<1x128xf32, #tpu.memory_space<vmem>>, %arg11: memref<1x128xf32, #tpu.memory_space<vmem>>, %arg12: memref<8x128xf32, #tpu.memory_space<vmem>>, %arg13: memref<8x128xf32, #tpu.memory_space<vmem>>, %arg14: memref<8x128xf32, #tpu.memory_space<vmem>>, %arg15: memref<8x128xf32, #tpu.memory_space<vmem>>, %arg16: memref<8x128xf32, #tpu.memory_space<vmem>>, %arg17: memref<8x128xf32, #tpu.memory_space<vmem>>, %arg18: memref<8x128xf32, #tpu.memory_space<vmem>>, %arg19: memref<8x128xf32, #tpu.memory_space<vmem>>, %arg20: memref<256x768xf32, #tpu.memory_space<vmem>>, %arg21: memref<8x128xf32, #tpu.memory_space<vmem>>) attributes {dimension_semantics = [#tpu.dimension_semantics<arbitrary>], iteration_bounds = array<i64: 8>, scalar_prefetch = 0 : i64, scratch_operands = 0 : i64, tpu.core_type = #tpu.core_type<tc>, window_params = [{transform_indices = @transform_0, window_bounds = array<i64: 256, 768>}, {transform_indices = @transform_1, window_bounds = array<i64: 256, 768>}, {transform_indices = @transform_2, window_bounds = array<i64: 256, 768>}, {pipeline_mode = #tpu.pipeline_mode<synchronous>, transform_indices = @transform_3, window_bounds = array<i64: 1, 128>}, {pipeline_mode = #tpu.pipeline_mode<synchronous>, transform_indices = @transform_4, window_bounds = array<i64: 1, 128>}, {pipeline_mode = #tpu.pipeline_mode<synchronous>, transform_indices = @transform_5, window_bounds = array<i64: 1, 128>}, {pipeline_mode = #tpu.pipeline_mode<synchronous>, transform_indices = @transform_6, window_bounds = array<i64: 1, 128>}, {pipeline_mode = #tpu.pipeline_mode<synchronous>, transform_indices = @transform_7, window_bounds = array<i64: 1, 128>}, {pipeline_mode = #tpu.pipeline_mode<synchronous>, transform_indices = @transform_8, window_bounds = array<i64: 1, 128>}, {pipeline_mode = #tpu.pipeline_mode<synchronous>, transform_indices = @transform_9, window_bounds = array<i64: 1, 128>}, {pipeline_mode = #tpu.pipeline_mode<synchronous>, transform_indices = @transform_10, window_bounds = array<i64: 1, 128>}, {pipeline_mode = #tpu.pipeline_mode<synchronous>, transform_indices = @transform_11, window_bounds = array<i64: 8, 128>}, {pipeline_mode = #tpu.pipeline_mode<synchronous>, transform_indices = @transform_12, window_bounds = array<i64: 8, 128>}, {pipeline_mode = #tpu.pipeline_mode<synchronous>, transform_indices = @transform_13, window_bounds = array<i64: 8, 128>}, {pipeline_mode = #tpu.pipeline_mode<synchronous>, transform_indices = @transform_14, window_bounds = array<i64: 8, 128>}, {pipeline_mode = #tpu.pipeline_mode<synchronous>, transform_indices = @transform_15, window_bounds = array<i64: 8, 128>}, {pipeline_mode = #tpu.pipeline_mode<synchronous>, transform_indices = @transform_16, window_bounds = array<i64: 8, 128>}, {pipeline_mode = #tpu.pipeline_mode<synchronous>, transform_indices = @transform_17, window_bounds = array<i64: 8, 128>}, {pipeline_mode = #tpu.pipeline_mode<synchronous>, transform_indices = @transform_18, window_bounds = array<i64: 8, 128>}, {transform_indices = @transform_19, window_bounds = array<i64: 256, 768>}, {pipeline_mode = #tpu.pipeline_mode<synchronous>, transform_indices = @transform_20, window_bounds = array<i64: 8, 128>}]} {
    %get3A = arith.constant 0 : index
    %get3A_0 = arith.constant 0 : index
    %get3A_1 = vector.load %arg1[%get3A, %get3A_0] : memref<256x768xf32, #tpu.memory_space<vmem>>, vector<256x768xf32>
    %get3A_2 = arith.constant 0 : index
    %get3A_3 = arith.constant 0 : index
    %get3A_4 = vector.load %arg2[%get3A_2, %get3A_3] : memref<256x768xf32, #tpu.memory_space<vmem>>, vector<256x768xf32>
    %sub3A = arith.subf %get3A_1, %get3A_4 : vector<256x768xf32>
    %get3A_5 = arith.constant 0 : index
    %get3A_6 = arith.constant 0 : index
    %get3A_7 = vector.load %arg3[%get3A_5, %get3A_6] : memref<256x768xf32, #tpu.memory_space<vmem>>, vector<256x768xf32>
    %add3A = arith.addf %sub3A, %get3A_7 : vector<256x768xf32>
    %swap3A = arith.constant 0 : index
    %swap3A_8 = arith.constant 0 : index
    %swap3A_9 = vector.load %arg20[%swap3A, %swap3A_8] : memref<256x768xf32, #tpu.memory_space<vmem>>, vector<256x768xf32>
    tpu.vector_store %arg20[%swap3A, %swap3A_8], %add3A {strides = array<i32>} : memref<256x768xf32, #tpu.memory_space<vmem>>, vector<256x768xf32>,
    %eq3A = arith.constant 0 : i32
    %eq3A_10 = arith.cmpi eq, %arg0, %eq3A : i32
    %convert_element_type3A = arith.extui %eq3A_10 : i1 to i32
    %cond3A = arith.constant 0 : i32
    %cond3A_11 = arith.cmpi ne, %convert_element_type3A, %cond3A : i32
    scf.if %cond3A_11 {
      %get3A_12 = arith.constant 0 : index
      %get3A_13 = arith.constant 0 : index
      %get3A_14 = vector.load %arg4[%get3A_12, %get3A_13] : memref<1x128xf32, #tpu.memory_space<vmem>>, vector<1x128xf32>
      %get3A_15 = arith.constant 0 : index
      %get3A_16 = arith.constant 0 : index
      %get3A_17 = vector.load %arg5[%get3A_15, %get3A_16] : memref<1x128xf32, #tpu.memory_space<vmem>>, vector<1x128xf32>
      %get3A_18 = arith.constant 0 : index
      %get3A_19 = arith.constant 0 : index
      %get3A_20 = vector.load %arg6[%get3A_18, %get3A_19] : memref<1x128xf32, #tpu.memory_space<vmem>>, vector<1x128xf32>
      %get3A_21 = arith.constant 0 : index
      %get3A_22 = arith.constant 0 : index
      %get3A_23 = vector.load %arg7[%get3A_21, %get3A_22] : memref<1x128xf32, #tpu.memory_space<vmem>>, vector<1x128xf32>
      %get3A_24 = arith.constant 0 : index
      %get3A_25 = arith.constant 0 : index
      %get3A_26 = vector.load %arg8[%get3A_24, %get3A_25] : memref<1x128xf32, #tpu.memory_space<vmem>>, vector<1x128xf32>
      %get3A_27 = arith.constant 0 : index
      %get3A_28 = arith.constant 0 : index
      %get3A_29 = vector.load %arg9[%get3A_27, %get3A_28] : memref<1x128xf32, #tpu.memory_space<vmem>>, vector<1x128xf32>
      %get3A_30 = arith.constant 0 : index
      %get3A_31 = arith.constant 0 : index
      %get3A_32 = vector.load %arg10[%get3A_30, %get3A_31] : memref<1x128xf32, #tpu.memory_space<vmem>>, vector<1x128xf32>
      %get3A_33 = arith.constant 0 : index
      %get3A_34 = arith.constant 0 : index
      %get3A_35 = vector.load %arg11[%get3A_33, %get3A_34] : memref<1x128xf32, #tpu.memory_space<vmem>>, vector<1x128xf32>
      %concatenate3A = tpu.concatenate %get3A_14, %get3A_17, %get3A_20, %get3A_23, %get3A_26, %get3A_29, %get3A_32, %get3A_35 in 0 : vector<1x128xf32>, vector<1x128xf32>, vector<1x128xf32>, vector<1x128xf32>, vector<1x128xf32>, vector<1x128xf32>, vector<1x128xf32>, vector<1x128xf32> -> vector<8x128xf32>
      %get3A_36 = arith.constant 0 : index
      %get3A_37 = arith.constant 0 : index
      %get3A_38 = vector.load %arg12[%get3A_36, %get3A_37] : memref<8x128xf32, #tpu.memory_space<vmem>>, vector<8x128xf32>
      %slice3A = vector.extract_strided_slice %get3A_38 {offsets = [0, 0], sizes = [1, 128], strides = [1, 1]} : vector<8x128xf32> to vector<1x128xf32>
      %get3A_39 = arith.constant 0 : index
      %get3A_40 = arith.constant 0 : index
      %get3A_41 = vector.load %arg13[%get3A_39, %get3A_40] : memref<8x128xf32, #tpu.memory_space<vmem>>, vector<8x128xf32>
      %slice3A_42 = vector.extract_strided_slice %get3A_41 {offsets = [0, 0], sizes = [1, 128], strides = [1, 1]} : vector<8x128xf32> to vector<1x128xf32>
      %get3A_43 = arith.constant 0 : index
      %get3A_44 = arith.constant 0 : index
      %get3A_45 = vector.load %arg14[%get3A_43, %get3A_44] : memref<8x128xf32, #tpu.memory_space<vmem>>, vector<8x128xf32>
      %slice3A_46 = vector.extract_strided_slice %get3A_45 {offsets = [0, 0], sizes = [1, 128], strides = [1, 1]} : vector<8x128xf32> to vector<1x128xf32>
      %get3A_47 = arith.constant 0 : index
      %get3A_48 = arith.constant 0 : index
      %get3A_49 = vector.load %arg15[%get3A_47, %get3A_48] : memref<8x128xf32, #tpu.memory_space<vmem>>, vector<8x128xf32>
      %slice3A_50 = vector.extract_strided_slice %get3A_49 {offsets = [0, 0], sizes = [1, 128], strides = [1, 1]} : vector<8x128xf32> to vector<1x128xf32>
      %get3A_51 = arith.constant 0 : index
      %get3A_52 = arith.constant 0 : index
      %get3A_53 = vector.load %arg16[%get3A_51, %get3A_52] : memref<8x128xf32, #tpu.memory_space<vmem>>, vector<8x128xf32>
      %slice3A_54 = vector.extract_strided_slice %get3A_53 {offsets = [0, 0], sizes = [1, 128], strides = [1, 1]} : vector<8x128xf32> to vector<1x128xf32>
      %get3A_55 = arith.constant 0 : index
      %get3A_56 = arith.constant 0 : index
      %get3A_57 = vector.load %arg17[%get3A_55, %get3A_56] : memref<8x128xf32, #tpu.memory_space<vmem>>, vector<8x128xf32>
      %slice3A_58 = vector.extract_strided_slice %get3A_57 {offsets = [0, 0], sizes = [1, 128], strides = [1, 1]} : vector<8x128xf32> to vector<1x128xf32>
      %get3A_59 = arith.constant 0 : index
      %get3A_60 = arith.constant 0 : index
      %get3A_61 = vector.load %arg18[%get3A_59, %get3A_60] : memref<8x128xf32, #tpu.memory_space<vmem>>, vector<8x128xf32>
      %slice3A_62 = vector.extract_strided_slice %get3A_61 {offsets = [0, 0], sizes = [1, 128], strides = [1, 1]} : vector<8x128xf32> to vector<1x128xf32>
      %get3A_63 = arith.constant 0 : index
      %get3A_64 = arith.constant 0 : index
      %get3A_65 = vector.load %arg19[%get3A_63, %get3A_64] : memref<8x128xf32, #tpu.memory_space<vmem>>, vector<8x128xf32>
      %slice3A_66 = vector.extract_strided_slice %get3A_65 {offsets = [0, 0], sizes = [1, 128], strides = [1, 1]} : vector<8x128xf32> to vector<1x128xf32>
      %concatenate3A_67 = tpu.concatenate %slice3A, %slice3A_42, %slice3A_46, %slice3A_50, %slice3A_54, %slice3A_58, %slice3A_62, %slice3A_66 in 0 : vector<1x128xf32>, vector<1x128xf32>, vector<1x128xf32>, vector<1x128xf32>, vector<1x128xf32>, vector<1x128xf32>, vector<1x128xf32>, vector<1x128xf32> -> vector<8x128xf32>
      %mul3A = arith.constant 1.000000e+01 : f32
      %mul3A_68 = vector.broadcast %mul3A : f32 to vector<8x128xf32>
      %mul3A_69 = arith.mulf %mul3A_68, %concatenate3A_67 : vector<8x128xf32>
      %add3A_70 = arith.addf %concatenate3A, %mul3A_69 : vector<8x128xf32>
      %swap3A_71 = arith.constant 0 : index
      %swap3A_72 = arith.constant 0 : index
      %swap3A_73 = vector.load %arg21[%swap3A_71, %swap3A_72] : memref<8x128xf32, #tpu.memory_space<vmem>>, vector<8x128xf32>
      tpu.vector_store %arg21[%swap3A_71, %swap3A_72], %add3A_70 {strides = array<i32>} : memref<8x128xf32, #tpu.memory_space<vmem>>, vector<8x128xf32>,
    } else {
    }
    return
  }
  func.func @transform_0(%arg0: i32) -> (i32, i32) {
    %c0_i32 = arith.constant 0 : i32
    %c0_i32_0 = arith.constant 0 : i32
    return %arg0, %c0_i32 : i32, i32
  }
  func.func @transform_1(%arg0: i32) -> (i32, i32) {
    %c0_i32 = arith.constant 0 : i32
    %c0_i32_0 = arith.constant 0 : i32
    return %arg0, %c0_i32 : i32, i32
  }
  func.func @transform_2(%arg0: i32) -> (i32, i32) {
    %c0_i32 = arith.constant 0 : i32
    %c0_i32_0 = arith.constant 0 : i32
    return %arg0, %c0_i32 : i32, i32
  }
  func.func @transform_3(%arg0: i32) -> (i32, i32) {
    %c0_i32 = arith.constant 0 : i32
    %c0_i32_0 = arith.constant 0 : i32
    %c0_i32_1 = arith.constant 0 : i32
    return %c0_i32, %c0_i32_0 : i32, i32
  }
  func.func @transform_4(%arg0: i32) -> (i32, i32) {
    %c0_i32 = arith.constant 0 : i32
    %c0_i32_0 = arith.constant 0 : i32
    %c0_i32_1 = arith.constant 0 : i32
    return %c0_i32, %c0_i32_0 : i32, i32
  }
  func.func @transform_5(%arg0: i32) -> (i32, i32) {
    %c0_i32 = arith.constant 0 : i32
    %c0_i32_0 = arith.constant 0 : i32
    %c0_i32_1 = arith.constant 0 : i32
    return %c0_i32, %c0_i32_0 : i32, i32
  }
  func.func @transform_6(%arg0: i32) -> (i32, i32) {
    %c0_i32 = arith.constant 0 : i32
    %c0_i32_0 = arith.constant 0 : i32
    %c0_i32_1 = arith.constant 0 : i32
    return %c0_i32, %c0_i32_0 : i32, i32
  }
  func.func @transform_7(%arg0: i32) -> (i32, i32) {
    %c0_i32 = arith.constant 0 : i32
    %c0_i32_0 = arith.constant 0 : i32
    %c0_i32_1 = arith.constant 0 : i32
    return %c0_i32, %c0_i32_0 : i32, i32
  }
  func.func @transform_8(%arg0: i32) -> (i32, i32) {
    %c0_i32 = arith.constant 0 : i32
    %c0_i32_0 = arith.constant 0 : i32
    %c0_i32_1 = arith.constant 0 : i32
    return %c0_i32, %c0_i32_0 : i32, i32
  }
  func.func @transform_9(%arg0: i32) -> (i32, i32) {
    %c0_i32 = arith.constant 0 : i32
    %c0_i32_0 = arith.constant 0 : i32
    %c0_i32_1 = arith.constant 0 : i32
    return %c0_i32, %c0_i32_0 : i32, i32
  }
  func.func @transform_10(%arg0: i32) -> (i32, i32) {
    %c0_i32 = arith.constant 0 : i32
    %c0_i32_0 = arith.constant 0 : i32
    %c0_i32_1 = arith.constant 0 : i32
    return %c0_i32, %c0_i32_0 : i32, i32
  }
  func.func @transform_11(%arg0: i32) -> (i32, i32) {
    %c0_i32 = arith.constant 0 : i32
    %c0_i32_0 = arith.constant 0 : i32
    %c0_i32_1 = arith.constant 0 : i32
    return %c0_i32, %c0_i32_0 : i32, i32
  }
  func.func @transform_12(%arg0: i32) -> (i32, i32) {
    %c0_i32 = arith.constant 0 : i32
    %c0_i32_0 = arith.constant 0 : i32
    %c0_i32_1 = arith.constant 0 : i32
    return %c0_i32, %c0_i32_0 : i32, i32
  }
  func.func @transform_13(%arg0: i32) -> (i32, i32) {
    %c0_i32 = arith.constant 0 : i32
    %c0_i32_0 = arith.constant 0 : i32
    %c0_i32_1 = arith.constant 0 : i32
    return %c0_i32, %c0_i32_0 : i32, i32
  }
  func.func @transform_14(%arg0: i32) -> (i32, i32) {
    %c0_i32 = arith.constant 0 : i32
    %c0_i32_0 = arith.constant 0 : i32
    %c0_i32_1 = arith.constant 0 : i32
    return %c0_i32, %c0_i32_0 : i32, i32
  }
  func.func @transform_15(%arg0: i32) -> (i32, i32) {
    %c0_i32 = arith.constant 0 : i32
    %c0_i32_0 = arith.constant 0 : i32
    %c0_i32_1 = arith.constant 0 : i32
    return %c0_i32, %c0_i32_0 : i32, i32
  }
  func.func @transform_16(%arg0: i32) -> (i32, i32) {
    %c0_i32 = arith.constant 0 : i32
    %c0_i32_0 = arith.constant 0 : i32
    %c0_i32_1 = arith.constant 0 : i32
    return %c0_i32, %c0_i32_0 : i32, i32
  }
  func.func @transform_17(%arg0: i32) -> (i32, i32) {
    %c0_i32 = arith.constant 0 : i32
    %c0_i32_0 = arith.constant 0 : i32
    %c0_i32_1 = arith.constant 0 : i32
    return %c0_i32, %c0_i32_0 : i32, i32
  }
  func.func @transform_18(%arg0: i32) -> (i32, i32) {
    %c0_i32 = arith.constant 0 : i32
    %c0_i32_0 = arith.constant 0 : i32
    %c0_i32_1 = arith.constant 0 : i32
    return %c0_i32, %c0_i32_0 : i32, i32
  }
  func.func @transform_19(%arg0: i32) -> (i32, i32) {
    %c0_i32 = arith.constant 0 : i32
    %c0_i32_0 = arith.constant 0 : i32
    return %arg0, %c0_i32 : i32, i32
  }
  func.func @transform_20(%arg0: i32) -> (i32, i32) {
    %c0_i32 = arith.constant 0 : i32
    %c0_i32_0 = arith.constant 0 : i32
    %c0_i32_1 = arith.constant 0 : i32
    return %c0_i32, %c0_i32_0 : i32, i32
  }
}

</mosaic_0001>

<sc_bundles>
// kernel: kernel.27.cloned.1.call-start
scs
__scs_entry_jumppad:
0x0: {  	(pc) =	sbr.rel $0x88, $3  }
0x1: {  	(tag) =	ssettag $0x0;
	lr =	simm.s32 $0x1  }
0x2: {  	[smem:$0x3F9F] =	sst lr;
	_ =	strace $0xD0000000  }
0x3: {  	_ = 	snop  }
0x4: {  	_ = 	snop  }
0x5: {  	_ = 	snop  }
0x6: {  	_ = 	snop  }
0x7: {  	_ = 	snop  }
__scs_overlays_trampoline_lowered:
0x8: {  	[smem:$0x3FAE] =	sst s0  }
0x9: {  	[smem:$0x3FAF] =	sst s1  }
0xa: {  	[smem:$0x3FB0] =	sst s2  }
0xb: {  	[smem:$0x3FB1] =	sst s3  }
0xc: {  	[smem:$0x3FB2] =	sst s4  }
0xd: {  	[smem:$0x3FB3] =	sst s5  }
0xe: {  	[smem:$0x3FB4] =	sst s6  }
0xf: {  	[smem:$0x3FB5] =	sst s7  }
0x10: {  	[smem:$0x3FB6] =	sst s8  }
0x11: {  	[smem:$0x3FB7] =	sst s9;
	s0 =	simm.s32 @!p0 $0x0  }
0x12: {  	s1 =	sld [smem:$0x3F9D];
	s0 =	simm.s32 @p0 $0x1  }
0x13: {  	[smem:$0x3FB8] =	sst s0;
	s0 =	simm.s32 @!p1 $0x0  }
0x14: {  	s2 =	sld [smem:$0x3F9C];
	s0 =	simm.s32 @p1 $0x1  }
0x15: {  	[smem:$0x3FB9] =	sst s0;
	s0 =	simm.s32 @!p2 $0x0  }
0x16: {  	s3 =	sld [smem:$0x3FDB];
	s0 =	simm.s32 @p2 $0x1  }
0x17: {  	s4 =	simm.s32 $0x1BF5;
	[smem:$0x3FBB] =	sst s0  }
0x18: {  	s0 =	sld [smem:$0x3F9E];
	_ =	swait.ge [sflag:s4], $0x0  }
0x19: {  	s7 =	sld [smem:$0x3F9F]  }
0x1a: {  	s8 =	sadd.s32 $0xFFFFE003, lr  }
0x1b: {  	s9 =	sadd.s32 $0xFFFFFEF7, lr;
	s5 =	simm.s32 $0xFFFFFFFF;
	p2 =	slt.u32 s8, $0xFFFFF086  }
0x1c: {  	p1 =	slt.u32 s9, $0xF7A;
	s5 =	simm.s32 @!p2 $0x0  }
0x1d: {  	s5 =	simm.s32 @p1 $0x1;
	p0 =	seq.s32 s7, s2  }
0x1e: {  	s7 =	smul.u32 @!p0 $0xF7A, s2;
	p2 =	seq.s32 @!p0 s5, $0x0  }
0x1f: {  	s9 =	smul.u32 $0xF7A, s1;
	s8 =	simm.s32 @!p0 $0x1BF5;
	p2 =	por !p2, p0  }
0x20: {  	[sflag:s8] =	ssyncset.s32 @!p0 $0xFFFFF086;
	s6 =	sadd.s32 @!p0 s3, s7;
	s7 =	simm.s32 @!p0 $0x108  }
0x21: {  	s3 =	sadd.s32 s3, s9;
	s6 =	sadd.s32 @!p0 $0x88, s6;
	s7 =	simm.s32 @p2 $0x1082  }
0x22: {  	[simem:s7], [sflag:s8] =	dma.local @!p0 [hbm:s6], $0xF7A  }
0x23: {  	s9 =	sor.u32 $0xD0000000, s2;
	s6 =	simm.s32 $0x108;
	_ =	swait.ge @!p0 [sflag:s8], $0x0  }
0x24: {  	s3 =	sadd.s32 $0x88, s3;
	s6 =	simm.s32 @!p1 $0x1082;
	[sflag:s4] =	ssyncset.s32 $0xFFFFF086  }
0x25: {  	[simem:s6], [sflag:s4] =	dma.local [hbm:s3], $0xF7A  }
0x26: {  	[smem:$0x3F9F] =	sst s1;
	(tag) =	ssettag s2;
	_ =	strace s9  }
0x27: {  	s1 =	sld [smem:$0x3FAF]  }
0x28: {  	s2 =	sld [smem:$0x3FB0]  }
0x29: {  	s4 =	sld [smem:$0x3FB2]  }
0x2a: {  	p0 =	seq.s32 s5, $0x0;
	s5 =	sld [smem:$0x3FB3]  }
0x2b: {  	s6 =	sld [smem:$0x3FB4]  }
0x2c: {  	s7 =	sld [smem:$0x3FB5]  }
0x2d: {  	s3 =	simm.s32 $0x108;
	s8 =	sld [smem:$0x3FB6]  }
0x2e: {  	s3 =	simm.s32 @!p0 $0x1082;
	s9 =	sld [smem:$0x3FB7]  }
0x2f: {  	lr =	sadd.s32 s0, s3;
	s0 =	sld [smem:$0x3FAE]  }
0x30: {  	s3 =	sld [smem:$0x3FB1]  }
0x31: {  	[smem:$0x3FBA] =	sst s10  }
0x32: {  	s10 =	sld [smem:$0x3FB8];
	_ =	sdelay $0x3  }
0x33: {  	p0 =	seq.s32 s10, $0x1;
	s10 =	sld [smem:$0x3FBA];
	_ =	sdelay $0x3  }
0x34: {  	[smem:$0x3FBA] =	sst s10  }
0x35: {  	s10 =	sld [smem:$0x3FB9];
	_ =	sdelay $0x3  }
0x36: {  	p1 =	seq.s32 s10, $0x1;
	s10 =	sld [smem:$0x3FBA];
	_ =	sdelay $0x3  }
0x37: {  	[smem:$0x3FBA] =	sst s10  }
0x38: {  	s10 =	sld [smem:$0x3FBB]  }
0x39: {  	_ = 	snop;
	(pc) =	sbr.ind lr, $3  }
0x3a: {  	_ = 	snop  }
0x3b: {  	_ = 	snop  }
0x3c: {  	p2 =	seq.s32 s10, $0x1;
	s10 =	sld [smem:$0x3FBA]  }
0x3d: {  	_ =	shalt  }
0x3e: {  	_ =	shalt  }
0x3f: {  	_ =	shalt  }
0x40: {  	_ =	shalt  }
0x41: {  	_ =	shalt  }
0x42: {  	_ =	shalt  }
0x43: {  	_ =	shalt  }
0x44: {  	_ =	shalt  }
0x45: {  	_ =	shalt  }
0x46: {  	_ =	shalt  }
0x47: {  	_ =	shalt  }
0x48: {  	_ =	shalt  }
0x49: {  	_ =	shalt  }
0x4a: {  	_ =	shalt  }
0x4b: {  	_ =	shalt  }
0x4c: {  	_ =	shalt  }
0x4d: {  	_ =	shalt  }
0x4e: {  	_ =	shalt  }
0x4f: {  	_ =	shalt  }
0x50: {  	_ =	shalt  }
0x51: {  	_ =	shalt  }
0x52: {  	_ =	shalt  }
0x53: {  	_ =	shalt  }
0x54: {  	_ =	shalt  }
0x55: {  	_ =	shalt  }
0x56: {  	_ =	shalt  }
0x57: {  	_ =	shalt  }
0x58: {  	_ =	shalt  }
0x59: {  	_ =	shalt  }
0x5a: {  	_ =	shalt  }
0x5b: {  	_ =	shalt  }
0x5c: {  	_ =	shalt  }
0x5d: {  	_ =	shalt  }
0x5e: {  	_ =	shalt  }
0x5f: {  	_ =	shalt  }
0x60: {  	_ =	shalt  }
0x61: {  	_ =	shalt  }
0x62: {  	_ =	shalt  }
0x63: {  	_ =	shalt  }
0x64: {  	_ =	shalt  }
0x65: {  	_ =	shalt  }
0x66: {  	_ =	shalt  }
0x67: {  	_ =	shalt  }
0x68: {  	_ =	shalt  }
0x69: {  	_ =	shalt  }
0x6a: {  	_ =	shalt  }
0x6b: {  	_ =	shalt  }
0x6c: {  	_ =	shalt  }
0x6d: {  	_ =	shalt  }
0x6e: {  	_ =	shalt  }
0x6f: {  	_ =	shalt  }
0x70: {  	_ =	shalt  }
0x71: {  	_ =	shalt  }
0x72: {  	_ =	shalt  }
0x73: {  	_ =	shalt  }
0x74: {  	_ =	shalt  }
0x75: {  	_ =	shalt  }
0x76: {  	_ =	shalt  }
0x77: {  	_ =	shalt  }
0x78: {  	_ =	shalt  }
0x79: {  	_ =	shalt  }
0x7a: {  	_ =	shalt  }
0x7b: {  	_ =	shalt  }
0x7c: {  	_ =	shalt  }
0x7d: {  	_ =	shalt  }
0x7e: {  	_ =	shalt  }
0x7f: {  	_ =	shalt  }
0x80: {  	_ =	shalt  }
0x81: {  	_ =	shalt  }
0x82: {  	_ =	shalt  }
0x83: {  	_ =	shalt  }
0x84: {  	_ =	shalt  }
0x85: {  	_ =	shalt  }
0x86: {  	_ =	shalt  }
0x87: {  	_ =	shalt  }
.Lfunc_end0:
.L_simem_size_0:
called_computation_lowered:
.L_overlay_start_0:
0x88: {  	s2 =	sld [smem:$0x3FD9]  }
0x89: {  	s3 =	sld [smem:$0x3FFE];
	_ =	sdelay $0x1  }
0x8a: {  	s1 =	srdreg.scid  }
0x8b: {  	s0 =	sand.u32 $0x1, s1  }
0x8c: {  	s14 =	sshll.u32 s0, $0xA;
	s2 =	sadd.s32 s3, s2  }
0x8d: {  	s2 =	sadd.s32 s2, s14  }
0x8e: {  	[smem:$0x3FC6] =	sst s2  }
0x8f: {  	_ = 	snop  }
0x90: {  	s2 =	sld [smem:$0x3FD0];
	_ =	sdelay $0x2  }
0x91: {  	s15 =	simm.s32 $0xA;
	s4 =	simm.s32 $0x10  }
0x92: {  	[smem:s4], [sflag:s15] =	dma.local [hbm:s2], $0x1  }
0x93: {  	_ =	swait.eq [sflag:s15], $0x1  }
0x94: {  	[sflag:s15] =	ssyncset.done $0x0  }
0x95: {  	[sflag:s15] =	ssyncadd.s32 $0xFFFFFFFF  }
0x96: {  	s16 =	sld [smem:$0x11];
	(tm) =	ssettm $0x1  }
0x97: {  	s17 =	sld [smem:$0x3FFB];
	_ =	sdelay $0x3  }
0x98: {  	_ =	strace s17  }
0x99: {  	s3 =	sld [smem:$0x3FFC];
	_ =	sdelay $0x3  }
0x9a: {  	_ =	strace s3  }
0x9b: {  	s3 =	sld [smem:$0x3FFD];
	_ =	sdelay $0x3  }
0x9c: {  	_ =	strace s3  }
0x9d: {  	_ =	strace $0x8FFFFFFF  }
0x9e: {  	s18 =	sld [smem:$0x3FDB];
	_ =	sdelay $0x1  }
0x9f: {  	s19 =	simm.s32 $_scs_section_size  }
0xa0: {  	s5 =	simm.s32 $_size__tile_overlayer_lowered;
	s6 =	simm.s32 $_tile_overlayer_lowered  }
0xa1: {  	s22 =	simm.s32 $0x1BFF;
	s21 =	sshll.u32 s6, $0x1;
	s3 =	sadd.s32 s19, s18  }
0xa2: {  	s7 =	simm.s32 $0x0;
	s20 =	sshll.u32 s5, $0x1;
	s5 =	sadd.s32 s21, s3  }
0xa3: {  	[timem:s7], [sflag:s22] =	dma.local [hbm:s5], s20  }
0xa4: {  	_ =	swait.ge [sflag:s22], s20  }
0xa5: {  	s4 =	ssub.s32 $0x0, s20;
	[sflag:s22] =	ssyncset.done $0x0  }
0xa6: {  	[sflag:s22] =	ssyncadd.s32 s4;
	_ =	sdelay $0x1  }
0xa7: {  	s23 =	simm.s32 $0x1B8B  }
0xa8: {  	_ =	swait.ge [sflag:s23], $0x1  }
0xa9: {  	[sflag:s23] =	ssyncset.done $0x0  }
0xaa: {  	s25 =	simm.s32 $0x1B8E;
	s24 =	sld [smem:$0x3FFE];
	[sflag:s23] =	ssyncadd.s32 $0xFFFFFFFF  }
0xab: {  	s26 =	simm.s32 $execute0_lowered;
	[smem:$0x3FD2] =	sst s25  }
0xac: {  	s5 =	sshll.u32 s26, $0x1;
	_ =	strace $0x80000046;
	[dreg:$0x1] =	wrdreg $0xFFFFFFFF  }
0xad: {  	s28 =	simm.s32 $_size_execute0_lowered;
	s3 =	sadd.s32 s3, s5;
	[dreg:$0x0] =	wrdreg $0x0  }
0xae: {  	s5 =	sshll.u32 s28, $0x1;
	[dreg:$0x2] =	wrdreg s3  }
0xaf: {  	[dreg:$0x3] =	wrdreg s5  }
0xb0: {  	[dreg:$0x4] =	wrdreg $0xC0  }
0xb1: {  	_ =	task [dreg:s7], $0x5FFFF  }
0xb2: {  	[dreg:$0x1] =	wrdreg $0xFFFFFFFF  }
0xb3: {  	[dreg:$0x0] =	wrdreg $0x60  }
0xb4: {  	[dreg:$0x2] =	wrdreg s24  }
0xb5: {  	[dreg:$0x3] =	wrdreg s16  }
0xb6: {  	[dreg:$0x4] =	wrdreg $0x9  }
0xb7: {  	_ =	task.clear_ibuf [dreg:s7], $0x5FFFF;
	_ =	strace $0x90000046  }
0xb8: {  	s29 =	simm.s32 $0x9;
	_ =	strace $0x80000048  }
0xb9: {  	_ =	swait.ge [sflag:s29], $0x1  }
0xba: {  	[sflag:s29] =	ssyncadd.s32 $0xFFFFFFFF  }
0xbb: {  	_ =	strace $0x90000048  }
0xbc: {  	_ =	sfence  }
0xbd: {  	s30 =	sld [smem:$0x0];
	_ =	sdelay $0x2  }
0xbe: {  	s31 =	sshll.u32 s1, $0xD;
	s1 =	sshrl.u32 s1, $0x2  }
0xbf: {  	s3 =	sand.u32 $0x4000, s31;
	s1 =	sadd.s32 s1, s30  }
0xc0: {  	s0 =	sor.u32 s3, s0;
	s1 =	sshll.u32 s1, $0x11  }
0xc1: {  	s0 =	sor.u32 s1, s0  }
0xc2: {  	s0 =	sadd.s32 $0x8F2B, s0  }
0xc3: {  	[sflag:s0] =	ssyncadd.remote.s32 $0x1  }
0xc4: {  	_ =	sfence.sel $0xFFFF  }
0xc5: {  	[dreg:$0x0] =	wrdreg $0xFFFFFFFF;
	(pc) =	sbr.abs _section_cstart, $3  }
0xc6: {  	[dreg:$0x1] =	wrdreg $0xFFFFFFFF  }
0xc7: {  	_ =	task.clear_ibuf [dreg:s7], $0x2FFFF;
	_ =	strace $0x9FFFFFFF  }
0xc8: {  	(tm) =	ssettm $0x7FFFFFFF  }
0xc9: {  	_ =	shalt  }
tec
execute0_lowered:
.L_overlay_start_1:
0x0: {  	(tag) =	ssettag $0x1  }
0x1: {  	s1 =	srdreg.scid  }
0x2: {  	s5 =	rddreg [dreg:$0x0];
	s0 =	stileid.u32  }
0x3: {  	s4 =	rddreg [dreg:$0x1];
	s2 =	simm.s32 $0x0;
	s26 =	simm.s32 $0x880  }
0x4: {  	s9 =	simm.s32 $0x1080;
	s10 =	simm.s32 $0x1880;
	s11 =	simm.s32 $0x2080  }
0x5: {  	s12 =	simm.s32 $0x2880;
	s13 =	simm.s32 $0x3080;
	s14 =	simm.s32 $0x3880  }
0x6: {  	s15 =	simm.s32 $0x4080;
	s16 =	simm.s32 $0x4880;
	s17 =	simm.s32 $0x5080  }
0x7: {  	s18 =	simm.s32 $0x5880;
	s19 =	simm.s32 $0x6080;
	s20 =	simm.s32 $0x6880  }
0x8: {  	s21 =	simm.s32 $0x7080;
	s22 =	simm.s32 $0x7880;
	s23 =	simm.s32 $0x8080  }
0x9: {  	s24 =	simm.s32 $0x8880;
	s28 =	simm.s32 $0xA080;
	s29 =	simm.s32 $0xA880  }
0xa: {  	s30 =	simm.s32 $0xB080;
	s31 =	simm.s32 $0xB880;
	s1 =	sand.u32 $0x1, s1  }
0xb: {  	s3 =	sshll.u32 s0, $0x4;
	[smem:$0x7FF] =	sst s2;
	s6 =	sshll.u32 s1, $0x3  }
0xc: {  	s1 =	ssub.s32 $0x2, s1;
	_ =	strace $0x80000047;
	[dreg:$0x5] =	wrdreg s26  }
0xd: {  	s26 =	simm.s32 $0x9880;
	s6 =	sor.u32 s6, s3;
	s3 =	sadd.s32 $0xCE00, s5  }
0xe: {  	s8 =	sshrl.u32 s1, $0x1;
	s7 =	smul.u32 $0x300, s6;
	s4 =	sadd.s32 s4, s6  }
0xf: {  	s1 =	ssub.s32 s1, s8;
	s8 =	simm.s32 $0x80;
	[dreg:$0x3] =	wrdreg s4  }
0x10: {  	v2 =	vlaneseq.u32;
	s4 =	sadd.s32 $0xCF00, s5;
	s6 =	smax.u32 s1, $0x1;
	s7 =	sadd.s32 s7, s5  }
0x11: {  	vm0 =	vmmov $0xffff;
	v1 =	vshrl.u32 v2, $0x3;
	s1 =	simm.s32 $0x1;
	s5 =	sadd.s32 $0xD000, s5;
	s25 =	sadd.s32 $0x75000, s7  }
0x12: {  	v0 =	vand.u32 $0x7, v2;
	v2 =	vor.u32 $0x8, v2;
	v1 =	vmul.u32 $0x8, v1;
	s7 =	simm.s32 $0x2;
	[dreg:$0x4] =	wrdreg s25;
	s25 =	simm.s32 $0x9080  }
.LBB2_1:
0x13: {  	s0 =	rddreg [dreg:$0x3]  }
0x14: {  	[tilespmem:s2], [sflag:$0x2] =	stream.linear.gather [hbm4b:s0+s2], $0x40, $0x38;
	[tilespmem:$0xC080] =	vst v63  }
0x15: {  	_ =	swait.ge [sflag:s7], $0x40  }
0x16: {  	[sflag:s7] =	ssyncset.done $0x0  }
0x17: {  	[sflag:s7] =	ssyncadd.s32 $0xFFFFFFC0  }
0x18: {  	v3 =	vld [tilespmem:$0x0];
	_ =	sdelay $0x4  }
0x19: {  	v4 =	vshrl.u32 v3, $0x3  }
0x1a: {  	v4 =	vmul.u32 $0x30, v4  }
0x1b: {  	v3 =	vand.u32 $0x7, v3  }
0x1c: {  	v3 =	vor.u32 v3, v4  }
0x1d: {  	v4 =	vperm.xlane v3, v0;
	_ =	sdelay $0x1  }
0x1e: {  	v4 =	vadd.s32 v1, v4;
	_ =	sdelay $0x3  }
0x1f: {  	v3 =	vperm.xlane v3, v2  }
0x20: {  	[tilespmem:s8], [sflag:$0x1] =	stream.indirect_vreg.gather [hbm4b:s3+s2], $0x80, v4, vm0, $0xb8;
	[tilespmem:$0xC080] =	vst v63  }
0x21: {  	s0 =	rddreg [dreg:$0x5];
	v3 =	vadd.s32 v1, v3  }
0x22: {  	[tilespmem:s0], [sflag:$0x1] =	stream.indirect_vreg.gather [hbm4b:s4+s2], $0x80, v4, vm0, $0xb8;
	[tilespmem:$0xC080] =	vst v63  }
0x23: {  	_ = 	snop  }
0x24: {  	[tilespmem:s9], [sflag:$0x1] =	stream.indirect_vreg.gather [hbm4b:s5+s2], $0x80, v4, vm0, $0xb8;
	[tilespmem:$0xC080] =	vst v63  }
0x25: {  	_ = 	snop  }
0x26: {  	[tilespmem:s10], [sflag:$0x1] =	stream.indirect_vreg.gather [hbm4b:s3+s2], $0x80, v3, vm0, $0xb8;
	[tilespmem:$0xC080] =	vst v63  }
0x27: {  	_ = 	snop  }
0x28: {  	[tilespmem:s11], [sflag:$0x1] =	stream.indirect_vreg.gather [hbm4b:s4+s2], $0x80, v3, vm0, $0xb8;
	[tilespmem:$0xC080] =	vst v63  }
0x29: {  	_ = 	snop  }
0x2a: {  	[tilespmem:s12], [sflag:$0x1] =	stream.indirect_vreg.gather [hbm4b:s5+s2], $0x80, v3, vm0, $0xb8;
	[tilespmem:$0xC080] =	vst v63  }
0x2b: {  	v3 =	vld [tilespmem:$0x10];
	_ =	sdelay $0x4  }
0x2c: {  	v61 =	vshrl.u32 v3, $0x3  }
0x2d: {  	v4 =	vmul.u32 $0x30, v61  }
0x2e: {  	v3 =	vand.u32 $0x7, v3  }
0x2f: {  	v3 =	vor.u32 v3, v4  }
0x30: {  	v4 =	vperm.xlane v3, v0;
	_ =	sdelay $0x1  }
0x31: {  	v4 =	vadd.s32 v1, v4;
	_ =	sdelay $0x3  }
0x32: {  	v3 =	vperm.xlane v3, v2  }
0x33: {  	[tilespmem:s13], [sflag:$0x1] =	stream.indirect_vreg.gather [hbm4b:s3+s2], $0x80, v4, vm0, $0xb8;
	[tilespmem:$0xC080] =	vst v63  }
0x34: {  	v3 =	vadd.s32 v1, v3  }
0x35: {  	[tilespmem:s14], [sflag:$0x1] =	stream.indirect_vreg.gather [hbm4b:s4+s2], $0x80, v4, vm0, $0xb8;
	[tilespmem:$0xC080] =	vst v63  }
0x36: {  	_ = 	snop  }
0x37: {  	[tilespmem:s15], [sflag:$0x1] =	stream.indirect_vreg.gather [hbm4b:s5+s2], $0x80, v4, vm0, $0xb8;
	[tilespmem:$0xC080] =	vst v63  }
0x38: {  	_ = 	snop  }
0x39: {  	[tilespmem:s16], [sflag:$0x1] =	stream.indirect_vreg.gather [hbm4b:s3+s2], $0x80, v3, vm0, $0xb8;
	[tilespmem:$0xC080] =	vst v63  }
0x3a: {  	_ = 	snop  }
0x3b: {  	[tilespmem:s17], [sflag:$0x1] =	stream.indirect_vreg.gather [hbm4b:s4+s2], $0x80, v3, vm0, $0xb8;
	[tilespmem:$0xC080] =	vst v63  }
0x3c: {  	_ = 	snop  }
0x3d: {  	[tilespmem:s18], [sflag:$0x1] =	stream.indirect_vreg.gather [hbm4b:s5+s2], $0x80, v3, vm0, $0xb8;
	[tilespmem:$0xC080] =	vst v63  }
0x3e: {  	v3 =	vld [tilespmem:$0x20];
	_ =	sdelay $0x4  }
0x3f: {  	v62 =	vshrl.u32 v3, $0x3  }
0x40: {  	v4 =	vmul.u32 $0x30, v62  }
0x41: {  	v3 =	vand.u32 $0x7, v3  }
0x42: {  	v3 =	vor.u32 v3, v4  }
0x43: {  	v4 =	vperm.xlane v3, v0;
	_ =	sdelay $0x1  }
0x44: {  	v4 =	vadd.s32 v1, v4;
	_ =	sdelay $0x3  }
0x45: {  	v3 =	vperm.xlane v3, v2  }
0x46: {  	[tilespmem:s19], [sflag:$0x1] =	stream.indirect_vreg.gather [hbm4b:s3+s2], $0x80, v4, vm0, $0xb8;
	[tilespmem:$0xC080] =	vst v63  }
0x47: {  	v3 =	vadd.s32 v1, v3  }
0x48: {  	[tilespmem:s20], [sflag:$0x1] =	stream.indirect_vreg.gather [hbm4b:s4+s2], $0x80, v4, vm0, $0xb8;
	[tilespmem:$0xC080] =	vst v63  }
0x49: {  	_ = 	snop  }
0x4a: {  	[tilespmem:s21], [sflag:$0x1] =	stream.indirect_vreg.gather [hbm4b:s5+s2], $0x80, v4, vm0, $0xb8;
	[tilespmem:$0xC080] =	vst v63  }
0x4b: {  	_ = 	snop  }
0x4c: {  	[tilespmem:s22], [sflag:$0x1] =	stream.indirect_vreg.gather [hbm4b:s3+s2], $0x80, v3, vm0, $0xb8;
	[tilespmem:$0xC080] =	vst v63  }
0x4d: {  	_ = 	snop  }
0x4e: {  	[tilespmem:s23], [sflag:$0x1] =	stream.indirect_vreg.gather [hbm4b:s4+s2], $0x80, v3, vm0, $0xb8;
	[tilespmem:$0xC080] =	vst v63  }
0x4f: {  	_ = 	snop  }
0x50: {  	[tilespmem:s24], [sflag:$0x1] =	stream.indirect_vreg.gather [hbm4b:s5+s2], $0x80, v3, vm0, $0xb8;
	[tilespmem:$0xC080] =	vst v63  }
0x51: {  	v3 =	vld [tilespmem:$0x30];
	_ =	sdelay $0x4  }
0x52: {  	v63 =	vshrl.u32 v3, $0x3  }
0x53: {  	v4 =	vmul.u32 $0x30, v63  }
0x54: {  	v3 =	vand.u32 $0x7, v3  }
0x55: {  	v3 =	vor.u32 v3, v4  }
0x56: {  	v4 =	vperm.xlane v3, v0;
	_ =	sdelay $0x1  }
0x57: {  	v4 =	vadd.s32 v1, v4;
	_ =	sdelay $0x3  }
0x58: {  	v3 =	vperm.xlane v3, v2  }
0x59: {  	[tilespmem:s25], [sflag:$0x1] =	stream.indirect_vreg.gather [hbm4b:s3+s2], $0x80, v4, vm0, $0xb8;
	[tilespmem:$0xC080] =	vst v63  }
0x5a: {  	v3 =	vadd.s32 v1, v3  }
0x5b: {  	[tilespmem:s26], [sflag:$0x1] =	stream.indirect_vreg.gather [hbm4b:s4+s2], $0x80, v4, vm0, $0xb8;
	[tilespmem:$0xC080] =	vst v63  }
0x5c: {  	_ = 	snop  }
0x5d: {  	[tilespmem:s28], [sflag:$0x1] =	stream.indirect_vreg.gather [hbm4b:s5+s2], $0x80, v4, vm0, $0xb8;
	[tilespmem:$0xC080] =	vst v63  }
0x5e: {  	_ = 	snop  }
0x5f: {  	[tilespmem:s29], [sflag:$0x1] =	stream.indirect_vreg.gather [hbm4b:s3+s2], $0x80, v3, vm0, $0xb8;
	[tilespmem:$0xC080] =	vst v63  }
0x60: {  	_ = 	snop  }
0x61: {  	[tilespmem:s30], [sflag:$0x1] =	stream.indirect_vreg.gather [hbm4b:s4+s2], $0x80, v3, vm0, $0xb8;
	[tilespmem:$0xC080] =	vst v63  }
0x62: {  	_ = 	snop  }
0x63: {  	[tilespmem:s31], [sflag:$0x1] =	stream.indirect_vreg.gather [hbm4b:s5+s2], $0x80, v3, vm0, $0xb8;
	[tilespmem:$0xC080] =	vst v63  }
0x64: {  	_ =	swait.ge [sflag:s1], $0xC000  }
0x65: {  	p0 =	sne.s32 s6, $0x1;
	[sflag:s1] =	ssyncset.done $0x0  }
.Ltmp0:
0x66: {  	s0 =	rddreg [dreg:$0x4];
	[sflag:s1] =	ssyncadd.s32 $0xFFFF4000;
	(pc) =	sbr.rel @p0 .LBB2_1-.Ltmp0, $4  }
0x67: {  	[hbm4b:s0+s2] =	stream.linear.scatter [tilespmem:s8], [sflag:$0x2], $0xC000, $0x38;
	[tilespmem:$0xC080] =	vst v63  }
0x68: {  	_ =	swait.ge [sflag:s7], $0xC000  }
0x69: {  	[sflag:s7] =	ssyncset.done $0x0  }
0x6a: {  	s6 =	sadd.s32 $0xFFFFFFFF, s6;
	[sflag:s7] =	ssyncadd.s32 $0xFFFF4000  }
0x6b: {  	_ =	sfence.sel $0x180000  }
0x6c: {  	[bflag:$0x0] =	sbarrier.arrive $0xFFFF  }
0x6d: {  	_ =	strace $0x90000047  }
0x6e: {  	s0 =	stileid.u32;
	[bflag:$0x2] =	sbarrier.arrive $0xFFFF  }
0x6f: {  	p0 =	sne.s32 s0, $0x0;
	s0 =	rddreg [dreg:$0x2]  }
0x70: {  	s0 =	sadd.s32 @!p0 $0x100000, s0  }
0x71: {  	[sflag:s0] =	ssyncadd.tile.s32 @!p0 $0x1;
	_ =	shalt  }
.Lfunc_end2:
_tile_overlayer_lowered:
.L_overlay_start_2:
0x72: {  	(tag) =	ssettag $0x2  }
0x73: {  	s0 =	rddreg [dreg:$0x0];
	s2 =	stileid.u32  }
0x74: {  	s1 =	rddreg [dreg:$0x1];
	p0 =	sne.s32 s2, $0x0  }
0x75: {  	s3 =	rddreg [dreg:$0x2];
	[bflag:$0x3] =	sbarrier.arrive $0xFFFF;
	s2 =	simm.s32 @!p0 $0x1C02  }
0x76: {  	[timem:s3], [sflag:s2] =	dma.local @!p0 [hbm:s0], s1  }
0x77: {  	s0 =	simm.s32 @!p0 $0x2  }
0x78: {  	_ =	swait.ge @!p0 [sflag:s0], s1  }
0x79: {  	s1 =	ssub.s32 @!p0 $0x0, s1;
	[sflag:s0] =	ssyncset.done @!p0 $0x0  }
0x7a: {  	[sflag:s0] =	ssyncadd.s32 @!p0 s1  }
0x7b: {  	[bflag:$0x3] =	sbarrier.arrive $0xFFFF  }
0x7c: {  	_ =	shalt  }

// kernel: kernel.30.cloned.1.call-start
scs
__scs_entry_jumppad:
0x0: {  	(pc) =	sbr.rel $0x88, $3  }
0x1: {  	(tag) =	ssettag $0x0;
	lr =	simm.s32 $0x1  }
0x2: {  	[smem:$0x3F9F] =	sst lr;
	_ =	strace $0xD0000000  }
0x3: {  	_ = 	snop  }
0x4: {  	_ = 	snop  }
0x5: {  	_ = 	snop  }
0x6: {  	_ = 	snop  }
0x7: {  	_ = 	snop  }
__scs_overlays_trampoline_lowered:
0x8: {  	[smem:$0x3FAE] =	sst s0  }
0x9: {  	[smem:$0x3FAF] =	sst s1  }
0xa: {  	[smem:$0x3FB0] =	sst s2  }
0xb: {  	[smem:$0x3FB1] =	sst s3  }
0xc: {  	[smem:$0x3FB2] =	sst s4  }
0xd: {  	[smem:$0x3FB3] =	sst s5  }
0xe: {  	[smem:$0x3FB4] =	sst s6  }
0xf: {  	[smem:$0x3FB5] =	sst s7  }
0x10: {  	[smem:$0x3FB6] =	sst s8  }
0x11: {  	[smem:$0x3FB7] =	sst s9;
	s0 =	simm.s32 @!p0 $0x0  }
0x12: {  	s1 =	sld [smem:$0x3F9D];
	s0 =	simm.s32 @p0 $0x1  }
0x13: {  	[smem:$0x3FB8] =	sst s0;
	s0 =	simm.s32 @!p1 $0x0  }
0x14: {  	s2 =	sld [smem:$0x3F9C];
	s0 =	simm.s32 @p1 $0x1  }
0x15: {  	[smem:$0x3FB9] =	sst s0;
	s0 =	simm.s32 @!p2 $0x0  }
0x16: {  	s3 =	sld [smem:$0x3FDB];
	s0 =	simm.s32 @p2 $0x1  }
0x17: {  	s4 =	simm.s32 $0x1BF5;
	[smem:$0x3FBB] =	sst s0  }
0x18: {  	s0 =	sld [smem:$0x3F9E];
	_ =	swait.ge [sflag:s4], $0x0  }
0x19: {  	s7 =	sld [smem:$0x3F9F]  }
0x1a: {  	s8 =	sadd.s32 $0xFFFFE003, lr  }
0x1b: {  	s9 =	sadd.s32 $0xFFFFFEF7, lr;
	s5 =	simm.s32 $0xFFFFFFFF;
	p2 =	slt.u32 s8, $0xFFFFF086  }
0x1c: {  	p1 =	slt.u32 s9, $0xF7A;
	s5 =	simm.s32 @!p2 $0x0  }
0x1d: {  	s5 =	simm.s32 @p1 $0x1;
	p0 =	seq.s32 s7, s2  }
0x1e: {  	s7 =	smul.u32 @!p0 $0xF7A, s2;
	p2 =	seq.s32 @!p0 s5, $0x0  }
0x1f: {  	s9 =	smul.u32 $0xF7A, s1;
	s8 =	simm.s32 @!p0 $0x1BF5;
	p2 =	por !p2, p0  }
0x20: {  	[sflag:s8] =	ssyncset.s32 @!p0 $0xFFFFF086;
	s6 =	sadd.s32 @!p0 s3, s7;
	s7 =	simm.s32 @!p0 $0x108  }
0x21: {  	s3 =	sadd.s32 s3, s9;
	s6 =	sadd.s32 @!p0 $0x88, s6;
	s7 =	simm.s32 @p2 $0x1082  }
0x22: {  	[simem:s7], [sflag:s8] =	dma.local @!p0 [hbm:s6], $0xF7A  }
0x23: {  	s9 =	sor.u32 $0xD0000000, s2;
	s6 =	simm.s32 $0x108;
	_ =	swait.ge @!p0 [sflag:s8], $0x0  }
0x24: {  	s3 =	sadd.s32 $0x88, s3;
	s6 =	simm.s32 @!p1 $0x1082;
	[sflag:s4] =	ssyncset.s32 $0xFFFFF086  }
0x25: {  	[simem:s6], [sflag:s4] =	dma.local [hbm:s3], $0xF7A  }
0x26: {  	[smem:$0x3F9F] =	sst s1;
	(tag) =	ssettag s2;
	_ =	strace s9  }
0x27: {  	s1 =	sld [smem:$0x3FAF]  }
0x28: {  	s2 =	sld [smem:$0x3FB0]  }
0x29: {  	s4 =	sld [smem:$0x3FB2]  }
0x2a: {  	p0 =	seq.s32 s5, $0x0;
	s5 =	sld [smem:$0x3FB3]  }
0x2b: {  	s6 =	sld [smem:$0x3FB4]  }
0x2c: {  	s7 =	sld [smem:$0x3FB5]  }
0x2d: {  	s3 =	simm.s32 $0x108;
	s8 =	sld [smem:$0x3FB6]  }
0x2e: {  	s3 =	simm.s32 @!p0 $0x1082;
	s9 =	sld [smem:$0x3FB7]  }
0x2f: {  	lr =	sadd.s32 s0, s3;
	s0 =	sld [smem:$0x3FAE]  }
0x30: {  	s3 =	sld [smem:$0x3FB1]  }
0x31: {  	[smem:$0x3FBA] =	sst s10  }
0x32: {  	s10 =	sld [smem:$0x3FB8];
	_ =	sdelay $0x3  }
0x33: {  	p0 =	seq.s32 s10, $0x1;
	s10 =	sld [smem:$0x3FBA];
	_ =	sdelay $0x3  }
0x34: {  	[smem:$0x3FBA] =	sst s10  }
0x35: {  	s10 =	sld [smem:$0x3FB9];
	_ =	sdelay $0x3  }
0x36: {  	p1 =	seq.s32 s10, $0x1;
	s10 =	sld [smem:$0x3FBA];
	_ =	sdelay $0x3  }
0x37: {  	[smem:$0x3FBA] =	sst s10  }
0x38: {  	s10 =	sld [smem:$0x3FBB]  }
0x39: {  	_ = 	snop;
	(pc) =	sbr.ind lr, $3  }
0x3a: {  	_ = 	snop  }
0x3b: {  	_ = 	snop  }
0x3c: {  	p2 =	seq.s32 s10, $0x1;
	s10 =	sld [smem:$0x3FBA]  }
0x3d: {  	_ =	shalt  }
0x3e: {  	_ =	shalt  }
0x3f: {  	_ =	shalt  }
0x40: {  	_ =	shalt  }
0x41: {  	_ =	shalt  }
0x42: {  	_ =	shalt  }
0x43: {  	_ =	shalt  }
0x44: {  	_ =	shalt  }
0x45: {  	_ =	shalt  }
0x46: {  	_ =	shalt  }
0x47: {  	_ =	shalt  }
0x48: {  	_ =	shalt  }
0x49: {  	_ =	shalt  }
0x4a: {  	_ =	shalt  }
0x4b: {  	_ =	shalt  }
0x4c: {  	_ =	shalt  }
0x4d: {  	_ =	shalt  }
0x4e: {  	_ =	shalt  }
0x4f: {  	_ =	shalt  }
0x50: {  	_ =	shalt  }
0x51: {  	_ =	shalt  }
0x52: {  	_ =	shalt  }
0x53: {  	_ =	shalt  }
0x54: {  	_ =	shalt  }
0x55: {  	_ =	shalt  }
0x56: {  	_ =	shalt  }
0x57: {  	_ =	shalt  }
0x58: {  	_ =	shalt  }
0x59: {  	_ =	shalt  }
0x5a: {  	_ =	shalt  }
0x5b: {  	_ =	shalt  }
0x5c: {  	_ =	shalt  }
0x5d: {  	_ =	shalt  }
0x5e: {  	_ =	shalt  }
0x5f: {  	_ =	shalt  }
0x60: {  	_ =	shalt  }
0x61: {  	_ =	shalt  }
0x62: {  	_ =	shalt  }
0x63: {  	_ =	shalt  }
0x64: {  	_ =	shalt  }
0x65: {  	_ =	shalt  }
0x66: {  	_ =	shalt  }
0x67: {  	_ =	shalt  }
0x68: {  	_ =	shalt  }
0x69: {  	_ =	shalt  }
0x6a: {  	_ =	shalt  }
0x6b: {  	_ =	shalt  }
0x6c: {  	_ =	shalt  }
0x6d: {  	_ =	shalt  }
0x6e: {  	_ =	shalt  }
0x6f: {  	_ =	shalt  }
0x70: {  	_ =	shalt  }
0x71: {  	_ =	shalt  }
0x72: {  	_ =	shalt  }
0x73: {  	_ =	shalt  }
0x74: {  	_ =	shalt  }
0x75: {  	_ =	shalt  }
0x76: {  	_ =	shalt  }
0x77: {  	_ =	shalt  }
0x78: {  	_ =	shalt  }
0x79: {  	_ =	shalt  }
0x7a: {  	_ =	shalt  }
0x7b: {  	_ =	shalt  }
0x7c: {  	_ =	shalt  }
0x7d: {  	_ =	shalt  }
0x7e: {  	_ =	shalt  }
0x7f: {  	_ =	shalt  }
0x80: {  	_ =	shalt  }
0x81: {  	_ =	shalt  }
0x82: {  	_ =	shalt  }
0x83: {  	_ =	shalt  }
0x84: {  	_ =	shalt  }
0x85: {  	_ =	shalt  }
0x86: {  	_ =	shalt  }
0x87: {  	_ =	shalt  }
.Lfunc_end0:
.L_simem_size_0:
called_computation.1_lowered:
.L_overlay_start_0:
0x88: {  	s2 =	sld [smem:$0x3FD9]  }
0x89: {  	s3 =	sld [smem:$0x3FFE];
	_ =	sdelay $0x1  }
0x8a: {  	s1 =	srdreg.scid  }
0x8b: {  	s0 =	sand.u32 $0x1, s1  }
0x8c: {  	s14 =	sshll.u32 s0, $0xA;
	s2 =	sadd.s32 s3, s2  }
0x8d: {  	s2 =	sadd.s32 s2, s14  }
0x8e: {  	[smem:$0x3FC6] =	sst s2  }
0x8f: {  	_ = 	snop  }
0x90: {  	s2 =	sld [smem:$0x3FD0];
	_ =	sdelay $0x2  }
0x91: {  	s15 =	simm.s32 $0xA;
	s4 =	simm.s32 $0x10  }
0x92: {  	[smem:s4], [sflag:s15] =	dma.local [hbm:s2], $0x1  }
0x93: {  	_ =	swait.eq [sflag:s15], $0x1  }
0x94: {  	[sflag:s15] =	ssyncset.done $0x0  }
0x95: {  	[sflag:s15] =	ssyncadd.s32 $0xFFFFFFFF  }
0x96: {  	s16 =	sld [smem:$0x11];
	(tm) =	ssettm $0x1  }
0x97: {  	s17 =	sld [smem:$0x3FFB];
	_ =	sdelay $0x3  }
0x98: {  	_ =	strace s17  }
0x99: {  	s3 =	sld [smem:$0x3FFC];
	_ =	sdelay $0x3  }
0x9a: {  	_ =	strace s3  }
0x9b: {  	s3 =	sld [smem:$0x3FFD];
	_ =	sdelay $0x3  }
0x9c: {  	_ =	strace s3  }
0x9d: {  	_ =	strace $0x8FFFFFFF  }
0x9e: {  	s18 =	sld [smem:$0x3FDB];
	_ =	sdelay $0x1  }
0x9f: {  	s19 =	simm.s32 $_scs_section_size  }
0xa0: {  	s5 =	simm.s32 $_size__tile_overlayer_lowered;
	s6 =	simm.s32 $_tile_overlayer_lowered  }
0xa1: {  	s22 =	simm.s32 $0x1BFF;
	s21 =	sshll.u32 s6, $0x1;
	s3 =	sadd.s32 s19, s18  }
0xa2: {  	s7 =	simm.s32 $0x0;
	s20 =	sshll.u32 s5, $0x1;
	s5 =	sadd.s32 s21, s3  }
0xa3: {  	[timem:s7], [sflag:s22] =	dma.local [hbm:s5], s20  }
0xa4: {  	_ =	swait.ge [sflag:s22], s20  }
0xa5: {  	s4 =	ssub.s32 $0x0, s20;
	[sflag:s22] =	ssyncset.done $0x0  }
0xa6: {  	[sflag:s22] =	ssyncadd.s32 s4;
	_ =	sdelay $0x1  }
0xa7: {  	s23 =	simm.s32 $0x1B8B  }
0xa8: {  	_ =	swait.ge [sflag:s23], $0x1  }
0xa9: {  	[sflag:s23] =	ssyncset.done $0x0  }
0xaa: {  	s25 =	simm.s32 $0x1B8E;
	s24 =	sld [smem:$0x3FFE];
	[sflag:s23] =	ssyncadd.s32 $0xFFFFFFFF  }
0xab: {  	s26 =	simm.s32 $execute0_lowered;
	[smem:$0x3FD2] =	sst s25  }
0xac: {  	s5 =	sshll.u32 s26, $0x1;
	_ =	strace $0x80000049;
	[dreg:$0x1] =	wrdreg $0xFFFFFFFF  }
0xad: {  	s28 =	simm.s32 $_size_execute0_lowered;
	s3 =	sadd.s32 s3, s5;
	[dreg:$0x0] =	wrdreg $0x0  }
0xae: {  	s5 =	sshll.u32 s28, $0x1;
	[dreg:$0x2] =	wrdreg s3  }
0xaf: {  	[dreg:$0x3] =	wrdreg s5  }
0xb0: {  	[dreg:$0x4] =	wrdreg $0xC0  }
0xb1: {  	_ =	task [dreg:s7], $0x5FFFF  }
0xb2: {  	[dreg:$0x1] =	wrdreg $0xFFFFFFFF  }
0xb3: {  	[dreg:$0x0] =	wrdreg $0x60  }
0xb4: {  	[dreg:$0x2] =	wrdreg s24  }
0xb5: {  	[dreg:$0x3] =	wrdreg s16  }
0xb6: {  	[dreg:$0x4] =	wrdreg $0x9  }
0xb7: {  	_ =	task.clear_ibuf [dreg:s7], $0x5FFFF;
	_ =	strace $0x90000049  }
0xb8: {  	s29 =	simm.s32 $0x9;
	_ =	strace $0x8000004B  }
0xb9: {  	_ =	swait.ge [sflag:s29], $0x1  }
0xba: {  	[sflag:s29] =	ssyncadd.s32 $0xFFFFFFFF  }
0xbb: {  	_ =	strace $0x9000004B  }
0xbc: {  	_ =	sfence  }
0xbd: {  	s30 =	sld [smem:$0x0];
	_ =	sdelay $0x2  }
0xbe: {  	s31 =	sshll.u32 s1, $0xD;
	s1 =	sshrl.u32 s1, $0x2  }
0xbf: {  	s3 =	sand.u32 $0x4000, s31;
	s1 =	sadd.s32 s1, s30  }
0xc0: {  	s0 =	sor.u32 s3, s0;
	s1 =	sshll.u32 s1, $0x11  }
0xc1: {  	s0 =	sor.u32 s1, s0  }
0xc2: {  	s0 =	sadd.s32 $0x8F2B, s0  }
0xc3: {  	[sflag:s0] =	ssyncadd.remote.s32 $0x1  }
0xc4: {  	_ =	sfence.sel $0xFFFF  }
0xc5: {  	[dreg:$0x0] =	wrdreg $0xFFFFFFFF;
	(pc) =	sbr.abs _section_cstart, $3  }
0xc6: {  	[dreg:$0x1] =	wrdreg $0xFFFFFFFF  }
0xc7: {  	_ =	task.clear_ibuf [dreg:s7], $0x2FFFF;
	_ =	strace $0x9FFFFFFF  }
0xc8: {  	(tm) =	ssettm $0x7FFFFFFF  }
0xc9: {  	_ =	shalt  }
tec
execute0_lowered:
.L_overlay_start_1:
0x0: {  	(tag) =	ssettag $0x1  }
0x1: {  	s1 =	srdreg.scid  }
0x2: {  	s5 =	rddreg [dreg:$0x0];
	s0 =	stileid.u32  }
0x3: {  	s4 =	rddreg [dreg:$0x1];
	s2 =	simm.s32 $0x0;
	s26 =	simm.s32 $0x880  }
0x4: {  	s9 =	simm.s32 $0x1080;
	s10 =	simm.s32 $0x1880;
	s11 =	simm.s32 $0x2080  }
0x5: {  	s12 =	simm.s32 $0x2880;
	s13 =	simm.s32 $0x3080;
	s14 =	simm.s32 $0x3880  }
0x6: {  	s15 =	simm.s32 $0x4080;
	s16 =	simm.s32 $0x4880;
	s17 =	simm.s32 $0x5080  }
0x7: {  	s18 =	simm.s32 $0x5880;
	s19 =	simm.s32 $0x6080;
	s20 =	simm.s32 $0x6880  }
0x8: {  	s21 =	simm.s32 $0x7080;
	s22 =	simm.s32 $0x7880;
	s23 =	simm.s32 $0x8080  }
0x9: {  	s24 =	simm.s32 $0x8880;
	s28 =	simm.s32 $0xA080;
	s29 =	simm.s32 $0xA880  }
0xa: {  	s30 =	simm.s32 $0xB080;
	s31 =	simm.s32 $0xB880;
	s1 =	sand.u32 $0x1, s1  }
0xb: {  	s3 =	sshll.u32 s0, $0x4;
	[smem:$0x7FF] =	sst s2;
	s6 =	sshll.u32 s1, $0x3  }
0xc: {  	s1 =	ssub.s32 $0x2, s1;
	_ =	strace $0x8000004A;
	[dreg:$0x5] =	wrdreg s26  }
0xd: {  	s26 =	simm.s32 $0x9880;
	s6 =	sor.u32 s6, s3;
	s3 =	sadd.s32 $0xA5000, s5  }
0xe: {  	s8 =	sshrl.u32 s1, $0x1;
	s7 =	smul.u32 $0x300, s6;
	s4 =	sadd.s32 s4, s6  }
0xf: {  	s1 =	ssub.s32 s1, s8;
	s8 =	simm.s32 $0x80;
	[dreg:$0x3] =	wrdreg s4  }
0x10: {  	v2 =	vlaneseq.u32;
	s4 =	sadd.s32 $0xA5100, s5;
	s6 =	smax.u32 s1, $0x1;
	s7 =	sadd.s32 s7, s5  }
0x11: {  	vm0 =	vmmov $0xffff;
	v1 =	vshrl.u32 v2, $0x3;
	s1 =	simm.s32 $0x1;
	s5 =	sadd.s32 $0xA5200, s5;
	s25 =	sadd.s32 $0x105000, s7  }
0x12: {  	v0 =	vand.u32 $0x7, v2;
	v2 =	vor.u32 $0x8, v2;
	v1 =	vmul.u32 $0x8, v1;
	s7 =	simm.s32 $0x2;
	[dreg:$0x4] =	wrdreg s25;
	s25 =	simm.s32 $0x9080  }
.LBB2_1:
0x13: {  	s0 =	rddreg [dreg:$0x3]  }
0x14: {  	[tilespmem:s2], [sflag:$0x2] =	stream.linear.gather [hbm4b:s0+s2], $0x40, $0x38;
	[tilespmem:$0xC080] =	vst v63  }
0x15: {  	_ =	swait.ge [sflag:s7], $0x40  }
0x16: {  	[sflag:s7] =	ssyncset.done $0x0  }
0x17: {  	[sflag:s7] =	ssyncadd.s32 $0xFFFFFFC0  }
0x18: {  	v3 =	vld [tilespmem:$0x0];
	_ =	sdelay $0x4  }
0x19: {  	v4 =	vshrl.u32 v3, $0x3  }
0x1a: {  	v4 =	vmul.u32 $0x30, v4  }
0x1b: {  	v3 =	vand.u32 $0x7, v3  }
0x1c: {  	v3 =	vor.u32 v3, v4  }
0x1d: {  	v4 =	vperm.xlane v3, v0;
	_ =	sdelay $0x1  }
0x1e: {  	v4 =	vadd.s32 v1, v4;
	_ =	sdelay $0x3  }
0x1f: {  	v3 =	vperm.xlane v3, v2  }
0x20: {  	[tilespmem:s8], [sflag:$0x1] =	stream.indirect_vreg.gather [hbm4b:s3+s2], $0x80, v4, vm0, $0xb8;
	[tilespmem:$0xC080] =	vst v63  }
0x21: {  	s0 =	rddreg [dreg:$0x5];
	v3 =	vadd.s32 v1, v3  }
0x22: {  	[tilespmem:s0], [sflag:$0x1] =	stream.indirect_vreg.gather [hbm4b:s4+s2], $0x80, v4, vm0, $0xb8;
	[tilespmem:$0xC080] =	vst v63  }
0x23: {  	_ = 	snop  }
0x24: {  	[tilespmem:s9], [sflag:$0x1] =	stream.indirect_vreg.gather [hbm4b:s5+s2], $0x80, v4, vm0, $0xb8;
	[tilespmem:$0xC080] =	vst v63  }
0x25: {  	_ = 	snop  }
0x26: {  	[tilespmem:s10], [sflag:$0x1] =	stream.indirect_vreg.gather [hbm4b:s3+s2], $0x80, v3, vm0, $0xb8;
	[tilespmem:$0xC080] =	vst v63  }
0x27: {  	_ = 	snop  }
0x28: {  	[tilespmem:s11], [sflag:$0x1] =	stream.indirect_vreg.gather [hbm4b:s4+s2], $0x80, v3, vm0, $0xb8;
	[tilespmem:$0xC080] =	vst v63  }
0x29: {  	_ = 	snop  }
0x2a: {  	[tilespmem:s12], [sflag:$0x1] =	stream.indirect_vreg.gather [hbm4b:s5+s2], $0x80, v3, vm0, $0xb8;
	[tilespmem:$0xC080] =	vst v63  }
0x2b: {  	v3 =	vld [tilespmem:$0x10];
	_ =	sdelay $0x4  }
0x2c: {  	v61 =	vshrl.u32 v3, $0x3  }
0x2d: {  	v4 =	vmul.u32 $0x30, v61  }
0x2e: {  	v3 =	vand.u32 $0x7, v3  }
0x2f: {  	v3 =	vor.u32 v3, v4  }
0x30: {  	v4 =	vperm.xlane v3, v0;
	_ =	sdelay $0x1  }
0x31: {  	v4 =	vadd.s32 v1, v4;
	_ =	sdelay $0x3  }
0x32: {  	v3 =	vperm.xlane v3, v2  }
0x33: {  	[tilespmem:s13], [sflag:$0x1] =	stream.indirect_vreg.gather [hbm4b:s3+s2], $0x80, v4, vm0, $0xb8;
	[tilespmem:$0xC080] =	vst v63  }
0x34: {  	v3 =	vadd.s32 v1, v3  }
0x35: {  	[tilespmem:s14], [sflag:$0x1] =	stream.indirect_vreg.gather [hbm4b:s4+s2], $0x80, v4, vm0, $0xb8;
	[tilespmem:$0xC080] =	vst v63  }
0x36: {  	_ = 	snop  }
0x37: {  	[tilespmem:s15], [sflag:$0x1] =	stream.indirect_vreg.gather [hbm4b:s5+s2], $0x80, v4, vm0, $0xb8;
	[tilespmem:$0xC080] =	vst v63  }
0x38: {  	_ = 	snop  }
0x39: {  	[tilespmem:s16], [sflag:$0x1] =	stream.indirect_vreg.gather [hbm4b:s3+s2], $0x80, v3, vm0, $0xb8;
	[tilespmem:$0xC080] =	vst v63  }
0x3a: {  	_ = 	snop  }
0x3b: {  	[tilespmem:s17], [sflag:$0x1] =	stream.indirect_vreg.gather [hbm4b:s4+s2], $0x80, v3, vm0, $0xb8;
	[tilespmem:$0xC080] =	vst v63  }
0x3c: {  	_ = 	snop  }
0x3d: {  	[tilespmem:s18], [sflag:$0x1] =	stream.indirect_vreg.gather [hbm4b:s5+s2], $0x80, v3, vm0, $0xb8;
	[tilespmem:$0xC080] =	vst v63  }
0x3e: {  	v3 =	vld [tilespmem:$0x20];
	_ =	sdelay $0x4  }
0x3f: {  	v62 =	vshrl.u32 v3, $0x3  }
0x40: {  	v4 =	vmul.u32 $0x30, v62  }
0x41: {  	v3 =	vand.u32 $0x7, v3  }
0x42: {  	v3 =	vor.u32 v3, v4  }
0x43: {  	v4 =	vperm.xlane v3, v0;
	_ =	sdelay $0x1  }
0x44: {  	v4 =	vadd.s32 v1, v4;
	_ =	sdelay $0x3  }
0x45: {  	v3 =	vperm.xlane v3, v2  }
0x46: {  	[tilespmem:s19], [sflag:$0x1] =	stream.indirect_vreg.gather [hbm4b:s3+s2], $0x80, v4, vm0, $0xb8;
	[tilespmem:$0xC080] =	vst v63  }
0x47: {  	v3 =	vadd.s32 v1, v3  }
0x48: {  	[tilespmem:s20], [sflag:$0x1] =	stream.indirect_vreg.gather [hbm4b:s4+s2], $0x80, v4, vm0, $0xb8;
	[tilespmem:$0xC080] =	vst v63  }
0x49: {  	_ = 	snop  }
0x4a: {  	[tilespmem:s21], [sflag:$0x1] =	stream.indirect_vreg.gather [hbm4b:s5+s2], $0x80, v4, vm0, $0xb8;
	[tilespmem:$0xC080] =	vst v63  }
0x4b: {  	_ = 	snop  }
0x4c: {  	[tilespmem:s22], [sflag:$0x1] =	stream.indirect_vreg.gather [hbm4b:s3+s2], $0x80, v3, vm0, $0xb8;
	[tilespmem:$0xC080] =	vst v63  }
0x4d: {  	_ = 	snop  }
0x4e: {  	[tilespmem:s23], [sflag:$0x1] =	stream.indirect_vreg.gather [hbm4b:s4+s2], $0x80, v3, vm0, $0xb8;
	[tilespmem:$0xC080] =	vst v63  }
0x4f: {  	_ = 	snop  }
0x50: {  	[tilespmem:s24], [sflag:$0x1] =	stream.indirect_vreg.gather [hbm4b:s5+s2], $0x80, v3, vm0, $0xb8;
	[tilespmem:$0xC080] =	vst v63  }
0x51: {  	v3 =	vld [tilespmem:$0x30];
	_ =	sdelay $0x4  }
0x52: {  	v63 =	vshrl.u32 v3, $0x3  }
0x53: {  	v4 =	vmul.u32 $0x30, v63  }
0x54: {  	v3 =	vand.u32 $0x7, v3  }
0x55: {  	v3 =	vor.u32 v3, v4  }
0x56: {  	v4 =	vperm.xlane v3, v0;
	_ =	sdelay $0x1  }
0x57: {  	v4 =	vadd.s32 v1, v4;
	_ =	sdelay $0x3  }
0x58: {  	v3 =	vperm.xlane v3, v2  }
0x59: {  	[tilespmem:s25], [sflag:$0x1] =	stream.indirect_vreg.gather [hbm4b:s3+s2], $0x80, v4, vm0, $0xb8;
	[tilespmem:$0xC080] =	vst v63  }
0x5a: {  	v3 =	vadd.s32 v1, v3  }
0x5b: {  	[tilespmem:s26], [sflag:$0x1] =	stream.indirect_vreg.gather [hbm4b:s4+s2], $0x80, v4, vm0, $0xb8;
	[tilespmem:$0xC080] =	vst v63  }
0x5c: {  	_ = 	snop  }
0x5d: {  	[tilespmem:s28], [sflag:$0x1] =	stream.indirect_vreg.gather [hbm4b:s5+s2], $0x80, v4, vm0, $0xb8;
	[tilespmem:$0xC080] =	vst v63  }
0x5e: {  	_ = 	snop  }
0x5f: {  	[tilespmem:s29], [sflag:$0x1] =	stream.indirect_vreg.gather [hbm4b:s3+s2], $0x80, v3, vm0, $0xb8;
	[tilespmem:$0xC080] =	vst v63  }
0x60: {  	_ = 	snop  }
0x61: {  	[tilespmem:s30], [sflag:$0x1] =	stream.indirect_vreg.gather [hbm4b:s4+s2], $0x80, v3, vm0, $0xb8;
	[tilespmem:$0xC080] =	vst v63  }
0x62: {  	_ = 	snop  }
0x63: {  	[tilespmem:s31], [sflag:$0x1] =	stream.indirect_vreg.gather [hbm4b:s5+s2], $0x80, v3, vm0, $0xb8;
	[tilespmem:$0xC080] =	vst v63  }
0x64: {  	_ =	swait.ge [sflag:s1], $0xC000  }
0x65: {  	p0 =	sne.s32 s6, $0x1;
	[sflag:s1] =	ssyncset.done $0x0  }
.Ltmp0:
0x66: {  	s0 =	rddreg [dreg:$0x4];
	[sflag:s1] =	ssyncadd.s32 $0xFFFF4000;
	(pc) =	sbr.rel @p0 .LBB2_1-.Ltmp0, $4  }
0x67: {  	[hbm4b:s0+s2] =	stream.linear.scatter [tilespmem:s8], [sflag:$0x2], $0xC000, $0x38;
	[tilespmem:$0xC080] =	vst v63  }
0x68: {  	_ =	swait.ge [sflag:s7], $0xC000  }
0x69: {  	[sflag:s7] =	ssyncset.done $0x0  }
0x6a: {  	s6 =	sadd.s32 $0xFFFFFFFF, s6;
	[sflag:s7] =	ssyncadd.s32 $0xFFFF4000  }
0x6b: {  	_ =	sfence.sel $0x180000  }
0x6c: {  	[bflag:$0x0] =	sbarrier.arrive $0xFFFF  }
0x6d: {  	_ =	strace $0x9000004A  }
0x6e: {  	s0 =	stileid.u32;
	[bflag:$0x2] =	sbarrier.arrive $0xFFFF  }
0x6f: {  	p0 =	sne.s32 s0, $0x0;
	s0 =	rddreg [dreg:$0x2]  }
0x70: {  	s0 =	sadd.s32 @!p0 $0x100000, s0  }
0x71: {  	[sflag:s0] =	ssyncadd.tile.s32 @!p0 $0x1;
	_ =	shalt  }
.Lfunc_end2:
_tile_overlayer_lowered:
.L_overlay_start_2:
0x72: {  	(tag) =	ssettag $0x2  }
0x73: {  	s0 =	rddreg [dreg:$0x0];
	s2 =	stileid.u32  }
0x74: {  	s1 =	rddreg [dreg:$0x1];
	p0 =	sne.s32 s2, $0x0  }
0x75: {  	s3 =	rddreg [dreg:$0x2];
	[bflag:$0x3] =	sbarrier.arrive $0xFFFF;
	s2 =	simm.s32 @!p0 $0x1C02  }
0x76: {  	[timem:s3], [sflag:s2] =	dma.local @!p0 [hbm:s0], s1  }
0x77: {  	s0 =	simm.s32 @!p0 $0x2  }
0x78: {  	_ =	swait.ge @!p0 [sflag:s0], s1  }
0x79: {  	s1 =	ssub.s32 @!p0 $0x0, s1;
	[sflag:s0] =	ssyncset.done @!p0 $0x0  }
0x7a: {  	[sflag:s0] =	ssyncadd.s32 @!p0 s1  }
0x7b: {  	[bflag:$0x3] =	sbarrier.arrive $0xFFFF  }
0x7c: {  	_ =	shalt  }

// kernel: kernel.33.cloned.1.call-start
scs
__scs_entry_jumppad:
0x0: {  	(pc) =	sbr.rel $0x88, $3  }
0x1: {  	(tag) =	ssettag $0x0;
	lr =	simm.s32 $0x1  }
0x2: {  	[smem:$0x3F9F] =	sst lr;
	_ =	strace $0xD0000000  }
0x3: {  	_ = 	snop  }
0x4: {  	_ = 	snop  }
0x5: {  	_ = 	snop  }
0x6: {  	_ = 	snop  }
0x7: {  	_ = 	snop  }
__scs_overlays_trampoline_lowered:
0x8: {  	[smem:$0x3FAE] =	sst s0  }
0x9: {  	[smem:$0x3FAF] =	sst s1  }
0xa: {  	[smem:$0x3FB0] =	sst s2  }
0xb: {  	[smem:$0x3FB1] =	sst s3  }
0xc: {  	[smem:$0x3FB2] =	sst s4  }
0xd: {  	[smem:$0x3FB3] =	sst s5  }
0xe: {  	[smem:$0x3FB4] =	sst s6  }
0xf: {  	[smem:$0x3FB5] =	sst s7  }
0x10: {  	[smem:$0x3FB6] =	sst s8  }
0x11: {  	[smem:$0x3FB7] =	sst s9;
	s0 =	simm.s32 @!p0 $0x0  }
0x12: {  	s1 =	sld [smem:$0x3F9D];
	s0 =	simm.s32 @p0 $0x1  }
0x13: {  	[smem:$0x3FB8] =	sst s0;
	s0 =	simm.s32 @!p1 $0x0  }
0x14: {  	s2 =	sld [smem:$0x3F9C];
	s0 =	simm.s32 @p1 $0x1  }
0x15: {  	[smem:$0x3FB9] =	sst s0;
	s0 =	simm.s32 @!p2 $0x0  }
0x16: {  	s3 =	sld [smem:$0x3FDB];
	s0 =	simm.s32 @p2 $0x1  }
0x17: {  	s4 =	simm.s32 $0x1BF5;
	[smem:$0x3FBB] =	sst s0  }
0x18: {  	s0 =	sld [smem:$0x3F9E];
	_ =	swait.ge [sflag:s4], $0x0  }
0x19: {  	s7 =	sld [smem:$0x3F9F]  }
0x1a: {  	s8 =	sadd.s32 $0xFFFFE003, lr  }
0x1b: {  	s9 =	sadd.s32 $0xFFFFFEF7, lr;
	s5 =	simm.s32 $0xFFFFFFFF;
	p2 =	slt.u32 s8, $0xFFFFF086  }
0x1c: {  	p1 =	slt.u32 s9, $0xF7A;
	s5 =	simm.s32 @!p2 $0x0  }
0x1d: {  	s5 =	simm.s32 @p1 $0x1;
	p0 =	seq.s32 s7, s2  }
0x1e: {  	s7 =	smul.u32 @!p0 $0xF7A, s2;
	p2 =	seq.s32 @!p0 s5, $0x0  }
0x1f: {  	s9 =	smul.u32 $0xF7A, s1;
	s8 =	simm.s32 @!p0 $0x1BF5;
	p2 =	por !p2, p0  }
0x20: {  	[sflag:s8] =	ssyncset.s32 @!p0 $0xFFFFF086;
	s6 =	sadd.s32 @!p0 s3, s7;
	s7 =	simm.s32 @!p0 $0x108  }
0x21: {  	s3 =	sadd.s32 s3, s9;
	s6 =	sadd.s32 @!p0 $0x88, s6;
	s7 =	simm.s32 @p2 $0x1082  }
0x22: {  	[simem:s7], [sflag:s8] =	dma.local @!p0 [hbm:s6], $0xF7A  }
0x23: {  	s9 =	sor.u32 $0xD0000000, s2;
	s6 =	simm.s32 $0x108;
	_ =	swait.ge @!p0 [sflag:s8], $0x0  }
0x24: {  	s3 =	sadd.s32 $0x88, s3;
	s6 =	simm.s32 @!p1 $0x1082;
	[sflag:s4] =	ssyncset.s32 $0xFFFFF086  }
0x25: {  	[simem:s6], [sflag:s4] =	dma.local [hbm:s3], $0xF7A  }
0x26: {  	[smem:$0x3F9F] =	sst s1;
	(tag) =	ssettag s2;
	_ =	strace s9  }
0x27: {  	s1 =	sld [smem:$0x3FAF]  }
0x28: {  	s2 =	sld [smem:$0x3FB0]  }
0x29: {  	s4 =	sld [smem:$0x3FB2]  }
0x2a: {  	p0 =	seq.s32 s5, $0x0;
	s5 =	sld [smem:$0x3FB3]  }
0x2b: {  	s6 =	sld [smem:$0x3FB4]  }
0x2c: {  	s7 =	sld [smem:$0x3FB5]  }
0x2d: {  	s3 =	simm.s32 $0x108;
	s8 =	sld [smem:$0x3FB6]  }
0x2e: {  	s3 =	simm.s32 @!p0 $0x1082;
	s9 =	sld [smem:$0x3FB7]  }
0x2f: {  	lr =	sadd.s32 s0, s3;
	s0 =	sld [smem:$0x3FAE]  }
0x30: {  	s3 =	sld [smem:$0x3FB1]  }
0x31: {  	[smem:$0x3FBA] =	sst s10  }
0x32: {  	s10 =	sld [smem:$0x3FB8];
	_ =	sdelay $0x3  }
0x33: {  	p0 =	seq.s32 s10, $0x1;
	s10 =	sld [smem:$0x3FBA];
	_ =	sdelay $0x3  }
0x34: {  	[smem:$0x3FBA] =	sst s10  }
0x35: {  	s10 =	sld [smem:$0x3FB9];
	_ =	sdelay $0x3  }
0x36: {  	p1 =	seq.s32 s10, $0x1;
	s10 =	sld [smem:$0x3FBA];
	_ =	sdelay $0x3  }
0x37: {  	[smem:$0x3FBA] =	sst s10  }
0x38: {  	s10 =	sld [smem:$0x3FBB]  }
0x39: {  	_ = 	snop;
	(pc) =	sbr.ind lr, $3  }
0x3a: {  	_ = 	snop  }
0x3b: {  	_ = 	snop  }
0x3c: {  	p2 =	seq.s32 s10, $0x1;
	s10 =	sld [smem:$0x3FBA]  }
0x3d: {  	_ =	shalt  }
0x3e: {  	_ =	shalt  }
0x3f: {  	_ =	shalt  }
0x40: {  	_ =	shalt  }
0x41: {  	_ =	shalt  }
0x42: {  	_ =	shalt  }
0x43: {  	_ =	shalt  }
0x44: {  	_ =	shalt  }
0x45: {  	_ =	shalt  }
0x46: {  	_ =	shalt  }
0x47: {  	_ =	shalt  }
0x48: {  	_ =	shalt  }
0x49: {  	_ =	shalt  }
0x4a: {  	_ =	shalt  }
0x4b: {  	_ =	shalt  }
0x4c: {  	_ =	shalt  }
0x4d: {  	_ =	shalt  }
0x4e: {  	_ =	shalt  }
0x4f: {  	_ =	shalt  }
0x50: {  	_ =	shalt  }
0x51: {  	_ =	shalt  }
0x52: {  	_ =	shalt  }
0x53: {  	_ =	shalt  }
0x54: {  	_ =	shalt  }
0x55: {  	_ =	shalt  }
0x56: {  	_ =	shalt  }
0x57: {  	_ =	shalt  }
0x58: {  	_ =	shalt  }
0x59: {  	_ =	shalt  }
0x5a: {  	_ =	shalt  }
0x5b: {  	_ =	shalt  }
0x5c: {  	_ =	shalt  }
0x5d: {  	_ =	shalt  }
0x5e: {  	_ =	shalt  }
0x5f: {  	_ =	shalt  }
0x60: {  	_ =	shalt  }
0x61: {  	_ =	shalt  }
0x62: {  	_ =	shalt  }
0x63: {  	_ =	shalt  }
0x64: {  	_ =	shalt  }
0x65: {  	_ =	shalt  }
0x66: {  	_ =	shalt  }
0x67: {  	_ =	shalt  }
0x68: {  	_ =	shalt  }
0x69: {  	_ =	shalt  }
0x6a: {  	_ =	shalt  }
0x6b: {  	_ =	shalt  }
0x6c: {  	_ =	shalt  }
0x6d: {  	_ =	shalt  }
0x6e: {  	_ =	shalt  }
0x6f: {  	_ =	shalt  }
0x70: {  	_ =	shalt  }
0x71: {  	_ =	shalt  }
0x72: {  	_ =	shalt  }
0x73: {  	_ =	shalt  }
0x74: {  	_ =	shalt  }
0x75: {  	_ =	shalt  }
0x76: {  	_ =	shalt  }
0x77: {  	_ =	shalt  }
0x78: {  	_ =	shalt  }
0x79: {  	_ =	shalt  }
0x7a: {  	_ =	shalt  }
0x7b: {  	_ =	shalt  }
0x7c: {  	_ =	shalt  }
0x7d: {  	_ =	shalt  }
0x7e: {  	_ =	shalt  }
0x7f: {  	_ =	shalt  }
0x80: {  	_ =	shalt  }
0x81: {  	_ =	shalt  }
0x82: {  	_ =	shalt  }
0x83: {  	_ =	shalt  }
0x84: {  	_ =	shalt  }
0x85: {  	_ =	shalt  }
0x86: {  	_ =	shalt  }
0x87: {  	_ =	shalt  }
.Lfunc_end0:
.L_simem_size_0:
called_computation.2_lowered:
.L_overlay_start_0:
0x88: {  	s2 =	sld [smem:$0x3FD9]  }
0x89: {  	s3 =	sld [smem:$0x3FFE];
	_ =	sdelay $0x1  }
0x8a: {  	s1 =	srdreg.scid  }
0x8b: {  	s0 =	sand.u32 $0x1, s1  }
0x8c: {  	s14 =	sshll.u32 s0, $0xA;
	s2 =	sadd.s32 s3, s2  }
0x8d: {  	s2 =	sadd.s32 s2, s14  }
0x8e: {  	[smem:$0x3FC6] =	sst s2  }
0x8f: {  	_ = 	snop  }
0x90: {  	s2 =	sld [smem:$0x3FD0];
	_ =	sdelay $0x2  }
0x91: {  	s15 =	simm.s32 $0xA;
	s4 =	simm.s32 $0x10  }
0x92: {  	[smem:s4], [sflag:s15] =	dma.local [hbm:s2], $0x1  }
0x93: {  	_ =	swait.eq [sflag:s15], $0x1  }
0x94: {  	[sflag:s15] =	ssyncset.done $0x0  }
0x95: {  	[sflag:s15] =	ssyncadd.s32 $0xFFFFFFFF  }
0x96: {  	s16 =	sld [smem:$0x11];
	(tm) =	ssettm $0x1  }
0x97: {  	s17 =	sld [smem:$0x3FFB];
	_ =	sdelay $0x3  }
0x98: {  	_ =	strace s17  }
0x99: {  	s3 =	sld [smem:$0x3FFC];
	_ =	sdelay $0x3  }
0x9a: {  	_ =	strace s3  }
0x9b: {  	s3 =	sld [smem:$0x3FFD];
	_ =	sdelay $0x3  }
0x9c: {  	_ =	strace s3  }
0x9d: {  	_ =	strace $0x8FFFFFFF  }
0x9e: {  	s18 =	sld [smem:$0x3FDB];
	_ =	sdelay $0x1  }
0x9f: {  	s19 =	simm.s32 $_scs_section_size  }
0xa0: {  	s5 =	simm.s32 $_size__tile_overlayer_lowered;
	s6 =	simm.s32 $_tile_overlayer_lowered  }
0xa1: {  	s22 =	simm.s32 $0x1BFF;
	s21 =	sshll.u32 s6, $0x1;
	s3 =	sadd.s32 s19, s18  }
0xa2: {  	s7 =	simm.s32 $0x0;
	s20 =	sshll.u32 s5, $0x1;
	s5 =	sadd.s32 s21, s3  }
0xa3: {  	[timem:s7], [sflag:s22] =	dma.local [hbm:s5], s20  }
0xa4: {  	_ =	swait.ge [sflag:s22], s20  }
0xa5: {  	s4 =	ssub.s32 $0x0, s20;
	[sflag:s22] =	ssyncset.done $0x0  }
0xa6: {  	[sflag:s22] =	ssyncadd.s32 s4;
	_ =	sdelay $0x1  }
0xa7: {  	s23 =	simm.s32 $0x1B8B  }
0xa8: {  	_ =	swait.ge [sflag:s23], $0x1  }
0xa9: {  	[sflag:s23] =	ssyncset.done $0x0  }
0xaa: {  	s25 =	simm.s32 $0x1B8E;
	s24 =	sld [smem:$0x3FFE];
	[sflag:s23] =	ssyncadd.s32 $0xFFFFFFFF  }
0xab: {  	s26 =	simm.s32 $execute0_lowered;
	[smem:$0x3FD2] =	sst s25  }
0xac: {  	s5 =	sshll.u32 s26, $0x1;
	_ =	strace $0x8000004C;
	[dreg:$0x1] =	wrdreg $0xFFFFFFFF  }
0xad: {  	s28 =	simm.s32 $_size_execute0_lowered;
	s3 =	sadd.s32 s3, s5;
	[dreg:$0x0] =	wrdreg $0x0  }
0xae: {  	s5 =	sshll.u32 s28, $0x1;
	[dreg:$0x2] =	wrdreg s3  }
0xaf: {  	[dreg:$0x3] =	wrdreg s5  }
0xb0: {  	[dreg:$0x4] =	wrdreg $0xC0  }
0xb1: {  	_ =	task [dreg:s7], $0x5FFFF  }
0xb2: {  	[dreg:$0x1] =	wrdreg $0xFFFFFFFF  }
0xb3: {  	[dreg:$0x0] =	wrdreg $0x60  }
0xb4: {  	[dreg:$0x2] =	wrdreg s24  }
0xb5: {  	[dreg:$0x3] =	wrdreg s16  }
0xb6: {  	[dreg:$0x4] =	wrdreg $0x9  }
0xb7: {  	_ =	task.clear_ibuf [dreg:s7], $0x5FFFF;
	_ =	strace $0x9000004C  }
0xb8: {  	s29 =	simm.s32 $0x9;
	_ =	strace $0x8000004E  }
0xb9: {  	_ =	swait.ge [sflag:s29], $0x1  }
0xba: {  	[sflag:s29] =	ssyncadd.s32 $0xFFFFFFFF  }
0xbb: {  	_ =	strace $0x9000004E  }
0xbc: {  	_ =	sfence  }
0xbd: {  	s30 =	sld [smem:$0x0];
	_ =	sdelay $0x2  }
0xbe: {  	s31 =	sshll.u32 s1, $0xD;
	s1 =	sshrl.u32 s1, $0x2  }
0xbf: {  	s3 =	sand.u32 $0x4000, s31;
	s1 =	sadd.s32 s1, s30  }
0xc0: {  	s0 =	sor.u32 s3, s0;
	s1 =	sshll.u32 s1, $0x11  }
0xc1: {  	s0 =	sor.u32 s1, s0  }
0xc2: {  	s0 =	sadd.s32 $0x8F2B, s0  }
0xc3: {  	[sflag:s0] =	ssyncadd.remote.s32 $0x1  }
0xc4: {  	_ =	sfence.sel $0xFFFF  }
0xc5: {  	[dreg:$0x0] =	wrdreg $0xFFFFFFFF;
	(pc) =	sbr.abs _section_cstart, $3  }
0xc6: {  	[dreg:$0x1] =	wrdreg $0xFFFFFFFF  }
0xc7: {  	_ =	task.clear_ibuf [dreg:s7], $0x2FFFF;
	_ =	strace $0x9FFFFFFF  }
0xc8: {  	(tm) =	ssettm $0x7FFFFFFF  }
0xc9: {  	_ =	shalt  }
tec
execute0_lowered:
.L_overlay_start_1:
0x0: {  	(tag) =	ssettag $0x1  }
0x1: {  	s1 =	srdreg.scid  }
0x2: {  	s5 =	rddreg [dreg:$0x0];
	s0 =	stileid.u32  }
0x3: {  	s4 =	rddreg [dreg:$0x1];
	s2 =	simm.s32 $0x0;
	s26 =	simm.s32 $0x880  }
0x4: {  	s9 =	simm.s32 $0x1080;
	s10 =	simm.s32 $0x1880;
	s11 =	simm.s32 $0x2080  }
0x5: {  	s12 =	simm.s32 $0x2880;
	s13 =	simm.s32 $0x3080;
	s14 =	simm.s32 $0x3880  }
0x6: {  	s15 =	simm.s32 $0x4080;
	s16 =	simm.s32 $0x4880;
	s17 =	simm.s32 $0x5080  }
0x7: {  	s18 =	simm.s32 $0x5880;
	s19 =	simm.s32 $0x6080;
	s20 =	simm.s32 $0x6880  }
0x8: {  	s21 =	simm.s32 $0x7080;
	s22 =	simm.s32 $0x7880;
	s23 =	simm.s32 $0x8080  }
0x9: {  	s24 =	simm.s32 $0x8880;
	s28 =	simm.s32 $0xA080;
	s29 =	simm.s32 $0xA880  }
0xa: {  	s30 =	simm.s32 $0xB080;
	s31 =	simm.s32 $0xB880;
	s1 =	sand.u32 $0x1, s1  }
0xb: {  	s3 =	sshll.u32 s0, $0x4;
	[smem:$0x7FF] =	sst s2;
	s6 =	sshll.u32 s1, $0x3  }
0xc: {  	s1 =	ssub.s32 $0x2, s1;
	_ =	strace $0x8000004D;
	[dreg:$0x5] =	wrdreg s26  }
0xd: {  	s26 =	simm.s32 $0x9880;
	s6 =	sor.u32 s6, s3;
	s3 =	sadd.s32 $0xCE00, s5  }
0xe: {  	s8 =	sshrl.u32 s1, $0x1;
	s7 =	smul.u32 $0x300, s6;
	s4 =	sadd.s32 s4, s6  }
0xf: {  	s1 =	ssub.s32 s1, s8;
	s8 =	simm.s32 $0x80;
	[dreg:$0x3] =	wrdreg s4  }
0x10: {  	v2 =	vlaneseq.u32;
	s4 =	sadd.s32 $0xCF00, s5;
	s6 =	smax.u32 s1, $0x1;
	s7 =	sadd.s32 s7, s5  }
0x11: {  	vm0 =	vmmov $0xffff;
	v1 =	vshrl.u32 v2, $0x3;
	s1 =	simm.s32 $0x1;
	s5 =	sadd.s32 $0xD000, s5;
	s25 =	sadd.s32 $0x85600, s7  }
0x12: {  	v0 =	vand.u32 $0x7, v2;
	v2 =	vor.u32 $0x8, v2;
	v1 =	vmul.u32 $0x8, v1;
	s7 =	simm.s32 $0x2;
	[dreg:$0x4] =	wrdreg s25;
	s25 =	simm.s32 $0x9080  }
.LBB2_1:
0x13: {  	s0 =	rddreg [dreg:$0x3]  }
0x14: {  	[tilespmem:s2], [sflag:$0x2] =	stream.linear.gather [hbm4b:s0+s2], $0x40, $0x38;
	[tilespmem:$0xC080] =	vst v63  }
0x15: {  	_ =	swait.ge [sflag:s7], $0x40  }
0x16: {  	[sflag:s7] =	ssyncset.done $0x0  }
0x17: {  	[sflag:s7] =	ssyncadd.s32 $0xFFFFFFC0  }
0x18: {  	v3 =	vld [tilespmem:$0x0];
	_ =	sdelay $0x4  }
0x19: {  	v4 =	vshrl.u32 v3, $0x3  }
0x1a: {  	v4 =	vmul.u32 $0x30, v4  }
0x1b: {  	v3 =	vand.u32 $0x7, v3  }
0x1c: {  	v3 =	vor.u32 v3, v4  }
0x1d: {  	v4 =	vperm.xlane v3, v0;
	_ =	sdelay $0x1  }
0x1e: {  	v4 =	vadd.s32 v1, v4;
	_ =	sdelay $0x3  }
0x1f: {  	v3 =	vperm.xlane v3, v2  }
0x20: {  	[tilespmem:s8], [sflag:$0x1] =	stream.indirect_vreg.gather [hbm4b:s3+s2], $0x80, v4, vm0, $0xb8;
	[tilespmem:$0xC080] =	vst v63  }
0x21: {  	s0 =	rddreg [dreg:$0x5];
	v3 =	vadd.s32 v1, v3  }
0x22: {  	[tilespmem:s0], [sflag:$0x1] =	stream.indirect_vreg.gather [hbm4b:s4+s2], $0x80, v4, vm0, $0xb8;
	[tilespmem:$0xC080] =	vst v63  }
0x23: {  	_ = 	snop  }
0x24: {  	[tilespmem:s9], [sflag:$0x1] =	stream.indirect_vreg.gather [hbm4b:s5+s2], $0x80, v4, vm0, $0xb8;
	[tilespmem:$0xC080] =	vst v63  }
0x25: {  	_ = 	snop  }
0x26: {  	[tilespmem:s10], [sflag:$0x1] =	stream.indirect_vreg.gather [hbm4b:s3+s2], $0x80, v3, vm0, $0xb8;
	[tilespmem:$0xC080] =	vst v63  }
0x27: {  	_ = 	snop  }
0x28: {  	[tilespmem:s11], [sflag:$0x1] =	stream.indirect_vreg.gather [hbm4b:s4+s2], $0x80, v3, vm0, $0xb8;
	[tilespmem:$0xC080] =	vst v63  }
0x29: {  	_ = 	snop  }
0x2a: {  	[tilespmem:s12], [sflag:$0x1] =	stream.indirect_vreg.gather [hbm4b:s5+s2], $0x80, v3, vm0, $0xb8;
	[tilespmem:$0xC080] =	vst v63  }
0x2b: {  	v3 =	vld [tilespmem:$0x10];
	_ =	sdelay $0x4  }
0x2c: {  	v61 =	vshrl.u32 v3, $0x3  }
0x2d: {  	v4 =	vmul.u32 $0x30, v61  }
0x2e: {  	v3 =	vand.u32 $0x7, v3  }
0x2f: {  	v3 =	vor.u32 v3, v4  }
0x30: {  	v4 =	vperm.xlane v3, v0;
	_ =	sdelay $0x1  }
0x31: {  	v4 =	vadd.s32 v1, v4;
	_ =	sdelay $0x3  }
0x32: {  	v3 =	vperm.xlane v3, v2  }
0x33: {  	[tilespmem:s13], [sflag:$0x1] =	stream.indirect_vreg.gather [hbm4b:s3+s2], $0x80, v4, vm0, $0xb8;
	[tilespmem:$0xC080] =	vst v63  }
0x34: {  	v3 =	vadd.s32 v1, v3  }
0x35: {  	[tilespmem:s14], [sflag:$0x1] =	stream.indirect_vreg.gather [hbm4b:s4+s2], $0x80, v4, vm0, $0xb8;
	[tilespmem:$0xC080] =	vst v63  }
0x36: {  	_ = 	snop  }
0x37: {  	[tilespmem:s15], [sflag:$0x1] =	stream.indirect_vreg.gather [hbm4b:s5+s2], $0x80, v4, vm0, $0xb8;
	[tilespmem:$0xC080] =	vst v63  }
0x38: {  	_ = 	snop  }
0x39: {  	[tilespmem:s16], [sflag:$0x1] =	stream.indirect_vreg.gather [hbm4b:s3+s2], $0x80, v3, vm0, $0xb8;
	[tilespmem:$0xC080] =	vst v63  }
0x3a: {  	_ = 	snop  }
0x3b: {  	[tilespmem:s17], [sflag:$0x1] =	stream.indirect_vreg.gather [hbm4b:s4+s2], $0x80, v3, vm0, $0xb8;
	[tilespmem:$0xC080] =	vst v63  }
0x3c: {  	_ = 	snop  }
0x3d: {  	[tilespmem:s18], [sflag:$0x1] =	stream.indirect_vreg.gather [hbm4b:s5+s2], $0x80, v3, vm0, $0xb8;
	[tilespmem:$0xC080] =	vst v63  }
0x3e: {  	v3 =	vld [tilespmem:$0x20];
	_ =	sdelay $0x4  }
0x3f: {  	v62 =	vshrl.u32 v3, $0x3  }
0x40: {  	v4 =	vmul.u32 $0x30, v62  }
0x41: {  	v3 =	vand.u32 $0x7, v3  }
0x42: {  	v3 =	vor.u32 v3, v4  }
0x43: {  	v4 =	vperm.xlane v3, v0;
	_ =	sdelay $0x1  }
0x44: {  	v4 =	vadd.s32 v1, v4;
	_ =	sdelay $0x3  }
0x45: {  	v3 =	vperm.xlane v3, v2  }
0x46: {  	[tilespmem:s19], [sflag:$0x1] =	stream.indirect_vreg.gather [hbm4b:s3+s2], $0x80, v4, vm0, $0xb8;
	[tilespmem:$0xC080] =	vst v63  }
0x47: {  	v3 =	vadd.s32 v1, v3  }
0x48: {  	[tilespmem:s20], [sflag:$0x1] =	stream.indirect_vreg.gather [hbm4b:s4+s2], $0x80, v4, vm0, $0xb8;
	[tilespmem:$0xC080] =	vst v63  }
0x49: {  	_ = 	snop  }
0x4a: {  	[tilespmem:s21], [sflag:$0x1] =	stream.indirect_vreg.gather [hbm4b:s5+s2], $0x80, v4, vm0, $0xb8;
	[tilespmem:$0xC080] =	vst v63  }
0x4b: {  	_ = 	snop  }
0x4c: {  	[tilespmem:s22], [sflag:$0x1] =	stream.indirect_vreg.gather [hbm4b:s3+s2], $0x80, v3, vm0, $0xb8;
	[tilespmem:$0xC080] =	vst v63  }
0x4d: {  	_ = 	snop  }
0x4e: {  	[tilespmem:s23], [sflag:$0x1] =	stream.indirect_vreg.gather [hbm4b:s4+s2], $0x80, v3, vm0, $0xb8;
	[tilespmem:$0xC080] =	vst v63  }
0x4f: {  	_ = 	snop  }
0x50: {  	[tilespmem:s24], [sflag:$0x1] =	stream.indirect_vreg.gather [hbm4b:s5+s2], $0x80, v3, vm0, $0xb8;
	[tilespmem:$0xC080] =	vst v63  }
0x51: {  	v3 =	vld [tilespmem:$0x30];
	_ =	sdelay $0x4  }
0x52: {  	v63 =	vshrl.u32 v3, $0x3  }
0x53: {  	v4 =	vmul.u32 $0x30, v63  }
0x54: {  	v3 =	vand.u32 $0x7, v3  }
0x55: {  	v3 =	vor.u32 v3, v4  }
0x56: {  	v4 =	vperm.xlane v3, v0;
	_ =	sdelay $0x1  }
0x57: {  	v4 =	vadd.s32 v1, v4;
	_ =	sdelay $0x3  }
0x58: {  	v3 =	vperm.xlane v3, v2  }
0x59: {  	[tilespmem:s25], [sflag:$0x1] =	stream.indirect_vreg.gather [hbm4b:s3+s2], $0x80, v4, vm0, $0xb8;
	[tilespmem:$0xC080] =	vst v63  }
0x5a: {  	v3 =	vadd.s32 v1, v3  }
0x5b: {  	[tilespmem:s26], [sflag:$0x1] =	stream.indirect_vreg.gather [hbm4b:s4+s2], $0x80, v4, vm0, $0xb8;
	[tilespmem:$0xC080] =	vst v63  }
0x5c: {  	_ = 	snop  }
0x5d: {  	[tilespmem:s28], [sflag:$0x1] =	stream.indirect_vreg.gather [hbm4b:s5+s2], $0x80, v4, vm0, $0xb8;
	[tilespmem:$0xC080] =	vst v63  }
0x5e: {  	_ = 	snop  }
0x5f: {  	[tilespmem:s29], [sflag:$0x1] =	stream.indirect_vreg.gather [hbm4b:s3+s2], $0x80, v3, vm0, $0xb8;
	[tilespmem:$0xC080] =	vst v63  }
0x60: {  	_ = 	snop  }
0x61: {  	[tilespmem:s30], [sflag:$0x1] =	stream.indirect_vreg.gather [hbm4b:s4+s2], $0x80, v3, vm0, $0xb8;
	[tilespmem:$0xC080] =	vst v63  }
0x62: {  	_ = 	snop  }
0x63: {  	[tilespmem:s31], [sflag:$0x1] =	stream.indirect_vreg.gather [hbm4b:s5+s2], $0x80, v3, vm0, $0xb8;
	[tilespmem:$0xC080] =	vst v63  }
0x64: {  	_ =	swait.ge [sflag:s1], $0xC000  }
0x65: {  	p0 =	sne.s32 s6, $0x1;
	[sflag:s1] =	ssyncset.done $0x0  }
.Ltmp0:
0x66: {  	s0 =	rddreg [dreg:$0x4];
	[sflag:s1] =	ssyncadd.s32 $0xFFFF4000;
	(pc) =	sbr.rel @p0 .LBB2_1-.Ltmp0, $4  }
0x67: {  	[hbm4b:s0+s2] =	stream.linear.scatter [tilespmem:s8], [sflag:$0x2], $0xC000, $0x38;
	[tilespmem:$0xC080] =	vst v63  }
0x68: {  	_ =	swait.ge [sflag:s7], $0xC000  }
0x69: {  	[sflag:s7] =	ssyncset.done $0x0  }
0x6a: {  	s6 =	sadd.s32 $0xFFFFFFFF, s6;
	[sflag:s7] =	ssyncadd.s32 $0xFFFF4000  }
0x6b: {  	_ =	sfence.sel $0x180000  }
0x6c: {  	[bflag:$0x0] =	sbarrier.arrive $0xFFFF  }
0x6d: {  	_ =	strace $0x9000004D  }
0x6e: {  	s0 =	stileid.u32;
	[bflag:$0x2] =	sbarrier.arrive $0xFFFF  }
0x6f: {  	p0 =	sne.s32 s0, $0x0;
	s0 =	rddreg [dreg:$0x2]  }
0x70: {  	s0 =	sadd.s32 @!p0 $0x100000, s0  }
0x71: {  	[sflag:s0] =	ssyncadd.tile.s32 @!p0 $0x1;
	_ =	shalt  }
.Lfunc_end2:
_tile_overlayer_lowered:
.L_overlay_start_2:
0x72: {  	(tag) =	ssettag $0x2  }
0x73: {  	s0 =	rddreg [dreg:$0x0];
	s2 =	stileid.u32  }
0x74: {  	s1 =	rddreg [dreg:$0x1];
	p0 =	sne.s32 s2, $0x0  }
0x75: {  	s3 =	rddreg [dreg:$0x2];
	[bflag:$0x3] =	sbarrier.arrive $0xFFFF;
	s2 =	simm.s32 @!p0 $0x1C02  }
0x76: {  	[timem:s3], [sflag:s2] =	dma.local @!p0 [hbm:s0], s1  }
0x77: {  	s0 =	simm.s32 @!p0 $0x2  }
0x78: {  	_ =	swait.ge @!p0 [sflag:s0], s1  }
0x79: {  	s1 =	ssub.s32 @!p0 $0x0, s1;
	[sflag:s0] =	ssyncset.done @!p0 $0x0  }
0x7a: {  	[sflag:s0] =	ssyncadd.s32 @!p0 s1  }
0x7b: {  	[bflag:$0x3] =	sbarrier.arrive $0xFFFF  }
0x7c: {  	_ =	shalt  }

// kernel: kernel.36.cloned.1.call-start
scs
__scs_entry_jumppad:
0x0: {  	(pc) =	sbr.rel $0x88, $3  }
0x1: {  	(tag) =	ssettag $0x0;
	lr =	simm.s32 $0x1  }
0x2: {  	[smem:$0x3F9F] =	sst lr;
	_ =	strace $0xD0000000  }
0x3: {  	_ = 	snop  }
0x4: {  	_ = 	snop  }
0x5: {  	_ = 	snop  }
0x6: {  	_ = 	snop  }
0x7: {  	_ = 	snop  }
__scs_overlays_trampoline_lowered:
0x8: {  	[smem:$0x3FAE] =	sst s0  }
0x9: {  	[smem:$0x3FAF] =	sst s1  }
0xa: {  	[smem:$0x3FB0] =	sst s2  }
0xb: {  	[smem:$0x3FB1] =	sst s3  }
0xc: {  	[smem:$0x3FB2] =	sst s4  }
0xd: {  	[smem:$0x3FB3] =	sst s5  }
0xe: {  	[smem:$0x3FB4] =	sst s6  }
0xf: {  	[smem:$0x3FB5] =	sst s7  }
0x10: {  	[smem:$0x3FB6] =	sst s8  }
0x11: {  	[smem:$0x3FB7] =	sst s9;
	s0 =	simm.s32 @!p0 $0x0  }
0x12: {  	s1 =	sld [smem:$0x3F9D];
	s0 =	simm.s32 @p0 $0x1  }
0x13: {  	[smem:$0x3FB8] =	sst s0;
	s0 =	simm.s32 @!p1 $0x0  }
0x14: {  	s2 =	sld [smem:$0x3F9C];
	s0 =	simm.s32 @p1 $0x1  }
0x15: {  	[smem:$0x3FB9] =	sst s0;
	s0 =	simm.s32 @!p2 $0x0  }
0x16: {  	s3 =	sld [smem:$0x3FDB];
	s0 =	simm.s32 @p2 $0x1  }
0x17: {  	s4 =	simm.s32 $0x1BF5;
	[smem:$0x3FBB] =	sst s0  }
0x18: {  	s0 =	sld [smem:$0x3F9E];
	_ =	swait.ge [sflag:s4], $0x0  }
0x19: {  	s7 =	sld [smem:$0x3F9F]  }
0x1a: {  	s8 =	sadd.s32 $0xFFFFE003, lr  }
0x1b: {  	s9 =	sadd.s32 $0xFFFFFEF7, lr;
	s5 =	simm.s32 $0xFFFFFFFF;
	p2 =	slt.u32 s8, $0xFFFFF086  }
0x1c: {  	p1 =	slt.u32 s9, $0xF7A;
	s5 =	simm.s32 @!p2 $0x0  }
0x1d: {  	s5 =	simm.s32 @p1 $0x1;
	p0 =	seq.s32 s7, s2  }
0x1e: {  	s7 =	smul.u32 @!p0 $0xF7A, s2;
	p2 =	seq.s32 @!p0 s5, $0x0  }
0x1f: {  	s9 =	smul.u32 $0xF7A, s1;
	s8 =	simm.s32 @!p0 $0x1BF5;
	p2 =	por !p2, p0  }
0x20: {  	[sflag:s8] =	ssyncset.s32 @!p0 $0xFFFFF086;
	s6 =	sadd.s32 @!p0 s3, s7;
	s7 =	simm.s32 @!p0 $0x108  }
0x21: {  	s3 =	sadd.s32 s3, s9;
	s6 =	sadd.s32 @!p0 $0x88, s6;
	s7 =	simm.s32 @p2 $0x1082  }
0x22: {  	[simem:s7], [sflag:s8] =	dma.local @!p0 [hbm:s6], $0xF7A  }
0x23: {  	s9 =	sor.u32 $0xD0000000, s2;
	s6 =	simm.s32 $0x108;
	_ =	swait.ge @!p0 [sflag:s8], $0x0  }
0x24: {  	s3 =	sadd.s32 $0x88, s3;
	s6 =	simm.s32 @!p1 $0x1082;
	[sflag:s4] =	ssyncset.s32 $0xFFFFF086  }
0x25: {  	[simem:s6], [sflag:s4] =	dma.local [hbm:s3], $0xF7A  }
0x26: {  	[smem:$0x3F9F] =	sst s1;
	(tag) =	ssettag s2;
	_ =	strace s9  }
0x27: {  	s1 =	sld [smem:$0x3FAF]  }
0x28: {  	s2 =	sld [smem:$0x3FB0]  }
0x29: {  	s4 =	sld [smem:$0x3FB2]  }
0x2a: {  	p0 =	seq.s32 s5, $0x0;
	s5 =	sld [smem:$0x3FB3]  }
0x2b: {  	s6 =	sld [smem:$0x3FB4]  }
0x2c: {  	s7 =	sld [smem:$0x3FB5]  }
0x2d: {  	s3 =	simm.s32 $0x108;
	s8 =	sld [smem:$0x3FB6]  }
0x2e: {  	s3 =	simm.s32 @!p0 $0x1082;
	s9 =	sld [smem:$0x3FB7]  }
0x2f: {  	lr =	sadd.s32 s0, s3;
	s0 =	sld [smem:$0x3FAE]  }
0x30: {  	s3 =	sld [smem:$0x3FB1]  }
0x31: {  	[smem:$0x3FBA] =	sst s10  }
0x32: {  	s10 =	sld [smem:$0x3FB8];
	_ =	sdelay $0x3  }
0x33: {  	p0 =	seq.s32 s10, $0x1;
	s10 =	sld [smem:$0x3FBA];
	_ =	sdelay $0x3  }
0x34: {  	[smem:$0x3FBA] =	sst s10  }
0x35: {  	s10 =	sld [smem:$0x3FB9];
	_ =	sdelay $0x3  }
0x36: {  	p1 =	seq.s32 s10, $0x1;
	s10 =	sld [smem:$0x3FBA];
	_ =	sdelay $0x3  }
0x37: {  	[smem:$0x3FBA] =	sst s10  }
0x38: {  	s10 =	sld [smem:$0x3FBB]  }
0x39: {  	_ = 	snop;
	(pc) =	sbr.ind lr, $3  }
0x3a: {  	_ = 	snop  }
0x3b: {  	_ = 	snop  }
0x3c: {  	p2 =	seq.s32 s10, $0x1;
	s10 =	sld [smem:$0x3FBA]  }
0x3d: {  	_ =	shalt  }
0x3e: {  	_ =	shalt  }
0x3f: {  	_ =	shalt  }
0x40: {  	_ =	shalt  }
0x41: {  	_ =	shalt  }
0x42: {  	_ =	shalt  }
0x43: {  	_ =	shalt  }
0x44: {  	_ =	shalt  }
0x45: {  	_ =	shalt  }
0x46: {  	_ =	shalt  }
0x47: {  	_ =	shalt  }
0x48: {  	_ =	shalt  }
0x49: {  	_ =	shalt  }
0x4a: {  	_ =	shalt  }
0x4b: {  	_ =	shalt  }
0x4c: {  	_ =	shalt  }
0x4d: {  	_ =	shalt  }
0x4e: {  	_ =	shalt  }
0x4f: {  	_ =	shalt  }
0x50: {  	_ =	shalt  }
0x51: {  	_ =	shalt  }
0x52: {  	_ =	shalt  }
0x53: {  	_ =	shalt  }
0x54: {  	_ =	shalt  }
0x55: {  	_ =	shalt  }
0x56: {  	_ =	shalt  }
0x57: {  	_ =	shalt  }
0x58: {  	_ =	shalt  }
0x59: {  	_ =	shalt  }
0x5a: {  	_ =	shalt  }
0x5b: {  	_ =	shalt  }
0x5c: {  	_ =	shalt  }
0x5d: {  	_ =	shalt  }
0x5e: {  	_ =	shalt  }
0x5f: {  	_ =	shalt  }
0x60: {  	_ =	shalt  }
0x61: {  	_ =	shalt  }
0x62: {  	_ =	shalt  }
0x63: {  	_ =	shalt  }
0x64: {  	_ =	shalt  }
0x65: {  	_ =	shalt  }
0x66: {  	_ =	shalt  }
0x67: {  	_ =	shalt  }
0x68: {  	_ =	shalt  }
0x69: {  	_ =	shalt  }
0x6a: {  	_ =	shalt  }
0x6b: {  	_ =	shalt  }
0x6c: {  	_ =	shalt  }
0x6d: {  	_ =	shalt  }
0x6e: {  	_ =	shalt  }
0x6f: {  	_ =	shalt  }
0x70: {  	_ =	shalt  }
0x71: {  	_ =	shalt  }
0x72: {  	_ =	shalt  }
0x73: {  	_ =	shalt  }
0x74: {  	_ =	shalt  }
0x75: {  	_ =	shalt  }
0x76: {  	_ =	shalt  }
0x77: {  	_ =	shalt  }
0x78: {  	_ =	shalt  }
0x79: {  	_ =	shalt  }
0x7a: {  	_ =	shalt  }
0x7b: {  	_ =	shalt  }
0x7c: {  	_ =	shalt  }
0x7d: {  	_ =	shalt  }
0x7e: {  	_ =	shalt  }
0x7f: {  	_ =	shalt  }
0x80: {  	_ =	shalt  }
0x81: {  	_ =	shalt  }
0x82: {  	_ =	shalt  }
0x83: {  	_ =	shalt  }
0x84: {  	_ =	shalt  }
0x85: {  	_ =	shalt  }
0x86: {  	_ =	shalt  }
0x87: {  	_ =	shalt  }
.Lfunc_end0:
.L_simem_size_0:
called_computation.3_lowered:
.L_overlay_start_0:
0x88: {  	s2 =	sld [smem:$0x3FD9]  }
0x89: {  	s3 =	sld [smem:$0x3FFE];
	_ =	sdelay $0x1  }
0x8a: {  	s1 =	srdreg.scid  }
0x8b: {  	s0 =	sand.u32 $0x1, s1  }
0x8c: {  	s14 =	sshll.u32 s0, $0xA;
	s2 =	sadd.s32 s3, s2  }
0x8d: {  	s2 =	sadd.s32 s2, s14  }
0x8e: {  	[smem:$0x3FC6] =	sst s2  }
0x8f: {  	_ = 	snop  }
0x90: {  	s2 =	sld [smem:$0x3FD0];
	_ =	sdelay $0x2  }
0x91: {  	s15 =	simm.s32 $0xA;
	s4 =	simm.s32 $0x10  }
0x92: {  	[smem:s4], [sflag:s15] =	dma.local [hbm:s2], $0x1  }
0x93: {  	_ =	swait.eq [sflag:s15], $0x1  }
0x94: {  	[sflag:s15] =	ssyncset.done $0x0  }
0x95: {  	[sflag:s15] =	ssyncadd.s32 $0xFFFFFFFF  }
0x96: {  	s16 =	sld [smem:$0x11];
	(tm) =	ssettm $0x1  }
0x97: {  	s17 =	sld [smem:$0x3FFB];
	_ =	sdelay $0x3  }
0x98: {  	_ =	strace s17  }
0x99: {  	s3 =	sld [smem:$0x3FFC];
	_ =	sdelay $0x3  }
0x9a: {  	_ =	strace s3  }
0x9b: {  	s3 =	sld [smem:$0x3FFD];
	_ =	sdelay $0x3  }
0x9c: {  	_ =	strace s3  }
0x9d: {  	_ =	strace $0x8FFFFFFF  }
0x9e: {  	s18 =	sld [smem:$0x3FDB];
	_ =	sdelay $0x1  }
0x9f: {  	s19 =	simm.s32 $_scs_section_size  }
0xa0: {  	s5 =	simm.s32 $_size__tile_overlayer_lowered;
	s6 =	simm.s32 $_tile_overlayer_lowered  }
0xa1: {  	s22 =	simm.s32 $0x1BFF;
	s21 =	sshll.u32 s6, $0x1;
	s3 =	sadd.s32 s19, s18  }
0xa2: {  	s7 =	simm.s32 $0x0;
	s20 =	sshll.u32 s5, $0x1;
	s5 =	sadd.s32 s21, s3  }
0xa3: {  	[timem:s7], [sflag:s22] =	dma.local [hbm:s5], s20  }
0xa4: {  	_ =	swait.ge [sflag:s22], s20  }
0xa5: {  	s4 =	ssub.s32 $0x0, s20;
	[sflag:s22] =	ssyncset.done $0x0  }
0xa6: {  	[sflag:s22] =	ssyncadd.s32 s4;
	_ =	sdelay $0x1  }
0xa7: {  	s23 =	simm.s32 $0x1B8B  }
0xa8: {  	_ =	swait.ge [sflag:s23], $0x1  }
0xa9: {  	[sflag:s23] =	ssyncset.done $0x0  }
0xaa: {  	s25 =	simm.s32 $0x1B8E;
	s24 =	sld [smem:$0x3FFE];
	[sflag:s23] =	ssyncadd.s32 $0xFFFFFFFF  }
0xab: {  	s26 =	simm.s32 $execute0_lowered;
	[smem:$0x3FD2] =	sst s25  }
0xac: {  	s5 =	sshll.u32 s26, $0x1;
	_ =	strace $0x8000004F;
	[dreg:$0x1] =	wrdreg $0xFFFFFFFF  }
0xad: {  	s28 =	simm.s32 $_size_execute0_lowered;
	s3 =	sadd.s32 s3, s5;
	[dreg:$0x0] =	wrdreg $0x0  }
0xae: {  	s5 =	sshll.u32 s28, $0x1;
	[dreg:$0x2] =	wrdreg s3  }
0xaf: {  	[dreg:$0x3] =	wrdreg s5  }
0xb0: {  	[dreg:$0x4] =	wrdreg $0xC0  }
0xb1: {  	_ =	task [dreg:s7], $0x5FFFF  }
0xb2: {  	[dreg:$0x1] =	wrdreg $0xFFFFFFFF  }
0xb3: {  	[dreg:$0x0] =	wrdreg $0x60  }
0xb4: {  	[dreg:$0x2] =	wrdreg s24  }
0xb5: {  	[dreg:$0x3] =	wrdreg s16  }
0xb6: {  	[dreg:$0x4] =	wrdreg $0x9  }
0xb7: {  	_ =	task.clear_ibuf [dreg:s7], $0x5FFFF;
	_ =	strace $0x9000004F  }
0xb8: {  	s29 =	simm.s32 $0x9;
	_ =	strace $0x80000051  }
0xb9: {  	_ =	swait.ge [sflag:s29], $0x1  }
0xba: {  	[sflag:s29] =	ssyncadd.s32 $0xFFFFFFFF  }
0xbb: {  	_ =	strace $0x90000051  }
0xbc: {  	_ =	sfence  }
0xbd: {  	s30 =	sld [smem:$0x0];
	_ =	sdelay $0x2  }
0xbe: {  	s31 =	sshll.u32 s1, $0xD;
	s1 =	sshrl.u32 s1, $0x2  }
0xbf: {  	s3 =	sand.u32 $0x4000, s31;
	s1 =	sadd.s32 s1, s30  }
0xc0: {  	s0 =	sor.u32 s3, s0;
	s1 =	sshll.u32 s1, $0x11  }
0xc1: {  	s0 =	sor.u32 s1, s0  }
0xc2: {  	s0 =	sadd.s32 $0x8F2B, s0  }
0xc3: {  	[sflag:s0] =	ssyncadd.remote.s32 $0x1  }
0xc4: {  	_ =	sfence.sel $0xFFFF  }
0xc5: {  	[dreg:$0x0] =	wrdreg $0xFFFFFFFF;
	(pc) =	sbr.abs _section_cstart, $3  }
0xc6: {  	[dreg:$0x1] =	wrdreg $0xFFFFFFFF  }
0xc7: {  	_ =	task.clear_ibuf [dreg:s7], $0x2FFFF;
	_ =	strace $0x9FFFFFFF  }
0xc8: {  	(tm) =	ssettm $0x7FFFFFFF  }
0xc9: {  	_ =	shalt  }
tec
execute0_lowered:
.L_overlay_start_1:
0x0: {  	(tag) =	ssettag $0x1  }
0x1: {  	s1 =	srdreg.scid  }
0x2: {  	s5 =	rddreg [dreg:$0x0];
	s0 =	stileid.u32  }
0x3: {  	s4 =	rddreg [dreg:$0x1];
	s2 =	simm.s32 $0x0;
	s26 =	simm.s32 $0x880  }
0x4: {  	s9 =	simm.s32 $0x1080;
	s10 =	simm.s32 $0x1880;
	s11 =	simm.s32 $0x2080  }
0x5: {  	s12 =	simm.s32 $0x2880;
	s13 =	simm.s32 $0x3080;
	s14 =	simm.s32 $0x3880  }
0x6: {  	s15 =	simm.s32 $0x4080;
	s16 =	simm.s32 $0x4880;
	s17 =	simm.s32 $0x5080  }
0x7: {  	s18 =	simm.s32 $0x5880;
	s19 =	simm.s32 $0x6080;
	s20 =	simm.s32 $0x6880  }
0x8: {  	s21 =	simm.s32 $0x7080;
	s22 =	simm.s32 $0x7880;
	s23 =	simm.s32 $0x8080  }
0x9: {  	s24 =	simm.s32 $0x8880;
	s28 =	simm.s32 $0xA080;
	s29 =	simm.s32 $0xA880  }
0xa: {  	s30 =	simm.s32 $0xB080;
	s31 =	simm.s32 $0xB880;
	s1 =	sand.u32 $0x1, s1  }
0xb: {  	s3 =	sshll.u32 s0, $0x4;
	[smem:$0x7FF] =	sst s2;
	s6 =	sshll.u32 s1, $0x3  }
0xc: {  	s1 =	ssub.s32 $0x2, s1;
	_ =	strace $0x80000050;
	[dreg:$0x5] =	wrdreg s26  }
0xd: {  	s26 =	simm.s32 $0x9880;
	s6 =	sor.u32 s6, s3;
	s3 =	sadd.s32 $0xB5600, s5  }
0xe: {  	s8 =	sshrl.u32 s1, $0x1;
	s7 =	smul.u32 $0x300, s6;
	s4 =	sadd.s32 s4, s6  }
0xf: {  	s1 =	ssub.s32 s1, s8;
	s8 =	simm.s32 $0x80;
	[dreg:$0x3] =	wrdreg s4  }
0x10: {  	v2 =	vlaneseq.u32;
	s4 =	sadd.s32 $0xB5700, s5;
	s6 =	smax.u32 s1, $0x1;
	s7 =	sadd.s32 s7, s5  }
0x11: {  	vm0 =	vmmov $0xffff;
	v1 =	vshrl.u32 v2, $0x3;
	s1 =	simm.s32 $0x1;
	s5 =	sadd.s32 $0xB5800, s5;
	s25 =	sadd.s32 $0x85600, s7  }
0x12: {  	v0 =	vand.u32 $0x7, v2;
	v2 =	vor.u32 $0x8, v2;
	v1 =	vmul.u32 $0x8, v1;
	s7 =	simm.s32 $0x2;
	[dreg:$0x4] =	wrdreg s25;
	s25 =	simm.s32 $0x9080  }
.LBB2_1:
0x13: {  	s0 =	rddreg [dreg:$0x3]  }
0x14: {  	[tilespmem:s2], [sflag:$0x2] =	stream.linear.gather [hbm4b:s0+s2], $0x40, $0x38;
	[tilespmem:$0xC080] =	vst v63  }
0x15: {  	_ =	swait.ge [sflag:s7], $0x40  }
0x16: {  	[sflag:s7] =	ssyncset.done $0x0  }
0x17: {  	[sflag:s7] =	ssyncadd.s32 $0xFFFFFFC0  }
0x18: {  	v3 =	vld [tilespmem:$0x0];
	_ =	sdelay $0x4  }
0x19: {  	v4 =	vshrl.u32 v3, $0x3  }
0x1a: {  	v4 =	vmul.u32 $0x30, v4  }
0x1b: {  	v3 =	vand.u32 $0x7, v3  }
0x1c: {  	v3 =	vor.u32 v3, v4  }
0x1d: {  	v4 =	vperm.xlane v3, v0;
	_ =	sdelay $0x1  }
0x1e: {  	v4 =	vadd.s32 v1, v4;
	_ =	sdelay $0x3  }
0x1f: {  	v3 =	vperm.xlane v3, v2  }
0x20: {  	[tilespmem:s8], [sflag:$0x1] =	stream.indirect_vreg.gather [hbm4b:s3+s2], $0x80, v4, vm0, $0xb8;
	[tilespmem:$0xC080] =	vst v63  }
0x21: {  	s0 =	rddreg [dreg:$0x5];
	v3 =	vadd.s32 v1, v3  }
0x22: {  	[tilespmem:s0], [sflag:$0x1] =	stream.indirect_vreg.gather [hbm4b:s4+s2], $0x80, v4, vm0, $0xb8;
	[tilespmem:$0xC080] =	vst v63  }
0x23: {  	_ = 	snop  }
0x24: {  	[tilespmem:s9], [sflag:$0x1] =	stream.indirect_vreg.gather [hbm4b:s5+s2], $0x80, v4, vm0, $0xb8;
	[tilespmem:$0xC080] =	vst v63  }
0x25: {  	_ = 	snop  }
0x26: {  	[tilespmem:s10], [sflag:$0x1] =	stream.indirect_vreg.gather [hbm4b:s3+s2], $0x80, v3, vm0, $0xb8;
	[tilespmem:$0xC080] =	vst v63  }
0x27: {  	_ = 	snop  }
0x28: {  	[tilespmem:s11], [sflag:$0x1] =	stream.indirect_vreg.gather [hbm4b:s4+s2], $0x80, v3, vm0, $0xb8;
	[tilespmem:$0xC080] =	vst v63  }
0x29: {  	_ = 	snop  }
0x2a: {  	[tilespmem:s12], [sflag:$0x1] =	stream.indirect_vreg.gather [hbm4b:s5+s2], $0x80, v3, vm0, $0xb8;
	[tilespmem:$0xC080] =	vst v63  }
0x2b: {  	v3 =	vld [tilespmem:$0x10];
	_ =	sdelay $0x4  }
0x2c: {  	v61 =	vshrl.u32 v3, $0x3  }
0x2d: {  	v4 =	vmul.u32 $0x30, v61  }
0x2e: {  	v3 =	vand.u32 $0x7, v3  }
0x2f: {  	v3 =	vor.u32 v3, v4  }
0x30: {  	v4 =	vperm.xlane v3, v0;
	_ =	sdelay $0x1  }
0x31: {  	v4 =	vadd.s32 v1, v4;
	_ =	sdelay $0x3  }
0x32: {  	v3 =	vperm.xlane v3, v2  }
0x33: {  	[tilespmem:s13], [sflag:$0x1] =	stream.indirect_vreg.gather [hbm4b:s3+s2], $0x80, v4, vm0, $0xb8;
	[tilespmem:$0xC080] =	vst v63  }
0x34: {  	v3 =	vadd.s32 v1, v3  }
0x35: {  	[tilespmem:s14], [sflag:$0x1] =	stream.indirect_vreg.gather [hbm4b:s4+s2], $0x80, v4, vm0, $0xb8;
	[tilespmem:$0xC080] =	vst v63  }
0x36: {  	_ = 	snop  }
0x37: {  	[tilespmem:s15], [sflag:$0x1] =	stream.indirect_vreg.gather [hbm4b:s5+s2], $0x80, v4, vm0, $0xb8;
	[tilespmem:$0xC080] =	vst v63  }
0x38: {  	_ = 	snop  }
0x39: {  	[tilespmem:s16], [sflag:$0x1] =	stream.indirect_vreg.gather [hbm4b:s3+s2], $0x80, v3, vm0, $0xb8;
	[tilespmem:$0xC080] =	vst v63  }
0x3a: {  	_ = 	snop  }
0x3b: {  	[tilespmem:s17], [sflag:$0x1] =	stream.indirect_vreg.gather [hbm4b:s4+s2], $0x80, v3, vm0, $0xb8;
	[tilespmem:$0xC080] =	vst v63  }
0x3c: {  	_ = 	snop  }
0x3d: {  	[tilespmem:s18], [sflag:$0x1] =	stream.indirect_vreg.gather [hbm4b:s5+s2], $0x80, v3, vm0, $0xb8;
	[tilespmem:$0xC080] =	vst v63  }
0x3e: {  	v3 =	vld [tilespmem:$0x20];
	_ =	sdelay $0x4  }
0x3f: {  	v62 =	vshrl.u32 v3, $0x3  }
0x40: {  	v4 =	vmul.u32 $0x30, v62  }
0x41: {  	v3 =	vand.u32 $0x7, v3  }
0x42: {  	v3 =	vor.u32 v3, v4  }
0x43: {  	v4 =	vperm.xlane v3, v0;
	_ =	sdelay $0x1  }
0x44: {  	v4 =	vadd.s32 v1, v4;
	_ =	sdelay $0x3  }
0x45: {  	v3 =	vperm.xlane v3, v2  }
0x46: {  	[tilespmem:s19], [sflag:$0x1] =	stream.indirect_vreg.gather [hbm4b:s3+s2], $0x80, v4, vm0, $0xb8;
	[tilespmem:$0xC080] =	vst v63  }
0x47: {  	v3 =	vadd.s32 v1, v3  }
0x48: {  	[tilespmem:s20], [sflag:$0x1] =	stream.indirect_vreg.gather [hbm4b:s4+s2], $0x80, v4, vm0, $0xb8;
	[tilespmem:$0xC080] =	vst v63  }
0x49: {  	_ = 	snop  }
0x4a: {  	[tilespmem:s21], [sflag:$0x1] =	stream.indirect_vreg.gather [hbm4b:s5+s2], $0x80, v4, vm0, $0xb8;
	[tilespmem:$0xC080] =	vst v63  }
0x4b: {  	_ = 	snop  }
0x4c: {  	[tilespmem:s22], [sflag:$0x1] =	stream.indirect_vreg.gather [hbm4b:s3+s2], $0x80, v3, vm0, $0xb8;
	[tilespmem:$0xC080] =	vst v63  }
0x4d: {  	_ = 	snop  }
0x4e: {  	[tilespmem:s23], [sflag:$0x1] =	stream.indirect_vreg.gather [hbm4b:s4+s2], $0x80, v3, vm0, $0xb8;
	[tilespmem:$0xC080] =	vst v63  }
0x4f: {  	_ = 	snop  }
0x50: {  	[tilespmem:s24], [sflag:$0x1] =	stream.indirect_vreg.gather [hbm4b:s5+s2], $0x80, v3, vm0, $0xb8;
	[tilespmem:$0xC080] =	vst v63  }
0x51: {  	v3 =	vld [tilespmem:$0x30];
	_ =	sdelay $0x4  }
0x52: {  	v63 =	vshrl.u32 v3, $0x3  }
0x53: {  	v4 =	vmul.u32 $0x30, v63  }
0x54: {  	v3 =	vand.u32 $0x7, v3  }
0x55: {  	v3 =	vor.u32 v3, v4  }
0x56: {  	v4 =	vperm.xlane v3, v0;
	_ =	sdelay $0x1  }
0x57: {  	v4 =	vadd.s32 v1, v4;
	_ =	sdelay $0x3  }
0x58: {  	v3 =	vperm.xlane v3, v2  }
0x59: {  	[tilespmem:s25], [sflag:$0x1] =	stream.indirect_vreg.gather [hbm4b:s3+s2], $0x80, v4, vm0, $0xb8;
	[tilespmem:$0xC080] =	vst v63  }
0x5a: {  	v3 =	vadd.s32 v1, v3  }
0x5b: {  	[tilespmem:s26], [sflag:$0x1] =	stream.indirect_vreg.gather [hbm4b:s4+s2], $0x80, v4, vm0, $0xb8;
	[tilespmem:$0xC080] =	vst v63  }
0x5c: {  	_ = 	snop  }
0x5d: {  	[tilespmem:s28], [sflag:$0x1] =	stream.indirect_vreg.gather [hbm4b:s5+s2], $0x80, v4, vm0, $0xb8;
	[tilespmem:$0xC080] =	vst v63  }
0x5e: {  	_ = 	snop  }
0x5f: {  	[tilespmem:s29], [sflag:$0x1] =	stream.indirect_vreg.gather [hbm4b:s3+s2], $0x80, v3, vm0, $0xb8;
	[tilespmem:$0xC080] =	vst v63  }
0x60: {  	_ = 	snop  }
0x61: {  	[tilespmem:s30], [sflag:$0x1] =	stream.indirect_vreg.gather [hbm4b:s4+s2], $0x80, v3, vm0, $0xb8;
	[tilespmem:$0xC080] =	vst v63  }
0x62: {  	_ = 	snop  }
0x63: {  	[tilespmem:s31], [sflag:$0x1] =	stream.indirect_vreg.gather [hbm4b:s5+s2], $0x80, v3, vm0, $0xb8;
	[tilespmem:$0xC080] =	vst v63  }
0x64: {  	_ =	swait.ge [sflag:s1], $0xC000  }
0x65: {  	p0 =	sne.s32 s6, $0x1;
	[sflag:s1] =	ssyncset.done $0x0  }
.Ltmp0:
0x66: {  	s0 =	rddreg [dreg:$0x4];
	[sflag:s1] =	ssyncadd.s32 $0xFFFF4000;
	(pc) =	sbr.rel @p0 .LBB2_1-.Ltmp0, $4  }
0x67: {  	[hbm4b:s0+s2] =	stream.linear.scatter [tilespmem:s8], [sflag:$0x2], $0xC000, $0x38;
	[tilespmem:$0xC080] =	vst v63  }
0x68: {  	_ =	swait.ge [sflag:s7], $0xC000  }
0x69: {  	[sflag:s7] =	ssyncset.done $0x0  }
0x6a: {  	s6 =	sadd.s32 $0xFFFFFFFF, s6;
	[sflag:s7] =	ssyncadd.s32 $0xFFFF4000  }
0x6b: {  	_ =	sfence.sel $0x180000  }
0x6c: {  	[bflag:$0x0] =	sbarrier.arrive $0xFFFF  }
0x6d: {  	_ =	strace $0x90000050  }
0x6e: {  	s0 =	stileid.u32;
	[bflag:$0x2] =	sbarrier.arrive $0xFFFF  }
0x6f: {  	p0 =	sne.s32 s0, $0x0;
	s0 =	rddreg [dreg:$0x2]  }
0x70: {  	s0 =	sadd.s32 @!p0 $0x100000, s0  }
0x71: {  	[sflag:s0] =	ssyncadd.tile.s32 @!p0 $0x1;
	_ =	shalt  }
.Lfunc_end2:
_tile_overlayer_lowered:
.L_overlay_start_2:
0x72: {  	(tag) =	ssettag $0x2  }
0x73: {  	s0 =	rddreg [dreg:$0x0];
	s2 =	stileid.u32  }
0x74: {  	s1 =	rddreg [dreg:$0x1];
	p0 =	sne.s32 s2, $0x0  }
0x75: {  	s3 =	rddreg [dreg:$0x2];
	[bflag:$0x3] =	sbarrier.arrive $0xFFFF;
	s2 =	simm.s32 @!p0 $0x1C02  }
0x76: {  	[timem:s3], [sflag:s2] =	dma.local @!p0 [hbm:s0], s1  }
0x77: {  	s0 =	simm.s32 @!p0 $0x2  }
0x78: {  	_ =	swait.ge @!p0 [sflag:s0], s1  }
0x79: {  	s1 =	ssub.s32 @!p0 $0x0, s1;
	[sflag:s0] =	ssyncset.done @!p0 $0x0  }
0x7a: {  	[sflag:s0] =	ssyncadd.s32 @!p0 s1  }
0x7b: {  	[bflag:$0x3] =	sbarrier.arrive $0xFFFF  }
0x7c: {  	_ =	shalt  }

// kernel: kernel.39.cloned.1.call-start
scs
__scs_entry_jumppad:
0x0: {  	(pc) =	sbr.rel $0x88, $3  }
0x1: {  	(tag) =	ssettag $0x0;
	lr =	simm.s32 $0x1  }
0x2: {  	[smem:$0x3F9F] =	sst lr;
	_ =	strace $0xD0000000  }
0x3: {  	_ = 	snop  }
0x4: {  	_ = 	snop  }
0x5: {  	_ = 	snop  }
0x6: {  	_ = 	snop  }
0x7: {  	_ = 	snop  }
__scs_overlays_trampoline_lowered:
0x8: {  	[smem:$0x3FAE] =	sst s0  }
0x9: {  	[smem:$0x3FAF] =	sst s1  }
0xa: {  	[smem:$0x3FB0] =	sst s2  }
0xb: {  	[smem:$0x3FB1] =	sst s3  }
0xc: {  	[smem:$0x3FB2] =	sst s4  }
0xd: {  	[smem:$0x3FB3] =	sst s5  }
0xe: {  	[smem:$0x3FB4] =	sst s6  }
0xf: {  	[smem:$0x3FB5] =	sst s7  }
0x10: {  	[smem:$0x3FB6] =	sst s8  }
0x11: {  	[smem:$0x3FB7] =	sst s9;
	s0 =	simm.s32 @!p0 $0x0  }
0x12: {  	s1 =	sld [smem:$0x3F9D];
	s0 =	simm.s32 @p0 $0x1  }
0x13: {  	[smem:$0x3FB8] =	sst s0;
	s0 =	simm.s32 @!p1 $0x0  }
0x14: {  	s2 =	sld [smem:$0x3F9C];
	s0 =	simm.s32 @p1 $0x1  }
0x15: {  	[smem:$0x3FB9] =	sst s0;
	s0 =	simm.s32 @!p2 $0x0  }
0x16: {  	s3 =	sld [smem:$0x3FDB];
	s0 =	simm.s32 @p2 $0x1  }
0x17: {  	s4 =	simm.s32 $0x1BF5;
	[smem:$0x3FBB] =	sst s0  }
0x18: {  	s0 =	sld [smem:$0x3F9E];
	_ =	swait.ge [sflag:s4], $0x0  }
0x19: {  	s7 =	sld [smem:$0x3F9F]  }
0x1a: {  	s8 =	sadd.s32 $0xFFFFE003, lr  }
0x1b: {  	s9 =	sadd.s32 $0xFFFFFEF7, lr;
	s5 =	simm.s32 $0xFFFFFFFF;
	p2 =	slt.u32 s8, $0xFFFFF086  }
0x1c: {  	p1 =	slt.u32 s9, $0xF7A;
	s5 =	simm.s32 @!p2 $0x0  }
0x1d: {  	s5 =	simm.s32 @p1 $0x1;
	p0 =	seq.s32 s7, s2  }
0x1e: {  	s7 =	smul.u32 @!p0 $0xF7A, s2;
	p2 =	seq.s32 @!p0 s5, $0x0  }
0x1f: {  	s9 =	smul.u32 $0xF7A, s1;
	s8 =	simm.s32 @!p0 $0x1BF5;
	p2 =	por !p2, p0  }
0x20: {  	[sflag:s8] =	ssyncset.s32 @!p0 $0xFFFFF086;
	s6 =	sadd.s32 @!p0 s3, s7;
	s7 =	simm.s32 @!p0 $0x108  }
0x21: {  	s3 =	sadd.s32 s3, s9;
	s6 =	sadd.s32 @!p0 $0x88, s6;
	s7 =	simm.s32 @p2 $0x1082  }
0x22: {  	[simem:s7], [sflag:s8] =	dma.local @!p0 [hbm:s6], $0xF7A  }
0x23: {  	s9 =	sor.u32 $0xD0000000, s2;
	s6 =	simm.s32 $0x108;
	_ =	swait.ge @!p0 [sflag:s8], $0x0  }
0x24: {  	s3 =	sadd.s32 $0x88, s3;
	s6 =	simm.s32 @!p1 $0x1082;
	[sflag:s4] =	ssyncset.s32 $0xFFFFF086  }
0x25: {  	[simem:s6], [sflag:s4] =	dma.local [hbm:s3], $0xF7A  }
0x26: {  	[smem:$0x3F9F] =	sst s1;
	(tag) =	ssettag s2;
	_ =	strace s9  }
0x27: {  	s1 =	sld [smem:$0x3FAF]  }
0x28: {  	s2 =	sld [smem:$0x3FB0]  }
0x29: {  	s4 =	sld [smem:$0x3FB2]  }
0x2a: {  	p0 =	seq.s32 s5, $0x0;
	s5 =	sld [smem:$0x3FB3]  }
0x2b: {  	s6 =	sld [smem:$0x3FB4]  }
0x2c: {  	s7 =	sld [smem:$0x3FB5]  }
0x2d: {  	s3 =	simm.s32 $0x108;
	s8 =	sld [smem:$0x3FB6]  }
0x2e: {  	s3 =	simm.s32 @!p0 $0x1082;
	s9 =	sld [smem:$0x3FB7]  }
0x2f: {  	lr =	sadd.s32 s0, s3;
	s0 =	sld [smem:$0x3FAE]  }
0x30: {  	s3 =	sld [smem:$0x3FB1]  }
0x31: {  	[smem:$0x3FBA] =	sst s10  }
0x32: {  	s10 =	sld [smem:$0x3FB8];
	_ =	sdelay $0x3  }
0x33: {  	p0 =	seq.s32 s10, $0x1;
	s10 =	sld [smem:$0x3FBA];
	_ =	sdelay $0x3  }
0x34: {  	[smem:$0x3FBA] =	sst s10  }
0x35: {  	s10 =	sld [smem:$0x3FB9];
	_ =	sdelay $0x3  }
0x36: {  	p1 =	seq.s32 s10, $0x1;
	s10 =	sld [smem:$0x3FBA];
	_ =	sdelay $0x3  }
0x37: {  	[smem:$0x3FBA] =	sst s10  }
0x38: {  	s10 =	sld [smem:$0x3FBB]  }
0x39: {  	_ = 	snop;
	(pc) =	sbr.ind lr, $3  }
0x3a: {  	_ = 	snop  }
0x3b: {  	_ = 	snop  }
0x3c: {  	p2 =	seq.s32 s10, $0x1;
	s10 =	sld [smem:$0x3FBA]  }
0x3d: {  	_ =	shalt  }
0x3e: {  	_ =	shalt  }
0x3f: {  	_ =	shalt  }
0x40: {  	_ =	shalt  }
0x41: {  	_ =	shalt  }
0x42: {  	_ =	shalt  }
0x43: {  	_ =	shalt  }
0x44: {  	_ =	shalt  }
0x45: {  	_ =	shalt  }
0x46: {  	_ =	shalt  }
0x47: {  	_ =	shalt  }
0x48: {  	_ =	shalt  }
0x49: {  	_ =	shalt  }
0x4a: {  	_ =	shalt  }
0x4b: {  	_ =	shalt  }
0x4c: {  	_ =	shalt  }
0x4d: {  	_ =	shalt  }
0x4e: {  	_ =	shalt  }
0x4f: {  	_ =	shalt  }
0x50: {  	_ =	shalt  }
0x51: {  	_ =	shalt  }
0x52: {  	_ =	shalt  }
0x53: {  	_ =	shalt  }
0x54: {  	_ =	shalt  }
0x55: {  	_ =	shalt  }
0x56: {  	_ =	shalt  }
0x57: {  	_ =	shalt  }
0x58: {  	_ =	shalt  }
0x59: {  	_ =	shalt  }
0x5a: {  	_ =	shalt  }
0x5b: {  	_ =	shalt  }
0x5c: {  	_ =	shalt  }
0x5d: {  	_ =	shalt  }
0x5e: {  	_ =	shalt  }
0x5f: {  	_ =	shalt  }
0x60: {  	_ =	shalt  }
0x61: {  	_ =	shalt  }
0x62: {  	_ =	shalt  }
0x63: {  	_ =	shalt  }
0x64: {  	_ =	shalt  }
0x65: {  	_ =	shalt  }
0x66: {  	_ =	shalt  }
0x67: {  	_ =	shalt  }
0x68: {  	_ =	shalt  }
0x69: {  	_ =	shalt  }
0x6a: {  	_ =	shalt  }
0x6b: {  	_ =	shalt  }
0x6c: {  	_ =	shalt  }
0x6d: {  	_ =	shalt  }
0x6e: {  	_ =	shalt  }
0x6f: {  	_ =	shalt  }
0x70: {  	_ =	shalt  }
0x71: {  	_ =	shalt  }
0x72: {  	_ =	shalt  }
0x73: {  	_ =	shalt  }
0x74: {  	_ =	shalt  }
0x75: {  	_ =	shalt  }
0x76: {  	_ =	shalt  }
0x77: {  	_ =	shalt  }
0x78: {  	_ =	shalt  }
0x79: {  	_ =	shalt  }
0x7a: {  	_ =	shalt  }
0x7b: {  	_ =	shalt  }
0x7c: {  	_ =	shalt  }
0x7d: {  	_ =	shalt  }
0x7e: {  	_ =	shalt  }
0x7f: {  	_ =	shalt  }
0x80: {  	_ =	shalt  }
0x81: {  	_ =	shalt  }
0x82: {  	_ =	shalt  }
0x83: {  	_ =	shalt  }
0x84: {  	_ =	shalt  }
0x85: {  	_ =	shalt  }
0x86: {  	_ =	shalt  }
0x87: {  	_ =	shalt  }
.Lfunc_end0:
.L_simem_size_0:
called_computation.4_lowered:
.L_overlay_start_0:
0x88: {  	s2 =	sld [smem:$0x3FD9]  }
0x89: {  	s3 =	sld [smem:$0x3FFE];
	_ =	sdelay $0x1  }
0x8a: {  	s1 =	srdreg.scid  }
0x8b: {  	s0 =	sand.u32 $0x1, s1  }
0x8c: {  	s14 =	sshll.u32 s0, $0xA;
	s2 =	sadd.s32 s3, s2  }
0x8d: {  	s2 =	sadd.s32 s2, s14  }
0x8e: {  	[smem:$0x3FC6] =	sst s2  }
0x8f: {  	_ = 	snop  }
0x90: {  	s2 =	sld [smem:$0x3FD0];
	_ =	sdelay $0x2  }
0x91: {  	s15 =	simm.s32 $0xA;
	s4 =	simm.s32 $0x10  }
0x92: {  	[smem:s4], [sflag:s15] =	dma.local [hbm:s2], $0x1  }
0x93: {  	_ =	swait.eq [sflag:s15], $0x1  }
0x94: {  	[sflag:s15] =	ssyncset.done $0x0  }
0x95: {  	[sflag:s15] =	ssyncadd.s32 $0xFFFFFFFF  }
0x96: {  	s16 =	sld [smem:$0x11];
	(tm) =	ssettm $0x1  }
0x97: {  	s17 =	sld [smem:$0x3FFB];
	_ =	sdelay $0x3  }
0x98: {  	_ =	strace s17  }
0x99: {  	s3 =	sld [smem:$0x3FFC];
	_ =	sdelay $0x3  }
0x9a: {  	_ =	strace s3  }
0x9b: {  	s3 =	sld [smem:$0x3FFD];
	_ =	sdelay $0x3  }
0x9c: {  	_ =	strace s3  }
0x9d: {  	_ =	strace $0x8FFFFFFF  }
0x9e: {  	s18 =	sld [smem:$0x3FDB];
	_ =	sdelay $0x1  }
0x9f: {  	s19 =	simm.s32 $_scs_section_size  }
0xa0: {  	s5 =	simm.s32 $_size__tile_overlayer_lowered;
	s6 =	simm.s32 $_tile_overlayer_lowered  }
0xa1: {  	s22 =	simm.s32 $0x1BFF;
	s21 =	sshll.u32 s6, $0x1;
	s3 =	sadd.s32 s19, s18  }
0xa2: {  	s7 =	simm.s32 $0x0;
	s20 =	sshll.u32 s5, $0x1;
	s5 =	sadd.s32 s21, s3  }
0xa3: {  	[timem:s7], [sflag:s22] =	dma.local [hbm:s5], s20  }
0xa4: {  	_ =	swait.ge [sflag:s22], s20  }
0xa5: {  	s4 =	ssub.s32 $0x0, s20;
	[sflag:s22] =	ssyncset.done $0x0  }
0xa6: {  	[sflag:s22] =	ssyncadd.s32 s4;
	_ =	sdelay $0x1  }
0xa7: {  	s23 =	simm.s32 $0x1B8B  }
0xa8: {  	_ =	swait.ge [sflag:s23], $0x1  }
0xa9: {  	[sflag:s23] =	ssyncset.done $0x0  }
0xaa: {  	s25 =	simm.s32 $0x1B8E;
	s24 =	sld [smem:$0x3FFE];
	[sflag:s23] =	ssyncadd.s32 $0xFFFFFFFF  }
0xab: {  	s26 =	simm.s32 $execute0_lowered;
	[smem:$0x3FD2] =	sst s25  }
0xac: {  	s5 =	sshll.u32 s26, $0x1;
	_ =	strace $0x80000052;
	[dreg:$0x1] =	wrdreg $0xFFFFFFFF  }
0xad: {  	s28 =	simm.s32 $_size_execute0_lowered;
	s3 =	sadd.s32 s3, s5;
	[dreg:$0x0] =	wrdreg $0x0  }
0xae: {  	s5 =	sshll.u32 s28, $0x1;
	[dreg:$0x2] =	wrdreg s3  }
0xaf: {  	[dreg:$0x3] =	wrdreg s5  }
0xb0: {  	[dreg:$0x4] =	wrdreg $0xC0  }
0xb1: {  	_ =	task [dreg:s7], $0x5FFFF  }
0xb2: {  	[dreg:$0x1] =	wrdreg $0xFFFFFFFF  }
0xb3: {  	[dreg:$0x0] =	wrdreg $0x60  }
0xb4: {  	[dreg:$0x2] =	wrdreg s24  }
0xb5: {  	[dreg:$0x3] =	wrdreg s16  }
0xb6: {  	[dreg:$0x4] =	wrdreg $0x9  }
0xb7: {  	_ =	task.clear_ibuf [dreg:s7], $0x5FFFF;
	_ =	strace $0x90000052  }
0xb8: {  	s29 =	simm.s32 $0x9;
	_ =	strace $0x80000054  }
0xb9: {  	_ =	swait.ge [sflag:s29], $0x1  }
0xba: {  	[sflag:s29] =	ssyncadd.s32 $0xFFFFFFFF  }
0xbb: {  	_ =	strace $0x90000054  }
0xbc: {  	_ =	sfence  }
0xbd: {  	s30 =	sld [smem:$0x0];
	_ =	sdelay $0x2  }
0xbe: {  	s31 =	sshll.u32 s1, $0xD;
	s1 =	sshrl.u32 s1, $0x2  }
0xbf: {  	s3 =	sand.u32 $0x4000, s31;
	s1 =	sadd.s32 s1, s30  }
0xc0: {  	s0 =	sor.u32 s3, s0;
	s1 =	sshll.u32 s1, $0x11  }
0xc1: {  	s0 =	sor.u32 s1, s0  }
0xc2: {  	s0 =	sadd.s32 $0x8F2B, s0  }
0xc3: {  	[sflag:s0] =	ssyncadd.remote.s32 $0x1  }
0xc4: {  	_ =	sfence.sel $0xFFFF  }
0xc5: {  	[dreg:$0x0] =	wrdreg $0xFFFFFFFF;
	(pc) =	sbr.abs _section_cstart, $3  }
0xc6: {  	[dreg:$0x1] =	wrdreg $0xFFFFFFFF  }
0xc7: {  	_ =	task.clear_ibuf [dreg:s7], $0x2FFFF;
	_ =	strace $0x9FFFFFFF  }
0xc8: {  	(tm) =	ssettm $0x7FFFFFFF  }
0xc9: {  	_ =	shalt  }
tec
execute0_lowered:
.L_overlay_start_1:
0x0: {  	(tag) =	ssettag $0x1  }
0x1: {  	s1 =	srdreg.scid  }
0x2: {  	s5 =	rddreg [dreg:$0x0];
	s0 =	stileid.u32  }
0x3: {  	s4 =	rddreg [dreg:$0x1];
	s2 =	simm.s32 $0x0;
	s26 =	simm.s32 $0x880  }
0x4: {  	s9 =	simm.s32 $0x1080;
	s10 =	simm.s32 $0x1880;
	s11 =	simm.s32 $0x2080  }
0x5: {  	s12 =	simm.s32 $0x2880;
	s13 =	simm.s32 $0x3080;
	s14 =	simm.s32 $0x3880  }
0x6: {  	s15 =	simm.s32 $0x4080;
	s16 =	simm.s32 $0x4880;
	s17 =	simm.s32 $0x5080  }
0x7: {  	s18 =	simm.s32 $0x5880;
	s19 =	simm.s32 $0x6080;
	s20 =	simm.s32 $0x6880  }
0x8: {  	s21 =	simm.s32 $0x7080;
	s22 =	simm.s32 $0x7880;
	s23 =	simm.s32 $0x8080  }
0x9: {  	s24 =	simm.s32 $0x8880;
	s28 =	simm.s32 $0xA080;
	s29 =	simm.s32 $0xA880  }
0xa: {  	s30 =	simm.s32 $0xB080;
	s31 =	simm.s32 $0xB880;
	s1 =	sand.u32 $0x1, s1  }
0xb: {  	s3 =	sshll.u32 s0, $0x4;
	[smem:$0x7FF] =	sst s2;
	s6 =	sshll.u32 s1, $0x3  }
0xc: {  	s1 =	ssub.s32 $0x2, s1;
	_ =	strace $0x80000053;
	[dreg:$0x5] =	wrdreg s26  }
0xd: {  	s26 =	simm.s32 $0x9880;
	s6 =	sor.u32 s6, s3;
	s3 =	sadd.s32 $0xCE00, s5  }
0xe: {  	s8 =	sshrl.u32 s1, $0x1;
	s7 =	smul.u32 $0x300, s6;
	s4 =	sadd.s32 s4, s6  }
0xf: {  	s1 =	ssub.s32 s1, s8;
	s8 =	simm.s32 $0x80;
	[dreg:$0x3] =	wrdreg s4  }
0x10: {  	v2 =	vlaneseq.u32;
	s4 =	sadd.s32 $0xCF00, s5;
	s6 =	smax.u32 s1, $0x1;
	s7 =	sadd.s32 s7, s5  }
0x11: {  	vm0 =	vmmov $0xffff;
	v1 =	vshrl.u32 v2, $0x3;
	s1 =	simm.s32 $0x1;
	s5 =	sadd.s32 $0xD000, s5;
	s25 =	sadd.s32 $0x85600, s7  }
0x12: {  	v0 =	vand.u32 $0x7, v2;
	v2 =	vor.u32 $0x8, v2;
	v1 =	vmul.u32 $0x8, v1;
	s7 =	simm.s32 $0x2;
	[dreg:$0x4] =	wrdreg s25;
	s25 =	simm.s32 $0x9080  }
.LBB2_1:
0x13: {  	s0 =	rddreg [dreg:$0x3]  }
0x14: {  	[tilespmem:s2], [sflag:$0x2] =	stream.linear.gather [hbm4b:s0+s2], $0x40, $0x38;
	[tilespmem:$0xC080] =	vst v63  }
0x15: {  	_ =	swait.ge [sflag:s7], $0x40  }
0x16: {  	[sflag:s7] =	ssyncset.done $0x0  }
0x17: {  	[sflag:s7] =	ssyncadd.s32 $0xFFFFFFC0  }
0x18: {  	v3 =	vld [tilespmem:$0x0];
	_ =	sdelay $0x4  }
0x19: {  	v4 =	vshrl.u32 v3, $0x3  }
0x1a: {  	v4 =	vmul.u32 $0x30, v4  }
0x1b: {  	v3 =	vand.u32 $0x7, v3  }
0x1c: {  	v3 =	vor.u32 v3, v4  }
0x1d: {  	v4 =	vperm.xlane v3, v0;
	_ =	sdelay $0x1  }
0x1e: {  	v4 =	vadd.s32 v1, v4;
	_ =	sdelay $0x3  }
0x1f: {  	v3 =	vperm.xlane v3, v2  }
0x20: {  	[tilespmem:s8], [sflag:$0x1] =	stream.indirect_vreg.gather [hbm4b:s3+s2], $0x80, v4, vm0, $0xb8;
	[tilespmem:$0xC080] =	vst v63  }
0x21: {  	s0 =	rddreg [dreg:$0x5];
	v3 =	vadd.s32 v1, v3  }
0x22: {  	[tilespmem:s0], [sflag:$0x1] =	stream.indirect_vreg.gather [hbm4b:s4+s2], $0x80, v4, vm0, $0xb8;
	[tilespmem:$0xC080] =	vst v63  }
0x23: {  	_ = 	snop  }
0x24: {  	[tilespmem:s9], [sflag:$0x1] =	stream.indirect_vreg.gather [hbm4b:s5+s2], $0x80, v4, vm0, $0xb8;
	[tilespmem:$0xC080] =	vst v63  }
0x25: {  	_ = 	snop  }
0x26: {  	[tilespmem:s10], [sflag:$0x1] =	stream.indirect_vreg.gather [hbm4b:s3+s2], $0x80, v3, vm0, $0xb8;
	[tilespmem:$0xC080] =	vst v63  }
0x27: {  	_ = 	snop  }
0x28: {  	[tilespmem:s11], [sflag:$0x1] =	stream.indirect_vreg.gather [hbm4b:s4+s2], $0x80, v3, vm0, $0xb8;
	[tilespmem:$0xC080] =	vst v63  }
0x29: {  	_ = 	snop  }
0x2a: {  	[tilespmem:s12], [sflag:$0x1] =	stream.indirect_vreg.gather [hbm4b:s5+s2], $0x80, v3, vm0, $0xb8;
	[tilespmem:$0xC080] =	vst v63  }
0x2b: {  	v3 =	vld [tilespmem:$0x10];
	_ =	sdelay $0x4  }
0x2c: {  	v61 =	vshrl.u32 v3, $0x3  }
0x2d: {  	v4 =	vmul.u32 $0x30, v61  }
0x2e: {  	v3 =	vand.u32 $0x7, v3  }
0x2f: {  	v3 =	vor.u32 v3, v4  }
0x30: {  	v4 =	vperm.xlane v3, v0;
	_ =	sdelay $0x1  }
0x31: {  	v4 =	vadd.s32 v1, v4;
	_ =	sdelay $0x3  }
0x32: {  	v3 =	vperm.xlane v3, v2  }
0x33: {  	[tilespmem:s13], [sflag:$0x1] =	stream.indirect_vreg.gather [hbm4b:s3+s2], $0x80, v4, vm0, $0xb8;
	[tilespmem:$0xC080] =	vst v63  }
0x34: {  	v3 =	vadd.s32 v1, v3  }
0x35: {  	[tilespmem:s14], [sflag:$0x1] =	stream.indirect_vreg.gather [hbm4b:s4+s2], $0x80, v4, vm0, $0xb8;
	[tilespmem:$0xC080] =	vst v63  }
0x36: {  	_ = 	snop  }
0x37: {  	[tilespmem:s15], [sflag:$0x1] =	stream.indirect_vreg.gather [hbm4b:s5+s2], $0x80, v4, vm0, $0xb8;
	[tilespmem:$0xC080] =	vst v63  }
0x38: {  	_ = 	snop  }
0x39: {  	[tilespmem:s16], [sflag:$0x1] =	stream.indirect_vreg.gather [hbm4b:s3+s2], $0x80, v3, vm0, $0xb8;
	[tilespmem:$0xC080] =	vst v63  }
0x3a: {  	_ = 	snop  }
0x3b: {  	[tilespmem:s17], [sflag:$0x1] =	stream.indirect_vreg.gather [hbm4b:s4+s2], $0x80, v3, vm0, $0xb8;
	[tilespmem:$0xC080] =	vst v63  }
0x3c: {  	_ = 	snop  }
0x3d: {  	[tilespmem:s18], [sflag:$0x1] =	stream.indirect_vreg.gather [hbm4b:s5+s2], $0x80, v3, vm0, $0xb8;
	[tilespmem:$0xC080] =	vst v63  }
0x3e: {  	v3 =	vld [tilespmem:$0x20];
	_ =	sdelay $0x4  }
0x3f: {  	v62 =	vshrl.u32 v3, $0x3  }
0x40: {  	v4 =	vmul.u32 $0x30, v62  }
0x41: {  	v3 =	vand.u32 $0x7, v3  }
0x42: {  	v3 =	vor.u32 v3, v4  }
0x43: {  	v4 =	vperm.xlane v3, v0;
	_ =	sdelay $0x1  }
0x44: {  	v4 =	vadd.s32 v1, v4;
	_ =	sdelay $0x3  }
0x45: {  	v3 =	vperm.xlane v3, v2  }
0x46: {  	[tilespmem:s19], [sflag:$0x1] =	stream.indirect_vreg.gather [hbm4b:s3+s2], $0x80, v4, vm0, $0xb8;
	[tilespmem:$0xC080] =	vst v63  }
0x47: {  	v3 =	vadd.s32 v1, v3  }
0x48: {  	[tilespmem:s20], [sflag:$0x1] =	stream.indirect_vreg.gather [hbm4b:s4+s2], $0x80, v4, vm0, $0xb8;
	[tilespmem:$0xC080] =	vst v63  }
0x49: {  	_ = 	snop  }
0x4a: {  	[tilespmem:s21], [sflag:$0x1] =	stream.indirect_vreg.gather [hbm4b:s5+s2], $0x80, v4, vm0, $0xb8;
	[tilespmem:$0xC080] =	vst v63  }
0x4b: {  	_ = 	snop  }
0x4c: {  	[tilespmem:s22], [sflag:$0x1] =	stream.indirect_vreg.gather [hbm4b:s3+s2], $0x80, v3, vm0, $0xb8;
	[tilespmem:$0xC080] =	vst v63  }
0x4d: {  	_ = 	snop  }
0x4e: {  	[tilespmem:s23], [sflag:$0x1] =	stream.indirect_vreg.gather [hbm4b:s4+s2], $0x80, v3, vm0, $0xb8;
	[tilespmem:$0xC080] =	vst v63  }
0x4f: {  	_ = 	snop  }
0x50: {  	[tilespmem:s24], [sflag:$0x1] =	stream.indirect_vreg.gather [hbm4b:s5+s2], $0x80, v3, vm0, $0xb8;
	[tilespmem:$0xC080] =	vst v63  }
0x51: {  	v3 =	vld [tilespmem:$0x30];
	_ =	sdelay $0x4  }
0x52: {  	v63 =	vshrl.u32 v3, $0x3  }
0x53: {  	v4 =	vmul.u32 $0x30, v63  }
0x54: {  	v3 =	vand.u32 $0x7, v3  }
0x55: {  	v3 =	vor.u32 v3, v4  }
0x56: {  	v4 =	vperm.xlane v3, v0;
	_ =	sdelay $0x1  }
0x57: {  	v4 =	vadd.s32 v1, v4;
	_ =	sdelay $0x3  }
0x58: {  	v3 =	vperm.xlane v3, v2  }
0x59: {  	[tilespmem:s25], [sflag:$0x1] =	stream.indirect_vreg.gather [hbm4b:s3+s2], $0x80, v4, vm0, $0xb8;
	[tilespmem:$0xC080] =	vst v63  }
0x5a: {  	v3 =	vadd.s32 v1, v3  }
0x5b: {  	[tilespmem:s26], [sflag:$0x1] =	stream.indirect_vreg.gather [hbm4b:s4+s2], $0x80, v4, vm0, $0xb8;
	[tilespmem:$0xC080] =	vst v63  }
0x5c: {  	_ = 	snop  }
0x5d: {  	[tilespmem:s28], [sflag:$0x1] =	stream.indirect_vreg.gather [hbm4b:s5+s2], $0x80, v4, vm0, $0xb8;
	[tilespmem:$0xC080] =	vst v63  }
0x5e: {  	_ = 	snop  }
0x5f: {  	[tilespmem:s29], [sflag:$0x1] =	stream.indirect_vreg.gather [hbm4b:s3+s2], $0x80, v3, vm0, $0xb8;
	[tilespmem:$0xC080] =	vst v63  }
0x60: {  	_ = 	snop  }
0x61: {  	[tilespmem:s30], [sflag:$0x1] =	stream.indirect_vreg.gather [hbm4b:s4+s2], $0x80, v3, vm0, $0xb8;
	[tilespmem:$0xC080] =	vst v63  }
0x62: {  	_ = 	snop  }
0x63: {  	[tilespmem:s31], [sflag:$0x1] =	stream.indirect_vreg.gather [hbm4b:s5+s2], $0x80, v3, vm0, $0xb8;
	[tilespmem:$0xC080] =	vst v63  }
0x64: {  	_ =	swait.ge [sflag:s1], $0xC000  }
0x65: {  	p0 =	sne.s32 s6, $0x1;
	[sflag:s1] =	ssyncset.done $0x0  }
.Ltmp0:
0x66: {  	s0 =	rddreg [dreg:$0x4];
	[sflag:s1] =	ssyncadd.s32 $0xFFFF4000;
	(pc) =	sbr.rel @p0 .LBB2_1-.Ltmp0, $4  }
0x67: {  	[hbm4b:s0+s2] =	stream.linear.scatter [tilespmem:s8], [sflag:$0x2], $0xC000, $0x38;
	[tilespmem:$0xC080] =	vst v63  }
0x68: {  	_ =	swait.ge [sflag:s7], $0xC000  }
0x69: {  	[sflag:s7] =	ssyncset.done $0x0  }
0x6a: {  	s6 =	sadd.s32 $0xFFFFFFFF, s6;
	[sflag:s7] =	ssyncadd.s32 $0xFFFF4000  }
0x6b: {  	_ =	sfence.sel $0x180000  }
0x6c: {  	[bflag:$0x0] =	sbarrier.arrive $0xFFFF  }
0x6d: {  	_ =	strace $0x90000053  }
0x6e: {  	s0 =	stileid.u32;
	[bflag:$0x2] =	sbarrier.arrive $0xFFFF  }
0x6f: {  	p0 =	sne.s32 s0, $0x0;
	s0 =	rddreg [dreg:$0x2]  }
0x70: {  	s0 =	sadd.s32 @!p0 $0x100000, s0  }
0x71: {  	[sflag:s0] =	ssyncadd.tile.s32 @!p0 $0x1;
	_ =	shalt  }
.Lfunc_end2:
_tile_overlayer_lowered:
.L_overlay_start_2:
0x72: {  	(tag) =	ssettag $0x2  }
0x73: {  	s0 =	rddreg [dreg:$0x0];
	s2 =	stileid.u32  }
0x74: {  	s1 =	rddreg [dreg:$0x1];
	p0 =	sne.s32 s2, $0x0  }
0x75: {  	s3 =	rddreg [dreg:$0x2];
	[bflag:$0x3] =	sbarrier.arrive $0xFFFF;
	s2 =	simm.s32 @!p0 $0x1C02  }
0x76: {  	[timem:s3], [sflag:s2] =	dma.local @!p0 [hbm:s0], s1  }
0x77: {  	s0 =	simm.s32 @!p0 $0x2  }
0x78: {  	_ =	swait.ge @!p0 [sflag:s0], s1  }
0x79: {  	s1 =	ssub.s32 @!p0 $0x0, s1;
	[sflag:s0] =	ssyncset.done @!p0 $0x0  }
0x7a: {  	[sflag:s0] =	ssyncadd.s32 @!p0 s1  }
0x7b: {  	[bflag:$0x3] =	sbarrier.arrive $0xFFFF  }
0x7c: {  	_ =	shalt  }

// kernel: kernel.42.cloned.1.call-start
scs
__scs_entry_jumppad:
0x0: {  	(pc) =	sbr.rel $0x88, $3  }
0x1: {  	(tag) =	ssettag $0x0;
	lr =	simm.s32 $0x1  }
0x2: {  	[smem:$0x3F9F] =	sst lr;
	_ =	strace $0xD0000000  }
0x3: {  	_ = 	snop  }
0x4: {  	_ = 	snop  }
0x5: {  	_ = 	snop  }
0x6: {  	_ = 	snop  }
0x7: {  	_ = 	snop  }
__scs_overlays_trampoline_lowered:
0x8: {  	[smem:$0x3FAE] =	sst s0  }
0x9: {  	[smem:$0x3FAF] =	sst s1  }
0xa: {  	[smem:$0x3FB0] =	sst s2  }
0xb: {  	[smem:$0x3FB1] =	sst s3  }
0xc: {  	[smem:$0x3FB2] =	sst s4  }
0xd: {  	[smem:$0x3FB3] =	sst s5  }
0xe: {  	[smem:$0x3FB4] =	sst s6  }
0xf: {  	[smem:$0x3FB5] =	sst s7  }
0x10: {  	[smem:$0x3FB6] =	sst s8  }
0x11: {  	[smem:$0x3FB7] =	sst s9;
	s0 =	simm.s32 @!p0 $0x0  }
0x12: {  	s1 =	sld [smem:$0x3F9D];
	s0 =	simm.s32 @p0 $0x1  }
0x13: {  	[smem:$0x3FB8] =	sst s0;
	s0 =	simm.s32 @!p1 $0x0  }
0x14: {  	s2 =	sld [smem:$0x3F9C];
	s0 =	simm.s32 @p1 $0x1  }
0x15: {  	[smem:$0x3FB9] =	sst s0;
	s0 =	simm.s32 @!p2 $0x0  }
0x16: {  	s3 =	sld [smem:$0x3FDB];
	s0 =	simm.s32 @p2 $0x1  }
0x17: {  	s4 =	simm.s32 $0x1BF5;
	[smem:$0x3FBB] =	sst s0  }
0x18: {  	s0 =	sld [smem:$0x3F9E];
	_ =	swait.ge [sflag:s4], $0x0  }
0x19: {  	s7 =	sld [smem:$0x3F9F]  }
0x1a: {  	s8 =	sadd.s32 $0xFFFFE003, lr  }
0x1b: {  	s9 =	sadd.s32 $0xFFFFFEF7, lr;
	s5 =	simm.s32 $0xFFFFFFFF;
	p2 =	slt.u32 s8, $0xFFFFF086  }
0x1c: {  	p1 =	slt.u32 s9, $0xF7A;
	s5 =	simm.s32 @!p2 $0x0  }
0x1d: {  	s5 =	simm.s32 @p1 $0x1;
	p0 =	seq.s32 s7, s2  }
0x1e: {  	s7 =	smul.u32 @!p0 $0xF7A, s2;
	p2 =	seq.s32 @!p0 s5, $0x0  }
0x1f: {  	s9 =	smul.u32 $0xF7A, s1;
	s8 =	simm.s32 @!p0 $0x1BF5;
	p2 =	por !p2, p0  }
0x20: {  	[sflag:s8] =	ssyncset.s32 @!p0 $0xFFFFF086;
	s6 =	sadd.s32 @!p0 s3, s7;
	s7 =	simm.s32 @!p0 $0x108  }
0x21: {  	s3 =	sadd.s32 s3, s9;
	s6 =	sadd.s32 @!p0 $0x88, s6;
	s7 =	simm.s32 @p2 $0x1082  }
0x22: {  	[simem:s7], [sflag:s8] =	dma.local @!p0 [hbm:s6], $0xF7A  }
0x23: {  	s9 =	sor.u32 $0xD0000000, s2;
	s6 =	simm.s32 $0x108;
	_ =	swait.ge @!p0 [sflag:s8], $0x0  }
0x24: {  	s3 =	sadd.s32 $0x88, s3;
	s6 =	simm.s32 @!p1 $0x1082;
	[sflag:s4] =	ssyncset.s32 $0xFFFFF086  }
0x25: {  	[simem:s6], [sflag:s4] =	dma.local [hbm:s3], $0xF7A  }
0x26: {  	[smem:$0x3F9F] =	sst s1;
	(tag) =	ssettag s2;
	_ =	strace s9  }
0x27: {  	s1 =	sld [smem:$0x3FAF]  }
0x28: {  	s2 =	sld [smem:$0x3FB0]  }
0x29: {  	s4 =	sld [smem:$0x3FB2]  }
0x2a: {  	p0 =	seq.s32 s5, $0x0;
	s5 =	sld [smem:$0x3FB3]  }
0x2b: {  	s6 =	sld [smem:$0x3FB4]  }
0x2c: {  	s7 =	sld [smem:$0x3FB5]  }
0x2d: {  	s3 =	simm.s32 $0x108;
	s8 =	sld [smem:$0x3FB6]  }
0x2e: {  	s3 =	simm.s32 @!p0 $0x1082;
	s9 =	sld [smem:$0x3FB7]  }
0x2f: {  	lr =	sadd.s32 s0, s3;
	s0 =	sld [smem:$0x3FAE]  }
0x30: {  	s3 =	sld [smem:$0x3FB1]  }
0x31: {  	[smem:$0x3FBA] =	sst s10  }
0x32: {  	s10 =	sld [smem:$0x3FB8];
	_ =	sdelay $0x3  }
0x33: {  	p0 =	seq.s32 s10, $0x1;
	s10 =	sld [smem:$0x3FBA];
	_ =	sdelay $0x3  }
0x34: {  	[smem:$0x3FBA] =	sst s10  }
0x35: {  	s10 =	sld [smem:$0x3FB9];
	_ =	sdelay $0x3  }
0x36: {  	p1 =	seq.s32 s10, $0x1;
	s10 =	sld [smem:$0x3FBA];
	_ =	sdelay $0x3  }
0x37: {  	[smem:$0x3FBA] =	sst s10  }
0x38: {  	s10 =	sld [smem:$0x3FBB]  }
0x39: {  	_ = 	snop;
	(pc) =	sbr.ind lr, $3  }
0x3a: {  	_ = 	snop  }
0x3b: {  	_ = 	snop  }
0x3c: {  	p2 =	seq.s32 s10, $0x1;
	s10 =	sld [smem:$0x3FBA]  }
0x3d: {  	_ =	shalt  }
0x3e: {  	_ =	shalt  }
0x3f: {  	_ =	shalt  }
0x40: {  	_ =	shalt  }
0x41: {  	_ =	shalt  }
0x42: {  	_ =	shalt  }
0x43: {  	_ =	shalt  }
0x44: {  	_ =	shalt  }
0x45: {  	_ =	shalt  }
0x46: {  	_ =	shalt  }
0x47: {  	_ =	shalt  }
0x48: {  	_ =	shalt  }
0x49: {  	_ =	shalt  }
0x4a: {  	_ =	shalt  }
0x4b: {  	_ =	shalt  }
0x4c: {  	_ =	shalt  }
0x4d: {  	_ =	shalt  }
0x4e: {  	_ =	shalt  }
0x4f: {  	_ =	shalt  }
0x50: {  	_ =	shalt  }
0x51: {  	_ =	shalt  }
0x52: {  	_ =	shalt  }
0x53: {  	_ =	shalt  }
0x54: {  	_ =	shalt  }
0x55: {  	_ =	shalt  }
0x56: {  	_ =	shalt  }
0x57: {  	_ =	shalt  }
0x58: {  	_ =	shalt  }
0x59: {  	_ =	shalt  }
0x5a: {  	_ =	shalt  }
0x5b: {  	_ =	shalt  }
0x5c: {  	_ =	shalt  }
0x5d: {  	_ =	shalt  }
0x5e: {  	_ =	shalt  }
0x5f: {  	_ =	shalt  }
0x60: {  	_ =	shalt  }
0x61: {  	_ =	shalt  }
0x62: {  	_ =	shalt  }
0x63: {  	_ =	shalt  }
0x64: {  	_ =	shalt  }
0x65: {  	_ =	shalt  }
0x66: {  	_ =	shalt  }
0x67: {  	_ =	shalt  }
0x68: {  	_ =	shalt  }
0x69: {  	_ =	shalt  }
0x6a: {  	_ =	shalt  }
0x6b: {  	_ =	shalt  }
0x6c: {  	_ =	shalt  }
0x6d: {  	_ =	shalt  }
0x6e: {  	_ =	shalt  }
0x6f: {  	_ =	shalt  }
0x70: {  	_ =	shalt  }
0x71: {  	_ =	shalt  }
0x72: {  	_ =	shalt  }
0x73: {  	_ =	shalt  }
0x74: {  	_ =	shalt  }
0x75: {  	_ =	shalt  }
0x76: {  	_ =	shalt  }
0x77: {  	_ =	shalt  }
0x78: {  	_ =	shalt  }
0x79: {  	_ =	shalt  }
0x7a: {  	_ =	shalt  }
0x7b: {  	_ =	shalt  }
0x7c: {  	_ =	shalt  }
0x7d: {  	_ =	shalt  }
0x7e: {  	_ =	shalt  }
0x7f: {  	_ =	shalt  }
0x80: {  	_ =	shalt  }
0x81: {  	_ =	shalt  }
0x82: {  	_ =	shalt  }
0x83: {  	_ =	shalt  }
0x84: {  	_ =	shalt  }
0x85: {  	_ =	shalt  }
0x86: {  	_ =	shalt  }
0x87: {  	_ =	shalt  }
.Lfunc_end0:
.L_simem_size_0:
called_computation.5_lowered:
.L_overlay_start_0:
0x88: {  	s2 =	sld [smem:$0x3FD9]  }
0x89: {  	s3 =	sld [smem:$0x3FFE];
	_ =	sdelay $0x1  }
0x8a: {  	s1 =	srdreg.scid  }
0x8b: {  	s0 =	sand.u32 $0x1, s1  }
0x8c: {  	s14 =	sshll.u32 s0, $0xA;
	s2 =	sadd.s32 s3, s2  }
0x8d: {  	s2 =	sadd.s32 s2, s14  }
0x8e: {  	[smem:$0x3FC6] =	sst s2  }
0x8f: {  	_ = 	snop  }
0x90: {  	s2 =	sld [smem:$0x3FD0];
	_ =	sdelay $0x2  }
0x91: {  	s15 =	simm.s32 $0xA;
	s4 =	simm.s32 $0x10  }
0x92: {  	[smem:s4], [sflag:s15] =	dma.local [hbm:s2], $0x1  }
0x93: {  	_ =	swait.eq [sflag:s15], $0x1  }
0x94: {  	[sflag:s15] =	ssyncset.done $0x0  }
0x95: {  	[sflag:s15] =	ssyncadd.s32 $0xFFFFFFFF  }
0x96: {  	s16 =	sld [smem:$0x11];
	(tm) =	ssettm $0x1  }
0x97: {  	s17 =	sld [smem:$0x3FFB];
	_ =	sdelay $0x3  }
0x98: {  	_ =	strace s17  }
0x99: {  	s3 =	sld [smem:$0x3FFC];
	_ =	sdelay $0x3  }
0x9a: {  	_ =	strace s3  }
0x9b: {  	s3 =	sld [smem:$0x3FFD];
	_ =	sdelay $0x3  }
0x9c: {  	_ =	strace s3  }
0x9d: {  	_ =	strace $0x8FFFFFFF  }
0x9e: {  	s18 =	sld [smem:$0x3FDB];
	_ =	sdelay $0x1  }
0x9f: {  	s19 =	simm.s32 $_scs_section_size  }
0xa0: {  	s5 =	simm.s32 $_size__tile_overlayer_lowered;
	s6 =	simm.s32 $_tile_overlayer_lowered  }
0xa1: {  	s22 =	simm.s32 $0x1BFF;
	s21 =	sshll.u32 s6, $0x1;
	s3 =	sadd.s32 s19, s18  }
0xa2: {  	s7 =	simm.s32 $0x0;
	s20 =	sshll.u32 s5, $0x1;
	s5 =	sadd.s32 s21, s3  }
0xa3: {  	[timem:s7], [sflag:s22] =	dma.local [hbm:s5], s20  }
0xa4: {  	_ =	swait.ge [sflag:s22], s20  }
0xa5: {  	s4 =	ssub.s32 $0x0, s20;
	[sflag:s22] =	ssyncset.done $0x0  }
0xa6: {  	[sflag:s22] =	ssyncadd.s32 s4;
	_ =	sdelay $0x1  }
0xa7: {  	s23 =	simm.s32 $0x1B8B  }
0xa8: {  	_ =	swait.ge [sflag:s23], $0x1  }
0xa9: {  	[sflag:s23] =	ssyncset.done $0x0  }
0xaa: {  	s25 =	simm.s32 $0x1B8E;
	s24 =	sld [smem:$0x3FFE];
	[sflag:s23] =	ssyncadd.s32 $0xFFFFFFFF  }
0xab: {  	s26 =	simm.s32 $execute0_lowered;
	[smem:$0x3FD2] =	sst s25  }
0xac: {  	s5 =	sshll.u32 s26, $0x1;
	_ =	strace $0x80000055;
	[dreg:$0x1] =	wrdreg $0xFFFFFFFF  }
0xad: {  	s28 =	simm.s32 $_size_execute0_lowered;
	s3 =	sadd.s32 s3, s5;
	[dreg:$0x0] =	wrdreg $0x0  }
0xae: {  	s5 =	sshll.u32 s28, $0x1;
	[dreg:$0x2] =	wrdreg s3  }
0xaf: {  	[dreg:$0x3] =	wrdreg s5  }
0xb0: {  	[dreg:$0x4] =	wrdreg $0xC0  }
0xb1: {  	_ =	task [dreg:s7], $0x5FFFF  }
0xb2: {  	[dreg:$0x1] =	wrdreg $0xFFFFFFFF  }
0xb3: {  	[dreg:$0x0] =	wrdreg $0x60  }
0xb4: {  	[dreg:$0x2] =	wrdreg s24  }
0xb5: {  	[dreg:$0x3] =	wrdreg s16  }
0xb6: {  	[dreg:$0x4] =	wrdreg $0x9  }
0xb7: {  	_ =	task.clear_ibuf [dreg:s7], $0x5FFFF;
	_ =	strace $0x90000055  }
0xb8: {  	s29 =	simm.s32 $0x9;
	_ =	strace $0x80000057  }
0xb9: {  	_ =	swait.ge [sflag:s29], $0x1  }
0xba: {  	[sflag:s29] =	ssyncadd.s32 $0xFFFFFFFF  }
0xbb: {  	_ =	strace $0x90000057  }
0xbc: {  	_ =	sfence  }
0xbd: {  	s30 =	sld [smem:$0x0];
	_ =	sdelay $0x2  }
0xbe: {  	s31 =	sshll.u32 s1, $0xD;
	s1 =	sshrl.u32 s1, $0x2  }
0xbf: {  	s3 =	sand.u32 $0x4000, s31;
	s1 =	sadd.s32 s1, s30  }
0xc0: {  	s0 =	sor.u32 s3, s0;
	s1 =	sshll.u32 s1, $0x11  }
0xc1: {  	s0 =	sor.u32 s1, s0  }
0xc2: {  	s0 =	sadd.s32 $0x8F2B, s0  }
0xc3: {  	[sflag:s0] =	ssyncadd.remote.s32 $0x1  }
0xc4: {  	_ =	sfence.sel $0xFFFF  }
0xc5: {  	[dreg:$0x0] =	wrdreg $0xFFFFFFFF;
	(pc) =	sbr.abs _section_cstart, $3  }
0xc6: {  	[dreg:$0x1] =	wrdreg $0xFFFFFFFF  }
0xc7: {  	_ =	task.clear_ibuf [dreg:s7], $0x2FFFF;
	_ =	strace $0x9FFFFFFF  }
0xc8: {  	(tm) =	ssettm $0x7FFFFFFF  }
0xc9: {  	_ =	shalt  }
tec
execute0_lowered:
.L_overlay_start_1:
0x0: {  	(tag) =	ssettag $0x1  }
0x1: {  	s1 =	srdreg.scid  }
0x2: {  	s5 =	rddreg [dreg:$0x0];
	s0 =	stileid.u32  }
0x3: {  	s4 =	rddreg [dreg:$0x1];
	s2 =	simm.s32 $0x0;
	s26 =	simm.s32 $0x880  }
0x4: {  	s9 =	simm.s32 $0x1080;
	s10 =	simm.s32 $0x1880;
	s11 =	simm.s32 $0x2080  }
0x5: {  	s12 =	simm.s32 $0x2880;
	s13 =	simm.s32 $0x3080;
	s14 =	simm.s32 $0x3880  }
0x6: {  	s15 =	simm.s32 $0x4080;
	s16 =	simm.s32 $0x4880;
	s17 =	simm.s32 $0x5080  }
0x7: {  	s18 =	simm.s32 $0x5880;
	s19 =	simm.s32 $0x6080;
	s20 =	simm.s32 $0x6880  }
0x8: {  	s21 =	simm.s32 $0x7080;
	s22 =	simm.s32 $0x7880;
	s23 =	simm.s32 $0x8080  }
0x9: {  	s24 =	simm.s32 $0x8880;
	s28 =	simm.s32 $0xA080;
	s29 =	simm.s32 $0xA880  }
0xa: {  	s30 =	simm.s32 $0xB080;
	s31 =	simm.s32 $0xB880;
	s1 =	sand.u32 $0x1, s1  }
0xb: {  	s3 =	sshll.u32 s0, $0x4;
	[smem:$0x7FF] =	sst s2;
	s6 =	sshll.u32 s1, $0x3  }
0xc: {  	s1 =	ssub.s32 $0x2, s1;
	_ =	strace $0x80000056;
	[dreg:$0x5] =	wrdreg s26  }
0xd: {  	s26 =	simm.s32 $0x9880;
	s6 =	sor.u32 s6, s3;
	s3 =	sadd.s32 $0xB5600, s5  }
0xe: {  	s8 =	sshrl.u32 s1, $0x1;
	s7 =	smul.u32 $0x300, s6;
	s4 =	sadd.s32 s4, s6  }
0xf: {  	s1 =	ssub.s32 s1, s8;
	s8 =	simm.s32 $0x80;
	[dreg:$0x3] =	wrdreg s4  }
0x10: {  	v2 =	vlaneseq.u32;
	s4 =	sadd.s32 $0xB5700, s5;
	s6 =	smax.u32 s1, $0x1;
	s7 =	sadd.s32 s7, s5  }
0x11: {  	vm0 =	vmmov $0xffff;
	v1 =	vshrl.u32 v2, $0x3;
	s1 =	simm.s32 $0x1;
	s5 =	sadd.s32 $0xB5800, s5;
	s25 =	sadd.s32 $0x85600, s7  }
0x12: {  	v0 =	vand.u32 $0x7, v2;
	v2 =	vor.u32 $0x8, v2;
	v1 =	vmul.u32 $0x8, v1;
	s7 =	simm.s32 $0x2;
	[dreg:$0x4] =	wrdreg s25;
	s25 =	simm.s32 $0x9080  }
.LBB2_1:
0x13: {  	s0 =	rddreg [dreg:$0x3]  }
0x14: {  	[tilespmem:s2], [sflag:$0x2] =	stream.linear.gather [hbm4b:s0+s2], $0x40, $0x38;
	[tilespmem:$0xC080] =	vst v63  }
0x15: {  	_ =	swait.ge [sflag:s7], $0x40  }
0x16: {  	[sflag:s7] =	ssyncset.done $0x0  }
0x17: {  	[sflag:s7] =	ssyncadd.s32 $0xFFFFFFC0  }
0x18: {  	v3 =	vld [tilespmem:$0x0];
	_ =	sdelay $0x4  }
0x19: {  	v4 =	vshrl.u32 v3, $0x3  }
0x1a: {  	v4 =	vmul.u32 $0x30, v4  }
0x1b: {  	v3 =	vand.u32 $0x7, v3  }
0x1c: {  	v3 =	vor.u32 v3, v4  }
0x1d: {  	v4 =	vperm.xlane v3, v0;
	_ =	sdelay $0x1  }
0x1e: {  	v4 =	vadd.s32 v1, v4;
	_ =	sdelay $0x3  }
0x1f: {  	v3 =	vperm.xlane v3, v2  }
0x20: {  	[tilespmem:s8], [sflag:$0x1] =	stream.indirect_vreg.gather [hbm4b:s3+s2], $0x80, v4, vm0, $0xb8;
	[tilespmem:$0xC080] =	vst v63  }
0x21: {  	s0 =	rddreg [dreg:$0x5];
	v3 =	vadd.s32 v1, v3  }
0x22: {  	[tilespmem:s0], [sflag:$0x1] =	stream.indirect_vreg.gather [hbm4b:s4+s2], $0x80, v4, vm0, $0xb8;
	[tilespmem:$0xC080] =	vst v63  }
0x23: {  	_ = 	snop  }
0x24: {  	[tilespmem:s9], [sflag:$0x1] =	stream.indirect_vreg.gather [hbm4b:s5+s2], $0x80, v4, vm0, $0xb8;
	[tilespmem:$0xC080] =	vst v63  }
0x25: {  	_ = 	snop  }
0x26: {  	[tilespmem:s10], [sflag:$0x1] =	stream.indirect_vreg.gather [hbm4b:s3+s2], $0x80, v3, vm0, $0xb8;
	[tilespmem:$0xC080] =	vst v63  }
0x27: {  	_ = 	snop  }
0x28: {  	[tilespmem:s11], [sflag:$0x1] =	stream.indirect_vreg.gather [hbm4b:s4+s2], $0x80, v3, vm0, $0xb8;
	[tilespmem:$0xC080] =	vst v63  }
0x29: {  	_ = 	snop  }
0x2a: {  	[tilespmem:s12], [sflag:$0x1] =	stream.indirect_vreg.gather [hbm4b:s5+s2], $0x80, v3, vm0, $0xb8;
	[tilespmem:$0xC080] =	vst v63  }
0x2b: {  	v3 =	vld [tilespmem:$0x10];
	_ =	sdelay $0x4  }
0x2c: {  	v61 =	vshrl.u32 v3, $0x3  }
0x2d: {  	v4 =	vmul.u32 $0x30, v61  }
0x2e: {  	v3 =	vand.u32 $0x7, v3  }
0x2f: {  	v3 =	vor.u32 v3, v4  }
0x30: {  	v4 =	vperm.xlane v3, v0;
	_ =	sdelay $0x1  }
0x31: {  	v4 =	vadd.s32 v1, v4;
	_ =	sdelay $0x3  }
0x32: {  	v3 =	vperm.xlane v3, v2  }
0x33: {  	[tilespmem:s13], [sflag:$0x1] =	stream.indirect_vreg.gather [hbm4b:s3+s2], $0x80, v4, vm0, $0xb8;
	[tilespmem:$0xC080] =	vst v63  }
0x34: {  	v3 =	vadd.s32 v1, v3  }
0x35: {  	[tilespmem:s14], [sflag:$0x1] =	stream.indirect_vreg.gather [hbm4b:s4+s2], $0x80, v4, vm0, $0xb8;
	[tilespmem:$0xC080] =	vst v63  }
0x36: {  	_ = 	snop  }
0x37: {  	[tilespmem:s15], [sflag:$0x1] =	stream.indirect_vreg.gather [hbm4b:s5+s2], $0x80, v4, vm0, $0xb8;
	[tilespmem:$0xC080] =	vst v63  }
0x38: {  	_ = 	snop  }
0x39: {  	[tilespmem:s16], [sflag:$0x1] =	stream.indirect_vreg.gather [hbm4b:s3+s2], $0x80, v3, vm0, $0xb8;
	[tilespmem:$0xC080] =	vst v63  }
0x3a: {  	_ = 	snop  }
0x3b: {  	[tilespmem:s17], [sflag:$0x1] =	stream.indirect_vreg.gather [hbm4b:s4+s2], $0x80, v3, vm0, $0xb8;
	[tilespmem:$0xC080] =	vst v63  }
0x3c: {  	_ = 	snop  }
0x3d: {  	[tilespmem:s18], [sflag:$0x1] =	stream.indirect_vreg.gather [hbm4b:s5+s2], $0x80, v3, vm0, $0xb8;
	[tilespmem:$0xC080] =	vst v63  }
0x3e: {  	v3 =	vld [tilespmem:$0x20];
	_ =	sdelay $0x4  }
0x3f: {  	v62 =	vshrl.u32 v3, $0x3  }
0x40: {  	v4 =	vmul.u32 $0x30, v62  }
0x41: {  	v3 =	vand.u32 $0x7, v3  }
0x42: {  	v3 =	vor.u32 v3, v4  }
0x43: {  	v4 =	vperm.xlane v3, v0;
	_ =	sdelay $0x1  }
0x44: {  	v4 =	vadd.s32 v1, v4;
	_ =	sdelay $0x3  }
0x45: {  	v3 =	vperm.xlane v3, v2  }
0x46: {  	[tilespmem:s19], [sflag:$0x1] =	stream.indirect_vreg.gather [hbm4b:s3+s2], $0x80, v4, vm0, $0xb8;
	[tilespmem:$0xC080] =	vst v63  }
0x47: {  	v3 =	vadd.s32 v1, v3  }
0x48: {  	[tilespmem:s20], [sflag:$0x1] =	stream.indirect_vreg.gather [hbm4b:s4+s2], $0x80, v4, vm0, $0xb8;
	[tilespmem:$0xC080] =	vst v63  }
0x49: {  	_ = 	snop  }
0x4a: {  	[tilespmem:s21], [sflag:$0x1] =	stream.indirect_vreg.gather [hbm4b:s5+s2], $0x80, v4, vm0, $0xb8;
	[tilespmem:$0xC080] =	vst v63  }
0x4b: {  	_ = 	snop  }
0x4c: {  	[tilespmem:s22], [sflag:$0x1] =	stream.indirect_vreg.gather [hbm4b:s3+s2], $0x80, v3, vm0, $0xb8;
	[tilespmem:$0xC080] =	vst v63  }
0x4d: {  	_ = 	snop  }
0x4e: {  	[tilespmem:s23], [sflag:$0x1] =	stream.indirect_vreg.gather [hbm4b:s4+s2], $0x80, v3, vm0, $0xb8;
	[tilespmem:$0xC080] =	vst v63  }
0x4f: {  	_ = 	snop  }
0x50: {  	[tilespmem:s24], [sflag:$0x1] =	stream.indirect_vreg.gather [hbm4b:s5+s2], $0x80, v3, vm0, $0xb8;
	[tilespmem:$0xC080] =	vst v63  }
0x51: {  	v3 =	vld [tilespmem:$0x30];
	_ =	sdelay $0x4  }
0x52: {  	v63 =	vshrl.u32 v3, $0x3  }
0x53: {  	v4 =	vmul.u32 $0x30, v63  }
0x54: {  	v3 =	vand.u32 $0x7, v3  }
0x55: {  	v3 =	vor.u32 v3, v4  }
0x56: {  	v4 =	vperm.xlane v3, v0;
	_ =	sdelay $0x1  }
0x57: {  	v4 =	vadd.s32 v1, v4;
	_ =	sdelay $0x3  }
0x58: {  	v3 =	vperm.xlane v3, v2  }
0x59: {  	[tilespmem:s25], [sflag:$0x1] =	stream.indirect_vreg.gather [hbm4b:s3+s2], $0x80, v4, vm0, $0xb8;
	[tilespmem:$0xC080] =	vst v63  }
0x5a: {  	v3 =	vadd.s32 v1, v3  }
0x5b: {  	[tilespmem:s26], [sflag:$0x1] =	stream.indirect_vreg.gather [hbm4b:s4+s2], $0x80, v4, vm0, $0xb8;
	[tilespmem:$0xC080] =	vst v63  }
0x5c: {  	_ = 	snop  }
0x5d: {  	[tilespmem:s28], [sflag:$0x1] =	stream.indirect_vreg.gather [hbm4b:s5+s2], $0x80, v4, vm0, $0xb8;
	[tilespmem:$0xC080] =	vst v63  }
0x5e: {  	_ = 	snop  }
0x5f: {  	[tilespmem:s29], [sflag:$0x1] =	stream.indirect_vreg.gather [hbm4b:s3+s2], $0x80, v3, vm0, $0xb8;
	[tilespmem:$0xC080] =	vst v63  }
0x60: {  	_ = 	snop  }
0x61: {  	[tilespmem:s30], [sflag:$0x1] =	stream.indirect_vreg.gather [hbm4b:s4+s2], $0x80, v3, vm0, $0xb8;
	[tilespmem:$0xC080] =	vst v63  }
0x62: {  	_ = 	snop  }
0x63: {  	[tilespmem:s31], [sflag:$0x1] =	stream.indirect_vreg.gather [hbm4b:s5+s2], $0x80, v3, vm0, $0xb8;
	[tilespmem:$0xC080] =	vst v63  }
0x64: {  	_ =	swait.ge [sflag:s1], $0xC000  }
0x65: {  	p0 =	sne.s32 s6, $0x1;
	[sflag:s1] =	ssyncset.done $0x0  }
.Ltmp0:
0x66: {  	s0 =	rddreg [dreg:$0x4];
	[sflag:s1] =	ssyncadd.s32 $0xFFFF4000;
	(pc) =	sbr.rel @p0 .LBB2_1-.Ltmp0, $4  }
0x67: {  	[hbm4b:s0+s2] =	stream.linear.scatter [tilespmem:s8], [sflag:$0x2], $0xC000, $0x38;
	[tilespmem:$0xC080] =	vst v63  }
0x68: {  	_ =	swait.ge [sflag:s7], $0xC000  }
0x69: {  	[sflag:s7] =	ssyncset.done $0x0  }
0x6a: {  	s6 =	sadd.s32 $0xFFFFFFFF, s6;
	[sflag:s7] =	ssyncadd.s32 $0xFFFF4000  }
0x6b: {  	_ =	sfence.sel $0x180000  }
0x6c: {  	[bflag:$0x0] =	sbarrier.arrive $0xFFFF  }
0x6d: {  	_ =	strace $0x90000056  }
0x6e: {  	s0 =	stileid.u32;
	[bflag:$0x2] =	sbarrier.arrive $0xFFFF  }
0x6f: {  	p0 =	sne.s32 s0, $0x0;
	s0 =	rddreg [dreg:$0x2]  }
0x70: {  	s0 =	sadd.s32 @!p0 $0x100000, s0  }
0x71: {  	[sflag:s0] =	ssyncadd.tile.s32 @!p0 $0x1;
	_ =	shalt  }
.Lfunc_end2:
_tile_overlayer_lowered:
.L_overlay_start_2:
0x72: {  	(tag) =	ssettag $0x2  }
0x73: {  	s0 =	rddreg [dreg:$0x0];
	s2 =	stileid.u32  }
0x74: {  	s1 =	rddreg [dreg:$0x1];
	p0 =	sne.s32 s2, $0x0  }
0x75: {  	s3 =	rddreg [dreg:$0x2];
	[bflag:$0x3] =	sbarrier.arrive $0xFFFF;
	s2 =	simm.s32 @!p0 $0x1C02  }
0x76: {  	[timem:s3], [sflag:s2] =	dma.local @!p0 [hbm:s0], s1  }
0x77: {  	s0 =	simm.s32 @!p0 $0x2  }
0x78: {  	_ =	swait.ge @!p0 [sflag:s0], s1  }
0x79: {  	s1 =	ssub.s32 @!p0 $0x0, s1;
	[sflag:s0] =	ssyncset.done @!p0 $0x0  }
0x7a: {  	[sflag:s0] =	ssyncadd.s32 @!p0 s1  }
0x7b: {  	[bflag:$0x3] =	sbarrier.arrive $0xFFFF  }
0x7c: {  	_ =	shalt  }

// kernel: kernel.45.cloned.1.call-start
scs
__scs_entry_jumppad:
0x0: {  	(pc) =	sbr.rel $0x88, $3  }
0x1: {  	(tag) =	ssettag $0x0;
	lr =	simm.s32 $0x1  }
0x2: {  	[smem:$0x3F9F] =	sst lr;
	_ =	strace $0xD0000000  }
0x3: {  	_ = 	snop  }
0x4: {  	_ = 	snop  }
0x5: {  	_ = 	snop  }
0x6: {  	_ = 	snop  }
0x7: {  	_ = 	snop  }
__scs_overlays_trampoline_lowered:
0x8: {  	[smem:$0x3FAE] =	sst s0  }
0x9: {  	[smem:$0x3FAF] =	sst s1  }
0xa: {  	[smem:$0x3FB0] =	sst s2  }
0xb: {  	[smem:$0x3FB1] =	sst s3  }
0xc: {  	[smem:$0x3FB2] =	sst s4  }
0xd: {  	[smem:$0x3FB3] =	sst s5  }
0xe: {  	[smem:$0x3FB4] =	sst s6  }
0xf: {  	[smem:$0x3FB5] =	sst s7  }
0x10: {  	[smem:$0x3FB6] =	sst s8  }
0x11: {  	[smem:$0x3FB7] =	sst s9;
	s0 =	simm.s32 @!p0 $0x0  }
0x12: {  	s1 =	sld [smem:$0x3F9D];
	s0 =	simm.s32 @p0 $0x1  }
0x13: {  	[smem:$0x3FB8] =	sst s0;
	s0 =	simm.s32 @!p1 $0x0  }
0x14: {  	s2 =	sld [smem:$0x3F9C];
	s0 =	simm.s32 @p1 $0x1  }
0x15: {  	[smem:$0x3FB9] =	sst s0;
	s0 =	simm.s32 @!p2 $0x0  }
0x16: {  	s3 =	sld [smem:$0x3FDB];
	s0 =	simm.s32 @p2 $0x1  }
0x17: {  	s4 =	simm.s32 $0x1BF5;
	[smem:$0x3FBB] =	sst s0  }
0x18: {  	s0 =	sld [smem:$0x3F9E];
	_ =	swait.ge [sflag:s4], $0x0  }
0x19: {  	s7 =	sld [smem:$0x3F9F]  }
0x1a: {  	s8 =	sadd.s32 $0xFFFFE003, lr  }
0x1b: {  	s9 =	sadd.s32 $0xFFFFFEF7, lr;
	s5 =	simm.s32 $0xFFFFFFFF;
	p2 =	slt.u32 s8, $0xFFFFF086  }
0x1c: {  	p1 =	slt.u32 s9, $0xF7A;
	s5 =	simm.s32 @!p2 $0x0  }
0x1d: {  	s5 =	simm.s32 @p1 $0x1;
	p0 =	seq.s32 s7, s2  }
0x1e: {  	s7 =	smul.u32 @!p0 $0xF7A, s2;
	p2 =	seq.s32 @!p0 s5, $0x0  }
0x1f: {  	s9 =	smul.u32 $0xF7A, s1;
	s8 =	simm.s32 @!p0 $0x1BF5;
	p2 =	por !p2, p0  }
0x20: {  	[sflag:s8] =	ssyncset.s32 @!p0 $0xFFFFF086;
	s6 =	sadd.s32 @!p0 s3, s7;
	s7 =	simm.s32 @!p0 $0x108  }
0x21: {  	s3 =	sadd.s32 s3, s9;
	s6 =	sadd.s32 @!p0 $0x88, s6;
	s7 =	simm.s32 @p2 $0x1082  }
0x22: {  	[simem:s7], [sflag:s8] =	dma.local @!p0 [hbm:s6], $0xF7A  }
0x23: {  	s9 =	sor.u32 $0xD0000000, s2;
	s6 =	simm.s32 $0x108;
	_ =	swait.ge @!p0 [sflag:s8], $0x0  }
0x24: {  	s3 =	sadd.s32 $0x88, s3;
	s6 =	simm.s32 @!p1 $0x1082;
	[sflag:s4] =	ssyncset.s32 $0xFFFFF086  }
0x25: {  	[simem:s6], [sflag:s4] =	dma.local [hbm:s3], $0xF7A  }
0x26: {  	[smem:$0x3F9F] =	sst s1;
	(tag) =	ssettag s2;
	_ =	strace s9  }
0x27: {  	s1 =	sld [smem:$0x3FAF]  }
0x28: {  	s2 =	sld [smem:$0x3FB0]  }
0x29: {  	s4 =	sld [smem:$0x3FB2]  }
0x2a: {  	p0 =	seq.s32 s5, $0x0;
	s5 =	sld [smem:$0x3FB3]  }
0x2b: {  	s6 =	sld [smem:$0x3FB4]  }
0x2c: {  	s7 =	sld [smem:$0x3FB5]  }
0x2d: {  	s3 =	simm.s32 $0x108;
	s8 =	sld [smem:$0x3FB6]  }
0x2e: {  	s3 =	simm.s32 @!p0 $0x1082;
	s9 =	sld [smem:$0x3FB7]  }
0x2f: {  	lr =	sadd.s32 s0, s3;
	s0 =	sld [smem:$0x3FAE]  }
0x30: {  	s3 =	sld [smem:$0x3FB1]  }
0x31: {  	[smem:$0x3FBA] =	sst s10  }
0x32: {  	s10 =	sld [smem:$0x3FB8];
	_ =	sdelay $0x3  }
0x33: {  	p0 =	seq.s32 s10, $0x1;
	s10 =	sld [smem:$0x3FBA];
	_ =	sdelay $0x3  }
0x34: {  	[smem:$0x3FBA] =	sst s10  }
0x35: {  	s10 =	sld [smem:$0x3FB9];
	_ =	sdelay $0x3  }
0x36: {  	p1 =	seq.s32 s10, $0x1;
	s10 =	sld [smem:$0x3FBA];
	_ =	sdelay $0x3  }
0x37: {  	[smem:$0x3FBA] =	sst s10  }
0x38: {  	s10 =	sld [smem:$0x3FBB]  }
0x39: {  	_ = 	snop;
	(pc) =	sbr.ind lr, $3  }
0x3a: {  	_ = 	snop  }
0x3b: {  	_ = 	snop  }
0x3c: {  	p2 =	seq.s32 s10, $0x1;
	s10 =	sld [smem:$0x3FBA]  }
0x3d: {  	_ =	shalt  }
0x3e: {  	_ =	shalt  }
0x3f: {  	_ =	shalt  }
0x40: {  	_ =	shalt  }
0x41: {  	_ =	shalt  }
0x42: {  	_ =	shalt  }
0x43: {  	_ =	shalt  }
0x44: {  	_ =	shalt  }
0x45: {  	_ =	shalt  }
0x46: {  	_ =	shalt  }
0x47: {  	_ =	shalt  }
0x48: {  	_ =	shalt  }
0x49: {  	_ =	shalt  }
0x4a: {  	_ =	shalt  }
0x4b: {  	_ =	shalt  }
0x4c: {  	_ =	shalt  }
0x4d: {  	_ =	shalt  }
0x4e: {  	_ =	shalt  }
0x4f: {  	_ =	shalt  }
0x50: {  	_ =	shalt  }
0x51: {  	_ =	shalt  }
0x52: {  	_ =	shalt  }
0x53: {  	_ =	shalt  }
0x54: {  	_ =	shalt  }
0x55: {  	_ =	shalt  }
0x56: {  	_ =	shalt  }
0x57: {  	_ =	shalt  }
0x58: {  	_ =	shalt  }
0x59: {  	_ =	shalt  }
0x5a: {  	_ =	shalt  }
0x5b: {  	_ =	shalt  }
0x5c: {  	_ =	shalt  }
0x5d: {  	_ =	shalt  }
0x5e: {  	_ =	shalt  }
0x5f: {  	_ =	shalt  }
0x60: {  	_ =	shalt  }
0x61: {  	_ =	shalt  }
0x62: {  	_ =	shalt  }
0x63: {  	_ =	shalt  }
0x64: {  	_ =	shalt  }
0x65: {  	_ =	shalt  }
0x66: {  	_ =	shalt  }
0x67: {  	_ =	shalt  }
0x68: {  	_ =	shalt  }
0x69: {  	_ =	shalt  }
0x6a: {  	_ =	shalt  }
0x6b: {  	_ =	shalt  }
0x6c: {  	_ =	shalt  }
0x6d: {  	_ =	shalt  }
0x6e: {  	_ =	shalt  }
0x6f: {  	_ =	shalt  }
0x70: {  	_ =	shalt  }
0x71: {  	_ =	shalt  }
0x72: {  	_ =	shalt  }
0x73: {  	_ =	shalt  }
0x74: {  	_ =	shalt  }
0x75: {  	_ =	shalt  }
0x76: {  	_ =	shalt  }
0x77: {  	_ =	shalt  }
0x78: {  	_ =	shalt  }
0x79: {  	_ =	shalt  }
0x7a: {  	_ =	shalt  }
0x7b: {  	_ =	shalt  }
0x7c: {  	_ =	shalt  }
0x7d: {  	_ =	shalt  }
0x7e: {  	_ =	shalt  }
0x7f: {  	_ =	shalt  }
0x80: {  	_ =	shalt  }
0x81: {  	_ =	shalt  }
0x82: {  	_ =	shalt  }
0x83: {  	_ =	shalt  }
0x84: {  	_ =	shalt  }
0x85: {  	_ =	shalt  }
0x86: {  	_ =	shalt  }
0x87: {  	_ =	shalt  }
.Lfunc_end0:
.L_simem_size_0:
called_computation.6_lowered:
.L_overlay_start_0:
0x88: {  	s2 =	sld [smem:$0x3FD9]  }
0x89: {  	s3 =	sld [smem:$0x3FFE];
	_ =	sdelay $0x1  }
0x8a: {  	s1 =	srdreg.scid  }
0x8b: {  	s0 =	sand.u32 $0x1, s1  }
0x8c: {  	s14 =	sshll.u32 s0, $0xA;
	s2 =	sadd.s32 s3, s2  }
0x8d: {  	s2 =	sadd.s32 s2, s14  }
0x8e: {  	[smem:$0x3FC6] =	sst s2  }
0x8f: {  	_ = 	snop  }
0x90: {  	s2 =	sld [smem:$0x3FD0];
	_ =	sdelay $0x2  }
0x91: {  	s15 =	simm.s32 $0xA;
	s4 =	simm.s32 $0x10  }
0x92: {  	[smem:s4], [sflag:s15] =	dma.local [hbm:s2], $0x1  }
0x93: {  	_ =	swait.eq [sflag:s15], $0x1  }
0x94: {  	[sflag:s15] =	ssyncset.done $0x0  }
0x95: {  	[sflag:s15] =	ssyncadd.s32 $0xFFFFFFFF  }
0x96: {  	s16 =	sld [smem:$0x11];
	(tm) =	ssettm $0x1  }
0x97: {  	s17 =	sld [smem:$0x3FFB];
	_ =	sdelay $0x3  }
0x98: {  	_ =	strace s17  }
0x99: {  	s3 =	sld [smem:$0x3FFC];
	_ =	sdelay $0x3  }
0x9a: {  	_ =	strace s3  }
0x9b: {  	s3 =	sld [smem:$0x3FFD];
	_ =	sdelay $0x3  }
0x9c: {  	_ =	strace s3  }
0x9d: {  	_ =	strace $0x8FFFFFFF  }
0x9e: {  	s18 =	sld [smem:$0x3FDB];
	_ =	sdelay $0x1  }
0x9f: {  	s19 =	simm.s32 $_scs_section_size  }
0xa0: {  	s5 =	simm.s32 $_size__tile_overlayer_lowered;
	s6 =	simm.s32 $_tile_overlayer_lowered  }
0xa1: {  	s22 =	simm.s32 $0x1BFF;
	s21 =	sshll.u32 s6, $0x1;
	s3 =	sadd.s32 s19, s18  }
0xa2: {  	s7 =	simm.s32 $0x0;
	s20 =	sshll.u32 s5, $0x1;
	s5 =	sadd.s32 s21, s3  }
0xa3: {  	[timem:s7], [sflag:s22] =	dma.local [hbm:s5], s20  }
0xa4: {  	_ =	swait.ge [sflag:s22], s20  }
0xa5: {  	s4 =	ssub.s32 $0x0, s20;
	[sflag:s22] =	ssyncset.done $0x0  }
0xa6: {  	[sflag:s22] =	ssyncadd.s32 s4;
	_ =	sdelay $0x1  }
0xa7: {  	s23 =	simm.s32 $0x1B8B  }
0xa8: {  	_ =	swait.ge [sflag:s23], $0x1  }
0xa9: {  	[sflag:s23] =	ssyncset.done $0x0  }
0xaa: {  	s25 =	simm.s32 $0x1B8E;
	s24 =	sld [smem:$0x3FFE];
	[sflag:s23] =	ssyncadd.s32 $0xFFFFFFFF  }
0xab: {  	s26 =	simm.s32 $execute0_lowered;
	[smem:$0x3FD2] =	sst s25  }
0xac: {  	s5 =	sshll.u32 s26, $0x1;
	_ =	strace $0x80000058;
	[dreg:$0x1] =	wrdreg $0xFFFFFFFF  }
0xad: {  	s28 =	simm.s32 $_size_execute0_lowered;
	s3 =	sadd.s32 s3, s5;
	[dreg:$0x0] =	wrdreg $0x0  }
0xae: {  	s5 =	sshll.u32 s28, $0x1;
	[dreg:$0x2] =	wrdreg s3  }
0xaf: {  	[dreg:$0x3] =	wrdreg s5  }
0xb0: {  	[dreg:$0x4] =	wrdreg $0xC0  }
0xb1: {  	_ =	task [dreg:s7], $0x5FFFF  }
0xb2: {  	[dreg:$0x1] =	wrdreg $0xFFFFFFFF  }
0xb3: {  	[dreg:$0x0] =	wrdreg $0x60  }
0xb4: {  	[dreg:$0x2] =	wrdreg s24  }
0xb5: {  	[dreg:$0x3] =	wrdreg s16  }
0xb6: {  	[dreg:$0x4] =	wrdreg $0x9  }
0xb7: {  	_ =	task.clear_ibuf [dreg:s7], $0x5FFFF;
	_ =	strace $0x90000058  }
0xb8: {  	s29 =	simm.s32 $0x9;
	_ =	strace $0x8000005A  }
0xb9: {  	_ =	swait.ge [sflag:s29], $0x1  }
0xba: {  	[sflag:s29] =	ssyncadd.s32 $0xFFFFFFFF  }
0xbb: {  	_ =	strace $0x9000005A  }
0xbc: {  	_ =	sfence  }
0xbd: {  	s30 =	sld [smem:$0x0];
	_ =	sdelay $0x2  }
0xbe: {  	s31 =	sshll.u32 s1, $0xD;
	s1 =	sshrl.u32 s1, $0x2  }
0xbf: {  	s3 =	sand.u32 $0x4000, s31;
	s1 =	sadd.s32 s1, s30  }
0xc0: {  	s0 =	sor.u32 s3, s0;
	s1 =	sshll.u32 s1, $0x11  }
0xc1: {  	s0 =	sor.u32 s1, s0  }
0xc2: {  	s0 =	sadd.s32 $0x8F2B, s0  }
0xc3: {  	[sflag:s0] =	ssyncadd.remote.s32 $0x1  }
0xc4: {  	_ =	sfence.sel $0xFFFF  }
0xc5: {  	[dreg:$0x0] =	wrdreg $0xFFFFFFFF;
	(pc) =	sbr.abs _section_cstart, $3  }
0xc6: {  	[dreg:$0x1] =	wrdreg $0xFFFFFFFF  }
0xc7: {  	_ =	task.clear_ibuf [dreg:s7], $0x2FFFF;
	_ =	strace $0x9FFFFFFF  }
0xc8: {  	(tm) =	ssettm $0x7FFFFFFF  }
0xc9: {  	_ =	shalt  }
tec
execute0_lowered:
.L_overlay_start_1:
0x0: {  	(tag) =	ssettag $0x1  }
0x1: {  	s1 =	srdreg.scid  }
0x2: {  	s5 =	rddreg [dreg:$0x0];
	s0 =	stileid.u32  }
0x3: {  	s4 =	rddreg [dreg:$0x1];
	s2 =	simm.s32 $0x0;
	s26 =	simm.s32 $0x880  }
0x4: {  	s9 =	simm.s32 $0x1080;
	s10 =	simm.s32 $0x1880;
	s11 =	simm.s32 $0x2080  }
0x5: {  	s12 =	simm.s32 $0x2880;
	s13 =	simm.s32 $0x3080;
	s14 =	simm.s32 $0x3880  }
0x6: {  	s15 =	simm.s32 $0x4080;
	s16 =	simm.s32 $0x4880;
	s17 =	simm.s32 $0x5080  }
0x7: {  	s18 =	simm.s32 $0x5880;
	s19 =	simm.s32 $0x6080;
	s20 =	simm.s32 $0x6880  }
0x8: {  	s21 =	simm.s32 $0x7080;
	s22 =	simm.s32 $0x7880;
	s23 =	simm.s32 $0x8080  }
0x9: {  	s24 =	simm.s32 $0x8880;
	s28 =	simm.s32 $0xA080;
	s29 =	simm.s32 $0xA880  }
0xa: {  	s30 =	simm.s32 $0xB080;
	s31 =	simm.s32 $0xB880;
	s1 =	sand.u32 $0x1, s1  }
0xb: {  	s3 =	sshll.u32 s0, $0x4;
	[smem:$0x7FF] =	sst s2;
	s6 =	sshll.u32 s1, $0x3  }
0xc: {  	s1 =	ssub.s32 $0x2, s1;
	_ =	strace $0x80000059;
	[dreg:$0x5] =	wrdreg s26  }
0xd: {  	s26 =	simm.s32 $0x9880;
	s6 =	sor.u32 s6, s3;
	s3 =	sadd.s32 $0xCE00, s5  }
0xe: {  	s8 =	sshrl.u32 s1, $0x1;
	s7 =	smul.u32 $0x300, s6;
	s4 =	sadd.s32 s4, s6  }
0xf: {  	s1 =	ssub.s32 s1, s8;
	s8 =	simm.s32 $0x80;
	[dreg:$0x3] =	wrdreg s4  }
0x10: {  	v2 =	vlaneseq.u32;
	s4 =	sadd.s32 $0xCF00, s5;
	s6 =	smax.u32 s1, $0x1;
	s7 =	sadd.s32 s7, s5  }
0x11: {  	vm0 =	vmmov $0xffff;
	v1 =	vshrl.u32 v2, $0x3;
	s1 =	simm.s32 $0x1;
	s5 =	sadd.s32 $0xD000, s5;
	s25 =	sadd.s32 $0x8D600, s7  }
0x12: {  	v0 =	vand.u32 $0x7, v2;
	v2 =	vor.u32 $0x8, v2;
	v1 =	vmul.u32 $0x8, v1;
	s7 =	simm.s32 $0x2;
	[dreg:$0x4] =	wrdreg s25;
	s25 =	simm.s32 $0x9080  }
.LBB2_1:
0x13: {  	s0 =	rddreg [dreg:$0x3]  }
0x14: {  	[tilespmem:s2], [sflag:$0x2] =	stream.linear.gather [hbm4b:s0+s2], $0x40, $0x38;
	[tilespmem:$0xC080] =	vst v63  }
0x15: {  	_ =	swait.ge [sflag:s7], $0x40  }
0x16: {  	[sflag:s7] =	ssyncset.done $0x0  }
0x17: {  	[sflag:s7] =	ssyncadd.s32 $0xFFFFFFC0  }
0x18: {  	v3 =	vld [tilespmem:$0x0];
	_ =	sdelay $0x4  }
0x19: {  	v4 =	vshrl.u32 v3, $0x3  }
0x1a: {  	v4 =	vmul.u32 $0x30, v4  }
0x1b: {  	v3 =	vand.u32 $0x7, v3  }
0x1c: {  	v3 =	vor.u32 v3, v4  }
0x1d: {  	v4 =	vperm.xlane v3, v0;
	_ =	sdelay $0x1  }
0x1e: {  	v4 =	vadd.s32 v1, v4;
	_ =	sdelay $0x3  }
0x1f: {  	v3 =	vperm.xlane v3, v2  }
0x20: {  	[tilespmem:s8], [sflag:$0x1] =	stream.indirect_vreg.gather [hbm4b:s3+s2], $0x80, v4, vm0, $0xb8;
	[tilespmem:$0xC080] =	vst v63  }
0x21: {  	s0 =	rddreg [dreg:$0x5];
	v3 =	vadd.s32 v1, v3  }
0x22: {  	[tilespmem:s0], [sflag:$0x1] =	stream.indirect_vreg.gather [hbm4b:s4+s2], $0x80, v4, vm0, $0xb8;
	[tilespmem:$0xC080] =	vst v63  }
0x23: {  	_ = 	snop  }
0x24: {  	[tilespmem:s9], [sflag:$0x1] =	stream.indirect_vreg.gather [hbm4b:s5+s2], $0x80, v4, vm0, $0xb8;
	[tilespmem:$0xC080] =	vst v63  }
0x25: {  	_ = 	snop  }
0x26: {  	[tilespmem:s10], [sflag:$0x1] =	stream.indirect_vreg.gather [hbm4b:s3+s2], $0x80, v3, vm0, $0xb8;
	[tilespmem:$0xC080] =	vst v63  }
0x27: {  	_ = 	snop  }
0x28: {  	[tilespmem:s11], [sflag:$0x1] =	stream.indirect_vreg.gather [hbm4b:s4+s2], $0x80, v3, vm0, $0xb8;
	[tilespmem:$0xC080] =	vst v63  }
0x29: {  	_ = 	snop  }
0x2a: {  	[tilespmem:s12], [sflag:$0x1] =	stream.indirect_vreg.gather [hbm4b:s5+s2], $0x80, v3, vm0, $0xb8;
	[tilespmem:$0xC080] =	vst v63  }
0x2b: {  	v3 =	vld [tilespmem:$0x10];
	_ =	sdelay $0x4  }
0x2c: {  	v61 =	vshrl.u32 v3, $0x3  }
0x2d: {  	v4 =	vmul.u32 $0x30, v61  }
0x2e: {  	v3 =	vand.u32 $0x7, v3  }
0x2f: {  	v3 =	vor.u32 v3, v4  }
0x30: {  	v4 =	vperm.xlane v3, v0;
	_ =	sdelay $0x1  }
0x31: {  	v4 =	vadd.s32 v1, v4;
	_ =	sdelay $0x3  }
0x32: {  	v3 =	vperm.xlane v3, v2  }
0x33: {  	[tilespmem:s13], [sflag:$0x1] =	stream.indirect_vreg.gather [hbm4b:s3+s2], $0x80, v4, vm0, $0xb8;
	[tilespmem:$0xC080] =	vst v63  }
0x34: {  	v3 =	vadd.s32 v1, v3  }
0x35: {  	[tilespmem:s14], [sflag:$0x1] =	stream.indirect_vreg.gather [hbm4b:s4+s2], $0x80, v4, vm0, $0xb8;
	[tilespmem:$0xC080] =	vst v63  }
0x36: {  	_ = 	snop  }
0x37: {  	[tilespmem:s15], [sflag:$0x1] =	stream.indirect_vreg.gather [hbm4b:s5+s2], $0x80, v4, vm0, $0xb8;
	[tilespmem:$0xC080] =	vst v63  }
0x38: {  	_ = 	snop  }
0x39: {  	[tilespmem:s16], [sflag:$0x1] =	stream.indirect_vreg.gather [hbm4b:s3+s2], $0x80, v3, vm0, $0xb8;
	[tilespmem:$0xC080] =	vst v63  }
0x3a: {  	_ = 	snop  }
0x3b: {  	[tilespmem:s17], [sflag:$0x1] =	stream.indirect_vreg.gather [hbm4b:s4+s2], $0x80, v3, vm0, $0xb8;
	[tilespmem:$0xC080] =	vst v63  }
0x3c: {  	_ = 	snop  }
0x3d: {  	[tilespmem:s18], [sflag:$0x1] =	stream.indirect_vreg.gather [hbm4b:s5+s2], $0x80, v3, vm0, $0xb8;
	[tilespmem:$0xC080] =	vst v63  }
0x3e: {  	v3 =	vld [tilespmem:$0x20];
	_ =	sdelay $0x4  }
0x3f: {  	v62 =	vshrl.u32 v3, $0x3  }
0x40: {  	v4 =	vmul.u32 $0x30, v62  }
0x41: {  	v3 =	vand.u32 $0x7, v3  }
0x42: {  	v3 =	vor.u32 v3, v4  }
0x43: {  	v4 =	vperm.xlane v3, v0;
	_ =	sdelay $0x1  }
0x44: {  	v4 =	vadd.s32 v1, v4;
	_ =	sdelay $0x3  }
0x45: {  	v3 =	vperm.xlane v3, v2  }
0x46: {  	[tilespmem:s19], [sflag:$0x1] =	stream.indirect_vreg.gather [hbm4b:s3+s2], $0x80, v4, vm0, $0xb8;
	[tilespmem:$0xC080] =	vst v63  }
0x47: {  	v3 =	vadd.s32 v1, v3  }
0x48: {  	[tilespmem:s20], [sflag:$0x1] =	stream.indirect_vreg.gather [hbm4b:s4+s2], $0x80, v4, vm0, $0xb8;
	[tilespmem:$0xC080] =	vst v63  }
0x49: {  	_ = 	snop  }
0x4a: {  	[tilespmem:s21], [sflag:$0x1] =	stream.indirect_vreg.gather [hbm4b:s5+s2], $0x80, v4, vm0, $0xb8;
	[tilespmem:$0xC080] =	vst v63  }
0x4b: {  	_ = 	snop  }
0x4c: {  	[tilespmem:s22], [sflag:$0x1] =	stream.indirect_vreg.gather [hbm4b:s3+s2], $0x80, v3, vm0, $0xb8;
	[tilespmem:$0xC080] =	vst v63  }
0x4d: {  	_ = 	snop  }
0x4e: {  	[tilespmem:s23], [sflag:$0x1] =	stream.indirect_vreg.gather [hbm4b:s4+s2], $0x80, v3, vm0, $0xb8;
	[tilespmem:$0xC080] =	vst v63  }
0x4f: {  	_ = 	snop  }
0x50: {  	[tilespmem:s24], [sflag:$0x1] =	stream.indirect_vreg.gather [hbm4b:s5+s2], $0x80, v3, vm0, $0xb8;
	[tilespmem:$0xC080] =	vst v63  }
0x51: {  	v3 =	vld [tilespmem:$0x30];
	_ =	sdelay $0x4  }
0x52: {  	v63 =	vshrl.u32 v3, $0x3  }
0x53: {  	v4 =	vmul.u32 $0x30, v63  }
0x54: {  	v3 =	vand.u32 $0x7, v3  }
0x55: {  	v3 =	vor.u32 v3, v4  }
0x56: {  	v4 =	vperm.xlane v3, v0;
	_ =	sdelay $0x1  }
0x57: {  	v4 =	vadd.s32 v1, v4;
	_ =	sdelay $0x3  }
0x58: {  	v3 =	vperm.xlane v3, v2  }
0x59: {  	[tilespmem:s25], [sflag:$0x1] =	stream.indirect_vreg.gather [hbm4b:s3+s2], $0x80, v4, vm0, $0xb8;
	[tilespmem:$0xC080] =	vst v63  }
0x5a: {  	v3 =	vadd.s32 v1, v3  }
0x5b: {  	[tilespmem:s26], [sflag:$0x1] =	stream.indirect_vreg.gather [hbm4b:s4+s2], $0x80, v4, vm0, $0xb8;
	[tilespmem:$0xC080] =	vst v63  }
0x5c: {  	_ = 	snop  }
0x5d: {  	[tilespmem:s28], [sflag:$0x1] =	stream.indirect_vreg.gather [hbm4b:s5+s2], $0x80, v4, vm0, $0xb8;
	[tilespmem:$0xC080] =	vst v63  }
0x5e: {  	_ = 	snop  }
0x5f: {  	[tilespmem:s29], [sflag:$0x1] =	stream.indirect_vreg.gather [hbm4b:s3+s2], $0x80, v3, vm0, $0xb8;
	[tilespmem:$0xC080] =	vst v63  }
0x60: {  	_ = 	snop  }
0x61: {  	[tilespmem:s30], [sflag:$0x1] =	stream.indirect_vreg.gather [hbm4b:s4+s2], $0x80, v3, vm0, $0xb8;
	[tilespmem:$0xC080] =	vst v63  }
0x62: {  	_ = 	snop  }
0x63: {  	[tilespmem:s31], [sflag:$0x1] =	stream.indirect_vreg.gather [hbm4b:s5+s2], $0x80, v3, vm0, $0xb8;
	[tilespmem:$0xC080] =	vst v63  }
0x64: {  	_ =	swait.ge [sflag:s1], $0xC000  }
0x65: {  	p0 =	sne.s32 s6, $0x1;
	[sflag:s1] =	ssyncset.done $0x0  }
.Ltmp0:
0x66: {  	s0 =	rddreg [dreg:$0x4];
	[sflag:s1] =	ssyncadd.s32 $0xFFFF4000;
	(pc) =	sbr.rel @p0 .LBB2_1-.Ltmp0, $4  }
0x67: {  	[hbm4b:s0+s2] =	stream.linear.scatter [tilespmem:s8], [sflag:$0x2], $0xC000, $0x38;
	[tilespmem:$0xC080] =	vst v63  }
0x68: {  	_ =	swait.ge [sflag:s7], $0xC000  }
0x69: {  	[sflag:s7] =	ssyncset.done $0x0  }
0x6a: {  	s6 =	sadd.s32 $0xFFFFFFFF, s6;
	[sflag:s7] =	ssyncadd.s32 $0xFFFF4000  }
0x6b: {  	_ =	sfence.sel $0x180000  }
0x6c: {  	[bflag:$0x0] =	sbarrier.arrive $0xFFFF  }
0x6d: {  	_ =	strace $0x90000059  }
0x6e: {  	s0 =	stileid.u32;
	[bflag:$0x2] =	sbarrier.arrive $0xFFFF  }
0x6f: {  	p0 =	sne.s32 s0, $0x0;
	s0 =	rddreg [dreg:$0x2]  }
0x70: {  	s0 =	sadd.s32 @!p0 $0x100000, s0  }
0x71: {  	[sflag:s0] =	ssyncadd.tile.s32 @!p0 $0x1;
	_ =	shalt  }
.Lfunc_end2:
_tile_overlayer_lowered:
.L_overlay_start_2:
0x72: {  	(tag) =	ssettag $0x2  }
0x73: {  	s0 =	rddreg [dreg:$0x0];
	s2 =	stileid.u32  }
0x74: {  	s1 =	rddreg [dreg:$0x1];
	p0 =	sne.s32 s2, $0x0  }
0x75: {  	s3 =	rddreg [dreg:$0x2];
	[bflag:$0x3] =	sbarrier.arrive $0xFFFF;
	s2 =	simm.s32 @!p0 $0x1C02  }
0x76: {  	[timem:s3], [sflag:s2] =	dma.local @!p0 [hbm:s0], s1  }
0x77: {  	s0 =	simm.s32 @!p0 $0x2  }
0x78: {  	_ =	swait.ge @!p0 [sflag:s0], s1  }
0x79: {  	s1 =	ssub.s32 @!p0 $0x0, s1;
	[sflag:s0] =	ssyncset.done @!p0 $0x0  }
0x7a: {  	[sflag:s0] =	ssyncadd.s32 @!p0 s1  }
0x7b: {  	[bflag:$0x3] =	sbarrier.arrive $0xFFFF  }
0x7c: {  	_ =	shalt  }

// kernel: kernel.48.cloned.1.call-start
scs
__scs_entry_jumppad:
0x0: {  	(pc) =	sbr.rel $0x88, $3  }
0x1: {  	(tag) =	ssettag $0x0;
	lr =	simm.s32 $0x1  }
0x2: {  	[smem:$0x3F9F] =	sst lr;
	_ =	strace $0xD0000000  }
0x3: {  	_ = 	snop  }
0x4: {  	_ = 	snop  }
0x5: {  	_ = 	snop  }
0x6: {  	_ = 	snop  }
0x7: {  	_ = 	snop  }
__scs_overlays_trampoline_lowered:
0x8: {  	[smem:$0x3FAE] =	sst s0  }
0x9: {  	[smem:$0x3FAF] =	sst s1  }
0xa: {  	[smem:$0x3FB0] =	sst s2  }
0xb: {  	[smem:$0x3FB1] =	sst s3  }
0xc: {  	[smem:$0x3FB2] =	sst s4  }
0xd: {  	[smem:$0x3FB3] =	sst s5  }
0xe: {  	[smem:$0x3FB4] =	sst s6  }
0xf: {  	[smem:$0x3FB5] =	sst s7  }
0x10: {  	[smem:$0x3FB6] =	sst s8  }
0x11: {  	[smem:$0x3FB7] =	sst s9;
	s0 =	simm.s32 @!p0 $0x0  }
0x12: {  	s1 =	sld [smem:$0x3F9D];
	s0 =	simm.s32 @p0 $0x1  }
0x13: {  	[smem:$0x3FB8] =	sst s0;
	s0 =	simm.s32 @!p1 $0x0  }
0x14: {  	s2 =	sld [smem:$0x3F9C];
	s0 =	simm.s32 @p1 $0x1  }
0x15: {  	[smem:$0x3FB9] =	sst s0;
	s0 =	simm.s32 @!p2 $0x0  }
0x16: {  	s3 =	sld [smem:$0x3FDB];
	s0 =	simm.s32 @p2 $0x1  }
0x17: {  	s4 =	simm.s32 $0x1BF5;
	[smem:$0x3FBB] =	sst s0  }
0x18: {  	s0 =	sld [smem:$0x3F9E];
	_ =	swait.ge [sflag:s4], $0x0  }
0x19: {  	s7 =	sld [smem:$0x3F9F]  }
0x1a: {  	s8 =	sadd.s32 $0xFFFFE003, lr  }
0x1b: {  	s9 =	sadd.s32 $0xFFFFFEF7, lr;
	s5 =	simm.s32 $0xFFFFFFFF;
	p2 =	slt.u32 s8, $0xFFFFF086  }
0x1c: {  	p1 =	slt.u32 s9, $0xF7A;
	s5 =	simm.s32 @!p2 $0x0  }
0x1d: {  	s5 =	simm.s32 @p1 $0x1;
	p0 =	seq.s32 s7, s2  }
0x1e: {  	s7 =	smul.u32 @!p0 $0xF7A, s2;
	p2 =	seq.s32 @!p0 s5, $0x0  }
0x1f: {  	s9 =	smul.u32 $0xF7A, s1;
	s8 =	simm.s32 @!p0 $0x1BF5;
	p2 =	por !p2, p0  }
0x20: {  	[sflag:s8] =	ssyncset.s32 @!p0 $0xFFFFF086;
	s6 =	sadd.s32 @!p0 s3, s7;
	s7 =	simm.s32 @!p0 $0x108  }
0x21: {  	s3 =	sadd.s32 s3, s9;
	s6 =	sadd.s32 @!p0 $0x88, s6;
	s7 =	simm.s32 @p2 $0x1082  }
0x22: {  	[simem:s7], [sflag:s8] =	dma.local @!p0 [hbm:s6], $0xF7A  }
0x23: {  	s9 =	sor.u32 $0xD0000000, s2;
	s6 =	simm.s32 $0x108;
	_ =	swait.ge @!p0 [sflag:s8], $0x0  }
0x24: {  	s3 =	sadd.s32 $0x88, s3;
	s6 =	simm.s32 @!p1 $0x1082;
	[sflag:s4] =	ssyncset.s32 $0xFFFFF086  }
0x25: {  	[simem:s6], [sflag:s4] =	dma.local [hbm:s3], $0xF7A  }
0x26: {  	[smem:$0x3F9F] =	sst s1;
	(tag) =	ssettag s2;
	_ =	strace s9  }
0x27: {  	s1 =	sld [smem:$0x3FAF]  }
0x28: {  	s2 =	sld [smem:$0x3FB0]  }
0x29: {  	s4 =	sld [smem:$0x3FB2]  }
0x2a: {  	p0 =	seq.s32 s5, $0x0;
	s5 =	sld [smem:$0x3FB3]  }
0x2b: {  	s6 =	sld [smem:$0x3FB4]  }
0x2c: {  	s7 =	sld [smem:$0x3FB5]  }
0x2d: {  	s3 =	simm.s32 $0x108;
	s8 =	sld [smem:$0x3FB6]  }
0x2e: {  	s3 =	simm.s32 @!p0 $0x1082;
	s9 =	sld [smem:$0x3FB7]  }
0x2f: {  	lr =	sadd.s32 s0, s3;
	s0 =	sld [smem:$0x3FAE]  }
0x30: {  	s3 =	sld [smem:$0x3FB1]  }
0x31: {  	[smem:$0x3FBA] =	sst s10  }
0x32: {  	s10 =	sld [smem:$0x3FB8];
	_ =	sdelay $0x3  }
0x33: {  	p0 =	seq.s32 s10, $0x1;
	s10 =	sld [smem:$0x3FBA];
	_ =	sdelay $0x3  }
0x34: {  	[smem:$0x3FBA] =	sst s10  }
0x35: {  	s10 =	sld [smem:$0x3FB9];
	_ =	sdelay $0x3  }
0x36: {  	p1 =	seq.s32 s10, $0x1;
	s10 =	sld [smem:$0x3FBA];
	_ =	sdelay $0x3  }
0x37: {  	[smem:$0x3FBA] =	sst s10  }
0x38: {  	s10 =	sld [smem:$0x3FBB]  }
0x39: {  	_ = 	snop;
	(pc) =	sbr.ind lr, $3  }
0x3a: {  	_ = 	snop  }
0x3b: {  	_ = 	snop  }
0x3c: {  	p2 =	seq.s32 s10, $0x1;
	s10 =	sld [smem:$0x3FBA]  }
0x3d: {  	_ =	shalt  }
0x3e: {  	_ =	shalt  }
0x3f: {  	_ =	shalt  }
0x40: {  	_ =	shalt  }
0x41: {  	_ =	shalt  }
0x42: {  	_ =	shalt  }
0x43: {  	_ =	shalt  }
0x44: {  	_ =	shalt  }
0x45: {  	_ =	shalt  }
0x46: {  	_ =	shalt  }
0x47: {  	_ =	shalt  }
0x48: {  	_ =	shalt  }
0x49: {  	_ =	shalt  }
0x4a: {  	_ =	shalt  }
0x4b: {  	_ =	shalt  }
0x4c: {  	_ =	shalt  }
0x4d: {  	_ =	shalt  }
0x4e: {  	_ =	shalt  }
0x4f: {  	_ =	shalt  }
0x50: {  	_ =	shalt  }
0x51: {  	_ =	shalt  }
0x52: {  	_ =	shalt  }
0x53: {  	_ =	shalt  }
0x54: {  	_ =	shalt  }
0x55: {  	_ =	shalt  }
0x56: {  	_ =	shalt  }
0x57: {  	_ =	shalt  }
0x58: {  	_ =	shalt  }
0x59: {  	_ =	shalt  }
0x5a: {  	_ =	shalt  }
0x5b: {  	_ =	shalt  }
0x5c: {  	_ =	shalt  }
0x5d: {  	_ =	shalt  }
0x5e: {  	_ =	shalt  }
0x5f: {  	_ =	shalt  }
0x60: {  	_ =	shalt  }
0x61: {  	_ =	shalt  }
0x62: {  	_ =	shalt  }
0x63: {  	_ =	shalt  }
0x64: {  	_ =	shalt  }
0x65: {  	_ =	shalt  }
0x66: {  	_ =	shalt  }
0x67: {  	_ =	shalt  }
0x68: {  	_ =	shalt  }
0x69: {  	_ =	shalt  }
0x6a: {  	_ =	shalt  }
0x6b: {  	_ =	shalt  }
0x6c: {  	_ =	shalt  }
0x6d: {  	_ =	shalt  }
0x6e: {  	_ =	shalt  }
0x6f: {  	_ =	shalt  }
0x70: {  	_ =	shalt  }
0x71: {  	_ =	shalt  }
0x72: {  	_ =	shalt  }
0x73: {  	_ =	shalt  }
0x74: {  	_ =	shalt  }
0x75: {  	_ =	shalt  }
0x76: {  	_ =	shalt  }
0x77: {  	_ =	shalt  }
0x78: {  	_ =	shalt  }
0x79: {  	_ =	shalt  }
0x7a: {  	_ =	shalt  }
0x7b: {  	_ =	shalt  }
0x7c: {  	_ =	shalt  }
0x7d: {  	_ =	shalt  }
0x7e: {  	_ =	shalt  }
0x7f: {  	_ =	shalt  }
0x80: {  	_ =	shalt  }
0x81: {  	_ =	shalt  }
0x82: {  	_ =	shalt  }
0x83: {  	_ =	shalt  }
0x84: {  	_ =	shalt  }
0x85: {  	_ =	shalt  }
0x86: {  	_ =	shalt  }
0x87: {  	_ =	shalt  }
.Lfunc_end0:
.L_simem_size_0:
called_computation.7_lowered:
.L_overlay_start_0:
0x88: {  	s2 =	sld [smem:$0x3FD9]  }
0x89: {  	s3 =	sld [smem:$0x3FFE];
	_ =	sdelay $0x1  }
0x8a: {  	s1 =	srdreg.scid  }
0x8b: {  	s0 =	sand.u32 $0x1, s1  }
0x8c: {  	s14 =	sshll.u32 s0, $0xA;
	s2 =	sadd.s32 s3, s2  }
0x8d: {  	s2 =	sadd.s32 s2, s14  }
0x8e: {  	[smem:$0x3FC6] =	sst s2  }
0x8f: {  	_ = 	snop  }
0x90: {  	s2 =	sld [smem:$0x3FD0];
	_ =	sdelay $0x2  }
0x91: {  	s15 =	simm.s32 $0xA;
	s4 =	simm.s32 $0x10  }
0x92: {  	[smem:s4], [sflag:s15] =	dma.local [hbm:s2], $0x1  }
0x93: {  	_ =	swait.eq [sflag:s15], $0x1  }
0x94: {  	[sflag:s15] =	ssyncset.done $0x0  }
0x95: {  	[sflag:s15] =	ssyncadd.s32 $0xFFFFFFFF  }
0x96: {  	s16 =	sld [smem:$0x10];
	(tm) =	ssettm $0x1  }
0x97: {  	s17 =	sld [smem:$0x3FFB];
	_ =	sdelay $0x3  }
0x98: {  	_ =	strace s17  }
0x99: {  	s3 =	sld [smem:$0x3FFC];
	_ =	sdelay $0x3  }
0x9a: {  	_ =	strace s3  }
0x9b: {  	s3 =	sld [smem:$0x3FFD];
	_ =	sdelay $0x3  }
0x9c: {  	_ =	strace s3  }
0x9d: {  	_ =	strace $0x8FFFFFFF  }
0x9e: {  	s18 =	sld [smem:$0x3FDB];
	_ =	sdelay $0x1  }
0x9f: {  	s19 =	simm.s32 $_scs_section_size  }
0xa0: {  	s5 =	simm.s32 $_size__tile_overlayer_lowered;
	s6 =	simm.s32 $_tile_overlayer_lowered  }
0xa1: {  	s22 =	simm.s32 $0x1BFF;
	s21 =	sshll.u32 s6, $0x1;
	s3 =	sadd.s32 s19, s18  }
0xa2: {  	s7 =	simm.s32 $0x0;
	s20 =	sshll.u32 s5, $0x1;
	s5 =	sadd.s32 s21, s3  }
0xa3: {  	[timem:s7], [sflag:s22] =	dma.local [hbm:s5], s20  }
0xa4: {  	_ =	swait.ge [sflag:s22], s20  }
0xa5: {  	s4 =	ssub.s32 $0x0, s20;
	[sflag:s22] =	ssyncset.done $0x0  }
0xa6: {  	[sflag:s22] =	ssyncadd.s32 s4;
	_ =	sdelay $0x1  }
0xa7: {  	s23 =	simm.s32 $0x1B8B  }
0xa8: {  	_ =	swait.ge [sflag:s23], $0x1  }
0xa9: {  	[sflag:s23] =	ssyncset.done $0x0  }
0xaa: {  	s25 =	simm.s32 $0x1B8E;
	s24 =	sld [smem:$0x3FFE];
	[sflag:s23] =	ssyncadd.s32 $0xFFFFFFFF  }
0xab: {  	s26 =	simm.s32 $execute0_lowered;
	[smem:$0x3FD2] =	sst s25  }
0xac: {  	s5 =	sshll.u32 s26, $0x1;
	_ =	strace $0x8000005B;
	[dreg:$0x1] =	wrdreg $0xFFFFFFFF  }
0xad: {  	s28 =	simm.s32 $_size_execute0_lowered;
	s3 =	sadd.s32 s3, s5;
	[dreg:$0x0] =	wrdreg $0x0  }
0xae: {  	s5 =	sshll.u32 s28, $0x1;
	[dreg:$0x2] =	wrdreg s3  }
0xaf: {  	[dreg:$0x3] =	wrdreg s5  }
0xb0: {  	[dreg:$0x4] =	wrdreg $0xC0  }
0xb1: {  	_ =	task [dreg:s7], $0x5FFFF  }
0xb2: {  	[dreg:$0x1] =	wrdreg $0xFFFFFFFF  }
0xb3: {  	[dreg:$0x0] =	wrdreg $0x60  }
0xb4: {  	[dreg:$0x2] =	wrdreg s24  }
0xb5: {  	[dreg:$0x3] =	wrdreg s16  }
0xb6: {  	[dreg:$0x4] =	wrdreg $0x9  }
0xb7: {  	_ =	task.clear_ibuf [dreg:s7], $0x5FFFF;
	_ =	strace $0x9000005B  }
0xb8: {  	s29 =	simm.s32 $0x9;
	_ =	strace $0x8000005D  }
0xb9: {  	_ =	swait.ge [sflag:s29], $0x1  }
0xba: {  	[sflag:s29] =	ssyncadd.s32 $0xFFFFFFFF  }
0xbb: {  	_ =	strace $0x9000005D  }
0xbc: {  	_ =	sfence  }
0xbd: {  	s30 =	sld [smem:$0x0];
	_ =	sdelay $0x2  }
0xbe: {  	s31 =	sshll.u32 s1, $0xD;
	s1 =	sshrl.u32 s1, $0x2  }
0xbf: {  	s3 =	sand.u32 $0x4000, s31;
	s1 =	sadd.s32 s1, s30  }
0xc0: {  	s0 =	sor.u32 s3, s0;
	s1 =	sshll.u32 s1, $0x11  }
0xc1: {  	s0 =	sor.u32 s1, s0  }
0xc2: {  	s0 =	sadd.s32 $0x8F2B, s0  }
0xc3: {  	[sflag:s0] =	ssyncadd.remote.s32 $0x1  }
0xc4: {  	_ =	sfence.sel $0xFFFF  }
0xc5: {  	[dreg:$0x0] =	wrdreg $0xFFFFFFFF;
	(pc) =	sbr.abs _section_cstart, $3  }
0xc6: {  	[dreg:$0x1] =	wrdreg $0xFFFFFFFF  }
0xc7: {  	_ =	task.clear_ibuf [dreg:s7], $0x2FFFF;
	_ =	strace $0x9FFFFFFF  }
0xc8: {  	(tm) =	ssettm $0x7FFFFFFF  }
0xc9: {  	_ =	shalt  }
tec
execute0_lowered:
.L_overlay_start_1:
0x0: {  	(tag) =	ssettag $0x1  }
0x1: {  	s0 =	rddreg [dreg:$0x0]  }
0x2: {  	s5 =	rddreg [dreg:$0x1];
	s3 =	srdreg.scid  }
0x3: {  	s2 =	simm.s32 $0x0;
	s1 =	stileid.u32;
	s26 =	simm.s32 $0x880  }
0x4: {  	s10 =	simm.s32 $0x1880;
	s11 =	simm.s32 $0x2080;
	s12 =	simm.s32 $0x2880  }
0x5: {  	s13 =	simm.s32 $0x3080;
	s14 =	simm.s32 $0x3880;
	s15 =	simm.s32 $0x4080  }
0x6: {  	s16 =	simm.s32 $0x4880;
	s17 =	simm.s32 $0x5080;
	s18 =	simm.s32 $0x5880  }
0x7: {  	s19 =	simm.s32 $0x6080;
	s20 =	simm.s32 $0x6880;
	s21 =	simm.s32 $0x7080  }
0x8: {  	s22 =	simm.s32 $0x7880;
	s28 =	simm.s32 $0xA080;
	s29 =	simm.s32 $0xA880  }
0x9: {  	s30 =	simm.s32 $0xB080;
	s31 =	simm.s32 $0xB880;
	s3 =	sand.u32 $0x1, s3  }
0xa: {  	[smem:$0x7FF] =	sst s2;
	s4 =	sshll.u32 s1, $0x4;
	s6 =	sshll.u32 s3, $0x3  }
0xb: {  	_ =	strace $0x8000005C;
	s23 =	ssub.s32 $0x2, s3;
	s3 =	sadd.s32 $0x135200, s0  }
0xc: {  	[dreg:$0x5] =	wrdreg s26;
	s26 =	simm.s32 $0x9880;
	s4 =	sor.u32 s6, s4  }
0xd: {  	s8 =	sshrl.u32 s23, $0x1;
	s7 =	sadd.s32 s4, s0;
	s9 =	smul.u32 $0x300, s4  }
0xe: {  	s6 =	ssub.s32 s23, s8;
	s4 =	sadd.s32 $0x135300, s0;
	s8 =	simm.s32 $0x80  }
0xf: {  	s23 =	simm.s32 $0x8080;
	s24 =	sadd.s32 $0x12DE00, s7;
	s6 =	smax.u32 s6, $0x1  }
0x10: {  	v2 =	vlaneseq.u32;
	s7 =	simm.s32 $0x2;
	[dreg:$0x3] =	wrdreg s24;
	s25 =	sadd.s32 s5, s9  }
0x11: {  	vm0 =	vmmov $0xffff;
	v1 =	vshrl.u32 v2, $0x3;
	s5 =	sadd.s32 $0x135400, s0;
	s9 =	simm.s32 $0x1080;
	s24 =	simm.s32 $0x8880  }
0x12: {  	v0 =	vand.u32 $0x7, v2;
	v2 =	vor.u32 $0x8, v2;
	v1 =	vmul.u32 $0x8, v1;
	s0 =	simm.s32 $0x1;
	[dreg:$0x4] =	wrdreg s25;
	s25 =	simm.s32 $0x9080  }
.LBB2_1:
0x13: {  	s1 =	rddreg [dreg:$0x3]  }
0x14: {  	[tilespmem:s2], [sflag:$0x2] =	stream.linear.gather [hbm4b:s1+s2], $0x40, $0x38;
	[tilespmem:$0xC080] =	vst v63  }
0x15: {  	_ =	swait.ge [sflag:s7], $0x40  }
0x16: {  	[sflag:s7] =	ssyncset.done $0x0  }
0x17: {  	[sflag:s7] =	ssyncadd.s32 $0xFFFFFFC0  }
0x18: {  	v3 =	vld [tilespmem:$0x0];
	_ =	sdelay $0x4  }
0x19: {  	v4 =	vshrl.u32 v3, $0x3  }
0x1a: {  	v4 =	vmul.u32 $0x30, v4  }
0x1b: {  	v3 =	vand.u32 $0x7, v3  }
0x1c: {  	v3 =	vor.u32 v3, v4  }
0x1d: {  	v4 =	vperm.xlane v3, v0;
	_ =	sdelay $0x1  }
0x1e: {  	v4 =	vadd.s32 v1, v4;
	_ =	sdelay $0x3  }
0x1f: {  	v3 =	vperm.xlane v3, v2  }
0x20: {  	[tilespmem:s8], [sflag:$0x1] =	stream.indirect_vreg.gather [hbm4b:s3+s2], $0x80, v4, vm0, $0xb8;
	[tilespmem:$0xC080] =	vst v63  }
0x21: {  	s1 =	rddreg [dreg:$0x5];
	v3 =	vadd.s32 v1, v3  }
0x22: {  	[tilespmem:s1], [sflag:$0x1] =	stream.indirect_vreg.gather [hbm4b:s4+s2], $0x80, v4, vm0, $0xb8;
	[tilespmem:$0xC080] =	vst v63  }
0x23: {  	_ = 	snop  }
0x24: {  	[tilespmem:s9], [sflag:$0x1] =	stream.indirect_vreg.gather [hbm4b:s5+s2], $0x80, v4, vm0, $0xb8;
	[tilespmem:$0xC080] =	vst v63  }
0x25: {  	_ = 	snop  }
0x26: {  	[tilespmem:s10], [sflag:$0x1] =	stream.indirect_vreg.gather [hbm4b:s3+s2], $0x80, v3, vm0, $0xb8;
	[tilespmem:$0xC080] =	vst v63  }
0x27: {  	_ = 	snop  }
0x28: {  	[tilespmem:s11], [sflag:$0x1] =	stream.indirect_vreg.gather [hbm4b:s4+s2], $0x80, v3, vm0, $0xb8;
	[tilespmem:$0xC080] =	vst v63  }
0x29: {  	_ = 	snop  }
0x2a: {  	[tilespmem:s12], [sflag:$0x1] =	stream.indirect_vreg.gather [hbm4b:s5+s2], $0x80, v3, vm0, $0xb8;
	[tilespmem:$0xC080] =	vst v63  }
0x2b: {  	v3 =	vld [tilespmem:$0x10];
	_ =	sdelay $0x4  }
0x2c: {  	v61 =	vshrl.u32 v3, $0x3  }
0x2d: {  	v4 =	vmul.u32 $0x30, v61  }
0x2e: {  	v3 =	vand.u32 $0x7, v3  }
0x2f: {  	v3 =	vor.u32 v3, v4  }
0x30: {  	v4 =	vperm.xlane v3, v0;
	_ =	sdelay $0x1  }
0x31: {  	v4 =	vadd.s32 v1, v4;
	_ =	sdelay $0x3  }
0x32: {  	v3 =	vperm.xlane v3, v2  }
0x33: {  	[tilespmem:s13], [sflag:$0x1] =	stream.indirect_vreg.gather [hbm4b:s3+s2], $0x80, v4, vm0, $0xb8;
	[tilespmem:$0xC080] =	vst v63  }
0x34: {  	v3 =	vadd.s32 v1, v3  }
0x35: {  	[tilespmem:s14], [sflag:$0x1] =	stream.indirect_vreg.gather [hbm4b:s4+s2], $0x80, v4, vm0, $0xb8;
	[tilespmem:$0xC080] =	vst v63  }
0x36: {  	_ = 	snop  }
0x37: {  	[tilespmem:s15], [sflag:$0x1] =	stream.indirect_vreg.gather [hbm4b:s5+s2], $0x80, v4, vm0, $0xb8;
	[tilespmem:$0xC080] =	vst v63  }
0x38: {  	_ = 	snop  }
0x39: {  	[tilespmem:s16], [sflag:$0x1] =	stream.indirect_vreg.gather [hbm4b:s3+s2], $0x80, v3, vm0, $0xb8;
	[tilespmem:$0xC080] =	vst v63  }
0x3a: {  	_ = 	snop  }
0x3b: {  	[tilespmem:s17], [sflag:$0x1] =	stream.indirect_vreg.gather [hbm4b:s4+s2], $0x80, v3, vm0, $0xb8;
	[tilespmem:$0xC080] =	vst v63  }
0x3c: {  	_ = 	snop  }
0x3d: {  	[tilespmem:s18], [sflag:$0x1] =	stream.indirect_vreg.gather [hbm4b:s5+s2], $0x80, v3, vm0, $0xb8;
	[tilespmem:$0xC080] =	vst v63  }
0x3e: {  	v3 =	vld [tilespmem:$0x20];
	_ =	sdelay $0x4  }
0x3f: {  	v62 =	vshrl.u32 v3, $0x3  }
0x40: {  	v4 =	vmul.u32 $0x30, v62  }
0x41: {  	v3 =	vand.u32 $0x7, v3  }
0x42: {  	v3 =	vor.u32 v3, v4  }
0x43: {  	v4 =	vperm.xlane v3, v0;
	_ =	sdelay $0x1  }
0x44: {  	v4 =	vadd.s32 v1, v4;
	_ =	sdelay $0x3  }
0x45: {  	v3 =	vperm.xlane v3, v2  }
0x46: {  	[tilespmem:s19], [sflag:$0x1] =	stream.indirect_vreg.gather [hbm4b:s3+s2], $0x80, v4, vm0, $0xb8;
	[tilespmem:$0xC080] =	vst v63  }
0x47: {  	v3 =	vadd.s32 v1, v3  }
0x48: {  	[tilespmem:s20], [sflag:$0x1] =	stream.indirect_vreg.gather [hbm4b:s4+s2], $0x80, v4, vm0, $0xb8;
	[tilespmem:$0xC080] =	vst v63  }
0x49: {  	_ = 	snop  }
0x4a: {  	[tilespmem:s21], [sflag:$0x1] =	stream.indirect_vreg.gather [hbm4b:s5+s2], $0x80, v4, vm0, $0xb8;
	[tilespmem:$0xC080] =	vst v63  }
0x4b: {  	_ = 	snop  }
0x4c: {  	[tilespmem:s22], [sflag:$0x1] =	stream.indirect_vreg.gather [hbm4b:s3+s2], $0x80, v3, vm0, $0xb8;
	[tilespmem:$0xC080] =	vst v63  }
0x4d: {  	_ = 	snop  }
0x4e: {  	[tilespmem:s23], [sflag:$0x1] =	stream.indirect_vreg.gather [hbm4b:s4+s2], $0x80, v3, vm0, $0xb8;
	[tilespmem:$0xC080] =	vst v63  }
0x4f: {  	_ = 	snop  }
0x50: {  	[tilespmem:s24], [sflag:$0x1] =	stream.indirect_vreg.gather [hbm4b:s5+s2], $0x80, v3, vm0, $0xb8;
	[tilespmem:$0xC080] =	vst v63  }
0x51: {  	v3 =	vld [tilespmem:$0x30];
	_ =	sdelay $0x4  }
0x52: {  	v63 =	vshrl.u32 v3, $0x3  }
0x53: {  	v4 =	vmul.u32 $0x30, v63  }
0x54: {  	v3 =	vand.u32 $0x7, v3  }
0x55: {  	v3 =	vor.u32 v3, v4  }
0x56: {  	v4 =	vperm.xlane v3, v0;
	_ =	sdelay $0x1  }
0x57: {  	v4 =	vadd.s32 v1, v4;
	_ =	sdelay $0x3  }
0x58: {  	v3 =	vperm.xlane v3, v2  }
0x59: {  	[tilespmem:s25], [sflag:$0x1] =	stream.indirect_vreg.gather [hbm4b:s3+s2], $0x80, v4, vm0, $0xb8;
	[tilespmem:$0xC080] =	vst v63  }
0x5a: {  	v3 =	vadd.s32 v1, v3  }
0x5b: {  	[tilespmem:s26], [sflag:$0x1] =	stream.indirect_vreg.gather [hbm4b:s4+s2], $0x80, v4, vm0, $0xb8;
	[tilespmem:$0xC080] =	vst v63  }
0x5c: {  	_ = 	snop  }
0x5d: {  	[tilespmem:s28], [sflag:$0x1] =	stream.indirect_vreg.gather [hbm4b:s5+s2], $0x80, v4, vm0, $0xb8;
	[tilespmem:$0xC080] =	vst v63  }
0x5e: {  	_ = 	snop  }
0x5f: {  	[tilespmem:s29], [sflag:$0x1] =	stream.indirect_vreg.gather [hbm4b:s3+s2], $0x80, v3, vm0, $0xb8;
	[tilespmem:$0xC080] =	vst v63  }
0x60: {  	_ = 	snop  }
0x61: {  	[tilespmem:s30], [sflag:$0x1] =	stream.indirect_vreg.gather [hbm4b:s4+s2], $0x80, v3, vm0, $0xb8;
	[tilespmem:$0xC080] =	vst v63  }
0x62: {  	_ = 	snop  }
0x63: {  	[tilespmem:s31], [sflag:$0x1] =	stream.indirect_vreg.gather [hbm4b:s5+s2], $0x80, v3, vm0, $0xb8;
	[tilespmem:$0xC080] =	vst v63  }
0x64: {  	_ =	swait.ge [sflag:s0], $0xC000  }
0x65: {  	p0 =	sne.s32 s6, $0x1;
	[sflag:s0] =	ssyncset.done $0x0  }
.Ltmp0:
0x66: {  	s1 =	rddreg [dreg:$0x4];
	[sflag:s0] =	ssyncadd.s32 $0xFFFF4000;
	(pc) =	sbr.rel @p0 .LBB2_1-.Ltmp0, $4  }
0x67: {  	[hbm4b:s1+s2] =	stream.linear.scatter [tilespmem:s8], [sflag:$0x2], $0xC000, $0x38;
	[tilespmem:$0xC080] =	vst v63  }
0x68: {  	_ =	swait.ge [sflag:s7], $0xC000  }
0x69: {  	[sflag:s7] =	ssyncset.done $0x0  }
0x6a: {  	s6 =	sadd.s32 $0xFFFFFFFF, s6;
	[sflag:s7] =	ssyncadd.s32 $0xFFFF4000  }
0x6b: {  	_ =	sfence.sel $0x180000  }
0x6c: {  	[bflag:$0x0] =	sbarrier.arrive $0xFFFF  }
0x6d: {  	_ =	strace $0x9000005C  }
0x6e: {  	s0 =	stileid.u32;
	[bflag:$0x2] =	sbarrier.arrive $0xFFFF  }
0x6f: {  	p0 =	sne.s32 s0, $0x0;
	s0 =	rddreg [dreg:$0x2]  }
0x70: {  	s0 =	sadd.s32 @!p0 $0x100000, s0  }
0x71: {  	[sflag:s0] =	ssyncadd.tile.s32 @!p0 $0x1;
	_ =	shalt  }
.Lfunc_end2:
_tile_overlayer_lowered:
.L_overlay_start_2:
0x72: {  	(tag) =	ssettag $0x2  }
0x73: {  	s0 =	rddreg [dreg:$0x0];
	s2 =	stileid.u32  }
0x74: {  	s1 =	rddreg [dreg:$0x1];
	p0 =	sne.s32 s2, $0x0  }
0x75: {  	s3 =	rddreg [dreg:$0x2];
	[bflag:$0x3] =	sbarrier.arrive $0xFFFF;
	s2 =	simm.s32 @!p0 $0x1C02  }
0x76: {  	[timem:s3], [sflag:s2] =	dma.local @!p0 [hbm:s0], s1  }
0x77: {  	s0 =	simm.s32 @!p0 $0x2  }
0x78: {  	_ =	swait.ge @!p0 [sflag:s0], s1  }
0x79: {  	s1 =	ssub.s32 @!p0 $0x0, s1;
	[sflag:s0] =	ssyncset.done @!p0 $0x0  }
0x7a: {  	[sflag:s0] =	ssyncadd.s32 @!p0 s1  }
0x7b: {  	[bflag:$0x3] =	sbarrier.arrive $0xFFFF  }
0x7c: {  	_ =	shalt  }

</sc_bundles>
